<compile_context>
chip_gen: v7x
topology: tpu7x:2x2x1
jax: 0.10.2.dev20260603
libtpu: 0.0.44.dev20260713+nightly
codegen_flags: <defaults>
</compile_context>

<pallas_src>
import jax
import jax.numpy as jnp
from jax import lax
from jax.experimental import pallas as pl
from jax.experimental.pallas import tpu as pltpu
from jax.experimental.pallas import tpu_sc as plsc

NC = 2
NS = 16
CHUNK = 128

_N = 10000
_D = 128
_HD = _D // 2
_N_ACC = 10240
_ZROWS = _N_ACC // NS
_DROWS = 128


def _mesh():
    return plsc.VectorSubcoreMesh(core_axis_name="c", subcore_axis_name="s")


def _sc_deg(c3, z128, identp, nch):
    half = nch // 2

    def body(c_hbm, z_hbm, id_hbm, out0, out1, cidx, buf, ident, hist, acc):
        ones16 = jnp.full((16,), 1.0, jnp.float32)
        cid = lax.axis_index("c")
        sid = lax.axis_index("s")
        pltpu.sync_copy(z_hbm, buf)
        pltpu.sync_copy(z_hbm, hist)

        @pl.when(sid == 0)
        def _():
            pltpu.sync_copy(buf, acc)

        pltpu.sync_copy(id_hbm, ident)
        pltpu.sync_copy(c_hbm.at[sid, pl.ds(cid * half, half)], cidx)
        plsc.subcore_barrier()

        def step(k, _):
            for j in range(CHUNK // 16):
                c = cidx[k, pl.ds(j * 16, 16)]
                row = lax.shift_right_logical(c, 7)
                lane = lax.bitwise_and(c, 127)
                plsc.addupdate_scatter(hist, [row, lane], ones16)
            return _

        lax.fori_loop(0, half, step, None)
        pltpu.sync_copy(hist, acc.at[ident.at[0]], add=True)
        plsc.subcore_barrier()

        def copy_out(dst):
            pltpu.sync_copy(acc, buf)
            pltpu.sync_copy(buf, dst)

        @pl.when((sid == 0) & (cid == 0))
        def _():
            copy_out(out0)

        @pl.when((sid == 0) & (cid == 1))
        def _():
            copy_out(out1)

    sds = jax.ShapeDtypeStruct((_DROWS, 128), jnp.float32)
    return pl.kernel(
        body,
        out_type=(sds, sds),
        mesh=_mesh(),
        compiler_params=pltpu.CompilerParams(needs_layout_passes=False),
        scratch_types=[
            pltpu.VMEM((half, CHUNK), jnp.int32),
            pltpu.VMEM((_DROWS, 128), jnp.float32),
            pltpu.VMEM((8, CHUNK), jnp.int32),
            pltpu.VMEM((_DROWS, 128), jnp.float32),
            pltpu.VMEM_SHARED((_DROWS, 128), jnp.float32),
        ],
    )(c3, z128, identp)


_NBUF = 4


def _sc_aggregate(g2, r3, c3, z64, nch):
    def body(g_hbm, r_hbm, c_hbm, z_hbm, out,
             ridx, cidx, bufs, acc, gsems, ssems):
        cid = lax.axis_index("c")
        sid = lax.axis_index("s")
        gsrc = g_hbm.at[cid]
        stage_r = pltpu.make_async_copy(r_hbm.at[sid], ridx, gsems.at[0])
        stage_c = pltpu.make_async_copy(c_hbm.at[sid], cidx, gsems.at[1])
        stage_r.start()
        stage_c.start()
        pltpu.sync_copy(z_hbm, bufs.at[0])
        zcopies = [
            pltpu.make_async_copy(
                bufs.at[0, pl.ds(0, 128)],
                acc.at[pl.ds(sid * _ZROWS + j * 128, 128)],
                ssems.at[j % _NBUF])
            for j in range(_ZROWS // 128)
        ]
        for zc in zcopies:
            zc.start()
        for zc in zcopies:
            zc.wait()
        stage_r.wait()
        stage_c.wait()
        plsc.subcore_barrier()

        def gather(k, b):
            return pltpu.make_async_copy(
                gsrc.at[ridx.at[k]], bufs.at[b], gsems.at[b])

        def scatter(k, b):
            return pltpu.make_async_copy(
                bufs.at[b], acc.at[cidx.at[k]], ssems.at[b])

        for b in range(_NBUF):
            gather(b, b).start()

        def step(i, _):
            k = _NBUF * i
            for b in range(_NBUF):
                gather(k + b, b).wait()
                scatter(k + b, b).start(add=True)
            for b in range(_NBUF):
                @pl.when(k + b + _NBUF < nch)
                def _():
                    scatter(k + b, b).wait()
                    gather(k + b + _NBUF, b).start()
            return _

        lax.fori_loop(0, nch // _NBUF, step, None)
        for b in range(_NBUF):
            scatter(nch - _NBUF + b, b).wait()
        plsc.subcore_barrier()

        def ld(j, b):
            return pltpu.make_async_copy(
                acc.at[pl.ds(sid * _ZROWS + j * 128, 128)],
                bufs.at[b, pl.ds(0, 128)], gsems.at[b])

        def st(j, b):
            return pltpu.make_async_copy(
                bufs.at[b, pl.ds(0, 128)],
                out.at[cid, pl.ds(sid * _ZROWS + j * 128, 128)], ssems.at[b])

        nj = _ZROWS // 128
        ld(0, 0).start()
        for j in range(nj):
            b = j % 2
            ld(j, b).wait()
            st(j, b).start()
            if j + 1 < nj:
                if j - 1 >= 0:
                    st(j - 1, 1 - b).wait()
                ld(j + 1, 1 - b).start()
        st(nj - 2, nj % 2).wait()
        st(nj - 1, (nj - 1) % 2).wait()

    return pl.kernel(
        body,
        out_type=jax.ShapeDtypeStruct((NC, _N_ACC, _HD), jnp.float32),
        mesh=_mesh(),
        compiler_params=pltpu.CompilerParams(use_tc_tiling_on_sc=False),
        scratch_types=[
            pltpu.VMEM((nch, CHUNK), jnp.int32),
            pltpu.VMEM((nch, CHUNK), jnp.int32),
            pltpu.VMEM((_NBUF, CHUNK, _HD), jnp.float32),
            pltpu.VMEM_SHARED((_N_ACC, _HD), jnp.float32),
            pltpu.SemaphoreType.DMA((_NBUF,)),
            pltpu.SemaphoreType.DMA((_NBUF,)),
        ],
    )(g2, r3, c3, z64)


_BN = 1000


def _tc_matmul(x, w1):
    def body(x_ref, w_ref, h_ref):
        h_ref[...] = jnp.dot(x_ref[...], w_ref[...],
                             preferred_element_type=jnp.float32)

    grid = (_N // _BN,)
    return pl.pallas_call(
        body,
        grid=grid,
        in_specs=[
            pl.BlockSpec((_BN, _D), lambda i: (i, 0)),
            pl.BlockSpec((_D, _D), lambda i: (0, 0)),
        ],
        out_specs=[pl.BlockSpec((_BN, _D), lambda i: (i, 0))],
        out_shape=[jax.ShapeDtypeStruct((_N, _D), jnp.float32)],
    )(x, w1)[0]


def _tc_first(deg0, deg1, h):
    def body(d0_ref, d1_ref, h_ref, dis_ref, g_ref):
        deg = d0_ref[...] + d1_ref[...] + 1.0
        dis = lax.rsqrt(deg)
        dis_ref[...] = dis
        g = h_ref[...] * dis
        g_ref[0, :, :] = g[:, :_HD]
        g_ref[1, :, :] = g[:, _HD:]

    grid = (_N // _BN,)
    return pl.pallas_call(
        body,
        grid=grid,
        in_specs=[
            pl.BlockSpec((_BN, 1), lambda i: (i, 0)),
            pl.BlockSpec((_BN, 1), lambda i: (i, 0)),
            pl.BlockSpec((_BN, _D), lambda i: (i, 0)),
        ],
        out_specs=[
            pl.BlockSpec((_BN, 1), lambda i: (i, 0)),
            pl.BlockSpec((NC, _BN, _HD), lambda i: (0, i, 0)),
        ],
        out_shape=[
            jax.ShapeDtypeStruct((_N, 1), jnp.float32),
            jax.ShapeDtypeStruct((NC, _N, _HD), jnp.float32),
        ],
    )(deg0, deg1, h)


def _tc_mid(dis, s, g, w2, b1):
    def body(dis_ref, s_ref, g_ref, w_ref, b_ref, g2_ref):
        dis = dis_ref[...]
        agg = jnp.concatenate([s_ref[0] + g_ref[0], s_ref[1] + g_ref[1]],
                              axis=1)
        x2 = dis * agg + b_ref[...]
        h2 = jnp.dot(x2, w_ref[...], preferred_element_type=jnp.float32)
        g2 = h2 * dis
        g2_ref[0, :, :] = g2[:, :_HD]
        g2_ref[1, :, :] = g2[:, _HD:]

    grid = (_N // _BN,)
    return pl.pallas_call(
        body,
        grid=grid,
        in_specs=[
            pl.BlockSpec((_BN, 1), lambda i: (i, 0)),
            pl.BlockSpec((NC, _BN, _HD), lambda i: (0, i, 0)),
            pl.BlockSpec((NC, _BN, _HD), lambda i: (0, i, 0)),
            pl.BlockSpec((_D, _D), lambda i: (0, 0)),
            pl.BlockSpec((1, _D), lambda i: (0, 0)),
        ],
        out_specs=[pl.BlockSpec((NC, _BN, _HD), lambda i: (0, i, 0))],
        out_shape=[jax.ShapeDtypeStruct((NC, _N, _HD), jnp.float32)],
    )(dis, s, g, w2, b1)[0]


def _tc_last(dis, s, g2, b2):
    def body(dis_ref, s_ref, g_ref, b_ref, o_ref):
        dis = dis_ref[...]
        agg = jnp.concatenate([s_ref[0] + g_ref[0], s_ref[1] + g_ref[1]],
                              axis=1)
        o_ref[...] = dis * agg + b_ref[...]

    grid = (_N // _BN,)
    return pl.pallas_call(
        body,
        grid=grid,
        in_specs=[
            pl.BlockSpec((_BN, 1), lambda i: (i, 0)),
            pl.BlockSpec((NC, _BN, _HD), lambda i: (0, i, 0)),
            pl.BlockSpec((NC, _BN, _HD), lambda i: (0, i, 0)),
            pl.BlockSpec((1, _D), lambda i: (0, 0)),
        ],
        out_specs=[pl.BlockSpec((_BN, _D), lambda i: (i, 0))],
        out_shape=[jax.ShapeDtypeStruct((_N, _D), jnp.float32)],
    )(dis, s, g2, b2)[0]


def kernel(x, edge_index, W1, b1, W2, b2):
    n, d = x.shape
    e = edge_index.shape[1]
    per = NS * CHUNK
    nch = 16 * (-(-e // (16 * per)))
    e_pad = nch * per
    row = edge_index[0]
    col = edge_index[1]
    pad = e_pad - e
    if pad:
        row = jnp.concatenate([row, jnp.zeros((pad,), jnp.int32)])
        col = jnp.concatenate([col, jnp.full((pad,), n, jnp.int32)])
    r3 = row.reshape(NS, nch, CHUNK)
    c3 = col.reshape(NS, nch, CHUNK)

    z64 = jnp.zeros((128, _HD), jnp.float32)
    z128 = jnp.zeros((128, 128), jnp.float32)
    identp = jnp.broadcast_to(jnp.arange(128, dtype=jnp.int32), (8, 128))
    b1r = b1.reshape(1, d)
    b2r = b2.reshape(1, d)

    h1 = _tc_matmul(x, W1)
    deg0, deg1 = _sc_deg(c3, z128, identp, nch)
    deg0 = deg0.reshape(_DROWS * 128, 1)[:_N]
    deg1 = deg1.reshape(_DROWS * 128, 1)[:_N]
    dis, g1 = _tc_first(deg0, deg1, h1)
    s1 = _sc_aggregate(g1, r3, c3, z64, nch)
    g2 = _tc_mid(dis, s1, g1, W2, b1r)
    s2 = _sc_aggregate(g2, r3, c3, z64, nch)
    return _tc_last(dis, s2, g2, b2r)

# --- scband reference (transcript-rebuilt; emitter-appended) ---
"""Pipeline reference for scband-gcnblock-58566174048907 (READ-ONLY COPY).

The authoritative reference and input builder live on the scoring server;
editing this copy changes nothing except your own understanding.
"""

import jax, jax.numpy as jnp
import numpy as np

N = 10000
E = 320000
D_IN = 128
D_OUT = 128


def setup_inputs(seed: int = 0) -> dict:
    key = jax.random.key(seed)
    k1, k2, k3, k4 = jax.random.split(key, 4)
    x = jax.random.normal(k1, (N, D_IN), dtype=jnp.float32)
    edge_index = jax.random.randint(k2, (2, E), 0, N, dtype=jnp.int32)
    # GCNConv layer 1: lin weight [in, out] (glorot), separate bias (zeros init)
    s1 = float(np.sqrt(6.0 / (D_IN + D_OUT)))
    W1 = jax.random.uniform(k3, (D_IN, D_OUT), dtype=jnp.float32, minval=-s1, maxval=s1)
    b1 = jnp.zeros((D_OUT,), dtype=jnp.float32)
    # GCNConv layer 2: [out, out]
    s2 = float(np.sqrt(6.0 / (D_OUT + D_OUT)))
    W2 = jax.random.uniform(k4, (D_OUT, D_OUT), dtype=jnp.float32, minval=-s2, maxval=s2)
    b2 = jnp.zeros((D_OUT,), dtype=jnp.float32)
    return {"x": x, "edge_index": edge_index, "W1": W1, "b1": b1, "W2": W2, "b2": b2}


def _gcn_conv(x, edge_index, W, b):
    # Faithful GCNConv: add self-loops, symmetric normalization, linear, scatter-add aggregate, bias.
    row = edge_index[0]
    col = edge_index[1]
    loop = jnp.arange(N, dtype=row.dtype)
    r = jnp.concatenate([row, loop])
    c = jnp.concatenate([col, loop])
    deg = jnp.zeros((N,), dtype=x.dtype).at[c].add(jnp.ones_like(c, dtype=x.dtype))
    deg_inv_sqrt = jnp.where(deg > 0, jax.lax.rsqrt(jnp.maximum(deg, 1e-12)), 0.0)
    norm = deg_inv_sqrt[r] * deg_inv_sqrt[c]
    h = x @ W
    msg = h[r] * norm[:, None]
    out = jnp.zeros((N, W.shape[1]), dtype=x.dtype).at[c].add(msg)
    return out + b


def reference(x, edge_index, W1, b1, W2, b2):
    x = _gcn_conv(x, edge_index, W1, b1)
    x = _gcn_conv(x, edge_index, W2, b2)
    return x

if __name__ == "__main__":
    import jax
    _d = setup_inputs()
    print(jax.jit(kernel)(*tuple(_d.values())))

</pallas_src>

<mosaic_0001>
#map = affine_map<(d0, d1) -> (0, 0, 0)>
#map1 = affine_map<(d0, d1) -> (0, 0)>
module attributes {stable_mosaic.version = 14 : i64} {
  func.func @body(%arg0: i32, %arg1: i32, %arg2: memref<2x10000x64xf32, #tpu.memory_space<hbm>>, %arg3: memref<16x160x128xi32, #tpu.memory_space<hbm>>, %arg4: memref<16x160x128xi32, #tpu.memory_space<hbm>>, %arg5: memref<128x64xf32, #tpu.memory_space<hbm>>, %arg6: memref<2x10240x64xf32, #tpu.memory_space<hbm>>, %arg7: memref<160x128xi32, #tpu.memory_space<vmem>>, %arg8: memref<160x128xi32, #tpu.memory_space<vmem>>, %arg9: memref<4x128x64xf32, #tpu.memory_space<vmem>>, %arg10: memref<10240x64xf32, #tpu.memory_space<vmem_shared>>, %arg11: memref<4x!tpu.dma_semaphore, #tpu.memory_space<semaphore_mem>>, %arg12: memref<4x!tpu.dma_semaphore, #tpu.memory_space<semaphore_mem>>) attributes {dimension_semantics = [#tpu.dimension_semantics<core_parallel>, #tpu.dimension_semantics<subcore_parallel>], iteration_bounds = array<i64: 2, 16>, scalar_prefetch = 0 : i64, scratch_operands = 6 : i64, tpu.core_type = #tpu.core_type<sc_vector_subcore>, window_params = [{transform_indices = #map}, {transform_indices = #map}, {transform_indices = #map}, {transform_indices = #map1}, {transform_indices = #map}]} {
    %dma_start3A = arith.constant 0 : i32
    %dma_start3A_0 = arith.constant 0 : i32
    %dma_start3A_1 = arith.constant 0 : i32
    %dma_start3A_2 = tpu.memref_slice %arg3[%arg1, %dma_start3A_0, %dma_start3A_1] : memref<16x160x128xi32, #tpu.memory_space<hbm>> -> memref<1x160x128xi32, #tpu.memory_space<hbm>>
    %dma_start3A_3 = tpu.memref_squeeze %dma_start3A_2 : memref<1x160x128xi32, #tpu.memory_space<hbm>> -> memref<160x128xi32, #tpu.memory_space<hbm>>
    %dma_start3A_4 = tpu.memref_slice %arg11[%dma_start3A] : memref<4x!tpu.dma_semaphore, #tpu.memory_space<semaphore_mem>> -> memref<1x!tpu.dma_semaphore, #tpu.memory_space<semaphore_mem>>
    %dma_start3A_5 = tpu.memref_squeeze %dma_start3A_4 : memref<1x!tpu.dma_semaphore, #tpu.memory_space<semaphore_mem>> -> memref<!tpu.dma_semaphore, #tpu.memory_space<semaphore_mem>>
    %dma_start3A_6 = arith.constant 0 : i32
    %dma_start3A_7 = arith.constant 0 : i32
    %dma_start3A_8 = tpu.memref_slice %arg3[%arg1, %dma_start3A_6, %dma_start3A_7] : memref<16x160x128xi32, #tpu.memory_space<hbm>> -> memref<1x160x128xi32, #tpu.memory_space<hbm>>
    %dma_start3A_9 = tpu.memref_squeeze %dma_start3A_8 : memref<1x160x128xi32, #tpu.memory_space<hbm>> -> memref<160x128xi32, #tpu.memory_space<hbm>>
    tpu.enqueue_dma source(%dma_start3A_9 : memref<160x128xi32, #tpu.memory_space<hbm>>) target(%arg7 : memref<160x128xi32, #tpu.memory_space<vmem>>) target_semaphore(%dma_start3A_5 : memref<!tpu.dma_semaphore, #tpu.memory_space<semaphore_mem>>)
    %dma_start3A_10 = arith.constant 1 : i32
    %dma_start3A_11 = arith.constant 0 : i32
    %dma_start3A_12 = arith.constant 0 : i32
    %dma_start3A_13 = tpu.memref_slice %arg4[%arg1, %dma_start3A_11, %dma_start3A_12] : memref<16x160x128xi32, #tpu.memory_space<hbm>> -> memref<1x160x128xi32, #tpu.memory_space<hbm>>
    %dma_start3A_14 = tpu.memref_squeeze %dma_start3A_13 : memref<1x160x128xi32, #tpu.memory_space<hbm>> -> memref<160x128xi32, #tpu.memory_space<hbm>>
    %dma_start3A_15 = tpu.memref_slice %arg11[%dma_start3A_10] : memref<4x!tpu.dma_semaphore, #tpu.memory_space<semaphore_mem>> -> memref<1x!tpu.dma_semaphore, #tpu.memory_space<semaphore_mem>>
    %dma_start3A_16 = tpu.memref_squeeze %dma_start3A_15 : memref<1x!tpu.dma_semaphore, #tpu.memory_space<semaphore_mem>> -> memref<!tpu.dma_semaphore, #tpu.memory_space<semaphore_mem>>
    %dma_start3A_17 = arith.constant 0 : i32
    %dma_start3A_18 = arith.constant 0 : i32
    %dma_start3A_19 = tpu.memref_slice %arg4[%arg1, %dma_start3A_17, %dma_start3A_18] : memref<16x160x128xi32, #tpu.memory_space<hbm>> -> memref<1x160x128xi32, #tpu.memory_space<hbm>>
    %dma_start3A_20 = tpu.memref_squeeze %dma_start3A_19 : memref<1x160x128xi32, #tpu.memory_space<hbm>> -> memref<160x128xi32, #tpu.memory_space<hbm>>
    tpu.enqueue_dma source(%dma_start3A_20 : memref<160x128xi32, #tpu.memory_space<hbm>>) target(%arg8 : memref<160x128xi32, #tpu.memory_space<vmem>>) target_semaphore(%dma_start3A_16 : memref<!tpu.dma_semaphore, #tpu.memory_space<semaphore_mem>>)
    %run_scoped3A = arith.constant 0 : i32
    "tpu.region"() ({
      %run_scoped3A_781 = tpu.sem_alloc : memref<!tpu.dma_semaphore, #tpu.memory_space<semaphore_mem>>
      %dma_start3A_782 = arith.constant 0 : i32
      %dma_start3A_783 = arith.constant 0 : i32
      %dma_start3A_784 = tpu.memref_slice %arg9[%run_scoped3A, %dma_start3A_782, %dma_start3A_783] : memref<4x128x64xf32, #tpu.memory_space<vmem>> -> memref<1x128x64xf32, #tpu.memory_space<vmem>>
      %dma_start3A_785 = tpu.memref_squeeze %dma_start3A_784 : memref<1x128x64xf32, #tpu.memory_space<vmem>> -> memref<128x64xf32, #tpu.memory_space<vmem>>
      %dma_start3A_786 = arith.constant 0 : i32
      %dma_start3A_787 = arith.constant 0 : i32
      %dma_start3A_788 = tpu.memref_slice %arg9[%run_scoped3A, %dma_start3A_786, %dma_start3A_787] : memref<4x128x64xf32, #tpu.memory_space<vmem>> -> memref<1x128x64xf32, #tpu.memory_space<vmem>>
      %dma_start3A_789 = tpu.memref_squeeze %dma_start3A_788 : memref<1x128x64xf32, #tpu.memory_space<vmem>> -> memref<128x64xf32, #tpu.memory_space<vmem>>
      tpu.enqueue_dma source(%arg5 : memref<128x64xf32, #tpu.memory_space<hbm>>) target(%dma_start3A_789 : memref<128x64xf32, #tpu.memory_space<vmem>>) target_semaphore(%run_scoped3A_781 : memref<!tpu.dma_semaphore, #tpu.memory_space<semaphore_mem>>)
      %dma_wait3A_790 = arith.constant 0 : i32
      %dma_wait3A_791 = arith.constant 0 : i32
      %dma_wait3A_792 = tpu.memref_slice %arg9[%run_scoped3A, %dma_wait3A_790, %dma_wait3A_791] : memref<4x128x64xf32, #tpu.memory_space<vmem>> -> memref<1x128x64xf32, #tpu.memory_space<vmem>>
      %dma_wait3A_793 = tpu.memref_squeeze %dma_wait3A_792 : memref<1x128x64xf32, #tpu.memory_space<vmem>> -> memref<128x64xf32, #tpu.memory_space<vmem>>
      %dma_wait3A_794 = arith.constant 0 : i32
      %dma_wait3A_795 = arith.constant 0 : i32
      %dma_wait3A_796 = tpu.memref_slice %arg9[%run_scoped3A, %dma_wait3A_794, %dma_wait3A_795] : memref<4x128x64xf32, #tpu.memory_space<vmem>> -> memref<1x128x64xf32, #tpu.memory_space<vmem>>
      %dma_wait3A_797 = tpu.memref_squeeze %dma_wait3A_796 : memref<1x128x64xf32, #tpu.memory_space<vmem>> -> memref<128x64xf32, #tpu.memory_space<vmem>>
      tpu.wait_dma2 semaphore(%run_scoped3A_781 : memref<!tpu.dma_semaphore, #tpu.memory_space<semaphore_mem>>) src(%arg5 : memref<128x64xf32, #tpu.memory_space<hbm>>) dst(%dma_wait3A_797 : memref<128x64xf32, #tpu.memory_space<vmem>>)
      tpu.yield
    }) : () -> ()
    %mul3A = arith.constant 640 : i32
    %mul3A_21 = arith.muli %arg1, %mul3A : i32
    %add3A = arith.constant 0 : i32
    %add3A_22 = arith.addi %mul3A_21, %add3A : i32
    %mul3A_23 = arith.constant 640 : i32
    %mul3A_24 = arith.muli %arg1, %mul3A_23 : i32
    %add3A_25 = arith.constant 128 : i32
    %add3A_26 = arith.addi %mul3A_24, %add3A_25 : i32
    %mul3A_27 = arith.constant 640 : i32
    %mul3A_28 = arith.muli %arg1, %mul3A_27 : i32
    %add3A_29 = arith.constant 256 : i32
    %add3A_30 = arith.addi %mul3A_28, %add3A_29 : i32
    %mul3A_31 = arith.constant 640 : i32
    %mul3A_32 = arith.muli %arg1, %mul3A_31 : i32
    %add3A_33 = arith.constant 384 : i32
    %add3A_34 = arith.addi %mul3A_32, %add3A_33 : i32
    %mul3A_35 = arith.constant 640 : i32
    %mul3A_36 = arith.muli %arg1, %mul3A_35 : i32
    %add3A_37 = arith.constant 512 : i32
    %add3A_38 = arith.addi %mul3A_36, %add3A_37 : i32
    %dma_start3A_39 = arith.constant 0 : i32
    %dma_start3A_40 = arith.constant 0 : i32
    %dma_start3A_41 = arith.constant 0 : i32
    %dma_start3A_42 = arith.constant 0 : i32
    %dma_start3A_43 = tpu.memref_slice %arg9[%dma_start3A_39, %dma_start3A_41, %dma_start3A_42] : memref<4x128x64xf32, #tpu.memory_space<vmem>> -> memref<1x128x64xf32, #tpu.memory_space<vmem>>
    %dma_start3A_44 = tpu.memref_squeeze %dma_start3A_43 : memref<1x128x64xf32, #tpu.memory_space<vmem>> -> memref<128x64xf32, #tpu.memory_space<vmem>>
    %dma_start3A_45 = arith.constant 0 : i32
    %dma_start3A_46 = tpu.memref_slice %arg10[%add3A_22, %dma_start3A_45] : memref<10240x64xf32, #tpu.memory_space<vmem_shared>> -> memref<128x64xf32, #tpu.memory_space<vmem_shared>>
    %dma_start3A_47 = tpu.memref_slice %arg12[%dma_start3A_40] : memref<4x!tpu.dma_semaphore, #tpu.memory_space<semaphore_mem>> -> memref<1x!tpu.dma_semaphore, #tpu.memory_space<semaphore_mem>>
    %dma_start3A_48 = tpu.memref_squeeze %dma_start3A_47 : memref<1x!tpu.dma_semaphore, #tpu.memory_space<semaphore_mem>> -> memref<!tpu.dma_semaphore, #tpu.memory_space<semaphore_mem>>
    %dma_start3A_49 = arith.constant 0 : i32
    %dma_start3A_50 = tpu.memref_slice %arg10[%add3A_22, %dma_start3A_49] : memref<10240x64xf32, #tpu.memory_space<vmem_shared>> -> memref<128x64xf32, #tpu.memory_space<vmem_shared>>
    %dma_start3A_51 = arith.constant 0 : i32
    %dma_start3A_52 = arith.constant 0 : i32
    %dma_start3A_53 = tpu.memref_slice %arg9[%dma_start3A_39, %dma_start3A_51, %dma_start3A_52] : memref<4x128x64xf32, #tpu.memory_space<vmem>> -> memref<1x128x64xf32, #tpu.memory_space<vmem>>
    %dma_start3A_54 = tpu.memref_squeeze %dma_start3A_53 : memref<1x128x64xf32, #tpu.memory_space<vmem>> -> memref<128x64xf32, #tpu.memory_space<vmem>>
    tpu.enqueue_dma source(%dma_start3A_54 : memref<128x64xf32, #tpu.memory_space<vmem>>) target(%dma_start3A_50 : memref<128x64xf32, #tpu.memory_space<vmem_shared>>) target_semaphore(%dma_start3A_48 : memref<!tpu.dma_semaphore, #tpu.memory_space<semaphore_mem>>)
    %dma_start3A_55 = arith.constant 0 : i32
    %dma_start3A_56 = arith.constant 1 : i32
    %dma_start3A_57 = arith.constant 0 : i32
    %dma_start3A_58 = arith.constant 0 : i32
    %dma_start3A_59 = tpu.memref_slice %arg9[%dma_start3A_55, %dma_start3A_57, %dma_start3A_58] : memref<4x128x64xf32, #tpu.memory_space<vmem>> -> memref<1x128x64xf32, #tpu.memory_space<vmem>>
    %dma_start3A_60 = tpu.memref_squeeze %dma_start3A_59 : memref<1x128x64xf32, #tpu.memory_space<vmem>> -> memref<128x64xf32, #tpu.memory_space<vmem>>
    %dma_start3A_61 = arith.constant 0 : i32
    %dma_start3A_62 = tpu.memref_slice %arg10[%add3A_26, %dma_start3A_61] : memref<10240x64xf32, #tpu.memory_space<vmem_shared>> -> memref<128x64xf32, #tpu.memory_space<vmem_shared>>
    %dma_start3A_63 = tpu.memref_slice %arg12[%dma_start3A_56] : memref<4x!tpu.dma_semaphore, #tpu.memory_space<semaphore_mem>> -> memref<1x!tpu.dma_semaphore, #tpu.memory_space<semaphore_mem>>
    %dma_start3A_64 = tpu.memref_squeeze %dma_start3A_63 : memref<1x!tpu.dma_semaphore, #tpu.memory_space<semaphore_mem>> -> memref<!tpu.dma_semaphore, #tpu.memory_space<semaphore_mem>>
    %dma_start3A_65 = arith.constant 0 : i32
    %dma_start3A_66 = tpu.memref_slice %arg10[%add3A_26, %dma_start3A_65] : memref<10240x64xf32, #tpu.memory_space<vmem_shared>> -> memref<128x64xf32, #tpu.memory_space<vmem_shared>>
    %dma_start3A_67 = arith.constant 0 : i32
    %dma_start3A_68 = arith.constant 0 : i32
    %dma_start3A_69 = tpu.memref_slice %arg9[%dma_start3A_55, %dma_start3A_67, %dma_start3A_68] : memref<4x128x64xf32, #tpu.memory_space<vmem>> -> memref<1x128x64xf32, #tpu.memory_space<vmem>>
    %dma_start3A_70 = tpu.memref_squeeze %dma_start3A_69 : memref<1x128x64xf32, #tpu.memory_space<vmem>> -> memref<128x64xf32, #tpu.memory_space<vmem>>
    tpu.enqueue_dma source(%dma_start3A_70 : memref<128x64xf32, #tpu.memory_space<vmem>>) target(%dma_start3A_66 : memref<128x64xf32, #tpu.memory_space<vmem_shared>>) target_semaphore(%dma_start3A_64 : memref<!tpu.dma_semaphore, #tpu.memory_space<semaphore_mem>>)
    %dma_start3A_71 = arith.constant 0 : i32
    %dma_start3A_72 = arith.constant 2 : i32
    %dma_start3A_73 = arith.constant 0 : i32
    %dma_start3A_74 = arith.constant 0 : i32
    %dma_start3A_75 = tpu.memref_slice %arg9[%dma_start3A_71, %dma_start3A_73, %dma_start3A_74] : memref<4x128x64xf32, #tpu.memory_space<vmem>> -> memref<1x128x64xf32, #tpu.memory_space<vmem>>
    %dma_start3A_76 = tpu.memref_squeeze %dma_start3A_75 : memref<1x128x64xf32, #tpu.memory_space<vmem>> -> memref<128x64xf32, #tpu.memory_space<vmem>>
    %dma_start3A_77 = arith.constant 0 : i32
    %dma_start3A_78 = tpu.memref_slice %arg10[%add3A_30, %dma_start3A_77] : memref<10240x64xf32, #tpu.memory_space<vmem_shared>> -> memref<128x64xf32, #tpu.memory_space<vmem_shared>>
    %dma_start3A_79 = tpu.memref_slice %arg12[%dma_start3A_72] : memref<4x!tpu.dma_semaphore, #tpu.memory_space<semaphore_mem>> -> memref<1x!tpu.dma_semaphore, #tpu.memory_space<semaphore_mem>>
    %dma_start3A_80 = tpu.memref_squeeze %dma_start3A_79 : memref<1x!tpu.dma_semaphore, #tpu.memory_space<semaphore_mem>> -> memref<!tpu.dma_semaphore, #tpu.memory_space<semaphore_mem>>
    %dma_start3A_81 = arith.constant 0 : i32
    %dma_start3A_82 = tpu.memref_slice %arg10[%add3A_30, %dma_start3A_81] : memref<10240x64xf32, #tpu.memory_space<vmem_shared>> -> memref<128x64xf32, #tpu.memory_space<vmem_shared>>
    %dma_start3A_83 = arith.constant 0 : i32
    %dma_start3A_84 = arith.constant 0 : i32
    %dma_start3A_85 = tpu.memref_slice %arg9[%dma_start3A_71, %dma_start3A_83, %dma_start3A_84] : memref<4x128x64xf32, #tpu.memory_space<vmem>> -> memref<1x128x64xf32, #tpu.memory_space<vmem>>
    %dma_start3A_86 = tpu.memref_squeeze %dma_start3A_85 : memref<1x128x64xf32, #tpu.memory_space<vmem>> -> memref<128x64xf32, #tpu.memory_space<vmem>>
    tpu.enqueue_dma source(%dma_start3A_86 : memref<128x64xf32, #tpu.memory_space<vmem>>) target(%dma_start3A_82 : memref<128x64xf32, #tpu.memory_space<vmem_shared>>) target_semaphore(%dma_start3A_80 : memref<!tpu.dma_semaphore, #tpu.memory_space<semaphore_mem>>)
    %dma_start3A_87 = arith.constant 0 : i32
    %dma_start3A_88 = arith.constant 3 : i32
    %dma_start3A_89 = arith.constant 0 : i32
    %dma_start3A_90 = arith.constant 0 : i32
    %dma_start3A_91 = tpu.memref_slice %arg9[%dma_start3A_87, %dma_start3A_89, %dma_start3A_90] : memref<4x128x64xf32, #tpu.memory_space<vmem>> -> memref<1x128x64xf32, #tpu.memory_space<vmem>>
    %dma_start3A_92 = tpu.memref_squeeze %dma_start3A_91 : memref<1x128x64xf32, #tpu.memory_space<vmem>> -> memref<128x64xf32, #tpu.memory_space<vmem>>
    %dma_start3A_93 = arith.constant 0 : i32
    %dma_start3A_94 = tpu.memref_slice %arg10[%add3A_34, %dma_start3A_93] : memref<10240x64xf32, #tpu.memory_space<vmem_shared>> -> memref<128x64xf32, #tpu.memory_space<vmem_shared>>
    %dma_start3A_95 = tpu.memref_slice %arg12[%dma_start3A_88] : memref<4x!tpu.dma_semaphore, #tpu.memory_space<semaphore_mem>> -> memref<1x!tpu.dma_semaphore, #tpu.memory_space<semaphore_mem>>
    %dma_start3A_96 = tpu.memref_squeeze %dma_start3A_95 : memref<1x!tpu.dma_semaphore, #tpu.memory_space<semaphore_mem>> -> memref<!tpu.dma_semaphore, #tpu.memory_space<semaphore_mem>>
    %dma_start3A_97 = arith.constant 0 : i32
    %dma_start3A_98 = tpu.memref_slice %arg10[%add3A_34, %dma_start3A_97] : memref<10240x64xf32, #tpu.memory_space<vmem_shared>> -> memref<128x64xf32, #tpu.memory_space<vmem_shared>>
    %dma_start3A_99 = arith.constant 0 : i32
    %dma_start3A_100 = arith.constant 0 : i32
    %dma_start3A_101 = tpu.memref_slice %arg9[%dma_start3A_87, %dma_start3A_99, %dma_start3A_100] : memref<4x128x64xf32, #tpu.memory_space<vmem>> -> memref<1x128x64xf32, #tpu.memory_space<vmem>>
    %dma_start3A_102 = tpu.memref_squeeze %dma_start3A_101 : memref<1x128x64xf32, #tpu.memory_space<vmem>> -> memref<128x64xf32, #tpu.memory_space<vmem>>
    tpu.enqueue_dma source(%dma_start3A_102 : memref<128x64xf32, #tpu.memory_space<vmem>>) target(%dma_start3A_98 : memref<128x64xf32, #tpu.memory_space<vmem_shared>>) target_semaphore(%dma_start3A_96 : memref<!tpu.dma_semaphore, #tpu.memory_space<semaphore_mem>>)
    %dma_start3A_103 = arith.constant 0 : i32
    %dma_start3A_104 = arith.constant 0 : i32
    %dma_start3A_105 = arith.constant 0 : i32
    %dma_start3A_106 = arith.constant 0 : i32
    %dma_start3A_107 = tpu.memref_slice %arg9[%dma_start3A_103, %dma_start3A_105, %dma_start3A_106] : memref<4x128x64xf32, #tpu.memory_space<vmem>> -> memref<1x128x64xf32, #tpu.memory_space<vmem>>
    %dma_start3A_108 = tpu.memref_squeeze %dma_start3A_107 : memref<1x128x64xf32, #tpu.memory_space<vmem>> -> memref<128x64xf32, #tpu.memory_space<vmem>>
    %dma_start3A_109 = arith.constant 0 : i32
    %dma_start3A_110 = tpu.memref_slice %arg10[%add3A_38, %dma_start3A_109] : memref<10240x64xf32, #tpu.memory_space<vmem_shared>> -> memref<128x64xf32, #tpu.memory_space<vmem_shared>>
    %dma_start3A_111 = tpu.memref_slice %arg12[%dma_start3A_104] : memref<4x!tpu.dma_semaphore, #tpu.memory_space<semaphore_mem>> -> memref<1x!tpu.dma_semaphore, #tpu.memory_space<semaphore_mem>>
    %dma_start3A_112 = tpu.memref_squeeze %dma_start3A_111 : memref<1x!tpu.dma_semaphore, #tpu.memory_space<semaphore_mem>> -> memref<!tpu.dma_semaphore, #tpu.memory_space<semaphore_mem>>
    %dma_start3A_113 = arith.constant 0 : i32
    %dma_start3A_114 = tpu.memref_slice %arg10[%add3A_38, %dma_start3A_113] : memref<10240x64xf32, #tpu.memory_space<vmem_shared>> -> memref<128x64xf32, #tpu.memory_space<vmem_shared>>
    %dma_start3A_115 = arith.constant 0 : i32
    %dma_start3A_116 = arith.constant 0 : i32
    %dma_start3A_117 = tpu.memref_slice %arg9[%dma_start3A_103, %dma_start3A_115, %dma_start3A_116] : memref<4x128x64xf32, #tpu.memory_space<vmem>> -> memref<1x128x64xf32, #tpu.memory_space<vmem>>
    %dma_start3A_118 = tpu.memref_squeeze %dma_start3A_117 : memref<1x128x64xf32, #tpu.memory_space<vmem>> -> memref<128x64xf32, #tpu.memory_space<vmem>>
    tpu.enqueue_dma source(%dma_start3A_118 : memref<128x64xf32, #tpu.memory_space<vmem>>) target(%dma_start3A_114 : memref<128x64xf32, #tpu.memory_space<vmem_shared>>) target_semaphore(%dma_start3A_112 : memref<!tpu.dma_semaphore, #tpu.memory_space<semaphore_mem>>)
    %dma_wait3A = arith.constant 0 : i32
    %dma_wait3A_119 = arith.constant 0 : i32
    %dma_wait3A_120 = arith.constant 0 : i32
    %dma_wait3A_121 = arith.constant 0 : i32
    %dma_wait3A_122 = tpu.memref_slice %arg9[%dma_wait3A, %dma_wait3A_120, %dma_wait3A_121] : memref<4x128x64xf32, #tpu.memory_space<vmem>> -> memref<1x128x64xf32, #tpu.memory_space<vmem>>
    %dma_wait3A_123 = tpu.memref_squeeze %dma_wait3A_122 : memref<1x128x64xf32, #tpu.memory_space<vmem>> -> memref<128x64xf32, #tpu.memory_space<vmem>>
    %dma_wait3A_124 = arith.constant 0 : i32
    %dma_wait3A_125 = tpu.memref_slice %arg10[%add3A_22, %dma_wait3A_124] : memref<10240x64xf32, #tpu.memory_space<vmem_shared>> -> memref<128x64xf32, #tpu.memory_space<vmem_shared>>
    %dma_wait3A_126 = tpu.memref_slice %arg12[%dma_wait3A_119] : memref<4x!tpu.dma_semaphore, #tpu.memory_space<semaphore_mem>> -> memref<1x!tpu.dma_semaphore, #tpu.memory_space<semaphore_mem>>
    %dma_wait3A_127 = tpu.memref_squeeze %dma_wait3A_126 : memref<1x!tpu.dma_semaphore, #tpu.memory_space<semaphore_mem>> -> memref<!tpu.dma_semaphore, #tpu.memory_space<semaphore_mem>>
    %dma_wait3A_128 = arith.constant 0 : i32
    %dma_wait3A_129 = tpu.memref_slice %arg10[%add3A_22, %dma_wait3A_128] : memref<10240x64xf32, #tpu.memory_space<vmem_shared>> -> memref<128x64xf32, #tpu.memory_space<vmem_shared>>
    %dma_wait3A_130 = arith.constant 0 : i32
    %dma_wait3A_131 = arith.constant 0 : i32
    %dma_wait3A_132 = tpu.memref_slice %arg9[%dma_wait3A, %dma_wait3A_130, %dma_wait3A_131] : memref<4x128x64xf32, #tpu.memory_space<vmem>> -> memref<1x128x64xf32, #tpu.memory_space<vmem>>
    %dma_wait3A_133 = tpu.memref_squeeze %dma_wait3A_132 : memref<1x128x64xf32, #tpu.memory_space<vmem>> -> memref<128x64xf32, #tpu.memory_space<vmem>>
    tpu.wait_dma2 semaphore(%dma_wait3A_127 : memref<!tpu.dma_semaphore, #tpu.memory_space<semaphore_mem>>) src(%dma_wait3A_133 : memref<128x64xf32, #tpu.memory_space<vmem>>) dst(%dma_wait3A_129 : memref<128x64xf32, #tpu.memory_space<vmem_shared>>)
    %dma_wait3A_134 = arith.constant 0 : i32
    %dma_wait3A_135 = arith.constant 1 : i32
    %dma_wait3A_136 = arith.constant 0 : i32
    %dma_wait3A_137 = arith.constant 0 : i32
    %dma_wait3A_138 = tpu.memref_slice %arg9[%dma_wait3A_134, %dma_wait3A_136, %dma_wait3A_137] : memref<4x128x64xf32, #tpu.memory_space<vmem>> -> memref<1x128x64xf32, #tpu.memory_space<vmem>>
    %dma_wait3A_139 = tpu.memref_squeeze %dma_wait3A_138 : memref<1x128x64xf32, #tpu.memory_space<vmem>> -> memref<128x64xf32, #tpu.memory_space<vmem>>
    %dma_wait3A_140 = arith.constant 0 : i32
    %dma_wait3A_141 = tpu.memref_slice %arg10[%add3A_26, %dma_wait3A_140] : memref<10240x64xf32, #tpu.memory_space<vmem_shared>> -> memref<128x64xf32, #tpu.memory_space<vmem_shared>>
    %dma_wait3A_142 = tpu.memref_slice %arg12[%dma_wait3A_135] : memref<4x!tpu.dma_semaphore, #tpu.memory_space<semaphore_mem>> -> memref<1x!tpu.dma_semaphore, #tpu.memory_space<semaphore_mem>>
    %dma_wait3A_143 = tpu.memref_squeeze %dma_wait3A_142 : memref<1x!tpu.dma_semaphore, #tpu.memory_space<semaphore_mem>> -> memref<!tpu.dma_semaphore, #tpu.memory_space<semaphore_mem>>
    %dma_wait3A_144 = arith.constant 0 : i32
    %dma_wait3A_145 = tpu.memref_slice %arg10[%add3A_26, %dma_wait3A_144] : memref<10240x64xf32, #tpu.memory_space<vmem_shared>> -> memref<128x64xf32, #tpu.memory_space<vmem_shared>>
    %dma_wait3A_146 = arith.constant 0 : i32
    %dma_wait3A_147 = arith.constant 0 : i32
    %dma_wait3A_148 = tpu.memref_slice %arg9[%dma_wait3A_134, %dma_wait3A_146, %dma_wait3A_147] : memref<4x128x64xf32, #tpu.memory_space<vmem>> -> memref<1x128x64xf32, #tpu.memory_space<vmem>>
    %dma_wait3A_149 = tpu.memref_squeeze %dma_wait3A_148 : memref<1x128x64xf32, #tpu.memory_space<vmem>> -> memref<128x64xf32, #tpu.memory_space<vmem>>
    tpu.wait_dma2 semaphore(%dma_wait3A_143 : memref<!tpu.dma_semaphore, #tpu.memory_space<semaphore_mem>>) src(%dma_wait3A_149 : memref<128x64xf32, #tpu.memory_space<vmem>>) dst(%dma_wait3A_145 : memref<128x64xf32, #tpu.memory_space<vmem_shared>>)
    %dma_wait3A_150 = arith.constant 0 : i32
    %dma_wait3A_151 = arith.constant 2 : i32
    %dma_wait3A_152 = arith.constant 0 : i32
    %dma_wait3A_153 = arith.constant 0 : i32
    %dma_wait3A_154 = tpu.memref_slice %arg9[%dma_wait3A_150, %dma_wait3A_152, %dma_wait3A_153] : memref<4x128x64xf32, #tpu.memory_space<vmem>> -> memref<1x128x64xf32, #tpu.memory_space<vmem>>
    %dma_wait3A_155 = tpu.memref_squeeze %dma_wait3A_154 : memref<1x128x64xf32, #tpu.memory_space<vmem>> -> memref<128x64xf32, #tpu.memory_space<vmem>>
    %dma_wait3A_156 = arith.constant 0 : i32
    %dma_wait3A_157 = tpu.memref_slice %arg10[%add3A_30, %dma_wait3A_156] : memref<10240x64xf32, #tpu.memory_space<vmem_shared>> -> memref<128x64xf32, #tpu.memory_space<vmem_shared>>
    %dma_wait3A_158 = tpu.memref_slice %arg12[%dma_wait3A_151] : memref<4x!tpu.dma_semaphore, #tpu.memory_space<semaphore_mem>> -> memref<1x!tpu.dma_semaphore, #tpu.memory_space<semaphore_mem>>
    %dma_wait3A_159 = tpu.memref_squeeze %dma_wait3A_158 : memref<1x!tpu.dma_semaphore, #tpu.memory_space<semaphore_mem>> -> memref<!tpu.dma_semaphore, #tpu.memory_space<semaphore_mem>>
    %dma_wait3A_160 = arith.constant 0 : i32
    %dma_wait3A_161 = tpu.memref_slice %arg10[%add3A_30, %dma_wait3A_160] : memref<10240x64xf32, #tpu.memory_space<vmem_shared>> -> memref<128x64xf32, #tpu.memory_space<vmem_shared>>
    %dma_wait3A_162 = arith.constant 0 : i32
    %dma_wait3A_163 = arith.constant 0 : i32
    %dma_wait3A_164 = tpu.memref_slice %arg9[%dma_wait3A_150, %dma_wait3A_162, %dma_wait3A_163] : memref<4x128x64xf32, #tpu.memory_space<vmem>> -> memref<1x128x64xf32, #tpu.memory_space<vmem>>
    %dma_wait3A_165 = tpu.memref_squeeze %dma_wait3A_164 : memref<1x128x64xf32, #tpu.memory_space<vmem>> -> memref<128x64xf32, #tpu.memory_space<vmem>>
    tpu.wait_dma2 semaphore(%dma_wait3A_159 : memref<!tpu.dma_semaphore, #tpu.memory_space<semaphore_mem>>) src(%dma_wait3A_165 : memref<128x64xf32, #tpu.memory_space<vmem>>) dst(%dma_wait3A_161 : memref<128x64xf32, #tpu.memory_space<vmem_shared>>)
    %dma_wait3A_166 = arith.constant 0 : i32
    %dma_wait3A_167 = arith.constant 3 : i32
    %dma_wait3A_168 = arith.constant 0 : i32
    %dma_wait3A_169 = arith.constant 0 : i32
    %dma_wait3A_170 = tpu.memref_slice %arg9[%dma_wait3A_166, %dma_wait3A_168, %dma_wait3A_169] : memref<4x128x64xf32, #tpu.memory_space<vmem>> -> memref<1x128x64xf32, #tpu.memory_space<vmem>>
    %dma_wait3A_171 = tpu.memref_squeeze %dma_wait3A_170 : memref<1x128x64xf32, #tpu.memory_space<vmem>> -> memref<128x64xf32, #tpu.memory_space<vmem>>
    %dma_wait3A_172 = arith.constant 0 : i32
    %dma_wait3A_173 = tpu.memref_slice %arg10[%add3A_34, %dma_wait3A_172] : memref<10240x64xf32, #tpu.memory_space<vmem_shared>> -> memref<128x64xf32, #tpu.memory_space<vmem_shared>>
    %dma_wait3A_174 = tpu.memref_slice %arg12[%dma_wait3A_167] : memref<4x!tpu.dma_semaphore, #tpu.memory_space<semaphore_mem>> -> memref<1x!tpu.dma_semaphore, #tpu.memory_space<semaphore_mem>>
    %dma_wait3A_175 = tpu.memref_squeeze %dma_wait3A_174 : memref<1x!tpu.dma_semaphore, #tpu.memory_space<semaphore_mem>> -> memref<!tpu.dma_semaphore, #tpu.memory_space<semaphore_mem>>
    %dma_wait3A_176 = arith.constant 0 : i32
    %dma_wait3A_177 = tpu.memref_slice %arg10[%add3A_34, %dma_wait3A_176] : memref<10240x64xf32, #tpu.memory_space<vmem_shared>> -> memref<128x64xf32, #tpu.memory_space<vmem_shared>>
    %dma_wait3A_178 = arith.constant 0 : i32
    %dma_wait3A_179 = arith.constant 0 : i32
    %dma_wait3A_180 = tpu.memref_slice %arg9[%dma_wait3A_166, %dma_wait3A_178, %dma_wait3A_179] : memref<4x128x64xf32, #tpu.memory_space<vmem>> -> memref<1x128x64xf32, #tpu.memory_space<vmem>>
    %dma_wait3A_181 = tpu.memref_squeeze %dma_wait3A_180 : memref<1x128x64xf32, #tpu.memory_space<vmem>> -> memref<128x64xf32, #tpu.memory_space<vmem>>
    tpu.wait_dma2 semaphore(%dma_wait3A_175 : memref<!tpu.dma_semaphore, #tpu.memory_space<semaphore_mem>>) src(%dma_wait3A_181 : memref<128x64xf32, #tpu.memory_space<vmem>>) dst(%dma_wait3A_177 : memref<128x64xf32, #tpu.memory_space<vmem_shared>>)
    %dma_wait3A_182 = arith.constant 0 : i32
    %dma_wait3A_183 = arith.constant 0 : i32
    %dma_wait3A_184 = arith.constant 0 : i32
    %dma_wait3A_185 = arith.constant 0 : i32
    %dma_wait3A_186 = tpu.memref_slice %arg9[%dma_wait3A_182, %dma_wait3A_184, %dma_wait3A_185] : memref<4x128x64xf32, #tpu.memory_space<vmem>> -> memref<1x128x64xf32, #tpu.memory_space<vmem>>
    %dma_wait3A_187 = tpu.memref_squeeze %dma_wait3A_186 : memref<1x128x64xf32, #tpu.memory_space<vmem>> -> memref<128x64xf32, #tpu.memory_space<vmem>>
    %dma_wait3A_188 = arith.constant 0 : i32
    %dma_wait3A_189 = tpu.memref_slice %arg10[%add3A_38, %dma_wait3A_188] : memref<10240x64xf32, #tpu.memory_space<vmem_shared>> -> memref<128x64xf32, #tpu.memory_space<vmem_shared>>
    %dma_wait3A_190 = tpu.memref_slice %arg12[%dma_wait3A_183] : memref<4x!tpu.dma_semaphore, #tpu.memory_space<semaphore_mem>> -> memref<1x!tpu.dma_semaphore, #tpu.memory_space<semaphore_mem>>
    %dma_wait3A_191 = tpu.memref_squeeze %dma_wait3A_190 : memref<1x!tpu.dma_semaphore, #tpu.memory_space<semaphore_mem>> -> memref<!tpu.dma_semaphore, #tpu.memory_space<semaphore_mem>>
    %dma_wait3A_192 = arith.constant 0 : i32
    %dma_wait3A_193 = tpu.memref_slice %arg10[%add3A_38, %dma_wait3A_192] : memref<10240x64xf32, #tpu.memory_space<vmem_shared>> -> memref<128x64xf32, #tpu.memory_space<vmem_shared>>
    %dma_wait3A_194 = arith.constant 0 : i32
    %dma_wait3A_195 = arith.constant 0 : i32
    %dma_wait3A_196 = tpu.memref_slice %arg9[%dma_wait3A_182, %dma_wait3A_194, %dma_wait3A_195] : memref<4x128x64xf32, #tpu.memory_space<vmem>> -> memref<1x128x64xf32, #tpu.memory_space<vmem>>
    %dma_wait3A_197 = tpu.memref_squeeze %dma_wait3A_196 : memref<1x128x64xf32, #tpu.memory_space<vmem>> -> memref<128x64xf32, #tpu.memory_space<vmem>>
    tpu.wait_dma2 semaphore(%dma_wait3A_191 : memref<!tpu.dma_semaphore, #tpu.memory_space<semaphore_mem>>) src(%dma_wait3A_197 : memref<128x64xf32, #tpu.memory_space<vmem>>) dst(%dma_wait3A_193 : memref<128x64xf32, #tpu.memory_space<vmem_shared>>)
    %dma_wait3A_198 = arith.constant 0 : i32
    %dma_wait3A_199 = arith.constant 0 : i32
    %dma_wait3A_200 = arith.constant 0 : i32
    %dma_wait3A_201 = tpu.memref_slice %arg3[%arg1, %dma_wait3A_199, %dma_wait3A_200] : memref<16x160x128xi32, #tpu.memory_space<hbm>> -> memref<1x160x128xi32, #tpu.memory_space<hbm>>
    %dma_wait3A_202 = tpu.memref_squeeze %dma_wait3A_201 : memref<1x160x128xi32, #tpu.memory_space<hbm>> -> memref<160x128xi32, #tpu.memory_space<hbm>>
    %dma_wait3A_203 = tpu.memref_slice %arg11[%dma_wait3A_198] : memref<4x!tpu.dma_semaphore, #tpu.memory_space<semaphore_mem>> -> memref<1x!tpu.dma_semaphore, #tpu.memory_space<semaphore_mem>>
    %dma_wait3A_204 = tpu.memref_squeeze %dma_wait3A_203 : memref<1x!tpu.dma_semaphore, #tpu.memory_space<semaphore_mem>> -> memref<!tpu.dma_semaphore, #tpu.memory_space<semaphore_mem>>
    %dma_wait3A_205 = arith.constant 0 : i32
    %dma_wait3A_206 = arith.constant 0 : i32
    %dma_wait3A_207 = tpu.memref_slice %arg3[%arg1, %dma_wait3A_205, %dma_wait3A_206] : memref<16x160x128xi32, #tpu.memory_space<hbm>> -> memref<1x160x128xi32, #tpu.memory_space<hbm>>
    %dma_wait3A_208 = tpu.memref_squeeze %dma_wait3A_207 : memref<1x160x128xi32, #tpu.memory_space<hbm>> -> memref<160x128xi32, #tpu.memory_space<hbm>>
    tpu.wait_dma2 semaphore(%dma_wait3A_204 : memref<!tpu.dma_semaphore, #tpu.memory_space<semaphore_mem>>) src(%dma_wait3A_208 : memref<160x128xi32, #tpu.memory_space<hbm>>) dst(%arg7 : memref<160x128xi32, #tpu.memory_space<vmem>>)
    %dma_wait3A_209 = arith.constant 1 : i32
    %dma_wait3A_210 = arith.constant 0 : i32
    %dma_wait3A_211 = arith.constant 0 : i32
    %dma_wait3A_212 = tpu.memref_slice %arg4[%arg1, %dma_wait3A_210, %dma_wait3A_211] : memref<16x160x128xi32, #tpu.memory_space<hbm>> -> memref<1x160x128xi32, #tpu.memory_space<hbm>>
    %dma_wait3A_213 = tpu.memref_squeeze %dma_wait3A_212 : memref<1x160x128xi32, #tpu.memory_space<hbm>> -> memref<160x128xi32, #tpu.memory_space<hbm>>
    %dma_wait3A_214 = tpu.memref_slice %arg11[%dma_wait3A_209] : memref<4x!tpu.dma_semaphore, #tpu.memory_space<semaphore_mem>> -> memref<1x!tpu.dma_semaphore, #tpu.memory_space<semaphore_mem>>
    %dma_wait3A_215 = tpu.memref_squeeze %dma_wait3A_214 : memref<1x!tpu.dma_semaphore, #tpu.memory_space<semaphore_mem>> -> memref<!tpu.dma_semaphore, #tpu.memory_space<semaphore_mem>>
    %dma_wait3A_216 = arith.constant 0 : i32
    %dma_wait3A_217 = arith.constant 0 : i32
    %dma_wait3A_218 = tpu.memref_slice %arg4[%arg1, %dma_wait3A_216, %dma_wait3A_217] : memref<16x160x128xi32, #tpu.memory_space<hbm>> -> memref<1x160x128xi32, #tpu.memory_space<hbm>>
    %dma_wait3A_219 = tpu.memref_squeeze %dma_wait3A_218 : memref<1x160x128xi32, #tpu.memory_space<hbm>> -> memref<160x128xi32, #tpu.memory_space<hbm>>
    tpu.wait_dma2 semaphore(%dma_wait3A_215 : memref<!tpu.dma_semaphore, #tpu.memory_space<semaphore_mem>>) src(%dma_wait3A_219 : memref<160x128xi32, #tpu.memory_space<hbm>>) dst(%arg8 : memref<160x128xi32, #tpu.memory_space<vmem>>)
    %barrier3A = arith.constant 0 : index
    tpu.barrier barrier_id(%barrier3A)
    %dma_start3A_220 = arith.constant 0 : i32
    %dma_start3A_221 = arith.constant 0 : i32
    %dma_start3A_222 = arith.constant 0 : i32
    %dma_start3A_223 = arith.constant 0 : i32
    %dma_start3A_224 = arith.constant 0 : i32
    %dma_start3A_225 = tpu.memref_slice %arg9[%dma_start3A_221, %dma_start3A_223, %dma_start3A_224] : memref<4x128x64xf32, #tpu.memory_space<vmem>> -> memref<1x128x64xf32, #tpu.memory_space<vmem>>
    %dma_start3A_226 = tpu.memref_squeeze %dma_start3A_225 : memref<1x128x64xf32, #tpu.memory_space<vmem>> -> memref<128x64xf32, #tpu.memory_space<vmem>>
    %dma_start3A_227 = arith.constant 0 : i32
    %dma_start3A_228 = tpu.memref_slice %arg7[%dma_start3A_220, %dma_start3A_227] : memref<160x128xi32, #tpu.memory_space<vmem>> -> memref<1x128xi32, #tpu.memory_space<vmem>>
    %dma_start3A_229 = tpu.memref_squeeze %dma_start3A_228 : memref<1x128xi32, #tpu.memory_space<vmem>> -> memref<128xi32, #tpu.memory_space<vmem>>
    %dma_start3A_230 = arith.constant 0 : i32
    %dma_start3A_231 = arith.constant 0 : i32
    %dma_start3A_232 = tpu.memref_slice %arg2[%arg0, %dma_start3A_230, %dma_start3A_231] : memref<2x10000x64xf32, #tpu.memory_space<hbm>> -> memref<1x10000x64xf32, #tpu.memory_space<hbm>>
    %dma_start3A_233 = tpu.memref_squeeze %dma_start3A_232 : memref<1x10000x64xf32, #tpu.memory_space<hbm>> -> memref<10000x64xf32, #tpu.memory_space<hbm>>
    %dma_start3A_234 = arith.constant 0 : i32
    %dma_start3A_235 = arith.constant 0 : i32
    %dma_start3A_236 = tpu.memref_slice %dma_start3A_233[%dma_start3A_234, %dma_start3A_235] : memref<10000x64xf32, #tpu.memory_space<hbm>> -> memref<10000x64xf32, #tpu.memory_space<hbm>>
    %dma_start3A_237 = tpu.memref_slice %arg11[%dma_start3A_222] : memref<4x!tpu.dma_semaphore, #tpu.memory_space<semaphore_mem>> -> memref<1x!tpu.dma_semaphore, #tpu.memory_space<semaphore_mem>>
    %dma_start3A_238 = tpu.memref_squeeze %dma_start3A_237 : memref<1x!tpu.dma_semaphore, #tpu.memory_space<semaphore_mem>> -> memref<!tpu.dma_semaphore, #tpu.memory_space<semaphore_mem>>
    tpu.enqueue_indirect_dma source(%dma_start3A_236 : memref<10000x64xf32, #tpu.memory_space<hbm>>) target(%dma_start3A_226 : memref<128x64xf32, #tpu.memory_space<vmem>>) offsets(%dma_start3A_229 : memref<128xi32, #tpu.memory_space<vmem>>) semaphore(%dma_start3A_238 : memref<!tpu.dma_semaphore, #tpu.memory_space<semaphore_mem>>)
    %dma_start3A_239 = arith.constant 1 : i32
    %dma_start3A_240 = arith.constant 1 : i32
    %dma_start3A_241 = arith.constant 1 : i32
    %dma_start3A_242 = arith.constant 0 : i32
    %dma_start3A_243 = arith.constant 0 : i32
    %dma_start3A_244 = tpu.memref_slice %arg9[%dma_start3A_240, %dma_start3A_242, %dma_start3A_243] : memref<4x128x64xf32, #tpu.memory_space<vmem>> -> memref<1x128x64xf32, #tpu.memory_space<vmem>>
    %dma_start3A_245 = tpu.memref_squeeze %dma_start3A_244 : memref<1x128x64xf32, #tpu.memory_space<vmem>> -> memref<128x64xf32, #tpu.memory_space<vmem>>
    %dma_start3A_246 = arith.constant 0 : i32
    %dma_start3A_247 = tpu.memref_slice %arg7[%dma_start3A_239, %dma_start3A_246] : memref<160x128xi32, #tpu.memory_space<vmem>> -> memref<1x128xi32, #tpu.memory_space<vmem>>
    %dma_start3A_248 = tpu.memref_squeeze %dma_start3A_247 : memref<1x128xi32, #tpu.memory_space<vmem>> -> memref<128xi32, #tpu.memory_space<vmem>>
    %dma_start3A_249 = arith.constant 0 : i32
    %dma_start3A_250 = arith.constant 0 : i32
    %dma_start3A_251 = tpu.memref_slice %arg2[%arg0, %dma_start3A_249, %dma_start3A_250] : memref<2x10000x64xf32, #tpu.memory_space<hbm>> -> memref<1x10000x64xf32, #tpu.memory_space<hbm>>
    %dma_start3A_252 = tpu.memref_squeeze %dma_start3A_251 : memref<1x10000x64xf32, #tpu.memory_space<hbm>> -> memref<10000x64xf32, #tpu.memory_space<hbm>>
    %dma_start3A_253 = arith.constant 0 : i32
    %dma_start3A_254 = arith.constant 0 : i32
    %dma_start3A_255 = tpu.memref_slice %dma_start3A_252[%dma_start3A_253, %dma_start3A_254] : memref<10000x64xf32, #tpu.memory_space<hbm>> -> memref<10000x64xf32, #tpu.memory_space<hbm>>
    %dma_start3A_256 = tpu.memref_slice %arg11[%dma_start3A_241] : memref<4x!tpu.dma_semaphore, #tpu.memory_space<semaphore_mem>> -> memref<1x!tpu.dma_semaphore, #tpu.memory_space<semaphore_mem>>
    %dma_start3A_257 = tpu.memref_squeeze %dma_start3A_256 : memref<1x!tpu.dma_semaphore, #tpu.memory_space<semaphore_mem>> -> memref<!tpu.dma_semaphore, #tpu.memory_space<semaphore_mem>>
    tpu.enqueue_indirect_dma source(%dma_start3A_255 : memref<10000x64xf32, #tpu.memory_space<hbm>>) target(%dma_start3A_245 : memref<128x64xf32, #tpu.memory_space<vmem>>) offsets(%dma_start3A_248 : memref<128xi32, #tpu.memory_space<vmem>>) semaphore(%dma_start3A_257 : memref<!tpu.dma_semaphore, #tpu.memory_space<semaphore_mem>>)
    %dma_start3A_258 = arith.constant 2 : i32
    %dma_start3A_259 = arith.constant 2 : i32
    %dma_start3A_260 = arith.constant 2 : i32
    %dma_start3A_261 = arith.constant 0 : i32
    %dma_start3A_262 = arith.constant 0 : i32
    %dma_start3A_263 = tpu.memref_slice %arg9[%dma_start3A_259, %dma_start3A_261, %dma_start3A_262] : memref<4x128x64xf32, #tpu.memory_space<vmem>> -> memref<1x128x64xf32, #tpu.memory_space<vmem>>
    %dma_start3A_264 = tpu.memref_squeeze %dma_start3A_263 : memref<1x128x64xf32, #tpu.memory_space<vmem>> -> memref<128x64xf32, #tpu.memory_space<vmem>>
    %dma_start3A_265 = arith.constant 0 : i32
    %dma_start3A_266 = tpu.memref_slice %arg7[%dma_start3A_258, %dma_start3A_265] : memref<160x128xi32, #tpu.memory_space<vmem>> -> memref<1x128xi32, #tpu.memory_space<vmem>>
    %dma_start3A_267 = tpu.memref_squeeze %dma_start3A_266 : memref<1x128xi32, #tpu.memory_space<vmem>> -> memref<128xi32, #tpu.memory_space<vmem>>
    %dma_start3A_268 = arith.constant 0 : i32
    %dma_start3A_269 = arith.constant 0 : i32
    %dma_start3A_270 = tpu.memref_slice %arg2[%arg0, %dma_start3A_268, %dma_start3A_269] : memref<2x10000x64xf32, #tpu.memory_space<hbm>> -> memref<1x10000x64xf32, #tpu.memory_space<hbm>>
    %dma_start3A_271 = tpu.memref_squeeze %dma_start3A_270 : memref<1x10000x64xf32, #tpu.memory_space<hbm>> -> memref<10000x64xf32, #tpu.memory_space<hbm>>
    %dma_start3A_272 = arith.constant 0 : i32
    %dma_start3A_273 = arith.constant 0 : i32
    %dma_start3A_274 = tpu.memref_slice %dma_start3A_271[%dma_start3A_272, %dma_start3A_273] : memref<10000x64xf32, #tpu.memory_space<hbm>> -> memref<10000x64xf32, #tpu.memory_space<hbm>>
    %dma_start3A_275 = tpu.memref_slice %arg11[%dma_start3A_260] : memref<4x!tpu.dma_semaphore, #tpu.memory_space<semaphore_mem>> -> memref<1x!tpu.dma_semaphore, #tpu.memory_space<semaphore_mem>>
    %dma_start3A_276 = tpu.memref_squeeze %dma_start3A_275 : memref<1x!tpu.dma_semaphore, #tpu.memory_space<semaphore_mem>> -> memref<!tpu.dma_semaphore, #tpu.memory_space<semaphore_mem>>
    tpu.enqueue_indirect_dma source(%dma_start3A_274 : memref<10000x64xf32, #tpu.memory_space<hbm>>) target(%dma_start3A_264 : memref<128x64xf32, #tpu.memory_space<vmem>>) offsets(%dma_start3A_267 : memref<128xi32, #tpu.memory_space<vmem>>) semaphore(%dma_start3A_276 : memref<!tpu.dma_semaphore, #tpu.memory_space<semaphore_mem>>)
    %dma_start3A_277 = arith.constant 3 : i32
    %dma_start3A_278 = arith.constant 3 : i32
    %dma_start3A_279 = arith.constant 3 : i32
    %dma_start3A_280 = arith.constant 0 : i32
    %dma_start3A_281 = arith.constant 0 : i32
    %dma_start3A_282 = tpu.memref_slice %arg9[%dma_start3A_278, %dma_start3A_280, %dma_start3A_281] : memref<4x128x64xf32, #tpu.memory_space<vmem>> -> memref<1x128x64xf32, #tpu.memory_space<vmem>>
    %dma_start3A_283 = tpu.memref_squeeze %dma_start3A_282 : memref<1x128x64xf32, #tpu.memory_space<vmem>> -> memref<128x64xf32, #tpu.memory_space<vmem>>
    %dma_start3A_284 = arith.constant 0 : i32
    %dma_start3A_285 = tpu.memref_slice %arg7[%dma_start3A_277, %dma_start3A_284] : memref<160x128xi32, #tpu.memory_space<vmem>> -> memref<1x128xi32, #tpu.memory_space<vmem>>
    %dma_start3A_286 = tpu.memref_squeeze %dma_start3A_285 : memref<1x128xi32, #tpu.memory_space<vmem>> -> memref<128xi32, #tpu.memory_space<vmem>>
    %dma_start3A_287 = arith.constant 0 : i32
    %dma_start3A_288 = arith.constant 0 : i32
    %dma_start3A_289 = tpu.memref_slice %arg2[%arg0, %dma_start3A_287, %dma_start3A_288] : memref<2x10000x64xf32, #tpu.memory_space<hbm>> -> memref<1x10000x64xf32, #tpu.memory_space<hbm>>
    %dma_start3A_290 = tpu.memref_squeeze %dma_start3A_289 : memref<1x10000x64xf32, #tpu.memory_space<hbm>> -> memref<10000x64xf32, #tpu.memory_space<hbm>>
    %dma_start3A_291 = arith.constant 0 : i32
    %dma_start3A_292 = arith.constant 0 : i32
    %dma_start3A_293 = tpu.memref_slice %dma_start3A_290[%dma_start3A_291, %dma_start3A_292] : memref<10000x64xf32, #tpu.memory_space<hbm>> -> memref<10000x64xf32, #tpu.memory_space<hbm>>
    %dma_start3A_294 = tpu.memref_slice %arg11[%dma_start3A_279] : memref<4x!tpu.dma_semaphore, #tpu.memory_space<semaphore_mem>> -> memref<1x!tpu.dma_semaphore, #tpu.memory_space<semaphore_mem>>
    %dma_start3A_295 = tpu.memref_squeeze %dma_start3A_294 : memref<1x!tpu.dma_semaphore, #tpu.memory_space<semaphore_mem>> -> memref<!tpu.dma_semaphore, #tpu.memory_space<semaphore_mem>>
    tpu.enqueue_indirect_dma source(%dma_start3A_293 : memref<10000x64xf32, #tpu.memory_space<hbm>>) target(%dma_start3A_283 : memref<128x64xf32, #tpu.memory_space<vmem>>) offsets(%dma_start3A_286 : memref<128xi32, #tpu.memory_space<vmem>>) semaphore(%dma_start3A_295 : memref<!tpu.dma_semaphore, #tpu.memory_space<semaphore_mem>>)
    %scan3A = arith.constant 0 : i32
    %scan3A_296 = arith.constant 40 : i32
    %scan3A_297 = arith.addi %scan3A, %scan3A_296 : i32
    %scan3A_298 = arith.constant 1 : i32
    scf.for %scan3A_781 = %scan3A to %scan3A_297 step %scan3A_298  : i32 {
      %mul3A_782 = arith.constant 4 : i32
      %mul3A_783 = arith.muli %mul3A_782, %scan3A_781 : i32
      %add3A_784 = arith.constant 0 : i32
      %add3A_785 = arith.addi %mul3A_783, %add3A_784 : i32
      %dma_wait3A_786 = arith.constant 0 : i32
      %dma_wait3A_787 = arith.constant 0 : i32
      %dma_wait3A_788 = arith.constant 0 : i32
      %dma_wait3A_789 = arith.constant 0 : i32
      %dma_wait3A_790 = tpu.memref_slice %arg9[%dma_wait3A_786, %dma_wait3A_788, %dma_wait3A_789] : memref<4x128x64xf32, #tpu.memory_space<vmem>> -> memref<1x128x64xf32, #tpu.memory_space<vmem>>
      %dma_wait3A_791 = tpu.memref_squeeze %dma_wait3A_790 : memref<1x128x64xf32, #tpu.memory_space<vmem>> -> memref<128x64xf32, #tpu.memory_space<vmem>>
      %dma_wait3A_792 = arith.constant 0 : i32
      %dma_wait3A_793 = tpu.memref_slice %arg7[%add3A_785, %dma_wait3A_792] : memref<160x128xi32, #tpu.memory_space<vmem>> -> memref<1x128xi32, #tpu.memory_space<vmem>>
      %dma_wait3A_794 = tpu.memref_squeeze %dma_wait3A_793 : memref<1x128xi32, #tpu.memory_space<vmem>> -> memref<128xi32, #tpu.memory_space<vmem>>
      %dma_wait3A_795 = arith.constant 0 : i32
      %dma_wait3A_796 = arith.constant 0 : i32
      %dma_wait3A_797 = tpu.memref_slice %arg2[%arg0, %dma_wait3A_795, %dma_wait3A_796] : memref<2x10000x64xf32, #tpu.memory_space<hbm>> -> memref<1x10000x64xf32, #tpu.memory_space<hbm>>
      %dma_wait3A_798 = tpu.memref_squeeze %dma_wait3A_797 : memref<1x10000x64xf32, #tpu.memory_space<hbm>> -> memref<10000x64xf32, #tpu.memory_space<hbm>>
      %dma_wait3A_799 = arith.constant 0 : i32
      %dma_wait3A_800 = arith.constant 0 : i32
      %dma_wait3A_801 = tpu.memref_slice %dma_wait3A_798[%dma_wait3A_799, %dma_wait3A_800] : memref<10000x64xf32, #tpu.memory_space<hbm>> -> memref<10000x64xf32, #tpu.memory_space<hbm>>
      %dma_wait3A_802 = tpu.memref_slice %arg11[%dma_wait3A_787] : memref<4x!tpu.dma_semaphore, #tpu.memory_space<semaphore_mem>> -> memref<1x!tpu.dma_semaphore, #tpu.memory_space<semaphore_mem>>
      %dma_wait3A_803 = tpu.memref_squeeze %dma_wait3A_802 : memref<1x!tpu.dma_semaphore, #tpu.memory_space<semaphore_mem>> -> memref<!tpu.dma_semaphore, #tpu.memory_space<semaphore_mem>>
      tpu.wait_indirect_dma semaphore(%dma_wait3A_803 : memref<!tpu.dma_semaphore, #tpu.memory_space<semaphore_mem>>) src(%dma_wait3A_801 : memref<10000x64xf32, #tpu.memory_space<hbm>>) dst(%dma_wait3A_791 : memref<128x64xf32, #tpu.memory_space<vmem>>)
      %add3A_804 = arith.constant 0 : i32
      %add3A_805 = arith.addi %mul3A_783, %add3A_804 : i32
      %dma_start3A_806 = arith.constant 0 : i32
      %dma_start3A_807 = arith.constant 0 : i32
      %dma_start3A_808 = arith.constant 0 : i32
      %dma_start3A_809 = arith.constant 0 : i32
      %dma_start3A_810 = tpu.memref_slice %arg9[%dma_start3A_806, %dma_start3A_808, %dma_start3A_809] : memref<4x128x64xf32, #tpu.memory_space<vmem>> -> memref<1x128x64xf32, #tpu.memory_space<vmem>>
      %dma_start3A_811 = tpu.memref_squeeze %dma_start3A_810 : memref<1x128x64xf32, #tpu.memory_space<vmem>> -> memref<128x64xf32, #tpu.memory_space<vmem>>
      %dma_start3A_812 = arith.constant 0 : i32
      %dma_start3A_813 = tpu.memref_slice %arg8[%add3A_805, %dma_start3A_812] : memref<160x128xi32, #tpu.memory_space<vmem>> -> memref<1x128xi32, #tpu.memory_space<vmem>>
      %dma_start3A_814 = tpu.memref_squeeze %dma_start3A_813 : memref<1x128xi32, #tpu.memory_space<vmem>> -> memref<128xi32, #tpu.memory_space<vmem>>
      %dma_start3A_815 = arith.constant 0 : i32
      %dma_start3A_816 = arith.constant 0 : i32
      %dma_start3A_817 = tpu.memref_slice %arg10[%dma_start3A_815, %dma_start3A_816] : memref<10240x64xf32, #tpu.memory_space<vmem_shared>> -> memref<10240x64xf32, #tpu.memory_space<vmem_shared>>
      %dma_start3A_818 = tpu.memref_slice %arg12[%dma_start3A_807] : memref<4x!tpu.dma_semaphore, #tpu.memory_space<semaphore_mem>> -> memref<1x!tpu.dma_semaphore, #tpu.memory_space<semaphore_mem>>
      %dma_start3A_819 = tpu.memref_squeeze %dma_start3A_818 : memref<1x!tpu.dma_semaphore, #tpu.memory_space<semaphore_mem>> -> memref<!tpu.dma_semaphore, #tpu.memory_space<semaphore_mem>>
      tpu.enqueue_indirect_dma source(%dma_start3A_811 : memref<128x64xf32, #tpu.memory_space<vmem>>) target(%dma_start3A_817 : memref<10240x64xf32, #tpu.memory_space<vmem_shared>>) offsets(%dma_start3A_814 : memref<128xi32, #tpu.memory_space<vmem>>) semaphore(%dma_start3A_819 : memref<!tpu.dma_semaphore, #tpu.memory_space<semaphore_mem>>) {add = true}
      %add3A_820 = arith.constant 1 : i32
      %add3A_821 = arith.addi %mul3A_783, %add3A_820 : i32
      %dma_wait3A_822 = arith.constant 1 : i32
      %dma_wait3A_823 = arith.constant 1 : i32
      %dma_wait3A_824 = arith.constant 0 : i32
      %dma_wait3A_825 = arith.constant 0 : i32
      %dma_wait3A_826 = tpu.memref_slice %arg9[%dma_wait3A_822, %dma_wait3A_824, %dma_wait3A_825] : memref<4x128x64xf32, #tpu.memory_space<vmem>> -> memref<1x128x64xf32, #tpu.memory_space<vmem>>
      %dma_wait3A_827 = tpu.memref_squeeze %dma_wait3A_826 : memref<1x128x64xf32, #tpu.memory_space<vmem>> -> memref<128x64xf32, #tpu.memory_space<vmem>>
      %dma_wait3A_828 = arith.constant 0 : i32
      %dma_wait3A_829 = tpu.memref_slice %arg7[%add3A_821, %dma_wait3A_828] : memref<160x128xi32, #tpu.memory_space<vmem>> -> memref<1x128xi32, #tpu.memory_space<vmem>>
      %dma_wait3A_830 = tpu.memref_squeeze %dma_wait3A_829 : memref<1x128xi32, #tpu.memory_space<vmem>> -> memref<128xi32, #tpu.memory_space<vmem>>
      %dma_wait3A_831 = arith.constant 0 : i32
      %dma_wait3A_832 = arith.constant 0 : i32
      %dma_wait3A_833 = tpu.memref_slice %arg2[%arg0, %dma_wait3A_831, %dma_wait3A_832] : memref<2x10000x64xf32, #tpu.memory_space<hbm>> -> memref<1x10000x64xf32, #tpu.memory_space<hbm>>
      %dma_wait3A_834 = tpu.memref_squeeze %dma_wait3A_833 : memref<1x10000x64xf32, #tpu.memory_space<hbm>> -> memref<10000x64xf32, #tpu.memory_space<hbm>>
      %dma_wait3A_835 = arith.constant 0 : i32
      %dma_wait3A_836 = arith.constant 0 : i32
      %dma_wait3A_837 = tpu.memref_slice %dma_wait3A_834[%dma_wait3A_835, %dma_wait3A_836] : memref<10000x64xf32, #tpu.memory_space<hbm>> -> memref<10000x64xf32, #tpu.memory_space<hbm>>
      %dma_wait3A_838 = tpu.memref_slice %arg11[%dma_wait3A_823] : memref<4x!tpu.dma_semaphore, #tpu.memory_space<semaphore_mem>> -> memref<1x!tpu.dma_semaphore, #tpu.memory_space<semaphore_mem>>
      %dma_wait3A_839 = tpu.memref_squeeze %dma_wait3A_838 : memref<1x!tpu.dma_semaphore, #tpu.memory_space<semaphore_mem>> -> memref<!tpu.dma_semaphore, #tpu.memory_space<semaphore_mem>>
      tpu.wait_indirect_dma semaphore(%dma_wait3A_839 : memref<!tpu.dma_semaphore, #tpu.memory_space<semaphore_mem>>) src(%dma_wait3A_837 : memref<10000x64xf32, #tpu.memory_space<hbm>>) dst(%dma_wait3A_827 : memref<128x64xf32, #tpu.memory_space<vmem>>)
      %add3A_840 = arith.constant 1 : i32
      %add3A_841 = arith.addi %mul3A_783, %add3A_840 : i32
      %dma_start3A_842 = arith.constant 1 : i32
      %dma_start3A_843 = arith.constant 1 : i32
      %dma_start3A_844 = arith.constant 0 : i32
      %dma_start3A_845 = arith.constant 0 : i32
      %dma_start3A_846 = tpu.memref_slice %arg9[%dma_start3A_842, %dma_start3A_844, %dma_start3A_845] : memref<4x128x64xf32, #tpu.memory_space<vmem>> -> memref<1x128x64xf32, #tpu.memory_space<vmem>>
      %dma_start3A_847 = tpu.memref_squeeze %dma_start3A_846 : memref<1x128x64xf32, #tpu.memory_space<vmem>> -> memref<128x64xf32, #tpu.memory_space<vmem>>
      %dma_start3A_848 = arith.constant 0 : i32
      %dma_start3A_849 = tpu.memref_slice %arg8[%add3A_841, %dma_start3A_848] : memref<160x128xi32, #tpu.memory_space<vmem>> -> memref<1x128xi32, #tpu.memory_space<vmem>>
      %dma_start3A_850 = tpu.memref_squeeze %dma_start3A_849 : memref<1x128xi32, #tpu.memory_space<vmem>> -> memref<128xi32, #tpu.memory_space<vmem>>
      %dma_start3A_851 = arith.constant 0 : i32
      %dma_start3A_852 = arith.constant 0 : i32
      %dma_start3A_853 = tpu.memref_slice %arg10[%dma_start3A_851, %dma_start3A_852] : memref<10240x64xf32, #tpu.memory_space<vmem_shared>> -> memref<10240x64xf32, #tpu.memory_space<vmem_shared>>
      %dma_start3A_854 = tpu.memref_slice %arg12[%dma_start3A_843] : memref<4x!tpu.dma_semaphore, #tpu.memory_space<semaphore_mem>> -> memref<1x!tpu.dma_semaphore, #tpu.memory_space<semaphore_mem>>
      %dma_start3A_855 = tpu.memref_squeeze %dma_start3A_854 : memref<1x!tpu.dma_semaphore, #tpu.memory_space<semaphore_mem>> -> memref<!tpu.dma_semaphore, #tpu.memory_space<semaphore_mem>>
      tpu.enqueue_indirect_dma source(%dma_start3A_847 : memref<128x64xf32, #tpu.memory_space<vmem>>) target(%dma_start3A_853 : memref<10240x64xf32, #tpu.memory_space<vmem_shared>>) offsets(%dma_start3A_850 : memref<128xi32, #tpu.memory_space<vmem>>) semaphore(%dma_start3A_855 : memref<!tpu.dma_semaphore, #tpu.memory_space<semaphore_mem>>) {add = true}
      %add3A_856 = arith.constant 2 : i32
      %add3A_857 = arith.addi %mul3A_783, %add3A_856 : i32
      %dma_wait3A_858 = arith.constant 2 : i32
      %dma_wait3A_859 = arith.constant 2 : i32
      %dma_wait3A_860 = arith.constant 0 : i32
      %dma_wait3A_861 = arith.constant 0 : i32
      %dma_wait3A_862 = tpu.memref_slice %arg9[%dma_wait3A_858, %dma_wait3A_860, %dma_wait3A_861] : memref<4x128x64xf32, #tpu.memory_space<vmem>> -> memref<1x128x64xf32, #tpu.memory_space<vmem>>
      %dma_wait3A_863 = tpu.memref_squeeze %dma_wait3A_862 : memref<1x128x64xf32, #tpu.memory_space<vmem>> -> memref<128x64xf32, #tpu.memory_space<vmem>>
      %dma_wait3A_864 = arith.constant 0 : i32
      %dma_wait3A_865 = tpu.memref_slice %arg7[%add3A_857, %dma_wait3A_864] : memref<160x128xi32, #tpu.memory_space<vmem>> -> memref<1x128xi32, #tpu.memory_space<vmem>>
      %dma_wait3A_866 = tpu.memref_squeeze %dma_wait3A_865 : memref<1x128xi32, #tpu.memory_space<vmem>> -> memref<128xi32, #tpu.memory_space<vmem>>
      %dma_wait3A_867 = arith.constant 0 : i32
      %dma_wait3A_868 = arith.constant 0 : i32
      %dma_wait3A_869 = tpu.memref_slice %arg2[%arg0, %dma_wait3A_867, %dma_wait3A_868] : memref<2x10000x64xf32, #tpu.memory_space<hbm>> -> memref<1x10000x64xf32, #tpu.memory_space<hbm>>
      %dma_wait3A_870 = tpu.memref_squeeze %dma_wait3A_869 : memref<1x10000x64xf32, #tpu.memory_space<hbm>> -> memref<10000x64xf32, #tpu.memory_space<hbm>>
      %dma_wait3A_871 = arith.constant 0 : i32
      %dma_wait3A_872 = arith.constant 0 : i32
      %dma_wait3A_873 = tpu.memref_slice %dma_wait3A_870[%dma_wait3A_871, %dma_wait3A_872] : memref<10000x64xf32, #tpu.memory_space<hbm>> -> memref<10000x64xf32, #tpu.memory_space<hbm>>
      %dma_wait3A_874 = tpu.memref_slice %arg11[%dma_wait3A_859] : memref<4x!tpu.dma_semaphore, #tpu.memory_space<semaphore_mem>> -> memref<1x!tpu.dma_semaphore, #tpu.memory_space<semaphore_mem>>
      %dma_wait3A_875 = tpu.memref_squeeze %dma_wait3A_874 : memref<1x!tpu.dma_semaphore, #tpu.memory_space<semaphore_mem>> -> memref<!tpu.dma_semaphore, #tpu.memory_space<semaphore_mem>>
      tpu.wait_indirect_dma semaphore(%dma_wait3A_875 : memref<!tpu.dma_semaphore, #tpu.memory_space<semaphore_mem>>) src(%dma_wait3A_873 : memref<10000x64xf32, #tpu.memory_space<hbm>>) dst(%dma_wait3A_863 : memref<128x64xf32, #tpu.memory_space<vmem>>)
      %add3A_876 = arith.constant 2 : i32
      %add3A_877 = arith.addi %mul3A_783, %add3A_876 : i32
      %dma_start3A_878 = arith.constant 2 : i32
      %dma_start3A_879 = arith.constant 2 : i32
      %dma_start3A_880 = arith.constant 0 : i32
      %dma_start3A_881 = arith.constant 0 : i32
      %dma_start3A_882 = tpu.memref_slice %arg9[%dma_start3A_878, %dma_start3A_880, %dma_start3A_881] : memref<4x128x64xf32, #tpu.memory_space<vmem>> -> memref<1x128x64xf32, #tpu.memory_space<vmem>>
      %dma_start3A_883 = tpu.memref_squeeze %dma_start3A_882 : memref<1x128x64xf32, #tpu.memory_space<vmem>> -> memref<128x64xf32, #tpu.memory_space<vmem>>
      %dma_start3A_884 = arith.constant 0 : i32
      %dma_start3A_885 = tpu.memref_slice %arg8[%add3A_877, %dma_start3A_884] : memref<160x128xi32, #tpu.memory_space<vmem>> -> memref<1x128xi32, #tpu.memory_space<vmem>>
      %dma_start3A_886 = tpu.memref_squeeze %dma_start3A_885 : memref<1x128xi32, #tpu.memory_space<vmem>> -> memref<128xi32, #tpu.memory_space<vmem>>
      %dma_start3A_887 = arith.constant 0 : i32
      %dma_start3A_888 = arith.constant 0 : i32
      %dma_start3A_889 = tpu.memref_slice %arg10[%dma_start3A_887, %dma_start3A_888] : memref<10240x64xf32, #tpu.memory_space<vmem_shared>> -> memref<10240x64xf32, #tpu.memory_space<vmem_shared>>
      %dma_start3A_890 = tpu.memref_slice %arg12[%dma_start3A_879] : memref<4x!tpu.dma_semaphore, #tpu.memory_space<semaphore_mem>> -> memref<1x!tpu.dma_semaphore, #tpu.memory_space<semaphore_mem>>
      %dma_start3A_891 = tpu.memref_squeeze %dma_start3A_890 : memref<1x!tpu.dma_semaphore, #tpu.memory_space<semaphore_mem>> -> memref<!tpu.dma_semaphore, #tpu.memory_space<semaphore_mem>>
      tpu.enqueue_indirect_dma source(%dma_start3A_883 : memref<128x64xf32, #tpu.memory_space<vmem>>) target(%dma_start3A_889 : memref<10240x64xf32, #tpu.memory_space<vmem_shared>>) offsets(%dma_start3A_886 : memref<128xi32, #tpu.memory_space<vmem>>) semaphore(%dma_start3A_891 : memref<!tpu.dma_semaphore, #tpu.memory_space<semaphore_mem>>) {add = true}
      %add3A_892 = arith.constant 3 : i32
      %add3A_893 = arith.addi %mul3A_783, %add3A_892 : i32
      %dma_wait3A_894 = arith.constant 3 : i32
      %dma_wait3A_895 = arith.constant 3 : i32
      %dma_wait3A_896 = arith.constant 0 : i32
      %dma_wait3A_897 = arith.constant 0 : i32
      %dma_wait3A_898 = tpu.memref_slice %arg9[%dma_wait3A_894, %dma_wait3A_896, %dma_wait3A_897] : memref<4x128x64xf32, #tpu.memory_space<vmem>> -> memref<1x128x64xf32, #tpu.memory_space<vmem>>
      %dma_wait3A_899 = tpu.memref_squeeze %dma_wait3A_898 : memref<1x128x64xf32, #tpu.memory_space<vmem>> -> memref<128x64xf32, #tpu.memory_space<vmem>>
      %dma_wait3A_900 = arith.constant 0 : i32
      %dma_wait3A_901 = tpu.memref_slice %arg7[%add3A_893, %dma_wait3A_900] : memref<160x128xi32, #tpu.memory_space<vmem>> -> memref<1x128xi32, #tpu.memory_space<vmem>>
      %dma_wait3A_902 = tpu.memref_squeeze %dma_wait3A_901 : memref<1x128xi32, #tpu.memory_space<vmem>> -> memref<128xi32, #tpu.memory_space<vmem>>
      %dma_wait3A_903 = arith.constant 0 : i32
      %dma_wait3A_904 = arith.constant 0 : i32
      %dma_wait3A_905 = tpu.memref_slice %arg2[%arg0, %dma_wait3A_903, %dma_wait3A_904] : memref<2x10000x64xf32, #tpu.memory_space<hbm>> -> memref<1x10000x64xf32, #tpu.memory_space<hbm>>
      %dma_wait3A_906 = tpu.memref_squeeze %dma_wait3A_905 : memref<1x10000x64xf32, #tpu.memory_space<hbm>> -> memref<10000x64xf32, #tpu.memory_space<hbm>>
      %dma_wait3A_907 = arith.constant 0 : i32
      %dma_wait3A_908 = arith.constant 0 : i32
      %dma_wait3A_909 = tpu.memref_slice %dma_wait3A_906[%dma_wait3A_907, %dma_wait3A_908] : memref<10000x64xf32, #tpu.memory_space<hbm>> -> memref<10000x64xf32, #tpu.memory_space<hbm>>
      %dma_wait3A_910 = tpu.memref_slice %arg11[%dma_wait3A_895] : memref<4x!tpu.dma_semaphore, #tpu.memory_space<semaphore_mem>> -> memref<1x!tpu.dma_semaphore, #tpu.memory_space<semaphore_mem>>
      %dma_wait3A_911 = tpu.memref_squeeze %dma_wait3A_910 : memref<1x!tpu.dma_semaphore, #tpu.memory_space<semaphore_mem>> -> memref<!tpu.dma_semaphore, #tpu.memory_space<semaphore_mem>>
      tpu.wait_indirect_dma semaphore(%dma_wait3A_911 : memref<!tpu.dma_semaphore, #tpu.memory_space<semaphore_mem>>) src(%dma_wait3A_909 : memref<10000x64xf32, #tpu.memory_space<hbm>>) dst(%dma_wait3A_899 : memref<128x64xf32, #tpu.memory_space<vmem>>)
      %add3A_912 = arith.constant 3 : i32
      %add3A_913 = arith.addi %mul3A_783, %add3A_912 : i32
      %dma_start3A_914 = arith.constant 3 : i32
      %dma_start3A_915 = arith.constant 3 : i32
      %dma_start3A_916 = arith.constant 0 : i32
      %dma_start3A_917 = arith.constant 0 : i32
      %dma_start3A_918 = tpu.memref_slice %arg9[%dma_start3A_914, %dma_start3A_916, %dma_start3A_917] : memref<4x128x64xf32, #tpu.memory_space<vmem>> -> memref<1x128x64xf32, #tpu.memory_space<vmem>>
      %dma_start3A_919 = tpu.memref_squeeze %dma_start3A_918 : memref<1x128x64xf32, #tpu.memory_space<vmem>> -> memref<128x64xf32, #tpu.memory_space<vmem>>
      %dma_start3A_920 = arith.constant 0 : i32
      %dma_start3A_921 = tpu.memref_slice %arg8[%add3A_913, %dma_start3A_920] : memref<160x128xi32, #tpu.memory_space<vmem>> -> memref<1x128xi32, #tpu.memory_space<vmem>>
      %dma_start3A_922 = tpu.memref_squeeze %dma_start3A_921 : memref<1x128xi32, #tpu.memory_space<vmem>> -> memref<128xi32, #tpu.memory_space<vmem>>
      %dma_start3A_923 = arith.constant 0 : i32
      %dma_start3A_924 = arith.constant 0 : i32
      %dma_start3A_925 = tpu.memref_slice %arg10[%dma_start3A_923, %dma_start3A_924] : memref<10240x64xf32, #tpu.memory_space<vmem_shared>> -> memref<10240x64xf32, #tpu.memory_space<vmem_shared>>
      %dma_start3A_926 = tpu.memref_slice %arg12[%dma_start3A_915] : memref<4x!tpu.dma_semaphore, #tpu.memory_space<semaphore_mem>> -> memref<1x!tpu.dma_semaphore, #tpu.memory_space<semaphore_mem>>
      %dma_start3A_927 = tpu.memref_squeeze %dma_start3A_926 : memref<1x!tpu.dma_semaphore, #tpu.memory_space<semaphore_mem>> -> memref<!tpu.dma_semaphore, #tpu.memory_space<semaphore_mem>>
      tpu.enqueue_indirect_dma source(%dma_start3A_919 : memref<128x64xf32, #tpu.memory_space<vmem>>) target(%dma_start3A_925 : memref<10240x64xf32, #tpu.memory_space<vmem_shared>>) offsets(%dma_start3A_922 : memref<128xi32, #tpu.memory_space<vmem>>) semaphore(%dma_start3A_927 : memref<!tpu.dma_semaphore, #tpu.memory_space<semaphore_mem>>) {add = true}
      %add3A_928 = arith.constant 0 : i32
      %add3A_929 = arith.addi %mul3A_783, %add3A_928 : i32
      %add3A_930 = arith.constant 4 : i32
      %add3A_931 = arith.addi %add3A_929, %add3A_930 : i32
      %lt3A = arith.constant 160 : i32
      %lt3A_932 = arith.cmpi slt, %add3A_931, %lt3A : i32
      %convert_element_type3A = arith.extui %lt3A_932 : i1 to i32
      %cond3A = arith.constant 0 : i32
      %cond3A_933 = arith.cmpi ne, %convert_element_type3A, %cond3A : i32
      scf.if %cond3A_933 {
        %add3A_961 = arith.constant 0 : i32
        %add3A_962 = arith.addi %mul3A_783, %add3A_961 : i32
        %dma_wait3A_963 = arith.constant 0 : i32
        %dma_wait3A_964 = arith.constant 0 : i32
        %dma_wait3A_965 = arith.constant 0 : i32
        %dma_wait3A_966 = arith.constant 0 : i32
        %dma_wait3A_967 = tpu.memref_slice %arg9[%dma_wait3A_963, %dma_wait3A_965, %dma_wait3A_966] : memref<4x128x64xf32, #tpu.memory_space<vmem>> -> memref<1x128x64xf32, #tpu.memory_space<vmem>>
        %dma_wait3A_968 = tpu.memref_squeeze %dma_wait3A_967 : memref<1x128x64xf32, #tpu.memory_space<vmem>> -> memref<128x64xf32, #tpu.memory_space<vmem>>
        %dma_wait3A_969 = arith.constant 0 : i32
        %dma_wait3A_970 = tpu.memref_slice %arg8[%add3A_962, %dma_wait3A_969] : memref<160x128xi32, #tpu.memory_space<vmem>> -> memref<1x128xi32, #tpu.memory_space<vmem>>
        %dma_wait3A_971 = tpu.memref_squeeze %dma_wait3A_970 : memref<1x128xi32, #tpu.memory_space<vmem>> -> memref<128xi32, #tpu.memory_space<vmem>>
        %dma_wait3A_972 = arith.constant 0 : i32
        %dma_wait3A_973 = arith.constant 0 : i32
        %dma_wait3A_974 = tpu.memref_slice %arg10[%dma_wait3A_972, %dma_wait3A_973] : memref<10240x64xf32, #tpu.memory_space<vmem_shared>> -> memref<10240x64xf32, #tpu.memory_space<vmem_shared>>
        %dma_wait3A_975 = tpu.memref_slice %arg12[%dma_wait3A_964] : memref<4x!tpu.dma_semaphore, #tpu.memory_space<semaphore_mem>> -> memref<1x!tpu.dma_semaphore, #tpu.memory_space<semaphore_mem>>
        %dma_wait3A_976 = tpu.memref_squeeze %dma_wait3A_975 : memref<1x!tpu.dma_semaphore, #tpu.memory_space<semaphore_mem>> -> memref<!tpu.dma_semaphore, #tpu.memory_space<semaphore_mem>>
        tpu.wait_indirect_dma semaphore(%dma_wait3A_976 : memref<!tpu.dma_semaphore, #tpu.memory_space<semaphore_mem>>) src(%dma_wait3A_968 : memref<128x64xf32, #tpu.memory_space<vmem>>) dst(%dma_wait3A_974 : memref<10240x64xf32, #tpu.memory_space<vmem_shared>>)
        %add3A_977 = arith.constant 0 : i32
        %add3A_978 = arith.addi %mul3A_783, %add3A_977 : i32
        %add3A_979 = arith.constant 4 : i32
        %add3A_980 = arith.addi %add3A_978, %add3A_979 : i32
        %dma_start3A_981 = arith.constant 0 : i32
        %dma_start3A_982 = arith.constant 0 : i32
        %dma_start3A_983 = arith.constant 0 : i32
        %dma_start3A_984 = arith.constant 0 : i32
        %dma_start3A_985 = tpu.memref_slice %arg9[%dma_start3A_981, %dma_start3A_983, %dma_start3A_984] : memref<4x128x64xf32, #tpu.memory_space<vmem>> -> memref<1x128x64xf32, #tpu.memory_space<vmem>>
        %dma_start3A_986 = tpu.memref_squeeze %dma_start3A_985 : memref<1x128x64xf32, #tpu.memory_space<vmem>> -> memref<128x64xf32, #tpu.memory_space<vmem>>
        %dma_start3A_987 = arith.constant 0 : i32
        %dma_start3A_988 = tpu.memref_slice %arg7[%add3A_980, %dma_start3A_987] : memref<160x128xi32, #tpu.memory_space<vmem>> -> memref<1x128xi32, #tpu.memory_space<vmem>>
        %dma_start3A_989 = tpu.memref_squeeze %dma_start3A_988 : memref<1x128xi32, #tpu.memory_space<vmem>> -> memref<128xi32, #tpu.memory_space<vmem>>
        %dma_start3A_990 = arith.constant 0 : i32
        %dma_start3A_991 = arith.constant 0 : i32
        %dma_start3A_992 = tpu.memref_slice %arg2[%arg0, %dma_start3A_990, %dma_start3A_991] : memref<2x10000x64xf32, #tpu.memory_space<hbm>> -> memref<1x10000x64xf32, #tpu.memory_space<hbm>>
        %dma_start3A_993 = tpu.memref_squeeze %dma_start3A_992 : memref<1x10000x64xf32, #tpu.memory_space<hbm>> -> memref<10000x64xf32, #tpu.memory_space<hbm>>
        %dma_start3A_994 = arith.constant 0 : i32
        %dma_start3A_995 = arith.constant 0 : i32
        %dma_start3A_996 = tpu.memref_slice %dma_start3A_993[%dma_start3A_994, %dma_start3A_995] : memref<10000x64xf32, #tpu.memory_space<hbm>> -> memref<10000x64xf32, #tpu.memory_space<hbm>>
        %dma_start3A_997 = tpu.memref_slice %arg11[%dma_start3A_982] : memref<4x!tpu.dma_semaphore, #tpu.memory_space<semaphore_mem>> -> memref<1x!tpu.dma_semaphore, #tpu.memory_space<semaphore_mem>>
        %dma_start3A_998 = tpu.memref_squeeze %dma_start3A_997 : memref<1x!tpu.dma_semaphore, #tpu.memory_space<semaphore_mem>> -> memref<!tpu.dma_semaphore, #tpu.memory_space<semaphore_mem>>
        tpu.enqueue_indirect_dma source(%dma_start3A_996 : memref<10000x64xf32, #tpu.memory_space<hbm>>) target(%dma_start3A_986 : memref<128x64xf32, #tpu.memory_space<vmem>>) offsets(%dma_start3A_989 : memref<128xi32, #tpu.memory_space<vmem>>) semaphore(%dma_start3A_998 : memref<!tpu.dma_semaphore, #tpu.memory_space<semaphore_mem>>)
      } else {
      }
      %add3A_934 = arith.constant 1 : i32
      %add3A_935 = arith.addi %mul3A_783, %add3A_934 : i32
      %add3A_936 = arith.constant 4 : i32
      %add3A_937 = arith.addi %add3A_935, %add3A_936 : i32
      %lt3A_938 = arith.constant 160 : i32
      %lt3A_939 = arith.cmpi slt, %add3A_937, %lt3A_938 : i32
      %convert_element_type3A_940 = arith.extui %lt3A_939 : i1 to i32
      %cond3A_941 = arith.constant 0 : i32
      %cond3A_942 = arith.cmpi ne, %convert_element_type3A_940, %cond3A_941 : i32
      scf.if %cond3A_942 {
        %add3A_961 = arith.constant 1 : i32
        %add3A_962 = arith.addi %mul3A_783, %add3A_961 : i32
        %dma_wait3A_963 = arith.constant 1 : i32
        %dma_wait3A_964 = arith.constant 1 : i32
        %dma_wait3A_965 = arith.constant 0 : i32
        %dma_wait3A_966 = arith.constant 0 : i32
        %dma_wait3A_967 = tpu.memref_slice %arg9[%dma_wait3A_963, %dma_wait3A_965, %dma_wait3A_966] : memref<4x128x64xf32, #tpu.memory_space<vmem>> -> memref<1x128x64xf32, #tpu.memory_space<vmem>>
        %dma_wait3A_968 = tpu.memref_squeeze %dma_wait3A_967 : memref<1x128x64xf32, #tpu.memory_space<vmem>> -> memref<128x64xf32, #tpu.memory_space<vmem>>
        %dma_wait3A_969 = arith.constant 0 : i32
        %dma_wait3A_970 = tpu.memref_slice %arg8[%add3A_962, %dma_wait3A_969] : memref<160x128xi32, #tpu.memory_space<vmem>> -> memref<1x128xi32, #tpu.memory_space<vmem>>
        %dma_wait3A_971 = tpu.memref_squeeze %dma_wait3A_970 : memref<1x128xi32, #tpu.memory_space<vmem>> -> memref<128xi32, #tpu.memory_space<vmem>>
        %dma_wait3A_972 = arith.constant 0 : i32
        %dma_wait3A_973 = arith.constant 0 : i32
        %dma_wait3A_974 = tpu.memref_slice %arg10[%dma_wait3A_972, %dma_wait3A_973] : memref<10240x64xf32, #tpu.memory_space<vmem_shared>> -> memref<10240x64xf32, #tpu.memory_space<vmem_shared>>
        %dma_wait3A_975 = tpu.memref_slice %arg12[%dma_wait3A_964] : memref<4x!tpu.dma_semaphore, #tpu.memory_space<semaphore_mem>> -> memref<1x!tpu.dma_semaphore, #tpu.memory_space<semaphore_mem>>
        %dma_wait3A_976 = tpu.memref_squeeze %dma_wait3A_975 : memref<1x!tpu.dma_semaphore, #tpu.memory_space<semaphore_mem>> -> memref<!tpu.dma_semaphore, #tpu.memory_space<semaphore_mem>>
        tpu.wait_indirect_dma semaphore(%dma_wait3A_976 : memref<!tpu.dma_semaphore, #tpu.memory_space<semaphore_mem>>) src(%dma_wait3A_968 : memref<128x64xf32, #tpu.memory_space<vmem>>) dst(%dma_wait3A_974 : memref<10240x64xf32, #tpu.memory_space<vmem_shared>>)
        %add3A_977 = arith.constant 1 : i32
        %add3A_978 = arith.addi %mul3A_783, %add3A_977 : i32
        %add3A_979 = arith.constant 4 : i32
        %add3A_980 = arith.addi %add3A_978, %add3A_979 : i32
        %dma_start3A_981 = arith.constant 1 : i32
        %dma_start3A_982 = arith.constant 1 : i32
        %dma_start3A_983 = arith.constant 0 : i32
        %dma_start3A_984 = arith.constant 0 : i32
        %dma_start3A_985 = tpu.memref_slice %arg9[%dma_start3A_981, %dma_start3A_983, %dma_start3A_984] : memref<4x128x64xf32, #tpu.memory_space<vmem>> -> memref<1x128x64xf32, #tpu.memory_space<vmem>>
        %dma_start3A_986 = tpu.memref_squeeze %dma_start3A_985 : memref<1x128x64xf32, #tpu.memory_space<vmem>> -> memref<128x64xf32, #tpu.memory_space<vmem>>
        %dma_start3A_987 = arith.constant 0 : i32
        %dma_start3A_988 = tpu.memref_slice %arg7[%add3A_980, %dma_start3A_987] : memref<160x128xi32, #tpu.memory_space<vmem>> -> memref<1x128xi32, #tpu.memory_space<vmem>>
        %dma_start3A_989 = tpu.memref_squeeze %dma_start3A_988 : memref<1x128xi32, #tpu.memory_space<vmem>> -> memref<128xi32, #tpu.memory_space<vmem>>
        %dma_start3A_990 = arith.constant 0 : i32
        %dma_start3A_991 = arith.constant 0 : i32
        %dma_start3A_992 = tpu.memref_slice %arg2[%arg0, %dma_start3A_990, %dma_start3A_991] : memref<2x10000x64xf32, #tpu.memory_space<hbm>> -> memref<1x10000x64xf32, #tpu.memory_space<hbm>>
        %dma_start3A_993 = tpu.memref_squeeze %dma_start3A_992 : memref<1x10000x64xf32, #tpu.memory_space<hbm>> -> memref<10000x64xf32, #tpu.memory_space<hbm>>
        %dma_start3A_994 = arith.constant 0 : i32
        %dma_start3A_995 = arith.constant 0 : i32
        %dma_start3A_996 = tpu.memref_slice %dma_start3A_993[%dma_start3A_994, %dma_start3A_995] : memref<10000x64xf32, #tpu.memory_space<hbm>> -> memref<10000x64xf32, #tpu.memory_space<hbm>>
        %dma_start3A_997 = tpu.memref_slice %arg11[%dma_start3A_982] : memref<4x!tpu.dma_semaphore, #tpu.memory_space<semaphore_mem>> -> memref<1x!tpu.dma_semaphore, #tpu.memory_space<semaphore_mem>>
        %dma_start3A_998 = tpu.memref_squeeze %dma_start3A_997 : memref<1x!tpu.dma_semaphore, #tpu.memory_space<semaphore_mem>> -> memref<!tpu.dma_semaphore, #tpu.memory_space<semaphore_mem>>
        tpu.enqueue_indirect_dma source(%dma_start3A_996 : memref<10000x64xf32, #tpu.memory_space<hbm>>) target(%dma_start3A_986 : memref<128x64xf32, #tpu.memory_space<vmem>>) offsets(%dma_start3A_989 : memref<128xi32, #tpu.memory_space<vmem>>) semaphore(%dma_start3A_998 : memref<!tpu.dma_semaphore, #tpu.memory_space<semaphore_mem>>)
      } else {
      }
      %add3A_943 = arith.constant 2 : i32
      %add3A_944 = arith.addi %mul3A_783, %add3A_943 : i32
      %add3A_945 = arith.constant 4 : i32
      %add3A_946 = arith.addi %add3A_944, %add3A_945 : i32
      %lt3A_947 = arith.constant 160 : i32
      %lt3A_948 = arith.cmpi slt, %add3A_946, %lt3A_947 : i32
      %convert_element_type3A_949 = arith.extui %lt3A_948 : i1 to i32
      %cond3A_950 = arith.constant 0 : i32
      %cond3A_951 = arith.cmpi ne, %convert_element_type3A_949, %cond3A_950 : i32
      scf.if %cond3A_951 {
        %add3A_961 = arith.constant 2 : i32
        %add3A_962 = arith.addi %mul3A_783, %add3A_961 : i32
        %dma_wait3A_963 = arith.constant 2 : i32
        %dma_wait3A_964 = arith.constant 2 : i32
        %dma_wait3A_965 = arith.constant 0 : i32
        %dma_wait3A_966 = arith.constant 0 : i32
        %dma_wait3A_967 = tpu.memref_slice %arg9[%dma_wait3A_963, %dma_wait3A_965, %dma_wait3A_966] : memref<4x128x64xf32, #tpu.memory_space<vmem>> -> memref<1x128x64xf32, #tpu.memory_space<vmem>>
        %dma_wait3A_968 = tpu.memref_squeeze %dma_wait3A_967 : memref<1x128x64xf32, #tpu.memory_space<vmem>> -> memref<128x64xf32, #tpu.memory_space<vmem>>
        %dma_wait3A_969 = arith.constant 0 : i32
        %dma_wait3A_970 = tpu.memref_slice %arg8[%add3A_962, %dma_wait3A_969] : memref<160x128xi32, #tpu.memory_space<vmem>> -> memref<1x128xi32, #tpu.memory_space<vmem>>
        %dma_wait3A_971 = tpu.memref_squeeze %dma_wait3A_970 : memref<1x128xi32, #tpu.memory_space<vmem>> -> memref<128xi32, #tpu.memory_space<vmem>>
        %dma_wait3A_972 = arith.constant 0 : i32
        %dma_wait3A_973 = arith.constant 0 : i32
        %dma_wait3A_974 = tpu.memref_slice %arg10[%dma_wait3A_972, %dma_wait3A_973] : memref<10240x64xf32, #tpu.memory_space<vmem_shared>> -> memref<10240x64xf32, #tpu.memory_space<vmem_shared>>
        %dma_wait3A_975 = tpu.memref_slice %arg12[%dma_wait3A_964] : memref<4x!tpu.dma_semaphore, #tpu.memory_space<semaphore_mem>> -> memref<1x!tpu.dma_semaphore, #tpu.memory_space<semaphore_mem>>
        %dma_wait3A_976 = tpu.memref_squeeze %dma_wait3A_975 : memref<1x!tpu.dma_semaphore, #tpu.memory_space<semaphore_mem>> -> memref<!tpu.dma_semaphore, #tpu.memory_space<semaphore_mem>>
        tpu.wait_indirect_dma semaphore(%dma_wait3A_976 : memref<!tpu.dma_semaphore, #tpu.memory_space<semaphore_mem>>) src(%dma_wait3A_968 : memref<128x64xf32, #tpu.memory_space<vmem>>) dst(%dma_wait3A_974 : memref<10240x64xf32, #tpu.memory_space<vmem_shared>>)
        %add3A_977 = arith.constant 2 : i32
        %add3A_978 = arith.addi %mul3A_783, %add3A_977 : i32
        %add3A_979 = arith.constant 4 : i32
        %add3A_980 = arith.addi %add3A_978, %add3A_979 : i32
        %dma_start3A_981 = arith.constant 2 : i32
        %dma_start3A_982 = arith.constant 2 : i32
        %dma_start3A_983 = arith.constant 0 : i32
        %dma_start3A_984 = arith.constant 0 : i32
        %dma_start3A_985 = tpu.memref_slice %arg9[%dma_start3A_981, %dma_start3A_983, %dma_start3A_984] : memref<4x128x64xf32, #tpu.memory_space<vmem>> -> memref<1x128x64xf32, #tpu.memory_space<vmem>>
        %dma_start3A_986 = tpu.memref_squeeze %dma_start3A_985 : memref<1x128x64xf32, #tpu.memory_space<vmem>> -> memref<128x64xf32, #tpu.memory_space<vmem>>
        %dma_start3A_987 = arith.constant 0 : i32
        %dma_start3A_988 = tpu.memref_slice %arg7[%add3A_980, %dma_start3A_987] : memref<160x128xi32, #tpu.memory_space<vmem>> -> memref<1x128xi32, #tpu.memory_space<vmem>>
        %dma_start3A_989 = tpu.memref_squeeze %dma_start3A_988 : memref<1x128xi32, #tpu.memory_space<vmem>> -> memref<128xi32, #tpu.memory_space<vmem>>
        %dma_start3A_990 = arith.constant 0 : i32
        %dma_start3A_991 = arith.constant 0 : i32
        %dma_start3A_992 = tpu.memref_slice %arg2[%arg0, %dma_start3A_990, %dma_start3A_991] : memref<2x10000x64xf32, #tpu.memory_space<hbm>> -> memref<1x10000x64xf32, #tpu.memory_space<hbm>>
        %dma_start3A_993 = tpu.memref_squeeze %dma_start3A_992 : memref<1x10000x64xf32, #tpu.memory_space<hbm>> -> memref<10000x64xf32, #tpu.memory_space<hbm>>
        %dma_start3A_994 = arith.constant 0 : i32
        %dma_start3A_995 = arith.constant 0 : i32
        %dma_start3A_996 = tpu.memref_slice %dma_start3A_993[%dma_start3A_994, %dma_start3A_995] : memref<10000x64xf32, #tpu.memory_space<hbm>> -> memref<10000x64xf32, #tpu.memory_space<hbm>>
        %dma_start3A_997 = tpu.memref_slice %arg11[%dma_start3A_982] : memref<4x!tpu.dma_semaphore, #tpu.memory_space<semaphore_mem>> -> memref<1x!tpu.dma_semaphore, #tpu.memory_space<semaphore_mem>>
        %dma_start3A_998 = tpu.memref_squeeze %dma_start3A_997 : memref<1x!tpu.dma_semaphore, #tpu.memory_space<semaphore_mem>> -> memref<!tpu.dma_semaphore, #tpu.memory_space<semaphore_mem>>
        tpu.enqueue_indirect_dma source(%dma_start3A_996 : memref<10000x64xf32, #tpu.memory_space<hbm>>) target(%dma_start3A_986 : memref<128x64xf32, #tpu.memory_space<vmem>>) offsets(%dma_start3A_989 : memref<128xi32, #tpu.memory_space<vmem>>) semaphore(%dma_start3A_998 : memref<!tpu.dma_semaphore, #tpu.memory_space<semaphore_mem>>)
      } else {
      }
      %add3A_952 = arith.constant 3 : i32
      %add3A_953 = arith.addi %mul3A_783, %add3A_952 : i32
      %add3A_954 = arith.constant 4 : i32
      %add3A_955 = arith.addi %add3A_953, %add3A_954 : i32
      %lt3A_956 = arith.constant 160 : i32
      %lt3A_957 = arith.cmpi slt, %add3A_955, %lt3A_956 : i32
      %convert_element_type3A_958 = arith.extui %lt3A_957 : i1 to i32
      %cond3A_959 = arith.constant 0 : i32
      %cond3A_960 = arith.cmpi ne, %convert_element_type3A_958, %cond3A_959 : i32
      scf.if %cond3A_960 {
        %add3A_961 = arith.constant 3 : i32
        %add3A_962 = arith.addi %mul3A_783, %add3A_961 : i32
        %dma_wait3A_963 = arith.constant 3 : i32
        %dma_wait3A_964 = arith.constant 3 : i32
        %dma_wait3A_965 = arith.constant 0 : i32
        %dma_wait3A_966 = arith.constant 0 : i32
        %dma_wait3A_967 = tpu.memref_slice %arg9[%dma_wait3A_963, %dma_wait3A_965, %dma_wait3A_966] : memref<4x128x64xf32, #tpu.memory_space<vmem>> -> memref<1x128x64xf32, #tpu.memory_space<vmem>>
        %dma_wait3A_968 = tpu.memref_squeeze %dma_wait3A_967 : memref<1x128x64xf32, #tpu.memory_space<vmem>> -> memref<128x64xf32, #tpu.memory_space<vmem>>
        %dma_wait3A_969 = arith.constant 0 : i32
        %dma_wait3A_970 = tpu.memref_slice %arg8[%add3A_962, %dma_wait3A_969] : memref<160x128xi32, #tpu.memory_space<vmem>> -> memref<1x128xi32, #tpu.memory_space<vmem>>
        %dma_wait3A_971 = tpu.memref_squeeze %dma_wait3A_970 : memref<1x128xi32, #tpu.memory_space<vmem>> -> memref<128xi32, #tpu.memory_space<vmem>>
        %dma_wait3A_972 = arith.constant 0 : i32
        %dma_wait3A_973 = arith.constant 0 : i32
        %dma_wait3A_974 = tpu.memref_slice %arg10[%dma_wait3A_972, %dma_wait3A_973] : memref<10240x64xf32, #tpu.memory_space<vmem_shared>> -> memref<10240x64xf32, #tpu.memory_space<vmem_shared>>
        %dma_wait3A_975 = tpu.memref_slice %arg12[%dma_wait3A_964] : memref<4x!tpu.dma_semaphore, #tpu.memory_space<semaphore_mem>> -> memref<1x!tpu.dma_semaphore, #tpu.memory_space<semaphore_mem>>
        %dma_wait3A_976 = tpu.memref_squeeze %dma_wait3A_975 : memref<1x!tpu.dma_semaphore, #tpu.memory_space<semaphore_mem>> -> memref<!tpu.dma_semaphore, #tpu.memory_space<semaphore_mem>>
        tpu.wait_indirect_dma semaphore(%dma_wait3A_976 : memref<!tpu.dma_semaphore, #tpu.memory_space<semaphore_mem>>) src(%dma_wait3A_968 : memref<128x64xf32, #tpu.memory_space<vmem>>) dst(%dma_wait3A_974 : memref<10240x64xf32, #tpu.memory_space<vmem_shared>>)
        %add3A_977 = arith.constant 3 : i32
        %add3A_978 = arith.addi %mul3A_783, %add3A_977 : i32
        %add3A_979 = arith.constant 4 : i32
        %add3A_980 = arith.addi %add3A_978, %add3A_979 : i32
        %dma_start3A_981 = arith.constant 3 : i32
        %dma_start3A_982 = arith.constant 3 : i32
        %dma_start3A_983 = arith.constant 0 : i32
        %dma_start3A_984 = arith.constant 0 : i32
        %dma_start3A_985 = tpu.memref_slice %arg9[%dma_start3A_981, %dma_start3A_983, %dma_start3A_984] : memref<4x128x64xf32, #tpu.memory_space<vmem>> -> memref<1x128x64xf32, #tpu.memory_space<vmem>>
        %dma_start3A_986 = tpu.memref_squeeze %dma_start3A_985 : memref<1x128x64xf32, #tpu.memory_space<vmem>> -> memref<128x64xf32, #tpu.memory_space<vmem>>
        %dma_start3A_987 = arith.constant 0 : i32
        %dma_start3A_988 = tpu.memref_slice %arg7[%add3A_980, %dma_start3A_987] : memref<160x128xi32, #tpu.memory_space<vmem>> -> memref<1x128xi32, #tpu.memory_space<vmem>>
        %dma_start3A_989 = tpu.memref_squeeze %dma_start3A_988 : memref<1x128xi32, #tpu.memory_space<vmem>> -> memref<128xi32, #tpu.memory_space<vmem>>
        %dma_start3A_990 = arith.constant 0 : i32
        %dma_start3A_991 = arith.constant 0 : i32
        %dma_start3A_992 = tpu.memref_slice %arg2[%arg0, %dma_start3A_990, %dma_start3A_991] : memref<2x10000x64xf32, #tpu.memory_space<hbm>> -> memref<1x10000x64xf32, #tpu.memory_space<hbm>>
        %dma_start3A_993 = tpu.memref_squeeze %dma_start3A_992 : memref<1x10000x64xf32, #tpu.memory_space<hbm>> -> memref<10000x64xf32, #tpu.memory_space<hbm>>
        %dma_start3A_994 = arith.constant 0 : i32
        %dma_start3A_995 = arith.constant 0 : i32
        %dma_start3A_996 = tpu.memref_slice %dma_start3A_993[%dma_start3A_994, %dma_start3A_995] : memref<10000x64xf32, #tpu.memory_space<hbm>> -> memref<10000x64xf32, #tpu.memory_space<hbm>>
        %dma_start3A_997 = tpu.memref_slice %arg11[%dma_start3A_982] : memref<4x!tpu.dma_semaphore, #tpu.memory_space<semaphore_mem>> -> memref<1x!tpu.dma_semaphore, #tpu.memory_space<semaphore_mem>>
        %dma_start3A_998 = tpu.memref_squeeze %dma_start3A_997 : memref<1x!tpu.dma_semaphore, #tpu.memory_space<semaphore_mem>> -> memref<!tpu.dma_semaphore, #tpu.memory_space<semaphore_mem>>
        tpu.enqueue_indirect_dma source(%dma_start3A_996 : memref<10000x64xf32, #tpu.memory_space<hbm>>) target(%dma_start3A_986 : memref<128x64xf32, #tpu.memory_space<vmem>>) offsets(%dma_start3A_989 : memref<128xi32, #tpu.memory_space<vmem>>) semaphore(%dma_start3A_998 : memref<!tpu.dma_semaphore, #tpu.memory_space<semaphore_mem>>)
      } else {
      }
    }
    %scan3A_299 = arith.constant 40 : i32
    %dma_wait3A_300 = arith.constant 0 : i32
    %dma_wait3A_301 = arith.constant 156 : i32
    %dma_wait3A_302 = arith.constant 0 : i32
    %dma_wait3A_303 = arith.constant 0 : i32
    %dma_wait3A_304 = arith.constant 0 : i32
    %dma_wait3A_305 = tpu.memref_slice %arg9[%dma_wait3A_300, %dma_wait3A_303, %dma_wait3A_304] : memref<4x128x64xf32, #tpu.memory_space<vmem>> -> memref<1x128x64xf32, #tpu.memory_space<vmem>>
    %dma_wait3A_306 = tpu.memref_squeeze %dma_wait3A_305 : memref<1x128x64xf32, #tpu.memory_space<vmem>> -> memref<128x64xf32, #tpu.memory_space<vmem>>
    %dma_wait3A_307 = arith.constant 0 : i32
    %dma_wait3A_308 = tpu.memref_slice %arg8[%dma_wait3A_301, %dma_wait3A_307] : memref<160x128xi32, #tpu.memory_space<vmem>> -> memref<1x128xi32, #tpu.memory_space<vmem>>
    %dma_wait3A_309 = tpu.memref_squeeze %dma_wait3A_308 : memref<1x128xi32, #tpu.memory_space<vmem>> -> memref<128xi32, #tpu.memory_space<vmem>>
    %dma_wait3A_310 = arith.constant 0 : i32
    %dma_wait3A_311 = arith.constant 0 : i32
    %dma_wait3A_312 = tpu.memref_slice %arg10[%dma_wait3A_310, %dma_wait3A_311] : memref<10240x64xf32, #tpu.memory_space<vmem_shared>> -> memref<10240x64xf32, #tpu.memory_space<vmem_shared>>
    %dma_wait3A_313 = tpu.memref_slice %arg12[%dma_wait3A_302] : memref<4x!tpu.dma_semaphore, #tpu.memory_space<semaphore_mem>> -> memref<1x!tpu.dma_semaphore, #tpu.memory_space<semaphore_mem>>
    %dma_wait3A_314 = tpu.memref_squeeze %dma_wait3A_313 : memref<1x!tpu.dma_semaphore, #tpu.memory_space<semaphore_mem>> -> memref<!tpu.dma_semaphore, #tpu.memory_space<semaphore_mem>>
    tpu.wait_indirect_dma semaphore(%dma_wait3A_314 : memref<!tpu.dma_semaphore, #tpu.memory_space<semaphore_mem>>) src(%dma_wait3A_306 : memref<128x64xf32, #tpu.memory_space<vmem>>) dst(%dma_wait3A_312 : memref<10240x64xf32, #tpu.memory_space<vmem_shared>>)
    %dma_wait3A_315 = arith.constant 1 : i32
    %dma_wait3A_316 = arith.constant 157 : i32
    %dma_wait3A_317 = arith.constant 1 : i32
    %dma_wait3A_318 = arith.constant 0 : i32
    %dma_wait3A_319 = arith.constant 0 : i32
    %dma_wait3A_320 = tpu.memref_slice %arg9[%dma_wait3A_315, %dma_wait3A_318, %dma_wait3A_319] : memref<4x128x64xf32, #tpu.memory_space<vmem>> -> memref<1x128x64xf32, #tpu.memory_space<vmem>>
    %dma_wait3A_321 = tpu.memref_squeeze %dma_wait3A_320 : memref<1x128x64xf32, #tpu.memory_space<vmem>> -> memref<128x64xf32, #tpu.memory_space<vmem>>
    %dma_wait3A_322 = arith.constant 0 : i32
    %dma_wait3A_323 = tpu.memref_slice %arg8[%dma_wait3A_316, %dma_wait3A_322] : memref<160x128xi32, #tpu.memory_space<vmem>> -> memref<1x128xi32, #tpu.memory_space<vmem>>
    %dma_wait3A_324 = tpu.memref_squeeze %dma_wait3A_323 : memref<1x128xi32, #tpu.memory_space<vmem>> -> memref<128xi32, #tpu.memory_space<vmem>>
    %dma_wait3A_325 = arith.constant 0 : i32
    %dma_wait3A_326 = arith.constant 0 : i32
    %dma_wait3A_327 = tpu.memref_slice %arg10[%dma_wait3A_325, %dma_wait3A_326] : memref<10240x64xf32, #tpu.memory_space<vmem_shared>> -> memref<10240x64xf32, #tpu.memory_space<vmem_shared>>
    %dma_wait3A_328 = tpu.memref_slice %arg12[%dma_wait3A_317] : memref<4x!tpu.dma_semaphore, #tpu.memory_space<semaphore_mem>> -> memref<1x!tpu.dma_semaphore, #tpu.memory_space<semaphore_mem>>
    %dma_wait3A_329 = tpu.memref_squeeze %dma_wait3A_328 : memref<1x!tpu.dma_semaphore, #tpu.memory_space<semaphore_mem>> -> memref<!tpu.dma_semaphore, #tpu.memory_space<semaphore_mem>>
    tpu.wait_indirect_dma semaphore(%dma_wait3A_329 : memref<!tpu.dma_semaphore, #tpu.memory_space<semaphore_mem>>) src(%dma_wait3A_321 : memref<128x64xf32, #tpu.memory_space<vmem>>) dst(%dma_wait3A_327 : memref<10240x64xf32, #tpu.memory_space<vmem_shared>>)
    %dma_wait3A_330 = arith.constant 2 : i32
    %dma_wait3A_331 = arith.constant 158 : i32
    %dma_wait3A_332 = arith.constant 2 : i32
    %dma_wait3A_333 = arith.constant 0 : i32
    %dma_wait3A_334 = arith.constant 0 : i32
    %dma_wait3A_335 = tpu.memref_slice %arg9[%dma_wait3A_330, %dma_wait3A_333, %dma_wait3A_334] : memref<4x128x64xf32, #tpu.memory_space<vmem>> -> memref<1x128x64xf32, #tpu.memory_space<vmem>>
    %dma_wait3A_336 = tpu.memref_squeeze %dma_wait3A_335 : memref<1x128x64xf32, #tpu.memory_space<vmem>> -> memref<128x64xf32, #tpu.memory_space<vmem>>
    %dma_wait3A_337 = arith.constant 0 : i32
    %dma_wait3A_338 = tpu.memref_slice %arg8[%dma_wait3A_331, %dma_wait3A_337] : memref<160x128xi32, #tpu.memory_space<vmem>> -> memref<1x128xi32, #tpu.memory_space<vmem>>
    %dma_wait3A_339 = tpu.memref_squeeze %dma_wait3A_338 : memref<1x128xi32, #tpu.memory_space<vmem>> -> memref<128xi32, #tpu.memory_space<vmem>>
    %dma_wait3A_340 = arith.constant 0 : i32
    %dma_wait3A_341 = arith.constant 0 : i32
    %dma_wait3A_342 = tpu.memref_slice %arg10[%dma_wait3A_340, %dma_wait3A_341] : memref<10240x64xf32, #tpu.memory_space<vmem_shared>> -> memref<10240x64xf32, #tpu.memory_space<vmem_shared>>
    %dma_wait3A_343 = tpu.memref_slice %arg12[%dma_wait3A_332] : memref<4x!tpu.dma_semaphore, #tpu.memory_space<semaphore_mem>> -> memref<1x!tpu.dma_semaphore, #tpu.memory_space<semaphore_mem>>
    %dma_wait3A_344 = tpu.memref_squeeze %dma_wait3A_343 : memref<1x!tpu.dma_semaphore, #tpu.memory_space<semaphore_mem>> -> memref<!tpu.dma_semaphore, #tpu.memory_space<semaphore_mem>>
    tpu.wait_indirect_dma semaphore(%dma_wait3A_344 : memref<!tpu.dma_semaphore, #tpu.memory_space<semaphore_mem>>) src(%dma_wait3A_336 : memref<128x64xf32, #tpu.memory_space<vmem>>) dst(%dma_wait3A_342 : memref<10240x64xf32, #tpu.memory_space<vmem_shared>>)
    %dma_wait3A_345 = arith.constant 3 : i32
    %dma_wait3A_346 = arith.constant 159 : i32
    %dma_wait3A_347 = arith.constant 3 : i32
    %dma_wait3A_348 = arith.constant 0 : i32
    %dma_wait3A_349 = arith.constant 0 : i32
    %dma_wait3A_350 = tpu.memref_slice %arg9[%dma_wait3A_345, %dma_wait3A_348, %dma_wait3A_349] : memref<4x128x64xf32, #tpu.memory_space<vmem>> -> memref<1x128x64xf32, #tpu.memory_space<vmem>>
    %dma_wait3A_351 = tpu.memref_squeeze %dma_wait3A_350 : memref<1x128x64xf32, #tpu.memory_space<vmem>> -> memref<128x64xf32, #tpu.memory_space<vmem>>
    %dma_wait3A_352 = arith.constant 0 : i32
    %dma_wait3A_353 = tpu.memref_slice %arg8[%dma_wait3A_346, %dma_wait3A_352] : memref<160x128xi32, #tpu.memory_space<vmem>> -> memref<1x128xi32, #tpu.memory_space<vmem>>
    %dma_wait3A_354 = tpu.memref_squeeze %dma_wait3A_353 : memref<1x128xi32, #tpu.memory_space<vmem>> -> memref<128xi32, #tpu.memory_space<vmem>>
    %dma_wait3A_355 = arith.constant 0 : i32
    %dma_wait3A_356 = arith.constant 0 : i32
    %dma_wait3A_357 = tpu.memref_slice %arg10[%dma_wait3A_355, %dma_wait3A_356] : memref<10240x64xf32, #tpu.memory_space<vmem_shared>> -> memref<10240x64xf32, #tpu.memory_space<vmem_shared>>
    %dma_wait3A_358 = tpu.memref_slice %arg12[%dma_wait3A_347] : memref<4x!tpu.dma_semaphore, #tpu.memory_space<semaphore_mem>> -> memref<1x!tpu.dma_semaphore, #tpu.memory_space<semaphore_mem>>
    %dma_wait3A_359 = tpu.memref_squeeze %dma_wait3A_358 : memref<1x!tpu.dma_semaphore, #tpu.memory_space<semaphore_mem>> -> memref<!tpu.dma_semaphore, #tpu.memory_space<semaphore_mem>>
    tpu.wait_indirect_dma semaphore(%dma_wait3A_359 : memref<!tpu.dma_semaphore, #tpu.memory_space<semaphore_mem>>) src(%dma_wait3A_351 : memref<128x64xf32, #tpu.memory_space<vmem>>) dst(%dma_wait3A_357 : memref<10240x64xf32, #tpu.memory_space<vmem_shared>>)
    %barrier3A_360 = arith.constant 0 : index
    tpu.barrier barrier_id(%barrier3A_360)
    %mul3A_361 = arith.constant 640 : i32
    %mul3A_362 = arith.muli %arg1, %mul3A_361 : i32
    %add3A_363 = arith.constant 0 : i32
    %add3A_364 = arith.addi %mul3A_362, %add3A_363 : i32
    %dma_start3A_365 = arith.constant 0 : i32
    %dma_start3A_366 = arith.constant 0 : i32
    %dma_start3A_367 = arith.constant 0 : i32
    %dma_start3A_368 = arith.constant 0 : i32
    %dma_start3A_369 = tpu.memref_slice %arg9[%dma_start3A_365, %dma_start3A_367, %dma_start3A_368] : memref<4x128x64xf32, #tpu.memory_space<vmem>> -> memref<1x128x64xf32, #tpu.memory_space<vmem>>
    %dma_start3A_370 = tpu.memref_squeeze %dma_start3A_369 : memref<1x128x64xf32, #tpu.memory_space<vmem>> -> memref<128x64xf32, #tpu.memory_space<vmem>>
    %dma_start3A_371 = arith.constant 0 : i32
    %dma_start3A_372 = tpu.memref_slice %arg10[%add3A_364, %dma_start3A_371] : memref<10240x64xf32, #tpu.memory_space<vmem_shared>> -> memref<128x64xf32, #tpu.memory_space<vmem_shared>>
    %dma_start3A_373 = tpu.memref_slice %arg11[%dma_start3A_366] : memref<4x!tpu.dma_semaphore, #tpu.memory_space<semaphore_mem>> -> memref<1x!tpu.dma_semaphore, #tpu.memory_space<semaphore_mem>>
    %dma_start3A_374 = tpu.memref_squeeze %dma_start3A_373 : memref<1x!tpu.dma_semaphore, #tpu.memory_space<semaphore_mem>> -> memref<!tpu.dma_semaphore, #tpu.memory_space<semaphore_mem>>
    %dma_start3A_375 = arith.constant 0 : i32
    %dma_start3A_376 = arith.constant 0 : i32
    %dma_start3A_377 = tpu.memref_slice %arg9[%dma_start3A_365, %dma_start3A_375, %dma_start3A_376] : memref<4x128x64xf32, #tpu.memory_space<vmem>> -> memref<1x128x64xf32, #tpu.memory_space<vmem>>
    %dma_start3A_378 = tpu.memref_squeeze %dma_start3A_377 : memref<1x128x64xf32, #tpu.memory_space<vmem>> -> memref<128x64xf32, #tpu.memory_space<vmem>>
    %dma_start3A_379 = arith.constant 0 : i32
    %dma_start3A_380 = tpu.memref_slice %arg10[%add3A_364, %dma_start3A_379] : memref<10240x64xf32, #tpu.memory_space<vmem_shared>> -> memref<128x64xf32, #tpu.memory_space<vmem_shared>>
    tpu.enqueue_dma source(%dma_start3A_380 : memref<128x64xf32, #tpu.memory_space<vmem_shared>>) target(%dma_start3A_378 : memref<128x64xf32, #tpu.memory_space<vmem>>) target_semaphore(%dma_start3A_374 : memref<!tpu.dma_semaphore, #tpu.memory_space<semaphore_mem>>)
    %mul3A_381 = arith.constant 640 : i32
    %mul3A_382 = arith.muli %arg1, %mul3A_381 : i32
    %add3A_383 = arith.constant 0 : i32
    %add3A_384 = arith.addi %mul3A_382, %add3A_383 : i32
    %dma_wait3A_385 = arith.constant 0 : i32
    %dma_wait3A_386 = arith.constant 0 : i32
    %dma_wait3A_387 = arith.constant 0 : i32
    %dma_wait3A_388 = arith.constant 0 : i32
    %dma_wait3A_389 = tpu.memref_slice %arg9[%dma_wait3A_385, %dma_wait3A_387, %dma_wait3A_388] : memref<4x128x64xf32, #tpu.memory_space<vmem>> -> memref<1x128x64xf32, #tpu.memory_space<vmem>>
    %dma_wait3A_390 = tpu.memref_squeeze %dma_wait3A_389 : memref<1x128x64xf32, #tpu.memory_space<vmem>> -> memref<128x64xf32, #tpu.memory_space<vmem>>
    %dma_wait3A_391 = arith.constant 0 : i32
    %dma_wait3A_392 = tpu.memref_slice %arg10[%add3A_384, %dma_wait3A_391] : memref<10240x64xf32, #tpu.memory_space<vmem_shared>> -> memref<128x64xf32, #tpu.memory_space<vmem_shared>>
    %dma_wait3A_393 = tpu.memref_slice %arg11[%dma_wait3A_386] : memref<4x!tpu.dma_semaphore, #tpu.memory_space<semaphore_mem>> -> memref<1x!tpu.dma_semaphore, #tpu.memory_space<semaphore_mem>>
    %dma_wait3A_394 = tpu.memref_squeeze %dma_wait3A_393 : memref<1x!tpu.dma_semaphore, #tpu.memory_space<semaphore_mem>> -> memref<!tpu.dma_semaphore, #tpu.memory_space<semaphore_mem>>
    %dma_wait3A_395 = arith.constant 0 : i32
    %dma_wait3A_396 = arith.constant 0 : i32
    %dma_wait3A_397 = tpu.memref_slice %arg9[%dma_wait3A_385, %dma_wait3A_395, %dma_wait3A_396] : memref<4x128x64xf32, #tpu.memory_space<vmem>> -> memref<1x128x64xf32, #tpu.memory_space<vmem>>
    %dma_wait3A_398 = tpu.memref_squeeze %dma_wait3A_397 : memref<1x128x64xf32, #tpu.memory_space<vmem>> -> memref<128x64xf32, #tpu.memory_space<vmem>>
    %dma_wait3A_399 = arith.constant 0 : i32
    %dma_wait3A_400 = tpu.memref_slice %arg10[%add3A_384, %dma_wait3A_399] : memref<10240x64xf32, #tpu.memory_space<vmem_shared>> -> memref<128x64xf32, #tpu.memory_space<vmem_shared>>
    tpu.wait_dma2 semaphore(%dma_wait3A_394 : memref<!tpu.dma_semaphore, #tpu.memory_space<semaphore_mem>>) src(%dma_wait3A_400 : memref<128x64xf32, #tpu.memory_space<vmem_shared>>) dst(%dma_wait3A_398 : memref<128x64xf32, #tpu.memory_space<vmem>>)
    %mul3A_401 = arith.constant 640 : i32
    %mul3A_402 = arith.muli %arg1, %mul3A_401 : i32
    %add3A_403 = arith.constant 0 : i32
    %add3A_404 = arith.addi %mul3A_402, %add3A_403 : i32
    %dma_start3A_405 = arith.constant 0 : i32
    %dma_start3A_406 = arith.constant 0 : i32
    %dma_start3A_407 = arith.constant 0 : i32
    %dma_start3A_408 = arith.constant 0 : i32
    %dma_start3A_409 = tpu.memref_slice %arg9[%dma_start3A_405, %dma_start3A_407, %dma_start3A_408] : memref<4x128x64xf32, #tpu.memory_space<vmem>> -> memref<1x128x64xf32, #tpu.memory_space<vmem>>
    %dma_start3A_410 = tpu.memref_squeeze %dma_start3A_409 : memref<1x128x64xf32, #tpu.memory_space<vmem>> -> memref<128x64xf32, #tpu.memory_space<vmem>>
    %dma_start3A_411 = arith.constant 0 : i32
    %dma_start3A_412 = tpu.memref_slice %arg6[%arg0, %add3A_404, %dma_start3A_411] : memref<2x10240x64xf32, #tpu.memory_space<hbm>> -> memref<1x128x64xf32, #tpu.memory_space<hbm>>
    %dma_start3A_413 = tpu.memref_squeeze %dma_start3A_412 : memref<1x128x64xf32, #tpu.memory_space<hbm>> -> memref<128x64xf32, #tpu.memory_space<hbm>>
    %dma_start3A_414 = tpu.memref_slice %arg12[%dma_start3A_406] : memref<4x!tpu.dma_semaphore, #tpu.memory_space<semaphore_mem>> -> memref<1x!tpu.dma_semaphore, #tpu.memory_space<semaphore_mem>>
    %dma_start3A_415 = tpu.memref_squeeze %dma_start3A_414 : memref<1x!tpu.dma_semaphore, #tpu.memory_space<semaphore_mem>> -> memref<!tpu.dma_semaphore, #tpu.memory_space<semaphore_mem>>
    %dma_start3A_416 = arith.constant 0 : i32
    %dma_start3A_417 = tpu.memref_slice %arg6[%arg0, %add3A_404, %dma_start3A_416] : memref<2x10240x64xf32, #tpu.memory_space<hbm>> -> memref<1x128x64xf32, #tpu.memory_space<hbm>>
    %dma_start3A_418 = tpu.memref_squeeze %dma_start3A_417 : memref<1x128x64xf32, #tpu.memory_space<hbm>> -> memref<128x64xf32, #tpu.memory_space<hbm>>
    %dma_start3A_419 = arith.constant 0 : i32
    %dma_start3A_420 = arith.constant 0 : i32
    %dma_start3A_421 = tpu.memref_slice %arg9[%dma_start3A_405, %dma_start3A_419, %dma_start3A_420] : memref<4x128x64xf32, #tpu.memory_space<vmem>> -> memref<1x128x64xf32, #tpu.memory_space<vmem>>
    %dma_start3A_422 = tpu.memref_squeeze %dma_start3A_421 : memref<1x128x64xf32, #tpu.memory_space<vmem>> -> memref<128x64xf32, #tpu.memory_space<vmem>>
    tpu.enqueue_dma source(%dma_start3A_422 : memref<128x64xf32, #tpu.memory_space<vmem>>) target(%dma_start3A_418 : memref<128x64xf32, #tpu.memory_space<hbm>>) target_semaphore(%dma_start3A_415 : memref<!tpu.dma_semaphore, #tpu.memory_space<semaphore_mem>>)
    %mul3A_423 = arith.constant 640 : i32
    %mul3A_424 = arith.muli %arg1, %mul3A_423 : i32
    %add3A_425 = arith.constant 128 : i32
    %add3A_426 = arith.addi %mul3A_424, %add3A_425 : i32
    %dma_start3A_427 = arith.constant 1 : i32
    %dma_start3A_428 = arith.constant 1 : i32
    %dma_start3A_429 = arith.constant 0 : i32
    %dma_start3A_430 = arith.constant 0 : i32
    %dma_start3A_431 = tpu.memref_slice %arg9[%dma_start3A_427, %dma_start3A_429, %dma_start3A_430] : memref<4x128x64xf32, #tpu.memory_space<vmem>> -> memref<1x128x64xf32, #tpu.memory_space<vmem>>
    %dma_start3A_432 = tpu.memref_squeeze %dma_start3A_431 : memref<1x128x64xf32, #tpu.memory_space<vmem>> -> memref<128x64xf32, #tpu.memory_space<vmem>>
    %dma_start3A_433 = arith.constant 0 : i32
    %dma_start3A_434 = tpu.memref_slice %arg10[%add3A_426, %dma_start3A_433] : memref<10240x64xf32, #tpu.memory_space<vmem_shared>> -> memref<128x64xf32, #tpu.memory_space<vmem_shared>>
    %dma_start3A_435 = tpu.memref_slice %arg11[%dma_start3A_428] : memref<4x!tpu.dma_semaphore, #tpu.memory_space<semaphore_mem>> -> memref<1x!tpu.dma_semaphore, #tpu.memory_space<semaphore_mem>>
    %dma_start3A_436 = tpu.memref_squeeze %dma_start3A_435 : memref<1x!tpu.dma_semaphore, #tpu.memory_space<semaphore_mem>> -> memref<!tpu.dma_semaphore, #tpu.memory_space<semaphore_mem>>
    %dma_start3A_437 = arith.constant 0 : i32
    %dma_start3A_438 = arith.constant 0 : i32
    %dma_start3A_439 = tpu.memref_slice %arg9[%dma_start3A_427, %dma_start3A_437, %dma_start3A_438] : memref<4x128x64xf32, #tpu.memory_space<vmem>> -> memref<1x128x64xf32, #tpu.memory_space<vmem>>
    %dma_start3A_440 = tpu.memref_squeeze %dma_start3A_439 : memref<1x128x64xf32, #tpu.memory_space<vmem>> -> memref<128x64xf32, #tpu.memory_space<vmem>>
    %dma_start3A_441 = arith.constant 0 : i32
    %dma_start3A_442 = tpu.memref_slice %arg10[%add3A_426, %dma_start3A_441] : memref<10240x64xf32, #tpu.memory_space<vmem_shared>> -> memref<128x64xf32, #tpu.memory_space<vmem_shared>>
    tpu.enqueue_dma source(%dma_start3A_442 : memref<128x64xf32, #tpu.memory_space<vmem_shared>>) target(%dma_start3A_440 : memref<128x64xf32, #tpu.memory_space<vmem>>) target_semaphore(%dma_start3A_436 : memref<!tpu.dma_semaphore, #tpu.memory_space<semaphore_mem>>)
    %mul3A_443 = arith.constant 640 : i32
    %mul3A_444 = arith.muli %arg1, %mul3A_443 : i32
    %add3A_445 = arith.constant 128 : i32
    %add3A_446 = arith.addi %mul3A_444, %add3A_445 : i32
    %dma_wait3A_447 = arith.constant 1 : i32
    %dma_wait3A_448 = arith.constant 1 : i32
    %dma_wait3A_449 = arith.constant 0 : i32
    %dma_wait3A_450 = arith.constant 0 : i32
    %dma_wait3A_451 = tpu.memref_slice %arg9[%dma_wait3A_447, %dma_wait3A_449, %dma_wait3A_450] : memref<4x128x64xf32, #tpu.memory_space<vmem>> -> memref<1x128x64xf32, #tpu.memory_space<vmem>>
    %dma_wait3A_452 = tpu.memref_squeeze %dma_wait3A_451 : memref<1x128x64xf32, #tpu.memory_space<vmem>> -> memref<128x64xf32, #tpu.memory_space<vmem>>
    %dma_wait3A_453 = arith.constant 0 : i32
    %dma_wait3A_454 = tpu.memref_slice %arg10[%add3A_446, %dma_wait3A_453] : memref<10240x64xf32, #tpu.memory_space<vmem_shared>> -> memref<128x64xf32, #tpu.memory_space<vmem_shared>>
    %dma_wait3A_455 = tpu.memref_slice %arg11[%dma_wait3A_448] : memref<4x!tpu.dma_semaphore, #tpu.memory_space<semaphore_mem>> -> memref<1x!tpu.dma_semaphore, #tpu.memory_space<semaphore_mem>>
    %dma_wait3A_456 = tpu.memref_squeeze %dma_wait3A_455 : memref<1x!tpu.dma_semaphore, #tpu.memory_space<semaphore_mem>> -> memref<!tpu.dma_semaphore, #tpu.memory_space<semaphore_mem>>
    %dma_wait3A_457 = arith.constant 0 : i32
    %dma_wait3A_458 = arith.constant 0 : i32
    %dma_wait3A_459 = tpu.memref_slice %arg9[%dma_wait3A_447, %dma_wait3A_457, %dma_wait3A_458] : memref<4x128x64xf32, #tpu.memory_space<vmem>> -> memref<1x128x64xf32, #tpu.memory_space<vmem>>
    %dma_wait3A_460 = tpu.memref_squeeze %dma_wait3A_459 : memref<1x128x64xf32, #tpu.memory_space<vmem>> -> memref<128x64xf32, #tpu.memory_space<vmem>>
    %dma_wait3A_461 = arith.constant 0 : i32
    %dma_wait3A_462 = tpu.memref_slice %arg10[%add3A_446, %dma_wait3A_461] : memref<10240x64xf32, #tpu.memory_space<vmem_shared>> -> memref<128x64xf32, #tpu.memory_space<vmem_shared>>
    tpu.wait_dma2 semaphore(%dma_wait3A_456 : memref<!tpu.dma_semaphore, #tpu.memory_space<semaphore_mem>>) src(%dma_wait3A_462 : memref<128x64xf32, #tpu.memory_space<vmem_shared>>) dst(%dma_wait3A_460 : memref<128x64xf32, #tpu.memory_space<vmem>>)
    %mul3A_463 = arith.constant 640 : i32
    %mul3A_464 = arith.muli %arg1, %mul3A_463 : i32
    %add3A_465 = arith.constant 128 : i32
    %add3A_466 = arith.addi %mul3A_464, %add3A_465 : i32
    %dma_start3A_467 = arith.constant 1 : i32
    %dma_start3A_468 = arith.constant 1 : i32
    %dma_start3A_469 = arith.constant 0 : i32
    %dma_start3A_470 = arith.constant 0 : i32
    %dma_start3A_471 = tpu.memref_slice %arg9[%dma_start3A_467, %dma_start3A_469, %dma_start3A_470] : memref<4x128x64xf32, #tpu.memory_space<vmem>> -> memref<1x128x64xf32, #tpu.memory_space<vmem>>
    %dma_start3A_472 = tpu.memref_squeeze %dma_start3A_471 : memref<1x128x64xf32, #tpu.memory_space<vmem>> -> memref<128x64xf32, #tpu.memory_space<vmem>>
    %dma_start3A_473 = arith.constant 0 : i32
    %dma_start3A_474 = tpu.memref_slice %arg6[%arg0, %add3A_466, %dma_start3A_473] : memref<2x10240x64xf32, #tpu.memory_space<hbm>> -> memref<1x128x64xf32, #tpu.memory_space<hbm>>
    %dma_start3A_475 = tpu.memref_squeeze %dma_start3A_474 : memref<1x128x64xf32, #tpu.memory_space<hbm>> -> memref<128x64xf32, #tpu.memory_space<hbm>>
    %dma_start3A_476 = tpu.memref_slice %arg12[%dma_start3A_468] : memref<4x!tpu.dma_semaphore, #tpu.memory_space<semaphore_mem>> -> memref<1x!tpu.dma_semaphore, #tpu.memory_space<semaphore_mem>>
    %dma_start3A_477 = tpu.memref_squeeze %dma_start3A_476 : memref<1x!tpu.dma_semaphore, #tpu.memory_space<semaphore_mem>> -> memref<!tpu.dma_semaphore, #tpu.memory_space<semaphore_mem>>
    %dma_start3A_478 = arith.constant 0 : i32
    %dma_start3A_479 = tpu.memref_slice %arg6[%arg0, %add3A_466, %dma_start3A_478] : memref<2x10240x64xf32, #tpu.memory_space<hbm>> -> memref<1x128x64xf32, #tpu.memory_space<hbm>>
    %dma_start3A_480 = tpu.memref_squeeze %dma_start3A_479 : memref<1x128x64xf32, #tpu.memory_space<hbm>> -> memref<128x64xf32, #tpu.memory_space<hbm>>
    %dma_start3A_481 = arith.constant 0 : i32
    %dma_start3A_482 = arith.constant 0 : i32
    %dma_start3A_483 = tpu.memref_slice %arg9[%dma_start3A_467, %dma_start3A_481, %dma_start3A_482] : memref<4x128x64xf32, #tpu.memory_space<vmem>> -> memref<1x128x64xf32, #tpu.memory_space<vmem>>
    %dma_start3A_484 = tpu.memref_squeeze %dma_start3A_483 : memref<1x128x64xf32, #tpu.memory_space<vmem>> -> memref<128x64xf32, #tpu.memory_space<vmem>>
    tpu.enqueue_dma source(%dma_start3A_484 : memref<128x64xf32, #tpu.memory_space<vmem>>) target(%dma_start3A_480 : memref<128x64xf32, #tpu.memory_space<hbm>>) target_semaphore(%dma_start3A_477 : memref<!tpu.dma_semaphore, #tpu.memory_space<semaphore_mem>>)
    %mul3A_485 = arith.constant 640 : i32
    %mul3A_486 = arith.muli %arg1, %mul3A_485 : i32
    %add3A_487 = arith.constant 0 : i32
    %add3A_488 = arith.addi %mul3A_486, %add3A_487 : i32
    %dma_wait3A_489 = arith.constant 0 : i32
    %dma_wait3A_490 = arith.constant 0 : i32
    %dma_wait3A_491 = arith.constant 0 : i32
    %dma_wait3A_492 = arith.constant 0 : i32
    %dma_wait3A_493 = tpu.memref_slice %arg9[%dma_wait3A_489, %dma_wait3A_491, %dma_wait3A_492] : memref<4x128x64xf32, #tpu.memory_space<vmem>> -> memref<1x128x64xf32, #tpu.memory_space<vmem>>
    %dma_wait3A_494 = tpu.memref_squeeze %dma_wait3A_493 : memref<1x128x64xf32, #tpu.memory_space<vmem>> -> memref<128x64xf32, #tpu.memory_space<vmem>>
    %dma_wait3A_495 = arith.constant 0 : i32
    %dma_wait3A_496 = tpu.memref_slice %arg6[%arg0, %add3A_488, %dma_wait3A_495] : memref<2x10240x64xf32, #tpu.memory_space<hbm>> -> memref<1x128x64xf32, #tpu.memory_space<hbm>>
    %dma_wait3A_497 = tpu.memref_squeeze %dma_wait3A_496 : memref<1x128x64xf32, #tpu.memory_space<hbm>> -> memref<128x64xf32, #tpu.memory_space<hbm>>
    %dma_wait3A_498 = tpu.memref_slice %arg12[%dma_wait3A_490] : memref<4x!tpu.dma_semaphore, #tpu.memory_space<semaphore_mem>> -> memref<1x!tpu.dma_semaphore, #tpu.memory_space<semaphore_mem>>
    %dma_wait3A_499 = tpu.memref_squeeze %dma_wait3A_498 : memref<1x!tpu.dma_semaphore, #tpu.memory_space<semaphore_mem>> -> memref<!tpu.dma_semaphore, #tpu.memory_space<semaphore_mem>>
    %dma_wait3A_500 = arith.constant 0 : i32
    %dma_wait3A_501 = tpu.memref_slice %arg6[%arg0, %add3A_488, %dma_wait3A_500] : memref<2x10240x64xf32, #tpu.memory_space<hbm>> -> memref<1x128x64xf32, #tpu.memory_space<hbm>>
    %dma_wait3A_502 = tpu.memref_squeeze %dma_wait3A_501 : memref<1x128x64xf32, #tpu.memory_space<hbm>> -> memref<128x64xf32, #tpu.memory_space<hbm>>
    %dma_wait3A_503 = arith.constant 0 : i32
    %dma_wait3A_504 = arith.constant 0 : i32
    %dma_wait3A_505 = tpu.memref_slice %arg9[%dma_wait3A_489, %dma_wait3A_503, %dma_wait3A_504] : memref<4x128x64xf32, #tpu.memory_space<vmem>> -> memref<1x128x64xf32, #tpu.memory_space<vmem>>
    %dma_wait3A_506 = tpu.memref_squeeze %dma_wait3A_505 : memref<1x128x64xf32, #tpu.memory_space<vmem>> -> memref<128x64xf32, #tpu.memory_space<vmem>>
    tpu.wait_dma2 semaphore(%dma_wait3A_499 : memref<!tpu.dma_semaphore, #tpu.memory_space<semaphore_mem>>) src(%dma_wait3A_506 : memref<128x64xf32, #tpu.memory_space<vmem>>) dst(%dma_wait3A_502 : memref<128x64xf32, #tpu.memory_space<hbm>>)
    %mul3A_507 = arith.constant 640 : i32
    %mul3A_508 = arith.muli %arg1, %mul3A_507 : i32
    %add3A_509 = arith.constant 256 : i32
    %add3A_510 = arith.addi %mul3A_508, %add3A_509 : i32
    %dma_start3A_511 = arith.constant 0 : i32
    %dma_start3A_512 = arith.constant 0 : i32
    %dma_start3A_513 = arith.constant 0 : i32
    %dma_start3A_514 = arith.constant 0 : i32
    %dma_start3A_515 = tpu.memref_slice %arg9[%dma_start3A_511, %dma_start3A_513, %dma_start3A_514] : memref<4x128x64xf32, #tpu.memory_space<vmem>> -> memref<1x128x64xf32, #tpu.memory_space<vmem>>
    %dma_start3A_516 = tpu.memref_squeeze %dma_start3A_515 : memref<1x128x64xf32, #tpu.memory_space<vmem>> -> memref<128x64xf32, #tpu.memory_space<vmem>>
    %dma_start3A_517 = arith.constant 0 : i32
    %dma_start3A_518 = tpu.memref_slice %arg10[%add3A_510, %dma_start3A_517] : memref<10240x64xf32, #tpu.memory_space<vmem_shared>> -> memref<128x64xf32, #tpu.memory_space<vmem_shared>>
    %dma_start3A_519 = tpu.memref_slice %arg11[%dma_start3A_512] : memref<4x!tpu.dma_semaphore, #tpu.memory_space<semaphore_mem>> -> memref<1x!tpu.dma_semaphore, #tpu.memory_space<semaphore_mem>>
    %dma_start3A_520 = tpu.memref_squeeze %dma_start3A_519 : memref<1x!tpu.dma_semaphore, #tpu.memory_space<semaphore_mem>> -> memref<!tpu.dma_semaphore, #tpu.memory_space<semaphore_mem>>
    %dma_start3A_521 = arith.constant 0 : i32
    %dma_start3A_522 = arith.constant 0 : i32
    %dma_start3A_523 = tpu.memref_slice %arg9[%dma_start3A_511, %dma_start3A_521, %dma_start3A_522] : memref<4x128x64xf32, #tpu.memory_space<vmem>> -> memref<1x128x64xf32, #tpu.memory_space<vmem>>
    %dma_start3A_524 = tpu.memref_squeeze %dma_start3A_523 : memref<1x128x64xf32, #tpu.memory_space<vmem>> -> memref<128x64xf32, #tpu.memory_space<vmem>>
    %dma_start3A_525 = arith.constant 0 : i32
    %dma_start3A_526 = tpu.memref_slice %arg10[%add3A_510, %dma_start3A_525] : memref<10240x64xf32, #tpu.memory_space<vmem_shared>> -> memref<128x64xf32, #tpu.memory_space<vmem_shared>>
    tpu.enqueue_dma source(%dma_start3A_526 : memref<128x64xf32, #tpu.memory_space<vmem_shared>>) target(%dma_start3A_524 : memref<128x64xf32, #tpu.memory_space<vmem>>) target_semaphore(%dma_start3A_520 : memref<!tpu.dma_semaphore, #tpu.memory_space<semaphore_mem>>)
    %mul3A_527 = arith.constant 640 : i32
    %mul3A_528 = arith.muli %arg1, %mul3A_527 : i32
    %add3A_529 = arith.constant 256 : i32
    %add3A_530 = arith.addi %mul3A_528, %add3A_529 : i32
    %dma_wait3A_531 = arith.constant 0 : i32
    %dma_wait3A_532 = arith.constant 0 : i32
    %dma_wait3A_533 = arith.constant 0 : i32
    %dma_wait3A_534 = arith.constant 0 : i32
    %dma_wait3A_535 = tpu.memref_slice %arg9[%dma_wait3A_531, %dma_wait3A_533, %dma_wait3A_534] : memref<4x128x64xf32, #tpu.memory_space<vmem>> -> memref<1x128x64xf32, #tpu.memory_space<vmem>>
    %dma_wait3A_536 = tpu.memref_squeeze %dma_wait3A_535 : memref<1x128x64xf32, #tpu.memory_space<vmem>> -> memref<128x64xf32, #tpu.memory_space<vmem>>
    %dma_wait3A_537 = arith.constant 0 : i32
    %dma_wait3A_538 = tpu.memref_slice %arg10[%add3A_530, %dma_wait3A_537] : memref<10240x64xf32, #tpu.memory_space<vmem_shared>> -> memref<128x64xf32, #tpu.memory_space<vmem_shared>>
    %dma_wait3A_539 = tpu.memref_slice %arg11[%dma_wait3A_532] : memref<4x!tpu.dma_semaphore, #tpu.memory_space<semaphore_mem>> -> memref<1x!tpu.dma_semaphore, #tpu.memory_space<semaphore_mem>>
    %dma_wait3A_540 = tpu.memref_squeeze %dma_wait3A_539 : memref<1x!tpu.dma_semaphore, #tpu.memory_space<semaphore_mem>> -> memref<!tpu.dma_semaphore, #tpu.memory_space<semaphore_mem>>
    %dma_wait3A_541 = arith.constant 0 : i32
    %dma_wait3A_542 = arith.constant 0 : i32
    %dma_wait3A_543 = tpu.memref_slice %arg9[%dma_wait3A_531, %dma_wait3A_541, %dma_wait3A_542] : memref<4x128x64xf32, #tpu.memory_space<vmem>> -> memref<1x128x64xf32, #tpu.memory_space<vmem>>
    %dma_wait3A_544 = tpu.memref_squeeze %dma_wait3A_543 : memref<1x128x64xf32, #tpu.memory_space<vmem>> -> memref<128x64xf32, #tpu.memory_space<vmem>>
    %dma_wait3A_545 = arith.constant 0 : i32
    %dma_wait3A_546 = tpu.memref_slice %arg10[%add3A_530, %dma_wait3A_545] : memref<10240x64xf32, #tpu.memory_space<vmem_shared>> -> memref<128x64xf32, #tpu.memory_space<vmem_shared>>
    tpu.wait_dma2 semaphore(%dma_wait3A_540 : memref<!tpu.dma_semaphore, #tpu.memory_space<semaphore_mem>>) src(%dma_wait3A_546 : memref<128x64xf32, #tpu.memory_space<vmem_shared>>) dst(%dma_wait3A_544 : memref<128x64xf32, #tpu.memory_space<vmem>>)
    %mul3A_547 = arith.constant 640 : i32
    %mul3A_548 = arith.muli %arg1, %mul3A_547 : i32
    %add3A_549 = arith.constant 256 : i32
    %add3A_550 = arith.addi %mul3A_548, %add3A_549 : i32
    %dma_start3A_551 = arith.constant 0 : i32
    %dma_start3A_552 = arith.constant 0 : i32
    %dma_start3A_553 = arith.constant 0 : i32
    %dma_start3A_554 = arith.constant 0 : i32
    %dma_start3A_555 = tpu.memref_slice %arg9[%dma_start3A_551, %dma_start3A_553, %dma_start3A_554] : memref<4x128x64xf32, #tpu.memory_space<vmem>> -> memref<1x128x64xf32, #tpu.memory_space<vmem>>
    %dma_start3A_556 = tpu.memref_squeeze %dma_start3A_555 : memref<1x128x64xf32, #tpu.memory_space<vmem>> -> memref<128x64xf32, #tpu.memory_space<vmem>>
    %dma_start3A_557 = arith.constant 0 : i32
    %dma_start3A_558 = tpu.memref_slice %arg6[%arg0, %add3A_550, %dma_start3A_557] : memref<2x10240x64xf32, #tpu.memory_space<hbm>> -> memref<1x128x64xf32, #tpu.memory_space<hbm>>
    %dma_start3A_559 = tpu.memref_squeeze %dma_start3A_558 : memref<1x128x64xf32, #tpu.memory_space<hbm>> -> memref<128x64xf32, #tpu.memory_space<hbm>>
    %dma_start3A_560 = tpu.memref_slice %arg12[%dma_start3A_552] : memref<4x!tpu.dma_semaphore, #tpu.memory_space<semaphore_mem>> -> memref<1x!tpu.dma_semaphore, #tpu.memory_space<semaphore_mem>>
    %dma_start3A_561 = tpu.memref_squeeze %dma_start3A_560 : memref<1x!tpu.dma_semaphore, #tpu.memory_space<semaphore_mem>> -> memref<!tpu.dma_semaphore, #tpu.memory_space<semaphore_mem>>
    %dma_start3A_562 = arith.constant 0 : i32
    %dma_start3A_563 = tpu.memref_slice %arg6[%arg0, %add3A_550, %dma_start3A_562] : memref<2x10240x64xf32, #tpu.memory_space<hbm>> -> memref<1x128x64xf32, #tpu.memory_space<hbm>>
    %dma_start3A_564 = tpu.memref_squeeze %dma_start3A_563 : memref<1x128x64xf32, #tpu.memory_space<hbm>> -> memref<128x64xf32, #tpu.memory_space<hbm>>
    %dma_start3A_565 = arith.constant 0 : i32
    %dma_start3A_566 = arith.constant 0 : i32
    %dma_start3A_567 = tpu.memref_slice %arg9[%dma_start3A_551, %dma_start3A_565, %dma_start3A_566] : memref<4x128x64xf32, #tpu.memory_space<vmem>> -> memref<1x128x64xf32, #tpu.memory_space<vmem>>
    %dma_start3A_568 = tpu.memref_squeeze %dma_start3A_567 : memref<1x128x64xf32, #tpu.memory_space<vmem>> -> memref<128x64xf32, #tpu.memory_space<vmem>>
    tpu.enqueue_dma source(%dma_start3A_568 : memref<128x64xf32, #tpu.memory_space<vmem>>) target(%dma_start3A_564 : memref<128x64xf32, #tpu.memory_space<hbm>>) target_semaphore(%dma_start3A_561 : memref<!tpu.dma_semaphore, #tpu.memory_space<semaphore_mem>>)
    %mul3A_569 = arith.constant 640 : i32
    %mul3A_570 = arith.muli %arg1, %mul3A_569 : i32
    %add3A_571 = arith.constant 128 : i32
    %add3A_572 = arith.addi %mul3A_570, %add3A_571 : i32
    %dma_wait3A_573 = arith.constant 1 : i32
    %dma_wait3A_574 = arith.constant 1 : i32
    %dma_wait3A_575 = arith.constant 0 : i32
    %dma_wait3A_576 = arith.constant 0 : i32
    %dma_wait3A_577 = tpu.memref_slice %arg9[%dma_wait3A_573, %dma_wait3A_575, %dma_wait3A_576] : memref<4x128x64xf32, #tpu.memory_space<vmem>> -> memref<1x128x64xf32, #tpu.memory_space<vmem>>
    %dma_wait3A_578 = tpu.memref_squeeze %dma_wait3A_577 : memref<1x128x64xf32, #tpu.memory_space<vmem>> -> memref<128x64xf32, #tpu.memory_space<vmem>>
    %dma_wait3A_579 = arith.constant 0 : i32
    %dma_wait3A_580 = tpu.memref_slice %arg6[%arg0, %add3A_572, %dma_wait3A_579] : memref<2x10240x64xf32, #tpu.memory_space<hbm>> -> memref<1x128x64xf32, #tpu.memory_space<hbm>>
    %dma_wait3A_581 = tpu.memref_squeeze %dma_wait3A_580 : memref<1x128x64xf32, #tpu.memory_space<hbm>> -> memref<128x64xf32, #tpu.memory_space<hbm>>
    %dma_wait3A_582 = tpu.memref_slice %arg12[%dma_wait3A_574] : memref<4x!tpu.dma_semaphore, #tpu.memory_space<semaphore_mem>> -> memref<1x!tpu.dma_semaphore, #tpu.memory_space<semaphore_mem>>
    %dma_wait3A_583 = tpu.memref_squeeze %dma_wait3A_582 : memref<1x!tpu.dma_semaphore, #tpu.memory_space<semaphore_mem>> -> memref<!tpu.dma_semaphore, #tpu.memory_space<semaphore_mem>>
    %dma_wait3A_584 = arith.constant 0 : i32
    %dma_wait3A_585 = tpu.memref_slice %arg6[%arg0, %add3A_572, %dma_wait3A_584] : memref<2x10240x64xf32, #tpu.memory_space<hbm>> -> memref<1x128x64xf32, #tpu.memory_space<hbm>>
    %dma_wait3A_586 = tpu.memref_squeeze %dma_wait3A_585 : memref<1x128x64xf32, #tpu.memory_space<hbm>> -> memref<128x64xf32, #tpu.memory_space<hbm>>
    %dma_wait3A_587 = arith.constant 0 : i32
    %dma_wait3A_588 = arith.constant 0 : i32
    %dma_wait3A_589 = tpu.memref_slice %arg9[%dma_wait3A_573, %dma_wait3A_587, %dma_wait3A_588] : memref<4x128x64xf32, #tpu.memory_space<vmem>> -> memref<1x128x64xf32, #tpu.memory_space<vmem>>
    %dma_wait3A_590 = tpu.memref_squeeze %dma_wait3A_589 : memref<1x128x64xf32, #tpu.memory_space<vmem>> -> memref<128x64xf32, #tpu.memory_space<vmem>>
    tpu.wait_dma2 semaphore(%dma_wait3A_583 : memref<!tpu.dma_semaphore, #tpu.memory_space<semaphore_mem>>) src(%dma_wait3A_590 : memref<128x64xf32, #tpu.memory_space<vmem>>) dst(%dma_wait3A_586 : memref<128x64xf32, #tpu.memory_space<hbm>>)
    %mul3A_591 = arith.constant 640 : i32
    %mul3A_592 = arith.muli %arg1, %mul3A_591 : i32
    %add3A_593 = arith.constant 384 : i32
    %add3A_594 = arith.addi %mul3A_592, %add3A_593 : i32
    %dma_start3A_595 = arith.constant 1 : i32
    %dma_start3A_596 = arith.constant 1 : i32
    %dma_start3A_597 = arith.constant 0 : i32
    %dma_start3A_598 = arith.constant 0 : i32
    %dma_start3A_599 = tpu.memref_slice %arg9[%dma_start3A_595, %dma_start3A_597, %dma_start3A_598] : memref<4x128x64xf32, #tpu.memory_space<vmem>> -> memref<1x128x64xf32, #tpu.memory_space<vmem>>
    %dma_start3A_600 = tpu.memref_squeeze %dma_start3A_599 : memref<1x128x64xf32, #tpu.memory_space<vmem>> -> memref<128x64xf32, #tpu.memory_space<vmem>>
    %dma_start3A_601 = arith.constant 0 : i32
    %dma_start3A_602 = tpu.memref_slice %arg10[%add3A_594, %dma_start3A_601] : memref<10240x64xf32, #tpu.memory_space<vmem_shared>> -> memref<128x64xf32, #tpu.memory_space<vmem_shared>>
    %dma_start3A_603 = tpu.memref_slice %arg11[%dma_start3A_596] : memref<4x!tpu.dma_semaphore, #tpu.memory_space<semaphore_mem>> -> memref<1x!tpu.dma_semaphore, #tpu.memory_space<semaphore_mem>>
    %dma_start3A_604 = tpu.memref_squeeze %dma_start3A_603 : memref<1x!tpu.dma_semaphore, #tpu.memory_space<semaphore_mem>> -> memref<!tpu.dma_semaphore, #tpu.memory_space<semaphore_mem>>
    %dma_start3A_605 = arith.constant 0 : i32
    %dma_start3A_606 = arith.constant 0 : i32
    %dma_start3A_607 = tpu.memref_slice %arg9[%dma_start3A_595, %dma_start3A_605, %dma_start3A_606] : memref<4x128x64xf32, #tpu.memory_space<vmem>> -> memref<1x128x64xf32, #tpu.memory_space<vmem>>
    %dma_start3A_608 = tpu.memref_squeeze %dma_start3A_607 : memref<1x128x64xf32, #tpu.memory_space<vmem>> -> memref<128x64xf32, #tpu.memory_space<vmem>>
    %dma_start3A_609 = arith.constant 0 : i32
    %dma_start3A_610 = tpu.memref_slice %arg10[%add3A_594, %dma_start3A_609] : memref<10240x64xf32, #tpu.memory_space<vmem_shared>> -> memref<128x64xf32, #tpu.memory_space<vmem_shared>>
    tpu.enqueue_dma source(%dma_start3A_610 : memref<128x64xf32, #tpu.memory_space<vmem_shared>>) target(%dma_start3A_608 : memref<128x64xf32, #tpu.memory_space<vmem>>) target_semaphore(%dma_start3A_604 : memref<!tpu.dma_semaphore, #tpu.memory_space<semaphore_mem>>)
    %mul3A_611 = arith.constant 640 : i32
    %mul3A_612 = arith.muli %arg1, %mul3A_611 : i32
    %add3A_613 = arith.constant 384 : i32
    %add3A_614 = arith.addi %mul3A_612, %add3A_613 : i32
    %dma_wait3A_615 = arith.constant 1 : i32
    %dma_wait3A_616 = arith.constant 1 : i32
    %dma_wait3A_617 = arith.constant 0 : i32
    %dma_wait3A_618 = arith.constant 0 : i32
    %dma_wait3A_619 = tpu.memref_slice %arg9[%dma_wait3A_615, %dma_wait3A_617, %dma_wait3A_618] : memref<4x128x64xf32, #tpu.memory_space<vmem>> -> memref<1x128x64xf32, #tpu.memory_space<vmem>>
    %dma_wait3A_620 = tpu.memref_squeeze %dma_wait3A_619 : memref<1x128x64xf32, #tpu.memory_space<vmem>> -> memref<128x64xf32, #tpu.memory_space<vmem>>
    %dma_wait3A_621 = arith.constant 0 : i32
    %dma_wait3A_622 = tpu.memref_slice %arg10[%add3A_614, %dma_wait3A_621] : memref<10240x64xf32, #tpu.memory_space<vmem_shared>> -> memref<128x64xf32, #tpu.memory_space<vmem_shared>>
    %dma_wait3A_623 = tpu.memref_slice %arg11[%dma_wait3A_616] : memref<4x!tpu.dma_semaphore, #tpu.memory_space<semaphore_mem>> -> memref<1x!tpu.dma_semaphore, #tpu.memory_space<semaphore_mem>>
    %dma_wait3A_624 = tpu.memref_squeeze %dma_wait3A_623 : memref<1x!tpu.dma_semaphore, #tpu.memory_space<semaphore_mem>> -> memref<!tpu.dma_semaphore, #tpu.memory_space<semaphore_mem>>
    %dma_wait3A_625 = arith.constant 0 : i32
    %dma_wait3A_626 = arith.constant 0 : i32
    %dma_wait3A_627 = tpu.memref_slice %arg9[%dma_wait3A_615, %dma_wait3A_625, %dma_wait3A_626] : memref<4x128x64xf32, #tpu.memory_space<vmem>> -> memref<1x128x64xf32, #tpu.memory_space<vmem>>
    %dma_wait3A_628 = tpu.memref_squeeze %dma_wait3A_627 : memref<1x128x64xf32, #tpu.memory_space<vmem>> -> memref<128x64xf32, #tpu.memory_space<vmem>>
    %dma_wait3A_629 = arith.constant 0 : i32
    %dma_wait3A_630 = tpu.memref_slice %arg10[%add3A_614, %dma_wait3A_629] : memref<10240x64xf32, #tpu.memory_space<vmem_shared>> -> memref<128x64xf32, #tpu.memory_space<vmem_shared>>
    tpu.wait_dma2 semaphore(%dma_wait3A_624 : memref<!tpu.dma_semaphore, #tpu.memory_space<semaphore_mem>>) src(%dma_wait3A_630 : memref<128x64xf32, #tpu.memory_space<vmem_shared>>) dst(%dma_wait3A_628 : memref<128x64xf32, #tpu.memory_space<vmem>>)
    %mul3A_631 = arith.constant 640 : i32
    %mul3A_632 = arith.muli %arg1, %mul3A_631 : i32
    %add3A_633 = arith.constant 384 : i32
    %add3A_634 = arith.addi %mul3A_632, %add3A_633 : i32
    %dma_start3A_635 = arith.constant 1 : i32
    %dma_start3A_636 = arith.constant 1 : i32
    %dma_start3A_637 = arith.constant 0 : i32
    %dma_start3A_638 = arith.constant 0 : i32
    %dma_start3A_639 = tpu.memref_slice %arg9[%dma_start3A_635, %dma_start3A_637, %dma_start3A_638] : memref<4x128x64xf32, #tpu.memory_space<vmem>> -> memref<1x128x64xf32, #tpu.memory_space<vmem>>
    %dma_start3A_640 = tpu.memref_squeeze %dma_start3A_639 : memref<1x128x64xf32, #tpu.memory_space<vmem>> -> memref<128x64xf32, #tpu.memory_space<vmem>>
    %dma_start3A_641 = arith.constant 0 : i32
    %dma_start3A_642 = tpu.memref_slice %arg6[%arg0, %add3A_634, %dma_start3A_641] : memref<2x10240x64xf32, #tpu.memory_space<hbm>> -> memref<1x128x64xf32, #tpu.memory_space<hbm>>
    %dma_start3A_643 = tpu.memref_squeeze %dma_start3A_642 : memref<1x128x64xf32, #tpu.memory_space<hbm>> -> memref<128x64xf32, #tpu.memory_space<hbm>>
    %dma_start3A_644 = tpu.memref_slice %arg12[%dma_start3A_636] : memref<4x!tpu.dma_semaphore, #tpu.memory_space<semaphore_mem>> -> memref<1x!tpu.dma_semaphore, #tpu.memory_space<semaphore_mem>>
    %dma_start3A_645 = tpu.memref_squeeze %dma_start3A_644 : memref<1x!tpu.dma_semaphore, #tpu.memory_space<semaphore_mem>> -> memref<!tpu.dma_semaphore, #tpu.memory_space<semaphore_mem>>
    %dma_start3A_646 = arith.constant 0 : i32
    %dma_start3A_647 = tpu.memref_slice %arg6[%arg0, %add3A_634, %dma_start3A_646] : memref<2x10240x64xf32, #tpu.memory_space<hbm>> -> memref<1x128x64xf32, #tpu.memory_space<hbm>>
    %dma_start3A_648 = tpu.memref_squeeze %dma_start3A_647 : memref<1x128x64xf32, #tpu.memory_space<hbm>> -> memref<128x64xf32, #tpu.memory_space<hbm>>
    %dma_start3A_649 = arith.constant 0 : i32
    %dma_start3A_650 = arith.constant 0 : i32
    %dma_start3A_651 = tpu.memref_slice %arg9[%dma_start3A_635, %dma_start3A_649, %dma_start3A_650] : memref<4x128x64xf32, #tpu.memory_space<vmem>> -> memref<1x128x64xf32, #tpu.memory_space<vmem>>
    %dma_start3A_652 = tpu.memref_squeeze %dma_start3A_651 : memref<1x128x64xf32, #tpu.memory_space<vmem>> -> memref<128x64xf32, #tpu.memory_space<vmem>>
    tpu.enqueue_dma source(%dma_start3A_652 : memref<128x64xf32, #tpu.memory_space<vmem>>) target(%dma_start3A_648 : memref<128x64xf32, #tpu.memory_space<hbm>>) target_semaphore(%dma_start3A_645 : memref<!tpu.dma_semaphore, #tpu.memory_space<semaphore_mem>>)
    %mul3A_653 = arith.constant 640 : i32
    %mul3A_654 = arith.muli %arg1, %mul3A_653 : i32
    %add3A_655 = arith.constant 256 : i32
    %add3A_656 = arith.addi %mul3A_654, %add3A_655 : i32
    %dma_wait3A_657 = arith.constant 0 : i32
    %dma_wait3A_658 = arith.constant 0 : i32
    %dma_wait3A_659 = arith.constant 0 : i32
    %dma_wait3A_660 = arith.constant 0 : i32
    %dma_wait3A_661 = tpu.memref_slice %arg9[%dma_wait3A_657, %dma_wait3A_659, %dma_wait3A_660] : memref<4x128x64xf32, #tpu.memory_space<vmem>> -> memref<1x128x64xf32, #tpu.memory_space<vmem>>
    %dma_wait3A_662 = tpu.memref_squeeze %dma_wait3A_661 : memref<1x128x64xf32, #tpu.memory_space<vmem>> -> memref<128x64xf32, #tpu.memory_space<vmem>>
    %dma_wait3A_663 = arith.constant 0 : i32
    %dma_wait3A_664 = tpu.memref_slice %arg6[%arg0, %add3A_656, %dma_wait3A_663] : memref<2x10240x64xf32, #tpu.memory_space<hbm>> -> memref<1x128x64xf32, #tpu.memory_space<hbm>>
    %dma_wait3A_665 = tpu.memref_squeeze %dma_wait3A_664 : memref<1x128x64xf32, #tpu.memory_space<hbm>> -> memref<128x64xf32, #tpu.memory_space<hbm>>
    %dma_wait3A_666 = tpu.memref_slice %arg12[%dma_wait3A_658] : memref<4x!tpu.dma_semaphore, #tpu.memory_space<semaphore_mem>> -> memref<1x!tpu.dma_semaphore, #tpu.memory_space<semaphore_mem>>
    %dma_wait3A_667 = tpu.memref_squeeze %dma_wait3A_666 : memref<1x!tpu.dma_semaphore, #tpu.memory_space<semaphore_mem>> -> memref<!tpu.dma_semaphore, #tpu.memory_space<semaphore_mem>>
    %dma_wait3A_668 = arith.constant 0 : i32
    %dma_wait3A_669 = tpu.memref_slice %arg6[%arg0, %add3A_656, %dma_wait3A_668] : memref<2x10240x64xf32, #tpu.memory_space<hbm>> -> memref<1x128x64xf32, #tpu.memory_space<hbm>>
    %dma_wait3A_670 = tpu.memref_squeeze %dma_wait3A_669 : memref<1x128x64xf32, #tpu.memory_space<hbm>> -> memref<128x64xf32, #tpu.memory_space<hbm>>
    %dma_wait3A_671 = arith.constant 0 : i32
    %dma_wait3A_672 = arith.constant 0 : i32
    %dma_wait3A_673 = tpu.memref_slice %arg9[%dma_wait3A_657, %dma_wait3A_671, %dma_wait3A_672] : memref<4x128x64xf32, #tpu.memory_space<vmem>> -> memref<1x128x64xf32, #tpu.memory_space<vmem>>
    %dma_wait3A_674 = tpu.memref_squeeze %dma_wait3A_673 : memref<1x128x64xf32, #tpu.memory_space<vmem>> -> memref<128x64xf32, #tpu.memory_space<vmem>>
    tpu.wait_dma2 semaphore(%dma_wait3A_667 : memref<!tpu.dma_semaphore, #tpu.memory_space<semaphore_mem>>) src(%dma_wait3A_674 : memref<128x64xf32, #tpu.memory_space<vmem>>) dst(%dma_wait3A_670 : memref<128x64xf32, #tpu.memory_space<hbm>>)
    %mul3A_675 = arith.constant 640 : i32
    %mul3A_676 = arith.muli %arg1, %mul3A_675 : i32
    %add3A_677 = arith.constant 512 : i32
    %add3A_678 = arith.addi %mul3A_676, %add3A_677 : i32
    %dma_start3A_679 = arith.constant 0 : i32
    %dma_start3A_680 = arith.constant 0 : i32
    %dma_start3A_681 = arith.constant 0 : i32
    %dma_start3A_682 = arith.constant 0 : i32
    %dma_start3A_683 = tpu.memref_slice %arg9[%dma_start3A_679, %dma_start3A_681, %dma_start3A_682] : memref<4x128x64xf32, #tpu.memory_space<vmem>> -> memref<1x128x64xf32, #tpu.memory_space<vmem>>
    %dma_start3A_684 = tpu.memref_squeeze %dma_start3A_683 : memref<1x128x64xf32, #tpu.memory_space<vmem>> -> memref<128x64xf32, #tpu.memory_space<vmem>>
    %dma_start3A_685 = arith.constant 0 : i32
    %dma_start3A_686 = tpu.memref_slice %arg10[%add3A_678, %dma_start3A_685] : memref<10240x64xf32, #tpu.memory_space<vmem_shared>> -> memref<128x64xf32, #tpu.memory_space<vmem_shared>>
    %dma_start3A_687 = tpu.memref_slice %arg11[%dma_start3A_680] : memref<4x!tpu.dma_semaphore, #tpu.memory_space<semaphore_mem>> -> memref<1x!tpu.dma_semaphore, #tpu.memory_space<semaphore_mem>>
    %dma_start3A_688 = tpu.memref_squeeze %dma_start3A_687 : memref<1x!tpu.dma_semaphore, #tpu.memory_space<semaphore_mem>> -> memref<!tpu.dma_semaphore, #tpu.memory_space<semaphore_mem>>
    %dma_start3A_689 = arith.constant 0 : i32
    %dma_start3A_690 = arith.constant 0 : i32
    %dma_start3A_691 = tpu.memref_slice %arg9[%dma_start3A_679, %dma_start3A_689, %dma_start3A_690] : memref<4x128x64xf32, #tpu.memory_space<vmem>> -> memref<1x128x64xf32, #tpu.memory_space<vmem>>
    %dma_start3A_692 = tpu.memref_squeeze %dma_start3A_691 : memref<1x128x64xf32, #tpu.memory_space<vmem>> -> memref<128x64xf32, #tpu.memory_space<vmem>>
    %dma_start3A_693 = arith.constant 0 : i32
    %dma_start3A_694 = tpu.memref_slice %arg10[%add3A_678, %dma_start3A_693] : memref<10240x64xf32, #tpu.memory_space<vmem_shared>> -> memref<128x64xf32, #tpu.memory_space<vmem_shared>>
    tpu.enqueue_dma source(%dma_start3A_694 : memref<128x64xf32, #tpu.memory_space<vmem_shared>>) target(%dma_start3A_692 : memref<128x64xf32, #tpu.memory_space<vmem>>) target_semaphore(%dma_start3A_688 : memref<!tpu.dma_semaphore, #tpu.memory_space<semaphore_mem>>)
    %mul3A_695 = arith.constant 640 : i32
    %mul3A_696 = arith.muli %arg1, %mul3A_695 : i32
    %add3A_697 = arith.constant 512 : i32
    %add3A_698 = arith.addi %mul3A_696, %add3A_697 : i32
    %dma_wait3A_699 = arith.constant 0 : i32
    %dma_wait3A_700 = arith.constant 0 : i32
    %dma_wait3A_701 = arith.constant 0 : i32
    %dma_wait3A_702 = arith.constant 0 : i32
    %dma_wait3A_703 = tpu.memref_slice %arg9[%dma_wait3A_699, %dma_wait3A_701, %dma_wait3A_702] : memref<4x128x64xf32, #tpu.memory_space<vmem>> -> memref<1x128x64xf32, #tpu.memory_space<vmem>>
    %dma_wait3A_704 = tpu.memref_squeeze %dma_wait3A_703 : memref<1x128x64xf32, #tpu.memory_space<vmem>> -> memref<128x64xf32, #tpu.memory_space<vmem>>
    %dma_wait3A_705 = arith.constant 0 : i32
    %dma_wait3A_706 = tpu.memref_slice %arg10[%add3A_698, %dma_wait3A_705] : memref<10240x64xf32, #tpu.memory_space<vmem_shared>> -> memref<128x64xf32, #tpu.memory_space<vmem_shared>>
    %dma_wait3A_707 = tpu.memref_slice %arg11[%dma_wait3A_700] : memref<4x!tpu.dma_semaphore, #tpu.memory_space<semaphore_mem>> -> memref<1x!tpu.dma_semaphore, #tpu.memory_space<semaphore_mem>>
    %dma_wait3A_708 = tpu.memref_squeeze %dma_wait3A_707 : memref<1x!tpu.dma_semaphore, #tpu.memory_space<semaphore_mem>> -> memref<!tpu.dma_semaphore, #tpu.memory_space<semaphore_mem>>
    %dma_wait3A_709 = arith.constant 0 : i32
    %dma_wait3A_710 = arith.constant 0 : i32
    %dma_wait3A_711 = tpu.memref_slice %arg9[%dma_wait3A_699, %dma_wait3A_709, %dma_wait3A_710] : memref<4x128x64xf32, #tpu.memory_space<vmem>> -> memref<1x128x64xf32, #tpu.memory_space<vmem>>
    %dma_wait3A_712 = tpu.memref_squeeze %dma_wait3A_711 : memref<1x128x64xf32, #tpu.memory_space<vmem>> -> memref<128x64xf32, #tpu.memory_space<vmem>>
    %dma_wait3A_713 = arith.constant 0 : i32
    %dma_wait3A_714 = tpu.memref_slice %arg10[%add3A_698, %dma_wait3A_713] : memref<10240x64xf32, #tpu.memory_space<vmem_shared>> -> memref<128x64xf32, #tpu.memory_space<vmem_shared>>
    tpu.wait_dma2 semaphore(%dma_wait3A_708 : memref<!tpu.dma_semaphore, #tpu.memory_space<semaphore_mem>>) src(%dma_wait3A_714 : memref<128x64xf32, #tpu.memory_space<vmem_shared>>) dst(%dma_wait3A_712 : memref<128x64xf32, #tpu.memory_space<vmem>>)
    %mul3A_715 = arith.constant 640 : i32
    %mul3A_716 = arith.muli %arg1, %mul3A_715 : i32
    %add3A_717 = arith.constant 512 : i32
    %add3A_718 = arith.addi %mul3A_716, %add3A_717 : i32
    %dma_start3A_719 = arith.constant 0 : i32
    %dma_start3A_720 = arith.constant 0 : i32
    %dma_start3A_721 = arith.constant 0 : i32
    %dma_start3A_722 = arith.constant 0 : i32
    %dma_start3A_723 = tpu.memref_slice %arg9[%dma_start3A_719, %dma_start3A_721, %dma_start3A_722] : memref<4x128x64xf32, #tpu.memory_space<vmem>> -> memref<1x128x64xf32, #tpu.memory_space<vmem>>
    %dma_start3A_724 = tpu.memref_squeeze %dma_start3A_723 : memref<1x128x64xf32, #tpu.memory_space<vmem>> -> memref<128x64xf32, #tpu.memory_space<vmem>>
    %dma_start3A_725 = arith.constant 0 : i32
    %dma_start3A_726 = tpu.memref_slice %arg6[%arg0, %add3A_718, %dma_start3A_725] : memref<2x10240x64xf32, #tpu.memory_space<hbm>> -> memref<1x128x64xf32, #tpu.memory_space<hbm>>
    %dma_start3A_727 = tpu.memref_squeeze %dma_start3A_726 : memref<1x128x64xf32, #tpu.memory_space<hbm>> -> memref<128x64xf32, #tpu.memory_space<hbm>>
    %dma_start3A_728 = tpu.memref_slice %arg12[%dma_start3A_720] : memref<4x!tpu.dma_semaphore, #tpu.memory_space<semaphore_mem>> -> memref<1x!tpu.dma_semaphore, #tpu.memory_space<semaphore_mem>>
    %dma_start3A_729 = tpu.memref_squeeze %dma_start3A_728 : memref<1x!tpu.dma_semaphore, #tpu.memory_space<semaphore_mem>> -> memref<!tpu.dma_semaphore, #tpu.memory_space<semaphore_mem>>
    %dma_start3A_730 = arith.constant 0 : i32
    %dma_start3A_731 = tpu.memref_slice %arg6[%arg0, %add3A_718, %dma_start3A_730] : memref<2x10240x64xf32, #tpu.memory_space<hbm>> -> memref<1x128x64xf32, #tpu.memory_space<hbm>>
    %dma_start3A_732 = tpu.memref_squeeze %dma_start3A_731 : memref<1x128x64xf32, #tpu.memory_space<hbm>> -> memref<128x64xf32, #tpu.memory_space<hbm>>
    %dma_start3A_733 = arith.constant 0 : i32
    %dma_start3A_734 = arith.constant 0 : i32
    %dma_start3A_735 = tpu.memref_slice %arg9[%dma_start3A_719, %dma_start3A_733, %dma_start3A_734] : memref<4x128x64xf32, #tpu.memory_space<vmem>> -> memref<1x128x64xf32, #tpu.memory_space<vmem>>
    %dma_start3A_736 = tpu.memref_squeeze %dma_start3A_735 : memref<1x128x64xf32, #tpu.memory_space<vmem>> -> memref<128x64xf32, #tpu.memory_space<vmem>>
    tpu.enqueue_dma source(%dma_start3A_736 : memref<128x64xf32, #tpu.memory_space<vmem>>) target(%dma_start3A_732 : memref<128x64xf32, #tpu.memory_space<hbm>>) target_semaphore(%dma_start3A_729 : memref<!tpu.dma_semaphore, #tpu.memory_space<semaphore_mem>>)
    %mul3A_737 = arith.constant 640 : i32
    %mul3A_738 = arith.muli %arg1, %mul3A_737 : i32
    %add3A_739 = arith.constant 384 : i32
    %add3A_740 = arith.addi %mul3A_738, %add3A_739 : i32
    %dma_wait3A_741 = arith.constant 1 : i32
    %dma_wait3A_742 = arith.constant 1 : i32
    %dma_wait3A_743 = arith.constant 0 : i32
    %dma_wait3A_744 = arith.constant 0 : i32
    %dma_wait3A_745 = tpu.memref_slice %arg9[%dma_wait3A_741, %dma_wait3A_743, %dma_wait3A_744] : memref<4x128x64xf32, #tpu.memory_space<vmem>> -> memref<1x128x64xf32, #tpu.memory_space<vmem>>
    %dma_wait3A_746 = tpu.memref_squeeze %dma_wait3A_745 : memref<1x128x64xf32, #tpu.memory_space<vmem>> -> memref<128x64xf32, #tpu.memory_space<vmem>>
    %dma_wait3A_747 = arith.constant 0 : i32
    %dma_wait3A_748 = tpu.memref_slice %arg6[%arg0, %add3A_740, %dma_wait3A_747] : memref<2x10240x64xf32, #tpu.memory_space<hbm>> -> memref<1x128x64xf32, #tpu.memory_space<hbm>>
    %dma_wait3A_749 = tpu.memref_squeeze %dma_wait3A_748 : memref<1x128x64xf32, #tpu.memory_space<hbm>> -> memref<128x64xf32, #tpu.memory_space<hbm>>
    %dma_wait3A_750 = tpu.memref_slice %arg12[%dma_wait3A_742] : memref<4x!tpu.dma_semaphore, #tpu.memory_space<semaphore_mem>> -> memref<1x!tpu.dma_semaphore, #tpu.memory_space<semaphore_mem>>
    %dma_wait3A_751 = tpu.memref_squeeze %dma_wait3A_750 : memref<1x!tpu.dma_semaphore, #tpu.memory_space<semaphore_mem>> -> memref<!tpu.dma_semaphore, #tpu.memory_space<semaphore_mem>>
    %dma_wait3A_752 = arith.constant 0 : i32
    %dma_wait3A_753 = tpu.memref_slice %arg6[%arg0, %add3A_740, %dma_wait3A_752] : memref<2x10240x64xf32, #tpu.memory_space<hbm>> -> memref<1x128x64xf32, #tpu.memory_space<hbm>>
    %dma_wait3A_754 = tpu.memref_squeeze %dma_wait3A_753 : memref<1x128x64xf32, #tpu.memory_space<hbm>> -> memref<128x64xf32, #tpu.memory_space<hbm>>
    %dma_wait3A_755 = arith.constant 0 : i32
    %dma_wait3A_756 = arith.constant 0 : i32
    %dma_wait3A_757 = tpu.memref_slice %arg9[%dma_wait3A_741, %dma_wait3A_755, %dma_wait3A_756] : memref<4x128x64xf32, #tpu.memory_space<vmem>> -> memref<1x128x64xf32, #tpu.memory_space<vmem>>
    %dma_wait3A_758 = tpu.memref_squeeze %dma_wait3A_757 : memref<1x128x64xf32, #tpu.memory_space<vmem>> -> memref<128x64xf32, #tpu.memory_space<vmem>>
    tpu.wait_dma2 semaphore(%dma_wait3A_751 : memref<!tpu.dma_semaphore, #tpu.memory_space<semaphore_mem>>) src(%dma_wait3A_758 : memref<128x64xf32, #tpu.memory_space<vmem>>) dst(%dma_wait3A_754 : memref<128x64xf32, #tpu.memory_space<hbm>>)
    %mul3A_759 = arith.constant 640 : i32
    %mul3A_760 = arith.muli %arg1, %mul3A_759 : i32
    %add3A_761 = arith.constant 512 : i32
    %add3A_762 = arith.addi %mul3A_760, %add3A_761 : i32
    %dma_wait3A_763 = arith.constant 0 : i32
    %dma_wait3A_764 = arith.constant 0 : i32
    %dma_wait3A_765 = arith.constant 0 : i32
    %dma_wait3A_766 = arith.constant 0 : i32
    %dma_wait3A_767 = tpu.memref_slice %arg9[%dma_wait3A_763, %dma_wait3A_765, %dma_wait3A_766] : memref<4x128x64xf32, #tpu.memory_space<vmem>> -> memref<1x128x64xf32, #tpu.memory_space<vmem>>
    %dma_wait3A_768 = tpu.memref_squeeze %dma_wait3A_767 : memref<1x128x64xf32, #tpu.memory_space<vmem>> -> memref<128x64xf32, #tpu.memory_space<vmem>>
    %dma_wait3A_769 = arith.constant 0 : i32
    %dma_wait3A_770 = tpu.memref_slice %arg6[%arg0, %add3A_762, %dma_wait3A_769] : memref<2x10240x64xf32, #tpu.memory_space<hbm>> -> memref<1x128x64xf32, #tpu.memory_space<hbm>>
    %dma_wait3A_771 = tpu.memref_squeeze %dma_wait3A_770 : memref<1x128x64xf32, #tpu.memory_space<hbm>> -> memref<128x64xf32, #tpu.memory_space<hbm>>
    %dma_wait3A_772 = tpu.memref_slice %arg12[%dma_wait3A_764] : memref<4x!tpu.dma_semaphore, #tpu.memory_space<semaphore_mem>> -> memref<1x!tpu.dma_semaphore, #tpu.memory_space<semaphore_mem>>
    %dma_wait3A_773 = tpu.memref_squeeze %dma_wait3A_772 : memref<1x!tpu.dma_semaphore, #tpu.memory_space<semaphore_mem>> -> memref<!tpu.dma_semaphore, #tpu.memory_space<semaphore_mem>>
    %dma_wait3A_774 = arith.constant 0 : i32
    %dma_wait3A_775 = tpu.memref_slice %arg6[%arg0, %add3A_762, %dma_wait3A_774] : memref<2x10240x64xf32, #tpu.memory_space<hbm>> -> memref<1x128x64xf32, #tpu.memory_space<hbm>>
    %dma_wait3A_776 = tpu.memref_squeeze %dma_wait3A_775 : memref<1x128x64xf32, #tpu.memory_space<hbm>> -> memref<128x64xf32, #tpu.memory_space<hbm>>
    %dma_wait3A_777 = arith.constant 0 : i32
    %dma_wait3A_778 = arith.constant 0 : i32
    %dma_wait3A_779 = tpu.memref_slice %arg9[%dma_wait3A_763, %dma_wait3A_777, %dma_wait3A_778] : memref<4x128x64xf32, #tpu.memory_space<vmem>> -> memref<1x128x64xf32, #tpu.memory_space<vmem>>
    %dma_wait3A_780 = tpu.memref_squeeze %dma_wait3A_779 : memref<1x128x64xf32, #tpu.memory_space<vmem>> -> memref<128x64xf32, #tpu.memory_space<vmem>>
    tpu.wait_dma2 semaphore(%dma_wait3A_773 : memref<!tpu.dma_semaphore, #tpu.memory_space<semaphore_mem>>) src(%dma_wait3A_780 : memref<128x64xf32, #tpu.memory_space<vmem>>) dst(%dma_wait3A_776 : memref<128x64xf32, #tpu.memory_space<hbm>>)
    return
  }
}

#map = affine_map<(d0, d1) -> (0, 0, 0)>
#map1 = affine_map<(d0, d1) -> (0, 0)>
module attributes {stable_mosaic.version = 14 : i64} {
  func.func @body(%arg0: i32, %arg1: i32, %arg2: memref<16x160x128xi32, #tpu.memory_space<hbm>>, %arg3: memref<128x128xf32, #tpu.memory_space<hbm>>, %arg4: memref<8x128xi32, #tpu.memory_space<hbm>>, %arg5: memref<128x128xf32, #tpu.memory_space<hbm>>, %arg6: memref<128x128xf32, #tpu.memory_space<hbm>>, %arg7: memref<80x128xi32, #tpu.memory_space<vmem>>, %arg8: memref<128x128xf32, #tpu.memory_space<vmem>>, %arg9: memref<8x128xi32, #tpu.memory_space<vmem>>, %arg10: memref<128x128xf32, #tpu.memory_space<vmem>>, %arg11: memref<128x128xf32, #tpu.memory_space<vmem_shared>>) attributes {dimension_semantics = [#tpu.dimension_semantics<core_parallel>, #tpu.dimension_semantics<subcore_parallel>], iteration_bounds = array<i64: 2, 16>, scalar_prefetch = 0 : i64, scratch_operands = 5 : i64, tpu.core_type = #tpu.core_type<sc_vector_subcore>, window_params = [{transform_indices = #map}, {transform_indices = #map1}, {transform_indices = #map1}, {transform_indices = #map1}, {transform_indices = #map1}]} {
    %broadcast_in_dim3A = arith.constant 1.000000e+00 : f32
    %broadcast_in_dim3A_0 = vector.broadcast %broadcast_in_dim3A : f32 to vector<16xf32>
    "tpu.region"() ({
      %run_scoped3A_24 = tpu.sem_alloc : memref<!tpu.dma_semaphore, #tpu.memory_space<semaphore_mem>>
      tpu.enqueue_dma source(%arg3 : memref<128x128xf32, #tpu.memory_space<hbm>>) target(%arg8 : memref<128x128xf32, #tpu.memory_space<vmem>>) target_semaphore(%run_scoped3A_24 : memref<!tpu.dma_semaphore, #tpu.memory_space<semaphore_mem>>)
      tpu.wait_dma2 semaphore(%run_scoped3A_24 : memref<!tpu.dma_semaphore, #tpu.memory_space<semaphore_mem>>) src(%arg3 : memref<128x128xf32, #tpu.memory_space<hbm>>) dst(%arg8 : memref<128x128xf32, #tpu.memory_space<vmem>>)
      tpu.yield
    }) : () -> ()
    "tpu.region"() ({
      %run_scoped3A_24 = tpu.sem_alloc : memref<!tpu.dma_semaphore, #tpu.memory_space<semaphore_mem>>
      tpu.enqueue_dma source(%arg3 : memref<128x128xf32, #tpu.memory_space<hbm>>) target(%arg10 : memref<128x128xf32, #tpu.memory_space<vmem>>) target_semaphore(%run_scoped3A_24 : memref<!tpu.dma_semaphore, #tpu.memory_space<semaphore_mem>>)
      tpu.wait_dma2 semaphore(%run_scoped3A_24 : memref<!tpu.dma_semaphore, #tpu.memory_space<semaphore_mem>>) src(%arg3 : memref<128x128xf32, #tpu.memory_space<hbm>>) dst(%arg10 : memref<128x128xf32, #tpu.memory_space<vmem>>)
      tpu.yield
    }) : () -> ()
    %eq3A = arith.constant 0 : i32
    %eq3A_1 = arith.cmpi eq, %arg1, %eq3A : i32
    %convert_element_type3A = arith.extui %eq3A_1 : i1 to i32
    %cond3A = arith.constant 0 : i32
    %cond3A_2 = arith.cmpi ne, %convert_element_type3A, %cond3A : i32
    scf.if %cond3A_2 {
      "tpu.region"() ({
        %run_scoped3A_24 = tpu.sem_alloc : memref<!tpu.dma_semaphore, #tpu.memory_space<semaphore_mem>>
        tpu.enqueue_dma source(%arg8 : memref<128x128xf32, #tpu.memory_space<vmem>>) target(%arg11 : memref<128x128xf32, #tpu.memory_space<vmem_shared>>) target_semaphore(%run_scoped3A_24 : memref<!tpu.dma_semaphore, #tpu.memory_space<semaphore_mem>>)
        tpu.wait_dma2 semaphore(%run_scoped3A_24 : memref<!tpu.dma_semaphore, #tpu.memory_space<semaphore_mem>>) src(%arg8 : memref<128x128xf32, #tpu.memory_space<vmem>>) dst(%arg11 : memref<128x128xf32, #tpu.memory_space<vmem_shared>>)
        tpu.yield
      }) : () -> ()
    } else {
    }
    "tpu.region"() ({
      %run_scoped3A_24 = tpu.sem_alloc : memref<!tpu.dma_semaphore, #tpu.memory_space<semaphore_mem>>
      tpu.enqueue_dma source(%arg4 : memref<8x128xi32, #tpu.memory_space<hbm>>) target(%arg9 : memref<8x128xi32, #tpu.memory_space<vmem>>) target_semaphore(%run_scoped3A_24 : memref<!tpu.dma_semaphore, #tpu.memory_space<semaphore_mem>>)
      tpu.wait_dma2 semaphore(%run_scoped3A_24 : memref<!tpu.dma_semaphore, #tpu.memory_space<semaphore_mem>>) src(%arg4 : memref<8x128xi32, #tpu.memory_space<hbm>>) dst(%arg9 : memref<8x128xi32, #tpu.memory_space<vmem>>)
      tpu.yield
    }) : () -> ()
    %mul3A = arith.constant 80 : i32
    %mul3A_3 = arith.muli %arg0, %mul3A : i32
    "tpu.region"() ({
      %run_scoped3A_24 = tpu.sem_alloc : memref<!tpu.dma_semaphore, #tpu.memory_space<semaphore_mem>>
      %dma_start3A = arith.constant 0 : i32
      %dma_start3A_25 = tpu.memref_slice %arg2[%arg1, %mul3A_3, %dma_start3A] : memref<16x160x128xi32, #tpu.memory_space<hbm>> -> memref<1x80x128xi32, #tpu.memory_space<hbm>>
      %dma_start3A_26 = tpu.memref_squeeze %dma_start3A_25 : memref<1x80x128xi32, #tpu.memory_space<hbm>> -> memref<80x128xi32, #tpu.memory_space<hbm>>
      %dma_start3A_27 = arith.constant 0 : i32
      %dma_start3A_28 = tpu.memref_slice %arg2[%arg1, %mul3A_3, %dma_start3A_27] : memref<16x160x128xi32, #tpu.memory_space<hbm>> -> memref<1x80x128xi32, #tpu.memory_space<hbm>>
      %dma_start3A_29 = tpu.memref_squeeze %dma_start3A_28 : memref<1x80x128xi32, #tpu.memory_space<hbm>> -> memref<80x128xi32, #tpu.memory_space<hbm>>
      tpu.enqueue_dma source(%dma_start3A_29 : memref<80x128xi32, #tpu.memory_space<hbm>>) target(%arg7 : memref<80x128xi32, #tpu.memory_space<vmem>>) target_semaphore(%run_scoped3A_24 : memref<!tpu.dma_semaphore, #tpu.memory_space<semaphore_mem>>)
      %dma_wait3A = arith.constant 0 : i32
      %dma_wait3A_30 = tpu.memref_slice %arg2[%arg1, %mul3A_3, %dma_wait3A] : memref<16x160x128xi32, #tpu.memory_space<hbm>> -> memref<1x80x128xi32, #tpu.memory_space<hbm>>
      %dma_wait3A_31 = tpu.memref_squeeze %dma_wait3A_30 : memref<1x80x128xi32, #tpu.memory_space<hbm>> -> memref<80x128xi32, #tpu.memory_space<hbm>>
      %dma_wait3A_32 = arith.constant 0 : i32
      %dma_wait3A_33 = tpu.memref_slice %arg2[%arg1, %mul3A_3, %dma_wait3A_32] : memref<16x160x128xi32, #tpu.memory_space<hbm>> -> memref<1x80x128xi32, #tpu.memory_space<hbm>>
      %dma_wait3A_34 = tpu.memref_squeeze %dma_wait3A_33 : memref<1x80x128xi32, #tpu.memory_space<hbm>> -> memref<80x128xi32, #tpu.memory_space<hbm>>
      tpu.wait_dma2 semaphore(%run_scoped3A_24 : memref<!tpu.dma_semaphore, #tpu.memory_space<semaphore_mem>>) src(%dma_wait3A_34 : memref<80x128xi32, #tpu.memory_space<hbm>>) dst(%arg7 : memref<80x128xi32, #tpu.memory_space<vmem>>)
      tpu.yield
    }) : () -> ()
    %barrier3A = arith.constant 0 : index
    tpu.barrier barrier_id(%barrier3A)
    %scan3A = arith.constant 0 : i32
    %scan3A_4 = arith.constant 80 : i32
    %scan3A_5 = arith.addi %scan3A, %scan3A_4 : i32
    %scan3A_6 = arith.constant 1 : i32
    scf.for %scan3A_24 = %scan3A to %scan3A_5 step %scan3A_6  : i32 {
      %get3A = arith.index_cast %scan3A_24 : i32 to index
      %get3A_25 = arith.constant 0 : index
      %get3A_26 = tpu.vector_load %arg7[%get3A, %get3A_25] {strides = array<i32>} : memref<80x128xi32, #tpu.memory_space<vmem>>, vector<16xi32>,
      %shift_right_logical3A = arith.constant 7 : i32
      %shift_right_logical3A_27 = vector.broadcast %shift_right_logical3A : i32 to vector<16xi32>
      %shift_right_logical3A_28 = arith.shrui %get3A_26, %shift_right_logical3A_27 : vector<16xi32>
      %and3A_29 = arith.constant 127 : i32
      %and3A_30 = vector.broadcast %and3A_29 : i32 to vector<16xi32>
      %and3A_31 = arith.andi %get3A_26, %and3A_30 : vector<16xi32>
      tpu.vector_store_idx %arg10[%shift_right_logical3A_28, %and3A_31], %broadcast_in_dim3A_0 {add = true} : memref<128x128xf32, #tpu.memory_space<vmem>>[vector<16xi32>, vector<16xi32>], vector<16xf32>,
      %get3A_32 = arith.index_cast %scan3A_24 : i32 to index
      %get3A_33 = arith.constant 16 : index
      %get3A_34 = tpu.vector_load %arg7[%get3A_32, %get3A_33] {strides = array<i32>} : memref<80x128xi32, #tpu.memory_space<vmem>>, vector<16xi32>,
      %shift_right_logical3A_35 = arith.constant 7 : i32
      %shift_right_logical3A_36 = vector.broadcast %shift_right_logical3A_35 : i32 to vector<16xi32>
      %shift_right_logical3A_37 = arith.shrui %get3A_34, %shift_right_logical3A_36 : vector<16xi32>
      %and3A_38 = arith.constant 127 : i32
      %and3A_39 = vector.broadcast %and3A_38 : i32 to vector<16xi32>
      %and3A_40 = arith.andi %get3A_34, %and3A_39 : vector<16xi32>
      tpu.vector_store_idx %arg10[%shift_right_logical3A_37, %and3A_40], %broadcast_in_dim3A_0 {add = true} : memref<128x128xf32, #tpu.memory_space<vmem>>[vector<16xi32>, vector<16xi32>], vector<16xf32>,
      %get3A_41 = arith.index_cast %scan3A_24 : i32 to index
      %get3A_42 = arith.constant 32 : index
      %get3A_43 = tpu.vector_load %arg7[%get3A_41, %get3A_42] {strides = array<i32>} : memref<80x128xi32, #tpu.memory_space<vmem>>, vector<16xi32>,
      %shift_right_logical3A_44 = arith.constant 7 : i32
      %shift_right_logical3A_45 = vector.broadcast %shift_right_logical3A_44 : i32 to vector<16xi32>
      %shift_right_logical3A_46 = arith.shrui %get3A_43, %shift_right_logical3A_45 : vector<16xi32>
      %and3A_47 = arith.constant 127 : i32
      %and3A_48 = vector.broadcast %and3A_47 : i32 to vector<16xi32>
      %and3A_49 = arith.andi %get3A_43, %and3A_48 : vector<16xi32>
      tpu.vector_store_idx %arg10[%shift_right_logical3A_46, %and3A_49], %broadcast_in_dim3A_0 {add = true} : memref<128x128xf32, #tpu.memory_space<vmem>>[vector<16xi32>, vector<16xi32>], vector<16xf32>,
      %get3A_50 = arith.index_cast %scan3A_24 : i32 to index
      %get3A_51 = arith.constant 48 : index
      %get3A_52 = tpu.vector_load %arg7[%get3A_50, %get3A_51] {strides = array<i32>} : memref<80x128xi32, #tpu.memory_space<vmem>>, vector<16xi32>,
      %shift_right_logical3A_53 = arith.constant 7 : i32
      %shift_right_logical3A_54 = vector.broadcast %shift_right_logical3A_53 : i32 to vector<16xi32>
      %shift_right_logical3A_55 = arith.shrui %get3A_52, %shift_right_logical3A_54 : vector<16xi32>
      %and3A_56 = arith.constant 127 : i32
      %and3A_57 = vector.broadcast %and3A_56 : i32 to vector<16xi32>
      %and3A_58 = arith.andi %get3A_52, %and3A_57 : vector<16xi32>
      tpu.vector_store_idx %arg10[%shift_right_logical3A_55, %and3A_58], %broadcast_in_dim3A_0 {add = true} : memref<128x128xf32, #tpu.memory_space<vmem>>[vector<16xi32>, vector<16xi32>], vector<16xf32>,
      %get3A_59 = arith.index_cast %scan3A_24 : i32 to index
      %get3A_60 = arith.constant 64 : index
      %get3A_61 = tpu.vector_load %arg7[%get3A_59, %get3A_60] {strides = array<i32>} : memref<80x128xi32, #tpu.memory_space<vmem>>, vector<16xi32>,
      %shift_right_logical3A_62 = arith.constant 7 : i32
      %shift_right_logical3A_63 = vector.broadcast %shift_right_logical3A_62 : i32 to vector<16xi32>
      %shift_right_logical3A_64 = arith.shrui %get3A_61, %shift_right_logical3A_63 : vector<16xi32>
      %and3A_65 = arith.constant 127 : i32
      %and3A_66 = vector.broadcast %and3A_65 : i32 to vector<16xi32>
      %and3A_67 = arith.andi %get3A_61, %and3A_66 : vector<16xi32>
      tpu.vector_store_idx %arg10[%shift_right_logical3A_64, %and3A_67], %broadcast_in_dim3A_0 {add = true} : memref<128x128xf32, #tpu.memory_space<vmem>>[vector<16xi32>, vector<16xi32>], vector<16xf32>,
      %get3A_68 = arith.index_cast %scan3A_24 : i32 to index
      %get3A_69 = arith.constant 80 : index
      %get3A_70 = tpu.vector_load %arg7[%get3A_68, %get3A_69] {strides = array<i32>} : memref<80x128xi32, #tpu.memory_space<vmem>>, vector<16xi32>,
      %shift_right_logical3A_71 = arith.constant 7 : i32
      %shift_right_logical3A_72 = vector.broadcast %shift_right_logical3A_71 : i32 to vector<16xi32>
      %shift_right_logical3A_73 = arith.shrui %get3A_70, %shift_right_logical3A_72 : vector<16xi32>
      %and3A_74 = arith.constant 127 : i32
      %and3A_75 = vector.broadcast %and3A_74 : i32 to vector<16xi32>
      %and3A_76 = arith.andi %get3A_70, %and3A_75 : vector<16xi32>
      tpu.vector_store_idx %arg10[%shift_right_logical3A_73, %and3A_76], %broadcast_in_dim3A_0 {add = true} : memref<128x128xf32, #tpu.memory_space<vmem>>[vector<16xi32>, vector<16xi32>], vector<16xf32>,
      %get3A_77 = arith.index_cast %scan3A_24 : i32 to index
      %get3A_78 = arith.constant 96 : index
      %get3A_79 = tpu.vector_load %arg7[%get3A_77, %get3A_78] {strides = array<i32>} : memref<80x128xi32, #tpu.memory_space<vmem>>, vector<16xi32>,
      %shift_right_logical3A_80 = arith.constant 7 : i32
      %shift_right_logical3A_81 = vector.broadcast %shift_right_logical3A_80 : i32 to vector<16xi32>
      %shift_right_logical3A_82 = arith.shrui %get3A_79, %shift_right_logical3A_81 : vector<16xi32>
      %and3A_83 = arith.constant 127 : i32
      %and3A_84 = vector.broadcast %and3A_83 : i32 to vector<16xi32>
      %and3A_85 = arith.andi %get3A_79, %and3A_84 : vector<16xi32>
      tpu.vector_store_idx %arg10[%shift_right_logical3A_82, %and3A_85], %broadcast_in_dim3A_0 {add = true} : memref<128x128xf32, #tpu.memory_space<vmem>>[vector<16xi32>, vector<16xi32>], vector<16xf32>,
      %get3A_86 = arith.index_cast %scan3A_24 : i32 to index
      %get3A_87 = arith.constant 112 : index
      %get3A_88 = tpu.vector_load %arg7[%get3A_86, %get3A_87] {strides = array<i32>} : memref<80x128xi32, #tpu.memory_space<vmem>>, vector<16xi32>,
      %shift_right_logical3A_89 = arith.constant 7 : i32
      %shift_right_logical3A_90 = vector.broadcast %shift_right_logical3A_89 : i32 to vector<16xi32>
      %shift_right_logical3A_91 = arith.shrui %get3A_88, %shift_right_logical3A_90 : vector<16xi32>
      %and3A_92 = arith.constant 127 : i32
      %and3A_93 = vector.broadcast %and3A_92 : i32 to vector<16xi32>
      %and3A_94 = arith.andi %get3A_88, %and3A_93 : vector<16xi32>
      tpu.vector_store_idx %arg10[%shift_right_logical3A_91, %and3A_94], %broadcast_in_dim3A_0 {add = true} : memref<128x128xf32, #tpu.memory_space<vmem>>[vector<16xi32>, vector<16xi32>], vector<16xf32>,
    }
    %scan3A_7 = arith.constant 80 : i32
    %run_scoped3A = arith.constant 0 : i32
    "tpu.region"() ({
      %run_scoped3A_24 = tpu.sem_alloc : memref<!tpu.dma_semaphore, #tpu.memory_space<semaphore_mem>>
      %dma_start3A = arith.constant 0 : i32
      %dma_start3A_25 = tpu.memref_slice %arg9[%run_scoped3A, %dma_start3A] : memref<8x128xi32, #tpu.memory_space<vmem>> -> memref<1x128xi32, #tpu.memory_space<vmem>>
      %dma_start3A_26 = tpu.memref_squeeze %dma_start3A_25 : memref<1x128xi32, #tpu.memory_space<vmem>> -> memref<128xi32, #tpu.memory_space<vmem>>
      %dma_start3A_27 = arith.constant 0 : i32
      %dma_start3A_28 = arith.constant 0 : i32
      %dma_start3A_29 = tpu.memref_slice %arg11[%dma_start3A_27, %dma_start3A_28] : memref<128x128xf32, #tpu.memory_space<vmem_shared>> -> memref<128x128xf32, #tpu.memory_space<vmem_shared>>
      tpu.enqueue_indirect_dma source(%arg10 : memref<128x128xf32, #tpu.memory_space<vmem>>) target(%dma_start3A_29 : memref<128x128xf32, #tpu.memory_space<vmem_shared>>) offsets(%dma_start3A_26 : memref<128xi32, #tpu.memory_space<vmem>>) semaphore(%run_scoped3A_24 : memref<!tpu.dma_semaphore, #tpu.memory_space<semaphore_mem>>) {add = true}
      %dma_wait3A = arith.constant 0 : i32
      %dma_wait3A_30 = tpu.memref_slice %arg9[%run_scoped3A, %dma_wait3A] : memref<8x128xi32, #tpu.memory_space<vmem>> -> memref<1x128xi32, #tpu.memory_space<vmem>>
      %dma_wait3A_31 = tpu.memref_squeeze %dma_wait3A_30 : memref<1x128xi32, #tpu.memory_space<vmem>> -> memref<128xi32, #tpu.memory_space<vmem>>
      %dma_wait3A_32 = arith.constant 0 : i32
      %dma_wait3A_33 = arith.constant 0 : i32
      %dma_wait3A_34 = tpu.memref_slice %arg11[%dma_wait3A_32, %dma_wait3A_33] : memref<128x128xf32, #tpu.memory_space<vmem_shared>> -> memref<128x128xf32, #tpu.memory_space<vmem_shared>>
      tpu.wait_indirect_dma semaphore(%run_scoped3A_24 : memref<!tpu.dma_semaphore, #tpu.memory_space<semaphore_mem>>) src(%arg10 : memref<128x128xf32, #tpu.memory_space<vmem>>) dst(%dma_wait3A_34 : memref<128x128xf32, #tpu.memory_space<vmem_shared>>)
      tpu.yield
    }) : () -> ()
    %barrier3A_8 = arith.constant 0 : index
    tpu.barrier barrier_id(%barrier3A_8)
    %eq3A_9 = arith.constant 0 : i32
    %eq3A_10 = arith.cmpi eq, %arg1, %eq3A_9 : i32
    %eq3A_11 = arith.constant 0 : i32
    %eq3A_12 = arith.cmpi eq, %arg0, %eq3A_11 : i32
    %and3A = arith.andi %eq3A_10, %eq3A_12 : i1
    %convert_element_type3A_13 = arith.extui %and3A : i1 to i32
    %cond3A_14 = arith.constant 0 : i32
    %cond3A_15 = arith.cmpi ne, %convert_element_type3A_13, %cond3A_14 : i32
    scf.if %cond3A_15 {
      "tpu.region"() ({
        %run_scoped3A_24 = tpu.sem_alloc : memref<!tpu.dma_semaphore, #tpu.memory_space<semaphore_mem>>
        tpu.enqueue_dma source(%arg11 : memref<128x128xf32, #tpu.memory_space<vmem_shared>>) target(%arg8 : memref<128x128xf32, #tpu.memory_space<vmem>>) target_semaphore(%run_scoped3A_24 : memref<!tpu.dma_semaphore, #tpu.memory_space<semaphore_mem>>)
        tpu.wait_dma2 semaphore(%run_scoped3A_24 : memref<!tpu.dma_semaphore, #tpu.memory_space<semaphore_mem>>) src(%arg11 : memref<128x128xf32, #tpu.memory_space<vmem_shared>>) dst(%arg8 : memref<128x128xf32, #tpu.memory_space<vmem>>)
        tpu.yield
      }) : () -> ()
      "tpu.region"() ({
        %run_scoped3A_24 = tpu.sem_alloc : memref<!tpu.dma_semaphore, #tpu.memory_space<semaphore_mem>>
        tpu.enqueue_dma source(%arg8 : memref<128x128xf32, #tpu.memory_space<vmem>>) target(%arg5 : memref<128x128xf32, #tpu.memory_space<hbm>>) target_semaphore(%run_scoped3A_24 : memref<!tpu.dma_semaphore, #tpu.memory_space<semaphore_mem>>)
        tpu.wait_dma2 semaphore(%run_scoped3A_24 : memref<!tpu.dma_semaphore, #tpu.memory_space<semaphore_mem>>) src(%arg8 : memref<128x128xf32, #tpu.memory_space<vmem>>) dst(%arg5 : memref<128x128xf32, #tpu.memory_space<hbm>>)
        tpu.yield
      }) : () -> ()
    } else {
    }
    %eq3A_16 = arith.constant 0 : i32
    %eq3A_17 = arith.cmpi eq, %arg1, %eq3A_16 : i32
    %eq3A_18 = arith.constant 1 : i32
    %eq3A_19 = arith.cmpi eq, %arg0, %eq3A_18 : i32
    %and3A_20 = arith.andi %eq3A_17, %eq3A_19 : i1
    %convert_element_type3A_21 = arith.extui %and3A_20 : i1 to i32
    %cond3A_22 = arith.constant 0 : i32
    %cond3A_23 = arith.cmpi ne, %convert_element_type3A_21, %cond3A_22 : i32
    scf.if %cond3A_23 {
      "tpu.region"() ({
        %run_scoped3A_24 = tpu.sem_alloc : memref<!tpu.dma_semaphore, #tpu.memory_space<semaphore_mem>>
        tpu.enqueue_dma source(%arg11 : memref<128x128xf32, #tpu.memory_space<vmem_shared>>) target(%arg8 : memref<128x128xf32, #tpu.memory_space<vmem>>) target_semaphore(%run_scoped3A_24 : memref<!tpu.dma_semaphore, #tpu.memory_space<semaphore_mem>>)
        tpu.wait_dma2 semaphore(%run_scoped3A_24 : memref<!tpu.dma_semaphore, #tpu.memory_space<semaphore_mem>>) src(%arg11 : memref<128x128xf32, #tpu.memory_space<vmem_shared>>) dst(%arg8 : memref<128x128xf32, #tpu.memory_space<vmem>>)
        tpu.yield
      }) : () -> ()
      "tpu.region"() ({
        %run_scoped3A_24 = tpu.sem_alloc : memref<!tpu.dma_semaphore, #tpu.memory_space<semaphore_mem>>
        tpu.enqueue_dma source(%arg8 : memref<128x128xf32, #tpu.memory_space<vmem>>) target(%arg6 : memref<128x128xf32, #tpu.memory_space<hbm>>) target_semaphore(%run_scoped3A_24 : memref<!tpu.dma_semaphore, #tpu.memory_space<semaphore_mem>>)
        tpu.wait_dma2 semaphore(%run_scoped3A_24 : memref<!tpu.dma_semaphore, #tpu.memory_space<semaphore_mem>>) src(%arg8 : memref<128x128xf32, #tpu.memory_space<vmem>>) dst(%arg6 : memref<128x128xf32, #tpu.memory_space<hbm>>)
        tpu.yield
      }) : () -> ()
    } else {
    }
    return
  }
}

#map = affine_map<(d0, d1) -> (0, 0, 0)>
#map1 = affine_map<(d0, d1) -> (0, 0)>
module attributes {stable_mosaic.version = 14 : i64} {
  func.func @body(%arg0: i32, %arg1: i32, %arg2: memref<2x10000x64xf32, #tpu.memory_space<hbm>>, %arg3: memref<16x160x128xi32, #tpu.memory_space<hbm>>, %arg4: memref<16x160x128xi32, #tpu.memory_space<hbm>>, %arg5: memref<128x64xf32, #tpu.memory_space<hbm>>, %arg6: memref<2x10240x64xf32, #tpu.memory_space<hbm>>, %arg7: memref<160x128xi32, #tpu.memory_space<vmem>>, %arg8: memref<160x128xi32, #tpu.memory_space<vmem>>, %arg9: memref<4x128x64xf32, #tpu.memory_space<vmem>>, %arg10: memref<10240x64xf32, #tpu.memory_space<vmem_shared>>, %arg11: memref<4x!tpu.dma_semaphore, #tpu.memory_space<semaphore_mem>>, %arg12: memref<4x!tpu.dma_semaphore, #tpu.memory_space<semaphore_mem>>) attributes {dimension_semantics = [#tpu.dimension_semantics<core_parallel>, #tpu.dimension_semantics<subcore_parallel>], iteration_bounds = array<i64: 2, 16>, scalar_prefetch = 0 : i64, scratch_operands = 6 : i64, tpu.core_type = #tpu.core_type<sc_vector_subcore>, window_params = [{transform_indices = #map}, {transform_indices = #map}, {transform_indices = #map}, {transform_indices = #map1}, {transform_indices = #map}]} {
    %dma_start3A = arith.constant 0 : i32
    %dma_start3A_0 = arith.constant 0 : i32
    %dma_start3A_1 = arith.constant 0 : i32
    %dma_start3A_2 = tpu.memref_slice %arg3[%arg1, %dma_start3A_0, %dma_start3A_1] : memref<16x160x128xi32, #tpu.memory_space<hbm>> -> memref<1x160x128xi32, #tpu.memory_space<hbm>>
    %dma_start3A_3 = tpu.memref_squeeze %dma_start3A_2 : memref<1x160x128xi32, #tpu.memory_space<hbm>> -> memref<160x128xi32, #tpu.memory_space<hbm>>
    %dma_start3A_4 = tpu.memref_slice %arg11[%dma_start3A] : memref<4x!tpu.dma_semaphore, #tpu.memory_space<semaphore_mem>> -> memref<1x!tpu.dma_semaphore, #tpu.memory_space<semaphore_mem>>
    %dma_start3A_5 = tpu.memref_squeeze %dma_start3A_4 : memref<1x!tpu.dma_semaphore, #tpu.memory_space<semaphore_mem>> -> memref<!tpu.dma_semaphore, #tpu.memory_space<semaphore_mem>>
    %dma_start3A_6 = arith.constant 0 : i32
    %dma_start3A_7 = arith.constant 0 : i32
    %dma_start3A_8 = tpu.memref_slice %arg3[%arg1, %dma_start3A_6, %dma_start3A_7] : memref<16x160x128xi32, #tpu.memory_space<hbm>> -> memref<1x160x128xi32, #tpu.memory_space<hbm>>
    %dma_start3A_9 = tpu.memref_squeeze %dma_start3A_8 : memref<1x160x128xi32, #tpu.memory_space<hbm>> -> memref<160x128xi32, #tpu.memory_space<hbm>>
    tpu.enqueue_dma source(%dma_start3A_9 : memref<160x128xi32, #tpu.memory_space<hbm>>) target(%arg7 : memref<160x128xi32, #tpu.memory_space<vmem>>) target_semaphore(%dma_start3A_5 : memref<!tpu.dma_semaphore, #tpu.memory_space<semaphore_mem>>)
    %dma_start3A_10 = arith.constant 1 : i32
    %dma_start3A_11 = arith.constant 0 : i32
    %dma_start3A_12 = arith.constant 0 : i32
    %dma_start3A_13 = tpu.memref_slice %arg4[%arg1, %dma_start3A_11, %dma_start3A_12] : memref<16x160x128xi32, #tpu.memory_space<hbm>> -> memref<1x160x128xi32, #tpu.memory_space<hbm>>
    %dma_start3A_14 = tpu.memref_squeeze %dma_start3A_13 : memref<1x160x128xi32, #tpu.memory_space<hbm>> -> memref<160x128xi32, #tpu.memory_space<hbm>>
    %dma_start3A_15 = tpu.memref_slice %arg11[%dma_start3A_10] : memref<4x!tpu.dma_semaphore, #tpu.memory_space<semaphore_mem>> -> memref<1x!tpu.dma_semaphore, #tpu.memory_space<semaphore_mem>>
    %dma_start3A_16 = tpu.memref_squeeze %dma_start3A_15 : memref<1x!tpu.dma_semaphore, #tpu.memory_space<semaphore_mem>> -> memref<!tpu.dma_semaphore, #tpu.memory_space<semaphore_mem>>
    %dma_start3A_17 = arith.constant 0 : i32
    %dma_start3A_18 = arith.constant 0 : i32
    %dma_start3A_19 = tpu.memref_slice %arg4[%arg1, %dma_start3A_17, %dma_start3A_18] : memref<16x160x128xi32, #tpu.memory_space<hbm>> -> memref<1x160x128xi32, #tpu.memory_space<hbm>>
    %dma_start3A_20 = tpu.memref_squeeze %dma_start3A_19 : memref<1x160x128xi32, #tpu.memory_space<hbm>> -> memref<160x128xi32, #tpu.memory_space<hbm>>
    tpu.enqueue_dma source(%dma_start3A_20 : memref<160x128xi32, #tpu.memory_space<hbm>>) target(%arg8 : memref<160x128xi32, #tpu.memory_space<vmem>>) target_semaphore(%dma_start3A_16 : memref<!tpu.dma_semaphore, #tpu.memory_space<semaphore_mem>>)
    %run_scoped3A = arith.constant 0 : i32
    "tpu.region"() ({
      %run_scoped3A_781 = tpu.sem_alloc : memref<!tpu.dma_semaphore, #tpu.memory_space<semaphore_mem>>
      %dma_start3A_782 = arith.constant 0 : i32
      %dma_start3A_783 = arith.constant 0 : i32
      %dma_start3A_784 = tpu.memref_slice %arg9[%run_scoped3A, %dma_start3A_782, %dma_start3A_783] : memref<4x128x64xf32, #tpu.memory_space<vmem>> -> memref<1x128x64xf32, #tpu.memory_space<vmem>>
      %dma_start3A_785 = tpu.memref_squeeze %dma_start3A_784 : memref<1x128x64xf32, #tpu.memory_space<vmem>> -> memref<128x64xf32, #tpu.memory_space<vmem>>
      %dma_start3A_786 = arith.constant 0 : i32
      %dma_start3A_787 = arith.constant 0 : i32
      %dma_start3A_788 = tpu.memref_slice %arg9[%run_scoped3A, %dma_start3A_786, %dma_start3A_787] : memref<4x128x64xf32, #tpu.memory_space<vmem>> -> memref<1x128x64xf32, #tpu.memory_space<vmem>>
      %dma_start3A_789 = tpu.memref_squeeze %dma_start3A_788 : memref<1x128x64xf32, #tpu.memory_space<vmem>> -> memref<128x64xf32, #tpu.memory_space<vmem>>
      tpu.enqueue_dma source(%arg5 : memref<128x64xf32, #tpu.memory_space<hbm>>) target(%dma_start3A_789 : memref<128x64xf32, #tpu.memory_space<vmem>>) target_semaphore(%run_scoped3A_781 : memref<!tpu.dma_semaphore, #tpu.memory_space<semaphore_mem>>)
      %dma_wait3A_790 = arith.constant 0 : i32
      %dma_wait3A_791 = arith.constant 0 : i32
      %dma_wait3A_792 = tpu.memref_slice %arg9[%run_scoped3A, %dma_wait3A_790, %dma_wait3A_791] : memref<4x128x64xf32, #tpu.memory_space<vmem>> -> memref<1x128x64xf32, #tpu.memory_space<vmem>>
      %dma_wait3A_793 = tpu.memref_squeeze %dma_wait3A_792 : memref<1x128x64xf32, #tpu.memory_space<vmem>> -> memref<128x64xf32, #tpu.memory_space<vmem>>
      %dma_wait3A_794 = arith.constant 0 : i32
      %dma_wait3A_795 = arith.constant 0 : i32
      %dma_wait3A_796 = tpu.memref_slice %arg9[%run_scoped3A, %dma_wait3A_794, %dma_wait3A_795] : memref<4x128x64xf32, #tpu.memory_space<vmem>> -> memref<1x128x64xf32, #tpu.memory_space<vmem>>
      %dma_wait3A_797 = tpu.memref_squeeze %dma_wait3A_796 : memref<1x128x64xf32, #tpu.memory_space<vmem>> -> memref<128x64xf32, #tpu.memory_space<vmem>>
      tpu.wait_dma2 semaphore(%run_scoped3A_781 : memref<!tpu.dma_semaphore, #tpu.memory_space<semaphore_mem>>) src(%arg5 : memref<128x64xf32, #tpu.memory_space<hbm>>) dst(%dma_wait3A_797 : memref<128x64xf32, #tpu.memory_space<vmem>>)
      tpu.yield
    }) : () -> ()
    %mul3A = arith.constant 640 : i32
    %mul3A_21 = arith.muli %arg1, %mul3A : i32
    %add3A = arith.constant 0 : i32
    %add3A_22 = arith.addi %mul3A_21, %add3A : i32
    %mul3A_23 = arith.constant 640 : i32
    %mul3A_24 = arith.muli %arg1, %mul3A_23 : i32
    %add3A_25 = arith.constant 128 : i32
    %add3A_26 = arith.addi %mul3A_24, %add3A_25 : i32
    %mul3A_27 = arith.constant 640 : i32
    %mul3A_28 = arith.muli %arg1, %mul3A_27 : i32
    %add3A_29 = arith.constant 256 : i32
    %add3A_30 = arith.addi %mul3A_28, %add3A_29 : i32
    %mul3A_31 = arith.constant 640 : i32
    %mul3A_32 = arith.muli %arg1, %mul3A_31 : i32
    %add3A_33 = arith.constant 384 : i32
    %add3A_34 = arith.addi %mul3A_32, %add3A_33 : i32
    %mul3A_35 = arith.constant 640 : i32
    %mul3A_36 = arith.muli %arg1, %mul3A_35 : i32
    %add3A_37 = arith.constant 512 : i32
    %add3A_38 = arith.addi %mul3A_36, %add3A_37 : i32
    %dma_start3A_39 = arith.constant 0 : i32
    %dma_start3A_40 = arith.constant 0 : i32
    %dma_start3A_41 = arith.constant 0 : i32
    %dma_start3A_42 = arith.constant 0 : i32
    %dma_start3A_43 = tpu.memref_slice %arg9[%dma_start3A_39, %dma_start3A_41, %dma_start3A_42] : memref<4x128x64xf32, #tpu.memory_space<vmem>> -> memref<1x128x64xf32, #tpu.memory_space<vmem>>
    %dma_start3A_44 = tpu.memref_squeeze %dma_start3A_43 : memref<1x128x64xf32, #tpu.memory_space<vmem>> -> memref<128x64xf32, #tpu.memory_space<vmem>>
    %dma_start3A_45 = arith.constant 0 : i32
    %dma_start3A_46 = tpu.memref_slice %arg10[%add3A_22, %dma_start3A_45] : memref<10240x64xf32, #tpu.memory_space<vmem_shared>> -> memref<128x64xf32, #tpu.memory_space<vmem_shared>>
    %dma_start3A_47 = tpu.memref_slice %arg12[%dma_start3A_40] : memref<4x!tpu.dma_semaphore, #tpu.memory_space<semaphore_mem>> -> memref<1x!tpu.dma_semaphore, #tpu.memory_space<semaphore_mem>>
    %dma_start3A_48 = tpu.memref_squeeze %dma_start3A_47 : memref<1x!tpu.dma_semaphore, #tpu.memory_space<semaphore_mem>> -> memref<!tpu.dma_semaphore, #tpu.memory_space<semaphore_mem>>
    %dma_start3A_49 = arith.constant 0 : i32
    %dma_start3A_50 = tpu.memref_slice %arg10[%add3A_22, %dma_start3A_49] : memref<10240x64xf32, #tpu.memory_space<vmem_shared>> -> memref<128x64xf32, #tpu.memory_space<vmem_shared>>
    %dma_start3A_51 = arith.constant 0 : i32
    %dma_start3A_52 = arith.constant 0 : i32
    %dma_start3A_53 = tpu.memref_slice %arg9[%dma_start3A_39, %dma_start3A_51, %dma_start3A_52] : memref<4x128x64xf32, #tpu.memory_space<vmem>> -> memref<1x128x64xf32, #tpu.memory_space<vmem>>
    %dma_start3A_54 = tpu.memref_squeeze %dma_start3A_53 : memref<1x128x64xf32, #tpu.memory_space<vmem>> -> memref<128x64xf32, #tpu.memory_space<vmem>>
    tpu.enqueue_dma source(%dma_start3A_54 : memref<128x64xf32, #tpu.memory_space<vmem>>) target(%dma_start3A_50 : memref<128x64xf32, #tpu.memory_space<vmem_shared>>) target_semaphore(%dma_start3A_48 : memref<!tpu.dma_semaphore, #tpu.memory_space<semaphore_mem>>)
    %dma_start3A_55 = arith.constant 0 : i32
    %dma_start3A_56 = arith.constant 1 : i32
    %dma_start3A_57 = arith.constant 0 : i32
    %dma_start3A_58 = arith.constant 0 : i32
    %dma_start3A_59 = tpu.memref_slice %arg9[%dma_start3A_55, %dma_start3A_57, %dma_start3A_58] : memref<4x128x64xf32, #tpu.memory_space<vmem>> -> memref<1x128x64xf32, #tpu.memory_space<vmem>>
    %dma_start3A_60 = tpu.memref_squeeze %dma_start3A_59 : memref<1x128x64xf32, #tpu.memory_space<vmem>> -> memref<128x64xf32, #tpu.memory_space<vmem>>
    %dma_start3A_61 = arith.constant 0 : i32
    %dma_start3A_62 = tpu.memref_slice %arg10[%add3A_26, %dma_start3A_61] : memref<10240x64xf32, #tpu.memory_space<vmem_shared>> -> memref<128x64xf32, #tpu.memory_space<vmem_shared>>
    %dma_start3A_63 = tpu.memref_slice %arg12[%dma_start3A_56] : memref<4x!tpu.dma_semaphore, #tpu.memory_space<semaphore_mem>> -> memref<1x!tpu.dma_semaphore, #tpu.memory_space<semaphore_mem>>
    %dma_start3A_64 = tpu.memref_squeeze %dma_start3A_63 : memref<1x!tpu.dma_semaphore, #tpu.memory_space<semaphore_mem>> -> memref<!tpu.dma_semaphore, #tpu.memory_space<semaphore_mem>>
    %dma_start3A_65 = arith.constant 0 : i32
    %dma_start3A_66 = tpu.memref_slice %arg10[%add3A_26, %dma_start3A_65] : memref<10240x64xf32, #tpu.memory_space<vmem_shared>> -> memref<128x64xf32, #tpu.memory_space<vmem_shared>>
    %dma_start3A_67 = arith.constant 0 : i32
    %dma_start3A_68 = arith.constant 0 : i32
    %dma_start3A_69 = tpu.memref_slice %arg9[%dma_start3A_55, %dma_start3A_67, %dma_start3A_68] : memref<4x128x64xf32, #tpu.memory_space<vmem>> -> memref<1x128x64xf32, #tpu.memory_space<vmem>>
    %dma_start3A_70 = tpu.memref_squeeze %dma_start3A_69 : memref<1x128x64xf32, #tpu.memory_space<vmem>> -> memref<128x64xf32, #tpu.memory_space<vmem>>
    tpu.enqueue_dma source(%dma_start3A_70 : memref<128x64xf32, #tpu.memory_space<vmem>>) target(%dma_start3A_66 : memref<128x64xf32, #tpu.memory_space<vmem_shared>>) target_semaphore(%dma_start3A_64 : memref<!tpu.dma_semaphore, #tpu.memory_space<semaphore_mem>>)
    %dma_start3A_71 = arith.constant 0 : i32
    %dma_start3A_72 = arith.constant 2 : i32
    %dma_start3A_73 = arith.constant 0 : i32
    %dma_start3A_74 = arith.constant 0 : i32
    %dma_start3A_75 = tpu.memref_slice %arg9[%dma_start3A_71, %dma_start3A_73, %dma_start3A_74] : memref<4x128x64xf32, #tpu.memory_space<vmem>> -> memref<1x128x64xf32, #tpu.memory_space<vmem>>
    %dma_start3A_76 = tpu.memref_squeeze %dma_start3A_75 : memref<1x128x64xf32, #tpu.memory_space<vmem>> -> memref<128x64xf32, #tpu.memory_space<vmem>>
    %dma_start3A_77 = arith.constant 0 : i32
    %dma_start3A_78 = tpu.memref_slice %arg10[%add3A_30, %dma_start3A_77] : memref<10240x64xf32, #tpu.memory_space<vmem_shared>> -> memref<128x64xf32, #tpu.memory_space<vmem_shared>>
    %dma_start3A_79 = tpu.memref_slice %arg12[%dma_start3A_72] : memref<4x!tpu.dma_semaphore, #tpu.memory_space<semaphore_mem>> -> memref<1x!tpu.dma_semaphore, #tpu.memory_space<semaphore_mem>>
    %dma_start3A_80 = tpu.memref_squeeze %dma_start3A_79 : memref<1x!tpu.dma_semaphore, #tpu.memory_space<semaphore_mem>> -> memref<!tpu.dma_semaphore, #tpu.memory_space<semaphore_mem>>
    %dma_start3A_81 = arith.constant 0 : i32
    %dma_start3A_82 = tpu.memref_slice %arg10[%add3A_30, %dma_start3A_81] : memref<10240x64xf32, #tpu.memory_space<vmem_shared>> -> memref<128x64xf32, #tpu.memory_space<vmem_shared>>
    %dma_start3A_83 = arith.constant 0 : i32
    %dma_start3A_84 = arith.constant 0 : i32
    %dma_start3A_85 = tpu.memref_slice %arg9[%dma_start3A_71, %dma_start3A_83, %dma_start3A_84] : memref<4x128x64xf32, #tpu.memory_space<vmem>> -> memref<1x128x64xf32, #tpu.memory_space<vmem>>
    %dma_start3A_86 = tpu.memref_squeeze %dma_start3A_85 : memref<1x128x64xf32, #tpu.memory_space<vmem>> -> memref<128x64xf32, #tpu.memory_space<vmem>>
    tpu.enqueue_dma source(%dma_start3A_86 : memref<128x64xf32, #tpu.memory_space<vmem>>) target(%dma_start3A_82 : memref<128x64xf32, #tpu.memory_space<vmem_shared>>) target_semaphore(%dma_start3A_80 : memref<!tpu.dma_semaphore, #tpu.memory_space<semaphore_mem>>)
    %dma_start3A_87 = arith.constant 0 : i32
    %dma_start3A_88 = arith.constant 3 : i32
    %dma_start3A_89 = arith.constant 0 : i32
    %dma_start3A_90 = arith.constant 0 : i32
    %dma_start3A_91 = tpu.memref_slice %arg9[%dma_start3A_87, %dma_start3A_89, %dma_start3A_90] : memref<4x128x64xf32, #tpu.memory_space<vmem>> -> memref<1x128x64xf32, #tpu.memory_space<vmem>>
    %dma_start3A_92 = tpu.memref_squeeze %dma_start3A_91 : memref<1x128x64xf32, #tpu.memory_space<vmem>> -> memref<128x64xf32, #tpu.memory_space<vmem>>
    %dma_start3A_93 = arith.constant 0 : i32
    %dma_start3A_94 = tpu.memref_slice %arg10[%add3A_34, %dma_start3A_93] : memref<10240x64xf32, #tpu.memory_space<vmem_shared>> -> memref<128x64xf32, #tpu.memory_space<vmem_shared>>
    %dma_start3A_95 = tpu.memref_slice %arg12[%dma_start3A_88] : memref<4x!tpu.dma_semaphore, #tpu.memory_space<semaphore_mem>> -> memref<1x!tpu.dma_semaphore, #tpu.memory_space<semaphore_mem>>
    %dma_start3A_96 = tpu.memref_squeeze %dma_start3A_95 : memref<1x!tpu.dma_semaphore, #tpu.memory_space<semaphore_mem>> -> memref<!tpu.dma_semaphore, #tpu.memory_space<semaphore_mem>>
    %dma_start3A_97 = arith.constant 0 : i32
    %dma_start3A_98 = tpu.memref_slice %arg10[%add3A_34, %dma_start3A_97] : memref<10240x64xf32, #tpu.memory_space<vmem_shared>> -> memref<128x64xf32, #tpu.memory_space<vmem_shared>>
    %dma_start3A_99 = arith.constant 0 : i32
    %dma_start3A_100 = arith.constant 0 : i32
    %dma_start3A_101 = tpu.memref_slice %arg9[%dma_start3A_87, %dma_start3A_99, %dma_start3A_100] : memref<4x128x64xf32, #tpu.memory_space<vmem>> -> memref<1x128x64xf32, #tpu.memory_space<vmem>>
    %dma_start3A_102 = tpu.memref_squeeze %dma_start3A_101 : memref<1x128x64xf32, #tpu.memory_space<vmem>> -> memref<128x64xf32, #tpu.memory_space<vmem>>
    tpu.enqueue_dma source(%dma_start3A_102 : memref<128x64xf32, #tpu.memory_space<vmem>>) target(%dma_start3A_98 : memref<128x64xf32, #tpu.memory_space<vmem_shared>>) target_semaphore(%dma_start3A_96 : memref<!tpu.dma_semaphore, #tpu.memory_space<semaphore_mem>>)
    %dma_start3A_103 = arith.constant 0 : i32
    %dma_start3A_104 = arith.constant 0 : i32
    %dma_start3A_105 = arith.constant 0 : i32
    %dma_start3A_106 = arith.constant 0 : i32
    %dma_start3A_107 = tpu.memref_slice %arg9[%dma_start3A_103, %dma_start3A_105, %dma_start3A_106] : memref<4x128x64xf32, #tpu.memory_space<vmem>> -> memref<1x128x64xf32, #tpu.memory_space<vmem>>
    %dma_start3A_108 = tpu.memref_squeeze %dma_start3A_107 : memref<1x128x64xf32, #tpu.memory_space<vmem>> -> memref<128x64xf32, #tpu.memory_space<vmem>>
    %dma_start3A_109 = arith.constant 0 : i32
    %dma_start3A_110 = tpu.memref_slice %arg10[%add3A_38, %dma_start3A_109] : memref<10240x64xf32, #tpu.memory_space<vmem_shared>> -> memref<128x64xf32, #tpu.memory_space<vmem_shared>>
    %dma_start3A_111 = tpu.memref_slice %arg12[%dma_start3A_104] : memref<4x!tpu.dma_semaphore, #tpu.memory_space<semaphore_mem>> -> memref<1x!tpu.dma_semaphore, #tpu.memory_space<semaphore_mem>>
    %dma_start3A_112 = tpu.memref_squeeze %dma_start3A_111 : memref<1x!tpu.dma_semaphore, #tpu.memory_space<semaphore_mem>> -> memref<!tpu.dma_semaphore, #tpu.memory_space<semaphore_mem>>
    %dma_start3A_113 = arith.constant 0 : i32
    %dma_start3A_114 = tpu.memref_slice %arg10[%add3A_38, %dma_start3A_113] : memref<10240x64xf32, #tpu.memory_space<vmem_shared>> -> memref<128x64xf32, #tpu.memory_space<vmem_shared>>
    %dma_start3A_115 = arith.constant 0 : i32
    %dma_start3A_116 = arith.constant 0 : i32
    %dma_start3A_117 = tpu.memref_slice %arg9[%dma_start3A_103, %dma_start3A_115, %dma_start3A_116] : memref<4x128x64xf32, #tpu.memory_space<vmem>> -> memref<1x128x64xf32, #tpu.memory_space<vmem>>
    %dma_start3A_118 = tpu.memref_squeeze %dma_start3A_117 : memref<1x128x64xf32, #tpu.memory_space<vmem>> -> memref<128x64xf32, #tpu.memory_space<vmem>>
    tpu.enqueue_dma source(%dma_start3A_118 : memref<128x64xf32, #tpu.memory_space<vmem>>) target(%dma_start3A_114 : memref<128x64xf32, #tpu.memory_space<vmem_shared>>) target_semaphore(%dma_start3A_112 : memref<!tpu.dma_semaphore, #tpu.memory_space<semaphore_mem>>)
    %dma_wait3A = arith.constant 0 : i32
    %dma_wait3A_119 = arith.constant 0 : i32
    %dma_wait3A_120 = arith.constant 0 : i32
    %dma_wait3A_121 = arith.constant 0 : i32
    %dma_wait3A_122 = tpu.memref_slice %arg9[%dma_wait3A, %dma_wait3A_120, %dma_wait3A_121] : memref<4x128x64xf32, #tpu.memory_space<vmem>> -> memref<1x128x64xf32, #tpu.memory_space<vmem>>
    %dma_wait3A_123 = tpu.memref_squeeze %dma_wait3A_122 : memref<1x128x64xf32, #tpu.memory_space<vmem>> -> memref<128x64xf32, #tpu.memory_space<vmem>>
    %dma_wait3A_124 = arith.constant 0 : i32
    %dma_wait3A_125 = tpu.memref_slice %arg10[%add3A_22, %dma_wait3A_124] : memref<10240x64xf32, #tpu.memory_space<vmem_shared>> -> memref<128x64xf32, #tpu.memory_space<vmem_shared>>
    %dma_wait3A_126 = tpu.memref_slice %arg12[%dma_wait3A_119] : memref<4x!tpu.dma_semaphore, #tpu.memory_space<semaphore_mem>> -> memref<1x!tpu.dma_semaphore, #tpu.memory_space<semaphore_mem>>
    %dma_wait3A_127 = tpu.memref_squeeze %dma_wait3A_126 : memref<1x!tpu.dma_semaphore, #tpu.memory_space<semaphore_mem>> -> memref<!tpu.dma_semaphore, #tpu.memory_space<semaphore_mem>>
    %dma_wait3A_128 = arith.constant 0 : i32
    %dma_wait3A_129 = tpu.memref_slice %arg10[%add3A_22, %dma_wait3A_128] : memref<10240x64xf32, #tpu.memory_space<vmem_shared>> -> memref<128x64xf32, #tpu.memory_space<vmem_shared>>
    %dma_wait3A_130 = arith.constant 0 : i32
    %dma_wait3A_131 = arith.constant 0 : i32
    %dma_wait3A_132 = tpu.memref_slice %arg9[%dma_wait3A, %dma_wait3A_130, %dma_wait3A_131] : memref<4x128x64xf32, #tpu.memory_space<vmem>> -> memref<1x128x64xf32, #tpu.memory_space<vmem>>
    %dma_wait3A_133 = tpu.memref_squeeze %dma_wait3A_132 : memref<1x128x64xf32, #tpu.memory_space<vmem>> -> memref<128x64xf32, #tpu.memory_space<vmem>>
    tpu.wait_dma2 semaphore(%dma_wait3A_127 : memref<!tpu.dma_semaphore, #tpu.memory_space<semaphore_mem>>) src(%dma_wait3A_133 : memref<128x64xf32, #tpu.memory_space<vmem>>) dst(%dma_wait3A_129 : memref<128x64xf32, #tpu.memory_space<vmem_shared>>)
    %dma_wait3A_134 = arith.constant 0 : i32
    %dma_wait3A_135 = arith.constant 1 : i32
    %dma_wait3A_136 = arith.constant 0 : i32
    %dma_wait3A_137 = arith.constant 0 : i32
    %dma_wait3A_138 = tpu.memref_slice %arg9[%dma_wait3A_134, %dma_wait3A_136, %dma_wait3A_137] : memref<4x128x64xf32, #tpu.memory_space<vmem>> -> memref<1x128x64xf32, #tpu.memory_space<vmem>>
    %dma_wait3A_139 = tpu.memref_squeeze %dma_wait3A_138 : memref<1x128x64xf32, #tpu.memory_space<vmem>> -> memref<128x64xf32, #tpu.memory_space<vmem>>
    %dma_wait3A_140 = arith.constant 0 : i32
    %dma_wait3A_141 = tpu.memref_slice %arg10[%add3A_26, %dma_wait3A_140] : memref<10240x64xf32, #tpu.memory_space<vmem_shared>> -> memref<128x64xf32, #tpu.memory_space<vmem_shared>>
    %dma_wait3A_142 = tpu.memref_slice %arg12[%dma_wait3A_135] : memref<4x!tpu.dma_semaphore, #tpu.memory_space<semaphore_mem>> -> memref<1x!tpu.dma_semaphore, #tpu.memory_space<semaphore_mem>>
    %dma_wait3A_143 = tpu.memref_squeeze %dma_wait3A_142 : memref<1x!tpu.dma_semaphore, #tpu.memory_space<semaphore_mem>> -> memref<!tpu.dma_semaphore, #tpu.memory_space<semaphore_mem>>
    %dma_wait3A_144 = arith.constant 0 : i32
    %dma_wait3A_145 = tpu.memref_slice %arg10[%add3A_26, %dma_wait3A_144] : memref<10240x64xf32, #tpu.memory_space<vmem_shared>> -> memref<128x64xf32, #tpu.memory_space<vmem_shared>>
    %dma_wait3A_146 = arith.constant 0 : i32
    %dma_wait3A_147 = arith.constant 0 : i32
    %dma_wait3A_148 = tpu.memref_slice %arg9[%dma_wait3A_134, %dma_wait3A_146, %dma_wait3A_147] : memref<4x128x64xf32, #tpu.memory_space<vmem>> -> memref<1x128x64xf32, #tpu.memory_space<vmem>>
    %dma_wait3A_149 = tpu.memref_squeeze %dma_wait3A_148 : memref<1x128x64xf32, #tpu.memory_space<vmem>> -> memref<128x64xf32, #tpu.memory_space<vmem>>
    tpu.wait_dma2 semaphore(%dma_wait3A_143 : memref<!tpu.dma_semaphore, #tpu.memory_space<semaphore_mem>>) src(%dma_wait3A_149 : memref<128x64xf32, #tpu.memory_space<vmem>>) dst(%dma_wait3A_145 : memref<128x64xf32, #tpu.memory_space<vmem_shared>>)
    %dma_wait3A_150 = arith.constant 0 : i32
    %dma_wait3A_151 = arith.constant 2 : i32
    %dma_wait3A_152 = arith.constant 0 : i32
    %dma_wait3A_153 = arith.constant 0 : i32
    %dma_wait3A_154 = tpu.memref_slice %arg9[%dma_wait3A_150, %dma_wait3A_152, %dma_wait3A_153] : memref<4x128x64xf32, #tpu.memory_space<vmem>> -> memref<1x128x64xf32, #tpu.memory_space<vmem>>
    %dma_wait3A_155 = tpu.memref_squeeze %dma_wait3A_154 : memref<1x128x64xf32, #tpu.memory_space<vmem>> -> memref<128x64xf32, #tpu.memory_space<vmem>>
    %dma_wait3A_156 = arith.constant 0 : i32
    %dma_wait3A_157 = tpu.memref_slice %arg10[%add3A_30, %dma_wait3A_156] : memref<10240x64xf32, #tpu.memory_space<vmem_shared>> -> memref<128x64xf32, #tpu.memory_space<vmem_shared>>
    %dma_wait3A_158 = tpu.memref_slice %arg12[%dma_wait3A_151] : memref<4x!tpu.dma_semaphore, #tpu.memory_space<semaphore_mem>> -> memref<1x!tpu.dma_semaphore, #tpu.memory_space<semaphore_mem>>
    %dma_wait3A_159 = tpu.memref_squeeze %dma_wait3A_158 : memref<1x!tpu.dma_semaphore, #tpu.memory_space<semaphore_mem>> -> memref<!tpu.dma_semaphore, #tpu.memory_space<semaphore_mem>>
    %dma_wait3A_160 = arith.constant 0 : i32
    %dma_wait3A_161 = tpu.memref_slice %arg10[%add3A_30, %dma_wait3A_160] : memref<10240x64xf32, #tpu.memory_space<vmem_shared>> -> memref<128x64xf32, #tpu.memory_space<vmem_shared>>
    %dma_wait3A_162 = arith.constant 0 : i32
    %dma_wait3A_163 = arith.constant 0 : i32
    %dma_wait3A_164 = tpu.memref_slice %arg9[%dma_wait3A_150, %dma_wait3A_162, %dma_wait3A_163] : memref<4x128x64xf32, #tpu.memory_space<vmem>> -> memref<1x128x64xf32, #tpu.memory_space<vmem>>
    %dma_wait3A_165 = tpu.memref_squeeze %dma_wait3A_164 : memref<1x128x64xf32, #tpu.memory_space<vmem>> -> memref<128x64xf32, #tpu.memory_space<vmem>>
    tpu.wait_dma2 semaphore(%dma_wait3A_159 : memref<!tpu.dma_semaphore, #tpu.memory_space<semaphore_mem>>) src(%dma_wait3A_165 : memref<128x64xf32, #tpu.memory_space<vmem>>) dst(%dma_wait3A_161 : memref<128x64xf32, #tpu.memory_space<vmem_shared>>)
    %dma_wait3A_166 = arith.constant 0 : i32
    %dma_wait3A_167 = arith.constant 3 : i32
    %dma_wait3A_168 = arith.constant 0 : i32
    %dma_wait3A_169 = arith.constant 0 : i32
    %dma_wait3A_170 = tpu.memref_slice %arg9[%dma_wait3A_166, %dma_wait3A_168, %dma_wait3A_169] : memref<4x128x64xf32, #tpu.memory_space<vmem>> -> memref<1x128x64xf32, #tpu.memory_space<vmem>>
    %dma_wait3A_171 = tpu.memref_squeeze %dma_wait3A_170 : memref<1x128x64xf32, #tpu.memory_space<vmem>> -> memref<128x64xf32, #tpu.memory_space<vmem>>
    %dma_wait3A_172 = arith.constant 0 : i32
    %dma_wait3A_173 = tpu.memref_slice %arg10[%add3A_34, %dma_wait3A_172] : memref<10240x64xf32, #tpu.memory_space<vmem_shared>> -> memref<128x64xf32, #tpu.memory_space<vmem_shared>>
    %dma_wait3A_174 = tpu.memref_slice %arg12[%dma_wait3A_167] : memref<4x!tpu.dma_semaphore, #tpu.memory_space<semaphore_mem>> -> memref<1x!tpu.dma_semaphore, #tpu.memory_space<semaphore_mem>>
    %dma_wait3A_175 = tpu.memref_squeeze %dma_wait3A_174 : memref<1x!tpu.dma_semaphore, #tpu.memory_space<semaphore_mem>> -> memref<!tpu.dma_semaphore, #tpu.memory_space<semaphore_mem>>
    %dma_wait3A_176 = arith.constant 0 : i32
    %dma_wait3A_177 = tpu.memref_slice %arg10[%add3A_34, %dma_wait3A_176] : memref<10240x64xf32, #tpu.memory_space<vmem_shared>> -> memref<128x64xf32, #tpu.memory_space<vmem_shared>>
    %dma_wait3A_178 = arith.constant 0 : i32
    %dma_wait3A_179 = arith.constant 0 : i32
    %dma_wait3A_180 = tpu.memref_slice %arg9[%dma_wait3A_166, %dma_wait3A_178, %dma_wait3A_179] : memref<4x128x64xf32, #tpu.memory_space<vmem>> -> memref<1x128x64xf32, #tpu.memory_space<vmem>>
    %dma_wait3A_181 = tpu.memref_squeeze %dma_wait3A_180 : memref<1x128x64xf32, #tpu.memory_space<vmem>> -> memref<128x64xf32, #tpu.memory_space<vmem>>
    tpu.wait_dma2 semaphore(%dma_wait3A_175 : memref<!tpu.dma_semaphore, #tpu.memory_space<semaphore_mem>>) src(%dma_wait3A_181 : memref<128x64xf32, #tpu.memory_space<vmem>>) dst(%dma_wait3A_177 : memref<128x64xf32, #tpu.memory_space<vmem_shared>>)
    %dma_wait3A_182 = arith.constant 0 : i32
    %dma_wait3A_183 = arith.constant 0 : i32
    %dma_wait3A_184 = arith.constant 0 : i32
    %dma_wait3A_185 = arith.constant 0 : i32
    %dma_wait3A_186 = tpu.memref_slice %arg9[%dma_wait3A_182, %dma_wait3A_184, %dma_wait3A_185] : memref<4x128x64xf32, #tpu.memory_space<vmem>> -> memref<1x128x64xf32, #tpu.memory_space<vmem>>
    %dma_wait3A_187 = tpu.memref_squeeze %dma_wait3A_186 : memref<1x128x64xf32, #tpu.memory_space<vmem>> -> memref<128x64xf32, #tpu.memory_space<vmem>>
    %dma_wait3A_188 = arith.constant 0 : i32
    %dma_wait3A_189 = tpu.memref_slice %arg10[%add3A_38, %dma_wait3A_188] : memref<10240x64xf32, #tpu.memory_space<vmem_shared>> -> memref<128x64xf32, #tpu.memory_space<vmem_shared>>
    %dma_wait3A_190 = tpu.memref_slice %arg12[%dma_wait3A_183] : memref<4x!tpu.dma_semaphore, #tpu.memory_space<semaphore_mem>> -> memref<1x!tpu.dma_semaphore, #tpu.memory_space<semaphore_mem>>
    %dma_wait3A_191 = tpu.memref_squeeze %dma_wait3A_190 : memref<1x!tpu.dma_semaphore, #tpu.memory_space<semaphore_mem>> -> memref<!tpu.dma_semaphore, #tpu.memory_space<semaphore_mem>>
    %dma_wait3A_192 = arith.constant 0 : i32
    %dma_wait3A_193 = tpu.memref_slice %arg10[%add3A_38, %dma_wait3A_192] : memref<10240x64xf32, #tpu.memory_space<vmem_shared>> -> memref<128x64xf32, #tpu.memory_space<vmem_shared>>
    %dma_wait3A_194 = arith.constant 0 : i32
    %dma_wait3A_195 = arith.constant 0 : i32
    %dma_wait3A_196 = tpu.memref_slice %arg9[%dma_wait3A_182, %dma_wait3A_194, %dma_wait3A_195] : memref<4x128x64xf32, #tpu.memory_space<vmem>> -> memref<1x128x64xf32, #tpu.memory_space<vmem>>
    %dma_wait3A_197 = tpu.memref_squeeze %dma_wait3A_196 : memref<1x128x64xf32, #tpu.memory_space<vmem>> -> memref<128x64xf32, #tpu.memory_space<vmem>>
    tpu.wait_dma2 semaphore(%dma_wait3A_191 : memref<!tpu.dma_semaphore, #tpu.memory_space<semaphore_mem>>) src(%dma_wait3A_197 : memref<128x64xf32, #tpu.memory_space<vmem>>) dst(%dma_wait3A_193 : memref<128x64xf32, #tpu.memory_space<vmem_shared>>)
    %dma_wait3A_198 = arith.constant 0 : i32
    %dma_wait3A_199 = arith.constant 0 : i32
    %dma_wait3A_200 = arith.constant 0 : i32
    %dma_wait3A_201 = tpu.memref_slice %arg3[%arg1, %dma_wait3A_199, %dma_wait3A_200] : memref<16x160x128xi32, #tpu.memory_space<hbm>> -> memref<1x160x128xi32, #tpu.memory_space<hbm>>
    %dma_wait3A_202 = tpu.memref_squeeze %dma_wait3A_201 : memref<1x160x128xi32, #tpu.memory_space<hbm>> -> memref<160x128xi32, #tpu.memory_space<hbm>>
    %dma_wait3A_203 = tpu.memref_slice %arg11[%dma_wait3A_198] : memref<4x!tpu.dma_semaphore, #tpu.memory_space<semaphore_mem>> -> memref<1x!tpu.dma_semaphore, #tpu.memory_space<semaphore_mem>>
    %dma_wait3A_204 = tpu.memref_squeeze %dma_wait3A_203 : memref<1x!tpu.dma_semaphore, #tpu.memory_space<semaphore_mem>> -> memref<!tpu.dma_semaphore, #tpu.memory_space<semaphore_mem>>
    %dma_wait3A_205 = arith.constant 0 : i32
    %dma_wait3A_206 = arith.constant 0 : i32
    %dma_wait3A_207 = tpu.memref_slice %arg3[%arg1, %dma_wait3A_205, %dma_wait3A_206] : memref<16x160x128xi32, #tpu.memory_space<hbm>> -> memref<1x160x128xi32, #tpu.memory_space<hbm>>
    %dma_wait3A_208 = tpu.memref_squeeze %dma_wait3A_207 : memref<1x160x128xi32, #tpu.memory_space<hbm>> -> memref<160x128xi32, #tpu.memory_space<hbm>>
    tpu.wait_dma2 semaphore(%dma_wait3A_204 : memref<!tpu.dma_semaphore, #tpu.memory_space<semaphore_mem>>) src(%dma_wait3A_208 : memref<160x128xi32, #tpu.memory_space<hbm>>) dst(%arg7 : memref<160x128xi32, #tpu.memory_space<vmem>>)
    %dma_wait3A_209 = arith.constant 1 : i32
    %dma_wait3A_210 = arith.constant 0 : i32
    %dma_wait3A_211 = arith.constant 0 : i32
    %dma_wait3A_212 = tpu.memref_slice %arg4[%arg1, %dma_wait3A_210, %dma_wait3A_211] : memref<16x160x128xi32, #tpu.memory_space<hbm>> -> memref<1x160x128xi32, #tpu.memory_space<hbm>>
    %dma_wait3A_213 = tpu.memref_squeeze %dma_wait3A_212 : memref<1x160x128xi32, #tpu.memory_space<hbm>> -> memref<160x128xi32, #tpu.memory_space<hbm>>
    %dma_wait3A_214 = tpu.memref_slice %arg11[%dma_wait3A_209] : memref<4x!tpu.dma_semaphore, #tpu.memory_space<semaphore_mem>> -> memref<1x!tpu.dma_semaphore, #tpu.memory_space<semaphore_mem>>
    %dma_wait3A_215 = tpu.memref_squeeze %dma_wait3A_214 : memref<1x!tpu.dma_semaphore, #tpu.memory_space<semaphore_mem>> -> memref<!tpu.dma_semaphore, #tpu.memory_space<semaphore_mem>>
    %dma_wait3A_216 = arith.constant 0 : i32
    %dma_wait3A_217 = arith.constant 0 : i32
    %dma_wait3A_218 = tpu.memref_slice %arg4[%arg1, %dma_wait3A_216, %dma_wait3A_217] : memref<16x160x128xi32, #tpu.memory_space<hbm>> -> memref<1x160x128xi32, #tpu.memory_space<hbm>>
    %dma_wait3A_219 = tpu.memref_squeeze %dma_wait3A_218 : memref<1x160x128xi32, #tpu.memory_space<hbm>> -> memref<160x128xi32, #tpu.memory_space<hbm>>
    tpu.wait_dma2 semaphore(%dma_wait3A_215 : memref<!tpu.dma_semaphore, #tpu.memory_space<semaphore_mem>>) src(%dma_wait3A_219 : memref<160x128xi32, #tpu.memory_space<hbm>>) dst(%arg8 : memref<160x128xi32, #tpu.memory_space<vmem>>)
    %barrier3A = arith.constant 0 : index
    tpu.barrier barrier_id(%barrier3A)
    %dma_start3A_220 = arith.constant 0 : i32
    %dma_start3A_221 = arith.constant 0 : i32
    %dma_start3A_222 = arith.constant 0 : i32
    %dma_start3A_223 = arith.constant 0 : i32
    %dma_start3A_224 = arith.constant 0 : i32
    %dma_start3A_225 = tpu.memref_slice %arg9[%dma_start3A_221, %dma_start3A_223, %dma_start3A_224] : memref<4x128x64xf32, #tpu.memory_space<vmem>> -> memref<1x128x64xf32, #tpu.memory_space<vmem>>
    %dma_start3A_226 = tpu.memref_squeeze %dma_start3A_225 : memref<1x128x64xf32, #tpu.memory_space<vmem>> -> memref<128x64xf32, #tpu.memory_space<vmem>>
    %dma_start3A_227 = arith.constant 0 : i32
    %dma_start3A_228 = tpu.memref_slice %arg7[%dma_start3A_220, %dma_start3A_227] : memref<160x128xi32, #tpu.memory_space<vmem>> -> memref<1x128xi32, #tpu.memory_space<vmem>>
    %dma_start3A_229 = tpu.memref_squeeze %dma_start3A_228 : memref<1x128xi32, #tpu.memory_space<vmem>> -> memref<128xi32, #tpu.memory_space<vmem>>
    %dma_start3A_230 = arith.constant 0 : i32
    %dma_start3A_231 = arith.constant 0 : i32
    %dma_start3A_232 = tpu.memref_slice %arg2[%arg0, %dma_start3A_230, %dma_start3A_231] : memref<2x10000x64xf32, #tpu.memory_space<hbm>> -> memref<1x10000x64xf32, #tpu.memory_space<hbm>>
    %dma_start3A_233 = tpu.memref_squeeze %dma_start3A_232 : memref<1x10000x64xf32, #tpu.memory_space<hbm>> -> memref<10000x64xf32, #tpu.memory_space<hbm>>
    %dma_start3A_234 = arith.constant 0 : i32
    %dma_start3A_235 = arith.constant 0 : i32
    %dma_start3A_236 = tpu.memref_slice %dma_start3A_233[%dma_start3A_234, %dma_start3A_235] : memref<10000x64xf32, #tpu.memory_space<hbm>> -> memref<10000x64xf32, #tpu.memory_space<hbm>>
    %dma_start3A_237 = tpu.memref_slice %arg11[%dma_start3A_222] : memref<4x!tpu.dma_semaphore, #tpu.memory_space<semaphore_mem>> -> memref<1x!tpu.dma_semaphore, #tpu.memory_space<semaphore_mem>>
    %dma_start3A_238 = tpu.memref_squeeze %dma_start3A_237 : memref<1x!tpu.dma_semaphore, #tpu.memory_space<semaphore_mem>> -> memref<!tpu.dma_semaphore, #tpu.memory_space<semaphore_mem>>
    tpu.enqueue_indirect_dma source(%dma_start3A_236 : memref<10000x64xf32, #tpu.memory_space<hbm>>) target(%dma_start3A_226 : memref<128x64xf32, #tpu.memory_space<vmem>>) offsets(%dma_start3A_229 : memref<128xi32, #tpu.memory_space<vmem>>) semaphore(%dma_start3A_238 : memref<!tpu.dma_semaphore, #tpu.memory_space<semaphore_mem>>)
    %dma_start3A_239 = arith.constant 1 : i32
    %dma_start3A_240 = arith.constant 1 : i32
    %dma_start3A_241 = arith.constant 1 : i32
    %dma_start3A_242 = arith.constant 0 : i32
    %dma_start3A_243 = arith.constant 0 : i32
    %dma_start3A_244 = tpu.memref_slice %arg9[%dma_start3A_240, %dma_start3A_242, %dma_start3A_243] : memref<4x128x64xf32, #tpu.memory_space<vmem>> -> memref<1x128x64xf32, #tpu.memory_space<vmem>>
    %dma_start3A_245 = tpu.memref_squeeze %dma_start3A_244 : memref<1x128x64xf32, #tpu.memory_space<vmem>> -> memref<128x64xf32, #tpu.memory_space<vmem>>
    %dma_start3A_246 = arith.constant 0 : i32
    %dma_start3A_247 = tpu.memref_slice %arg7[%dma_start3A_239, %dma_start3A_246] : memref<160x128xi32, #tpu.memory_space<vmem>> -> memref<1x128xi32, #tpu.memory_space<vmem>>
    %dma_start3A_248 = tpu.memref_squeeze %dma_start3A_247 : memref<1x128xi32, #tpu.memory_space<vmem>> -> memref<128xi32, #tpu.memory_space<vmem>>
    %dma_start3A_249 = arith.constant 0 : i32
    %dma_start3A_250 = arith.constant 0 : i32
    %dma_start3A_251 = tpu.memref_slice %arg2[%arg0, %dma_start3A_249, %dma_start3A_250] : memref<2x10000x64xf32, #tpu.memory_space<hbm>> -> memref<1x10000x64xf32, #tpu.memory_space<hbm>>
    %dma_start3A_252 = tpu.memref_squeeze %dma_start3A_251 : memref<1x10000x64xf32, #tpu.memory_space<hbm>> -> memref<10000x64xf32, #tpu.memory_space<hbm>>
    %dma_start3A_253 = arith.constant 0 : i32
    %dma_start3A_254 = arith.constant 0 : i32
    %dma_start3A_255 = tpu.memref_slice %dma_start3A_252[%dma_start3A_253, %dma_start3A_254] : memref<10000x64xf32, #tpu.memory_space<hbm>> -> memref<10000x64xf32, #tpu.memory_space<hbm>>
    %dma_start3A_256 = tpu.memref_slice %arg11[%dma_start3A_241] : memref<4x!tpu.dma_semaphore, #tpu.memory_space<semaphore_mem>> -> memref<1x!tpu.dma_semaphore, #tpu.memory_space<semaphore_mem>>
    %dma_start3A_257 = tpu.memref_squeeze %dma_start3A_256 : memref<1x!tpu.dma_semaphore, #tpu.memory_space<semaphore_mem>> -> memref<!tpu.dma_semaphore, #tpu.memory_space<semaphore_mem>>
    tpu.enqueue_indirect_dma source(%dma_start3A_255 : memref<10000x64xf32, #tpu.memory_space<hbm>>) target(%dma_start3A_245 : memref<128x64xf32, #tpu.memory_space<vmem>>) offsets(%dma_start3A_248 : memref<128xi32, #tpu.memory_space<vmem>>) semaphore(%dma_start3A_257 : memref<!tpu.dma_semaphore, #tpu.memory_space<semaphore_mem>>)
    %dma_start3A_258 = arith.constant 2 : i32
    %dma_start3A_259 = arith.constant 2 : i32
    %dma_start3A_260 = arith.constant 2 : i32
    %dma_start3A_261 = arith.constant 0 : i32
    %dma_start3A_262 = arith.constant 0 : i32
    %dma_start3A_263 = tpu.memref_slice %arg9[%dma_start3A_259, %dma_start3A_261, %dma_start3A_262] : memref<4x128x64xf32, #tpu.memory_space<vmem>> -> memref<1x128x64xf32, #tpu.memory_space<vmem>>
    %dma_start3A_264 = tpu.memref_squeeze %dma_start3A_263 : memref<1x128x64xf32, #tpu.memory_space<vmem>> -> memref<128x64xf32, #tpu.memory_space<vmem>>
    %dma_start3A_265 = arith.constant 0 : i32
    %dma_start3A_266 = tpu.memref_slice %arg7[%dma_start3A_258, %dma_start3A_265] : memref<160x128xi32, #tpu.memory_space<vmem>> -> memref<1x128xi32, #tpu.memory_space<vmem>>
    %dma_start3A_267 = tpu.memref_squeeze %dma_start3A_266 : memref<1x128xi32, #tpu.memory_space<vmem>> -> memref<128xi32, #tpu.memory_space<vmem>>
    %dma_start3A_268 = arith.constant 0 : i32
    %dma_start3A_269 = arith.constant 0 : i32
    %dma_start3A_270 = tpu.memref_slice %arg2[%arg0, %dma_start3A_268, %dma_start3A_269] : memref<2x10000x64xf32, #tpu.memory_space<hbm>> -> memref<1x10000x64xf32, #tpu.memory_space<hbm>>
    %dma_start3A_271 = tpu.memref_squeeze %dma_start3A_270 : memref<1x10000x64xf32, #tpu.memory_space<hbm>> -> memref<10000x64xf32, #tpu.memory_space<hbm>>
    %dma_start3A_272 = arith.constant 0 : i32
    %dma_start3A_273 = arith.constant 0 : i32
    %dma_start3A_274 = tpu.memref_slice %dma_start3A_271[%dma_start3A_272, %dma_start3A_273] : memref<10000x64xf32, #tpu.memory_space<hbm>> -> memref<10000x64xf32, #tpu.memory_space<hbm>>
    %dma_start3A_275 = tpu.memref_slice %arg11[%dma_start3A_260] : memref<4x!tpu.dma_semaphore, #tpu.memory_space<semaphore_mem>> -> memref<1x!tpu.dma_semaphore, #tpu.memory_space<semaphore_mem>>
    %dma_start3A_276 = tpu.memref_squeeze %dma_start3A_275 : memref<1x!tpu.dma_semaphore, #tpu.memory_space<semaphore_mem>> -> memref<!tpu.dma_semaphore, #tpu.memory_space<semaphore_mem>>
    tpu.enqueue_indirect_dma source(%dma_start3A_274 : memref<10000x64xf32, #tpu.memory_space<hbm>>) target(%dma_start3A_264 : memref<128x64xf32, #tpu.memory_space<vmem>>) offsets(%dma_start3A_267 : memref<128xi32, #tpu.memory_space<vmem>>) semaphore(%dma_start3A_276 : memref<!tpu.dma_semaphore, #tpu.memory_space<semaphore_mem>>)
    %dma_start3A_277 = arith.constant 3 : i32
    %dma_start3A_278 = arith.constant 3 : i32
    %dma_start3A_279 = arith.constant 3 : i32
    %dma_start3A_280 = arith.constant 0 : i32
    %dma_start3A_281 = arith.constant 0 : i32
    %dma_start3A_282 = tpu.memref_slice %arg9[%dma_start3A_278, %dma_start3A_280, %dma_start3A_281] : memref<4x128x64xf32, #tpu.memory_space<vmem>> -> memref<1x128x64xf32, #tpu.memory_space<vmem>>
    %dma_start3A_283 = tpu.memref_squeeze %dma_start3A_282 : memref<1x128x64xf32, #tpu.memory_space<vmem>> -> memref<128x64xf32, #tpu.memory_space<vmem>>
    %dma_start3A_284 = arith.constant 0 : i32
    %dma_start3A_285 = tpu.memref_slice %arg7[%dma_start3A_277, %dma_start3A_284] : memref<160x128xi32, #tpu.memory_space<vmem>> -> memref<1x128xi32, #tpu.memory_space<vmem>>
    %dma_start3A_286 = tpu.memref_squeeze %dma_start3A_285 : memref<1x128xi32, #tpu.memory_space<vmem>> -> memref<128xi32, #tpu.memory_space<vmem>>
    %dma_start3A_287 = arith.constant 0 : i32
    %dma_start3A_288 = arith.constant 0 : i32
    %dma_start3A_289 = tpu.memref_slice %arg2[%arg0, %dma_start3A_287, %dma_start3A_288] : memref<2x10000x64xf32, #tpu.memory_space<hbm>> -> memref<1x10000x64xf32, #tpu.memory_space<hbm>>
    %dma_start3A_290 = tpu.memref_squeeze %dma_start3A_289 : memref<1x10000x64xf32, #tpu.memory_space<hbm>> -> memref<10000x64xf32, #tpu.memory_space<hbm>>
    %dma_start3A_291 = arith.constant 0 : i32
    %dma_start3A_292 = arith.constant 0 : i32
    %dma_start3A_293 = tpu.memref_slice %dma_start3A_290[%dma_start3A_291, %dma_start3A_292] : memref<10000x64xf32, #tpu.memory_space<hbm>> -> memref<10000x64xf32, #tpu.memory_space<hbm>>
    %dma_start3A_294 = tpu.memref_slice %arg11[%dma_start3A_279] : memref<4x!tpu.dma_semaphore, #tpu.memory_space<semaphore_mem>> -> memref<1x!tpu.dma_semaphore, #tpu.memory_space<semaphore_mem>>
    %dma_start3A_295 = tpu.memref_squeeze %dma_start3A_294 : memref<1x!tpu.dma_semaphore, #tpu.memory_space<semaphore_mem>> -> memref<!tpu.dma_semaphore, #tpu.memory_space<semaphore_mem>>
    tpu.enqueue_indirect_dma source(%dma_start3A_293 : memref<10000x64xf32, #tpu.memory_space<hbm>>) target(%dma_start3A_283 : memref<128x64xf32, #tpu.memory_space<vmem>>) offsets(%dma_start3A_286 : memref<128xi32, #tpu.memory_space<vmem>>) semaphore(%dma_start3A_295 : memref<!tpu.dma_semaphore, #tpu.memory_space<semaphore_mem>>)
    %scan3A = arith.constant 0 : i32
    %scan3A_296 = arith.constant 40 : i32
    %scan3A_297 = arith.addi %scan3A, %scan3A_296 : i32
    %scan3A_298 = arith.constant 1 : i32
    scf.for %scan3A_781 = %scan3A to %scan3A_297 step %scan3A_298  : i32 {
      %mul3A_782 = arith.constant 4 : i32
      %mul3A_783 = arith.muli %mul3A_782, %scan3A_781 : i32
      %add3A_784 = arith.constant 0 : i32
      %add3A_785 = arith.addi %mul3A_783, %add3A_784 : i32
      %dma_wait3A_786 = arith.constant 0 : i32
      %dma_wait3A_787 = arith.constant 0 : i32
      %dma_wait3A_788 = arith.constant 0 : i32
      %dma_wait3A_789 = arith.constant 0 : i32
      %dma_wait3A_790 = tpu.memref_slice %arg9[%dma_wait3A_786, %dma_wait3A_788, %dma_wait3A_789] : memref<4x128x64xf32, #tpu.memory_space<vmem>> -> memref<1x128x64xf32, #tpu.memory_space<vmem>>
      %dma_wait3A_791 = tpu.memref_squeeze %dma_wait3A_790 : memref<1x128x64xf32, #tpu.memory_space<vmem>> -> memref<128x64xf32, #tpu.memory_space<vmem>>
      %dma_wait3A_792 = arith.constant 0 : i32
      %dma_wait3A_793 = tpu.memref_slice %arg7[%add3A_785, %dma_wait3A_792] : memref<160x128xi32, #tpu.memory_space<vmem>> -> memref<1x128xi32, #tpu.memory_space<vmem>>
      %dma_wait3A_794 = tpu.memref_squeeze %dma_wait3A_793 : memref<1x128xi32, #tpu.memory_space<vmem>> -> memref<128xi32, #tpu.memory_space<vmem>>
      %dma_wait3A_795 = arith.constant 0 : i32
      %dma_wait3A_796 = arith.constant 0 : i32
      %dma_wait3A_797 = tpu.memref_slice %arg2[%arg0, %dma_wait3A_795, %dma_wait3A_796] : memref<2x10000x64xf32, #tpu.memory_space<hbm>> -> memref<1x10000x64xf32, #tpu.memory_space<hbm>>
      %dma_wait3A_798 = tpu.memref_squeeze %dma_wait3A_797 : memref<1x10000x64xf32, #tpu.memory_space<hbm>> -> memref<10000x64xf32, #tpu.memory_space<hbm>>
      %dma_wait3A_799 = arith.constant 0 : i32
      %dma_wait3A_800 = arith.constant 0 : i32
      %dma_wait3A_801 = tpu.memref_slice %dma_wait3A_798[%dma_wait3A_799, %dma_wait3A_800] : memref<10000x64xf32, #tpu.memory_space<hbm>> -> memref<10000x64xf32, #tpu.memory_space<hbm>>
      %dma_wait3A_802 = tpu.memref_slice %arg11[%dma_wait3A_787] : memref<4x!tpu.dma_semaphore, #tpu.memory_space<semaphore_mem>> -> memref<1x!tpu.dma_semaphore, #tpu.memory_space<semaphore_mem>>
      %dma_wait3A_803 = tpu.memref_squeeze %dma_wait3A_802 : memref<1x!tpu.dma_semaphore, #tpu.memory_space<semaphore_mem>> -> memref<!tpu.dma_semaphore, #tpu.memory_space<semaphore_mem>>
      tpu.wait_indirect_dma semaphore(%dma_wait3A_803 : memref<!tpu.dma_semaphore, #tpu.memory_space<semaphore_mem>>) src(%dma_wait3A_801 : memref<10000x64xf32, #tpu.memory_space<hbm>>) dst(%dma_wait3A_791 : memref<128x64xf32, #tpu.memory_space<vmem>>)
      %add3A_804 = arith.constant 0 : i32
      %add3A_805 = arith.addi %mul3A_783, %add3A_804 : i32
      %dma_start3A_806 = arith.constant 0 : i32
      %dma_start3A_807 = arith.constant 0 : i32
      %dma_start3A_808 = arith.constant 0 : i32
      %dma_start3A_809 = arith.constant 0 : i32
      %dma_start3A_810 = tpu.memref_slice %arg9[%dma_start3A_806, %dma_start3A_808, %dma_start3A_809] : memref<4x128x64xf32, #tpu.memory_space<vmem>> -> memref<1x128x64xf32, #tpu.memory_space<vmem>>
      %dma_start3A_811 = tpu.memref_squeeze %dma_start3A_810 : memref<1x128x64xf32, #tpu.memory_space<vmem>> -> memref<128x64xf32, #tpu.memory_space<vmem>>
      %dma_start3A_812 = arith.constant 0 : i32
      %dma_start3A_813 = tpu.memref_slice %arg8[%add3A_805, %dma_start3A_812] : memref<160x128xi32, #tpu.memory_space<vmem>> -> memref<1x128xi32, #tpu.memory_space<vmem>>
      %dma_start3A_814 = tpu.memref_squeeze %dma_start3A_813 : memref<1x128xi32, #tpu.memory_space<vmem>> -> memref<128xi32, #tpu.memory_space<vmem>>
      %dma_start3A_815 = arith.constant 0 : i32
      %dma_start3A_816 = arith.constant 0 : i32
      %dma_start3A_817 = tpu.memref_slice %arg10[%dma_start3A_815, %dma_start3A_816] : memref<10240x64xf32, #tpu.memory_space<vmem_shared>> -> memref<10240x64xf32, #tpu.memory_space<vmem_shared>>
      %dma_start3A_818 = tpu.memref_slice %arg12[%dma_start3A_807] : memref<4x!tpu.dma_semaphore, #tpu.memory_space<semaphore_mem>> -> memref<1x!tpu.dma_semaphore, #tpu.memory_space<semaphore_mem>>
      %dma_start3A_819 = tpu.memref_squeeze %dma_start3A_818 : memref<1x!tpu.dma_semaphore, #tpu.memory_space<semaphore_mem>> -> memref<!tpu.dma_semaphore, #tpu.memory_space<semaphore_mem>>
      tpu.enqueue_indirect_dma source(%dma_start3A_811 : memref<128x64xf32, #tpu.memory_space<vmem>>) target(%dma_start3A_817 : memref<10240x64xf32, #tpu.memory_space<vmem_shared>>) offsets(%dma_start3A_814 : memref<128xi32, #tpu.memory_space<vmem>>) semaphore(%dma_start3A_819 : memref<!tpu.dma_semaphore, #tpu.memory_space<semaphore_mem>>) {add = true}
      %add3A_820 = arith.constant 1 : i32
      %add3A_821 = arith.addi %mul3A_783, %add3A_820 : i32
      %dma_wait3A_822 = arith.constant 1 : i32
      %dma_wait3A_823 = arith.constant 1 : i32
      %dma_wait3A_824 = arith.constant 0 : i32
      %dma_wait3A_825 = arith.constant 0 : i32
      %dma_wait3A_826 = tpu.memref_slice %arg9[%dma_wait3A_822, %dma_wait3A_824, %dma_wait3A_825] : memref<4x128x64xf32, #tpu.memory_space<vmem>> -> memref<1x128x64xf32, #tpu.memory_space<vmem>>
      %dma_wait3A_827 = tpu.memref_squeeze %dma_wait3A_826 : memref<1x128x64xf32, #tpu.memory_space<vmem>> -> memref<128x64xf32, #tpu.memory_space<vmem>>
      %dma_wait3A_828 = arith.constant 0 : i32
      %dma_wait3A_829 = tpu.memref_slice %arg7[%add3A_821, %dma_wait3A_828] : memref<160x128xi32, #tpu.memory_space<vmem>> -> memref<1x128xi32, #tpu.memory_space<vmem>>
      %dma_wait3A_830 = tpu.memref_squeeze %dma_wait3A_829 : memref<1x128xi32, #tpu.memory_space<vmem>> -> memref<128xi32, #tpu.memory_space<vmem>>
      %dma_wait3A_831 = arith.constant 0 : i32
      %dma_wait3A_832 = arith.constant 0 : i32
      %dma_wait3A_833 = tpu.memref_slice %arg2[%arg0, %dma_wait3A_831, %dma_wait3A_832] : memref<2x10000x64xf32, #tpu.memory_space<hbm>> -> memref<1x10000x64xf32, #tpu.memory_space<hbm>>
      %dma_wait3A_834 = tpu.memref_squeeze %dma_wait3A_833 : memref<1x10000x64xf32, #tpu.memory_space<hbm>> -> memref<10000x64xf32, #tpu.memory_space<hbm>>
      %dma_wait3A_835 = arith.constant 0 : i32
      %dma_wait3A_836 = arith.constant 0 : i32
      %dma_wait3A_837 = tpu.memref_slice %dma_wait3A_834[%dma_wait3A_835, %dma_wait3A_836] : memref<10000x64xf32, #tpu.memory_space<hbm>> -> memref<10000x64xf32, #tpu.memory_space<hbm>>
      %dma_wait3A_838 = tpu.memref_slice %arg11[%dma_wait3A_823] : memref<4x!tpu.dma_semaphore, #tpu.memory_space<semaphore_mem>> -> memref<1x!tpu.dma_semaphore, #tpu.memory_space<semaphore_mem>>
      %dma_wait3A_839 = tpu.memref_squeeze %dma_wait3A_838 : memref<1x!tpu.dma_semaphore, #tpu.memory_space<semaphore_mem>> -> memref<!tpu.dma_semaphore, #tpu.memory_space<semaphore_mem>>
      tpu.wait_indirect_dma semaphore(%dma_wait3A_839 : memref<!tpu.dma_semaphore, #tpu.memory_space<semaphore_mem>>) src(%dma_wait3A_837 : memref<10000x64xf32, #tpu.memory_space<hbm>>) dst(%dma_wait3A_827 : memref<128x64xf32, #tpu.memory_space<vmem>>)
      %add3A_840 = arith.constant 1 : i32
      %add3A_841 = arith.addi %mul3A_783, %add3A_840 : i32
      %dma_start3A_842 = arith.constant 1 : i32
      %dma_start3A_843 = arith.constant 1 : i32
      %dma_start3A_844 = arith.constant 0 : i32
      %dma_start3A_845 = arith.constant 0 : i32
      %dma_start3A_846 = tpu.memref_slice %arg9[%dma_start3A_842, %dma_start3A_844, %dma_start3A_845] : memref<4x128x64xf32, #tpu.memory_space<vmem>> -> memref<1x128x64xf32, #tpu.memory_space<vmem>>
      %dma_start3A_847 = tpu.memref_squeeze %dma_start3A_846 : memref<1x128x64xf32, #tpu.memory_space<vmem>> -> memref<128x64xf32, #tpu.memory_space<vmem>>
      %dma_start3A_848 = arith.constant 0 : i32
      %dma_start3A_849 = tpu.memref_slice %arg8[%add3A_841, %dma_start3A_848] : memref<160x128xi32, #tpu.memory_space<vmem>> -> memref<1x128xi32, #tpu.memory_space<vmem>>
      %dma_start3A_850 = tpu.memref_squeeze %dma_start3A_849 : memref<1x128xi32, #tpu.memory_space<vmem>> -> memref<128xi32, #tpu.memory_space<vmem>>
      %dma_start3A_851 = arith.constant 0 : i32
      %dma_start3A_852 = arith.constant 0 : i32
      %dma_start3A_853 = tpu.memref_slice %arg10[%dma_start3A_851, %dma_start3A_852] : memref<10240x64xf32, #tpu.memory_space<vmem_shared>> -> memref<10240x64xf32, #tpu.memory_space<vmem_shared>>
      %dma_start3A_854 = tpu.memref_slice %arg12[%dma_start3A_843] : memref<4x!tpu.dma_semaphore, #tpu.memory_space<semaphore_mem>> -> memref<1x!tpu.dma_semaphore, #tpu.memory_space<semaphore_mem>>
      %dma_start3A_855 = tpu.memref_squeeze %dma_start3A_854 : memref<1x!tpu.dma_semaphore, #tpu.memory_space<semaphore_mem>> -> memref<!tpu.dma_semaphore, #tpu.memory_space<semaphore_mem>>
      tpu.enqueue_indirect_dma source(%dma_start3A_847 : memref<128x64xf32, #tpu.memory_space<vmem>>) target(%dma_start3A_853 : memref<10240x64xf32, #tpu.memory_space<vmem_shared>>) offsets(%dma_start3A_850 : memref<128xi32, #tpu.memory_space<vmem>>) semaphore(%dma_start3A_855 : memref<!tpu.dma_semaphore, #tpu.memory_space<semaphore_mem>>) {add = true}
      %add3A_856 = arith.constant 2 : i32
      %add3A_857 = arith.addi %mul3A_783, %add3A_856 : i32
      %dma_wait3A_858 = arith.constant 2 : i32
      %dma_wait3A_859 = arith.constant 2 : i32
      %dma_wait3A_860 = arith.constant 0 : i32
      %dma_wait3A_861 = arith.constant 0 : i32
      %dma_wait3A_862 = tpu.memref_slice %arg9[%dma_wait3A_858, %dma_wait3A_860, %dma_wait3A_861] : memref<4x128x64xf32, #tpu.memory_space<vmem>> -> memref<1x128x64xf32, #tpu.memory_space<vmem>>
      %dma_wait3A_863 = tpu.memref_squeeze %dma_wait3A_862 : memref<1x128x64xf32, #tpu.memory_space<vmem>> -> memref<128x64xf32, #tpu.memory_space<vmem>>
      %dma_wait3A_864 = arith.constant 0 : i32
      %dma_wait3A_865 = tpu.memref_slice %arg7[%add3A_857, %dma_wait3A_864] : memref<160x128xi32, #tpu.memory_space<vmem>> -> memref<1x128xi32, #tpu.memory_space<vmem>>
      %dma_wait3A_866 = tpu.memref_squeeze %dma_wait3A_865 : memref<1x128xi32, #tpu.memory_space<vmem>> -> memref<128xi32, #tpu.memory_space<vmem>>
      %dma_wait3A_867 = arith.constant 0 : i32
      %dma_wait3A_868 = arith.constant 0 : i32
      %dma_wait3A_869 = tpu.memref_slice %arg2[%arg0, %dma_wait3A_867, %dma_wait3A_868] : memref<2x10000x64xf32, #tpu.memory_space<hbm>> -> memref<1x10000x64xf32, #tpu.memory_space<hbm>>
      %dma_wait3A_870 = tpu.memref_squeeze %dma_wait3A_869 : memref<1x10000x64xf32, #tpu.memory_space<hbm>> -> memref<10000x64xf32, #tpu.memory_space<hbm>>
      %dma_wait3A_871 = arith.constant 0 : i32
      %dma_wait3A_872 = arith.constant 0 : i32
      %dma_wait3A_873 = tpu.memref_slice %dma_wait3A_870[%dma_wait3A_871, %dma_wait3A_872] : memref<10000x64xf32, #tpu.memory_space<hbm>> -> memref<10000x64xf32, #tpu.memory_space<hbm>>
      %dma_wait3A_874 = tpu.memref_slice %arg11[%dma_wait3A_859] : memref<4x!tpu.dma_semaphore, #tpu.memory_space<semaphore_mem>> -> memref<1x!tpu.dma_semaphore, #tpu.memory_space<semaphore_mem>>
      %dma_wait3A_875 = tpu.memref_squeeze %dma_wait3A_874 : memref<1x!tpu.dma_semaphore, #tpu.memory_space<semaphore_mem>> -> memref<!tpu.dma_semaphore, #tpu.memory_space<semaphore_mem>>
      tpu.wait_indirect_dma semaphore(%dma_wait3A_875 : memref<!tpu.dma_semaphore, #tpu.memory_space<semaphore_mem>>) src(%dma_wait3A_873 : memref<10000x64xf32, #tpu.memory_space<hbm>>) dst(%dma_wait3A_863 : memref<128x64xf32, #tpu.memory_space<vmem>>)
      %add3A_876 = arith.constant 2 : i32
      %add3A_877 = arith.addi %mul3A_783, %add3A_876 : i32
      %dma_start3A_878 = arith.constant 2 : i32
      %dma_start3A_879 = arith.constant 2 : i32
      %dma_start3A_880 = arith.constant 0 : i32
      %dma_start3A_881 = arith.constant 0 : i32
      %dma_start3A_882 = tpu.memref_slice %arg9[%dma_start3A_878, %dma_start3A_880, %dma_start3A_881] : memref<4x128x64xf32, #tpu.memory_space<vmem>> -> memref<1x128x64xf32, #tpu.memory_space<vmem>>
      %dma_start3A_883 = tpu.memref_squeeze %dma_start3A_882 : memref<1x128x64xf32, #tpu.memory_space<vmem>> -> memref<128x64xf32, #tpu.memory_space<vmem>>
      %dma_start3A_884 = arith.constant 0 : i32
      %dma_start3A_885 = tpu.memref_slice %arg8[%add3A_877, %dma_start3A_884] : memref<160x128xi32, #tpu.memory_space<vmem>> -> memref<1x128xi32, #tpu.memory_space<vmem>>
      %dma_start3A_886 = tpu.memref_squeeze %dma_start3A_885 : memref<1x128xi32, #tpu.memory_space<vmem>> -> memref<128xi32, #tpu.memory_space<vmem>>
      %dma_start3A_887 = arith.constant 0 : i32
      %dma_start3A_888 = arith.constant 0 : i32
      %dma_start3A_889 = tpu.memref_slice %arg10[%dma_start3A_887, %dma_start3A_888] : memref<10240x64xf32, #tpu.memory_space<vmem_shared>> -> memref<10240x64xf32, #tpu.memory_space<vmem_shared>>
      %dma_start3A_890 = tpu.memref_slice %arg12[%dma_start3A_879] : memref<4x!tpu.dma_semaphore, #tpu.memory_space<semaphore_mem>> -> memref<1x!tpu.dma_semaphore, #tpu.memory_space<semaphore_mem>>
      %dma_start3A_891 = tpu.memref_squeeze %dma_start3A_890 : memref<1x!tpu.dma_semaphore, #tpu.memory_space<semaphore_mem>> -> memref<!tpu.dma_semaphore, #tpu.memory_space<semaphore_mem>>
      tpu.enqueue_indirect_dma source(%dma_start3A_883 : memref<128x64xf32, #tpu.memory_space<vmem>>) target(%dma_start3A_889 : memref<10240x64xf32, #tpu.memory_space<vmem_shared>>) offsets(%dma_start3A_886 : memref<128xi32, #tpu.memory_space<vmem>>) semaphore(%dma_start3A_891 : memref<!tpu.dma_semaphore, #tpu.memory_space<semaphore_mem>>) {add = true}
      %add3A_892 = arith.constant 3 : i32
      %add3A_893 = arith.addi %mul3A_783, %add3A_892 : i32
      %dma_wait3A_894 = arith.constant 3 : i32
      %dma_wait3A_895 = arith.constant 3 : i32
      %dma_wait3A_896 = arith.constant 0 : i32
      %dma_wait3A_897 = arith.constant 0 : i32
      %dma_wait3A_898 = tpu.memref_slice %arg9[%dma_wait3A_894, %dma_wait3A_896, %dma_wait3A_897] : memref<4x128x64xf32, #tpu.memory_space<vmem>> -> memref<1x128x64xf32, #tpu.memory_space<vmem>>
      %dma_wait3A_899 = tpu.memref_squeeze %dma_wait3A_898 : memref<1x128x64xf32, #tpu.memory_space<vmem>> -> memref<128x64xf32, #tpu.memory_space<vmem>>
      %dma_wait3A_900 = arith.constant 0 : i32
      %dma_wait3A_901 = tpu.memref_slice %arg7[%add3A_893, %dma_wait3A_900] : memref<160x128xi32, #tpu.memory_space<vmem>> -> memref<1x128xi32, #tpu.memory_space<vmem>>
      %dma_wait3A_902 = tpu.memref_squeeze %dma_wait3A_901 : memref<1x128xi32, #tpu.memory_space<vmem>> -> memref<128xi32, #tpu.memory_space<vmem>>
      %dma_wait3A_903 = arith.constant 0 : i32
      %dma_wait3A_904 = arith.constant 0 : i32
      %dma_wait3A_905 = tpu.memref_slice %arg2[%arg0, %dma_wait3A_903, %dma_wait3A_904] : memref<2x10000x64xf32, #tpu.memory_space<hbm>> -> memref<1x10000x64xf32, #tpu.memory_space<hbm>>
      %dma_wait3A_906 = tpu.memref_squeeze %dma_wait3A_905 : memref<1x10000x64xf32, #tpu.memory_space<hbm>> -> memref<10000x64xf32, #tpu.memory_space<hbm>>
      %dma_wait3A_907 = arith.constant 0 : i32
      %dma_wait3A_908 = arith.constant 0 : i32
      %dma_wait3A_909 = tpu.memref_slice %dma_wait3A_906[%dma_wait3A_907, %dma_wait3A_908] : memref<10000x64xf32, #tpu.memory_space<hbm>> -> memref<10000x64xf32, #tpu.memory_space<hbm>>
      %dma_wait3A_910 = tpu.memref_slice %arg11[%dma_wait3A_895] : memref<4x!tpu.dma_semaphore, #tpu.memory_space<semaphore_mem>> -> memref<1x!tpu.dma_semaphore, #tpu.memory_space<semaphore_mem>>
      %dma_wait3A_911 = tpu.memref_squeeze %dma_wait3A_910 : memref<1x!tpu.dma_semaphore, #tpu.memory_space<semaphore_mem>> -> memref<!tpu.dma_semaphore, #tpu.memory_space<semaphore_mem>>
      tpu.wait_indirect_dma semaphore(%dma_wait3A_911 : memref<!tpu.dma_semaphore, #tpu.memory_space<semaphore_mem>>) src(%dma_wait3A_909 : memref<10000x64xf32, #tpu.memory_space<hbm>>) dst(%dma_wait3A_899 : memref<128x64xf32, #tpu.memory_space<vmem>>)
      %add3A_912 = arith.constant 3 : i32
      %add3A_913 = arith.addi %mul3A_783, %add3A_912 : i32
      %dma_start3A_914 = arith.constant 3 : i32
      %dma_start3A_915 = arith.constant 3 : i32
      %dma_start3A_916 = arith.constant 0 : i32
      %dma_start3A_917 = arith.constant 0 : i32
      %dma_start3A_918 = tpu.memref_slice %arg9[%dma_start3A_914, %dma_start3A_916, %dma_start3A_917] : memref<4x128x64xf32, #tpu.memory_space<vmem>> -> memref<1x128x64xf32, #tpu.memory_space<vmem>>
      %dma_start3A_919 = tpu.memref_squeeze %dma_start3A_918 : memref<1x128x64xf32, #tpu.memory_space<vmem>> -> memref<128x64xf32, #tpu.memory_space<vmem>>
      %dma_start3A_920 = arith.constant 0 : i32
      %dma_start3A_921 = tpu.memref_slice %arg8[%add3A_913, %dma_start3A_920] : memref<160x128xi32, #tpu.memory_space<vmem>> -> memref<1x128xi32, #tpu.memory_space<vmem>>
      %dma_start3A_922 = tpu.memref_squeeze %dma_start3A_921 : memref<1x128xi32, #tpu.memory_space<vmem>> -> memref<128xi32, #tpu.memory_space<vmem>>
      %dma_start3A_923 = arith.constant 0 : i32
      %dma_start3A_924 = arith.constant 0 : i32
      %dma_start3A_925 = tpu.memref_slice %arg10[%dma_start3A_923, %dma_start3A_924] : memref<10240x64xf32, #tpu.memory_space<vmem_shared>> -> memref<10240x64xf32, #tpu.memory_space<vmem_shared>>
      %dma_start3A_926 = tpu.memref_slice %arg12[%dma_start3A_915] : memref<4x!tpu.dma_semaphore, #tpu.memory_space<semaphore_mem>> -> memref<1x!tpu.dma_semaphore, #tpu.memory_space<semaphore_mem>>
      %dma_start3A_927 = tpu.memref_squeeze %dma_start3A_926 : memref<1x!tpu.dma_semaphore, #tpu.memory_space<semaphore_mem>> -> memref<!tpu.dma_semaphore, #tpu.memory_space<semaphore_mem>>
      tpu.enqueue_indirect_dma source(%dma_start3A_919 : memref<128x64xf32, #tpu.memory_space<vmem>>) target(%dma_start3A_925 : memref<10240x64xf32, #tpu.memory_space<vmem_shared>>) offsets(%dma_start3A_922 : memref<128xi32, #tpu.memory_space<vmem>>) semaphore(%dma_start3A_927 : memref<!tpu.dma_semaphore, #tpu.memory_space<semaphore_mem>>) {add = true}
      %add3A_928 = arith.constant 0 : i32
      %add3A_929 = arith.addi %mul3A_783, %add3A_928 : i32
      %add3A_930 = arith.constant 4 : i32
      %add3A_931 = arith.addi %add3A_929, %add3A_930 : i32
      %lt3A = arith.constant 160 : i32
      %lt3A_932 = arith.cmpi slt, %add3A_931, %lt3A : i32
      %convert_element_type3A = arith.extui %lt3A_932 : i1 to i32
      %cond3A = arith.constant 0 : i32
      %cond3A_933 = arith.cmpi ne, %convert_element_type3A, %cond3A : i32
      scf.if %cond3A_933 {
        %add3A_961 = arith.constant 0 : i32
        %add3A_962 = arith.addi %mul3A_783, %add3A_961 : i32
        %dma_wait3A_963 = arith.constant 0 : i32
        %dma_wait3A_964 = arith.constant 0 : i32
        %dma_wait3A_965 = arith.constant 0 : i32
        %dma_wait3A_966 = arith.constant 0 : i32
        %dma_wait3A_967 = tpu.memref_slice %arg9[%dma_wait3A_963, %dma_wait3A_965, %dma_wait3A_966] : memref<4x128x64xf32, #tpu.memory_space<vmem>> -> memref<1x128x64xf32, #tpu.memory_space<vmem>>
        %dma_wait3A_968 = tpu.memref_squeeze %dma_wait3A_967 : memref<1x128x64xf32, #tpu.memory_space<vmem>> -> memref<128x64xf32, #tpu.memory_space<vmem>>
        %dma_wait3A_969 = arith.constant 0 : i32
        %dma_wait3A_970 = tpu.memref_slice %arg8[%add3A_962, %dma_wait3A_969] : memref<160x128xi32, #tpu.memory_space<vmem>> -> memref<1x128xi32, #tpu.memory_space<vmem>>
        %dma_wait3A_971 = tpu.memref_squeeze %dma_wait3A_970 : memref<1x128xi32, #tpu.memory_space<vmem>> -> memref<128xi32, #tpu.memory_space<vmem>>
        %dma_wait3A_972 = arith.constant 0 : i32
        %dma_wait3A_973 = arith.constant 0 : i32
        %dma_wait3A_974 = tpu.memref_slice %arg10[%dma_wait3A_972, %dma_wait3A_973] : memref<10240x64xf32, #tpu.memory_space<vmem_shared>> -> memref<10240x64xf32, #tpu.memory_space<vmem_shared>>
        %dma_wait3A_975 = tpu.memref_slice %arg12[%dma_wait3A_964] : memref<4x!tpu.dma_semaphore, #tpu.memory_space<semaphore_mem>> -> memref<1x!tpu.dma_semaphore, #tpu.memory_space<semaphore_mem>>
        %dma_wait3A_976 = tpu.memref_squeeze %dma_wait3A_975 : memref<1x!tpu.dma_semaphore, #tpu.memory_space<semaphore_mem>> -> memref<!tpu.dma_semaphore, #tpu.memory_space<semaphore_mem>>
        tpu.wait_indirect_dma semaphore(%dma_wait3A_976 : memref<!tpu.dma_semaphore, #tpu.memory_space<semaphore_mem>>) src(%dma_wait3A_968 : memref<128x64xf32, #tpu.memory_space<vmem>>) dst(%dma_wait3A_974 : memref<10240x64xf32, #tpu.memory_space<vmem_shared>>)
        %add3A_977 = arith.constant 0 : i32
        %add3A_978 = arith.addi %mul3A_783, %add3A_977 : i32
        %add3A_979 = arith.constant 4 : i32
        %add3A_980 = arith.addi %add3A_978, %add3A_979 : i32
        %dma_start3A_981 = arith.constant 0 : i32
        %dma_start3A_982 = arith.constant 0 : i32
        %dma_start3A_983 = arith.constant 0 : i32
        %dma_start3A_984 = arith.constant 0 : i32
        %dma_start3A_985 = tpu.memref_slice %arg9[%dma_start3A_981, %dma_start3A_983, %dma_start3A_984] : memref<4x128x64xf32, #tpu.memory_space<vmem>> -> memref<1x128x64xf32, #tpu.memory_space<vmem>>
        %dma_start3A_986 = tpu.memref_squeeze %dma_start3A_985 : memref<1x128x64xf32, #tpu.memory_space<vmem>> -> memref<128x64xf32, #tpu.memory_space<vmem>>
        %dma_start3A_987 = arith.constant 0 : i32
        %dma_start3A_988 = tpu.memref_slice %arg7[%add3A_980, %dma_start3A_987] : memref<160x128xi32, #tpu.memory_space<vmem>> -> memref<1x128xi32, #tpu.memory_space<vmem>>
        %dma_start3A_989 = tpu.memref_squeeze %dma_start3A_988 : memref<1x128xi32, #tpu.memory_space<vmem>> -> memref<128xi32, #tpu.memory_space<vmem>>
        %dma_start3A_990 = arith.constant 0 : i32
        %dma_start3A_991 = arith.constant 0 : i32
        %dma_start3A_992 = tpu.memref_slice %arg2[%arg0, %dma_start3A_990, %dma_start3A_991] : memref<2x10000x64xf32, #tpu.memory_space<hbm>> -> memref<1x10000x64xf32, #tpu.memory_space<hbm>>
        %dma_start3A_993 = tpu.memref_squeeze %dma_start3A_992 : memref<1x10000x64xf32, #tpu.memory_space<hbm>> -> memref<10000x64xf32, #tpu.memory_space<hbm>>
        %dma_start3A_994 = arith.constant 0 : i32
        %dma_start3A_995 = arith.constant 0 : i32
        %dma_start3A_996 = tpu.memref_slice %dma_start3A_993[%dma_start3A_994, %dma_start3A_995] : memref<10000x64xf32, #tpu.memory_space<hbm>> -> memref<10000x64xf32, #tpu.memory_space<hbm>>
        %dma_start3A_997 = tpu.memref_slice %arg11[%dma_start3A_982] : memref<4x!tpu.dma_semaphore, #tpu.memory_space<semaphore_mem>> -> memref<1x!tpu.dma_semaphore, #tpu.memory_space<semaphore_mem>>
        %dma_start3A_998 = tpu.memref_squeeze %dma_start3A_997 : memref<1x!tpu.dma_semaphore, #tpu.memory_space<semaphore_mem>> -> memref<!tpu.dma_semaphore, #tpu.memory_space<semaphore_mem>>
        tpu.enqueue_indirect_dma source(%dma_start3A_996 : memref<10000x64xf32, #tpu.memory_space<hbm>>) target(%dma_start3A_986 : memref<128x64xf32, #tpu.memory_space<vmem>>) offsets(%dma_start3A_989 : memref<128xi32, #tpu.memory_space<vmem>>) semaphore(%dma_start3A_998 : memref<!tpu.dma_semaphore, #tpu.memory_space<semaphore_mem>>)
      } else {
      }
      %add3A_934 = arith.constant 1 : i32
      %add3A_935 = arith.addi %mul3A_783, %add3A_934 : i32
      %add3A_936 = arith.constant 4 : i32
      %add3A_937 = arith.addi %add3A_935, %add3A_936 : i32
      %lt3A_938 = arith.constant 160 : i32
      %lt3A_939 = arith.cmpi slt, %add3A_937, %lt3A_938 : i32
      %convert_element_type3A_940 = arith.extui %lt3A_939 : i1 to i32
      %cond3A_941 = arith.constant 0 : i32
      %cond3A_942 = arith.cmpi ne, %convert_element_type3A_940, %cond3A_941 : i32
      scf.if %cond3A_942 {
        %add3A_961 = arith.constant 1 : i32
        %add3A_962 = arith.addi %mul3A_783, %add3A_961 : i32
        %dma_wait3A_963 = arith.constant 1 : i32
        %dma_wait3A_964 = arith.constant 1 : i32
        %dma_wait3A_965 = arith.constant 0 : i32
        %dma_wait3A_966 = arith.constant 0 : i32
        %dma_wait3A_967 = tpu.memref_slice %arg9[%dma_wait3A_963, %dma_wait3A_965, %dma_wait3A_966] : memref<4x128x64xf32, #tpu.memory_space<vmem>> -> memref<1x128x64xf32, #tpu.memory_space<vmem>>
        %dma_wait3A_968 = tpu.memref_squeeze %dma_wait3A_967 : memref<1x128x64xf32, #tpu.memory_space<vmem>> -> memref<128x64xf32, #tpu.memory_space<vmem>>
        %dma_wait3A_969 = arith.constant 0 : i32
        %dma_wait3A_970 = tpu.memref_slice %arg8[%add3A_962, %dma_wait3A_969] : memref<160x128xi32, #tpu.memory_space<vmem>> -> memref<1x128xi32, #tpu.memory_space<vmem>>
        %dma_wait3A_971 = tpu.memref_squeeze %dma_wait3A_970 : memref<1x128xi32, #tpu.memory_space<vmem>> -> memref<128xi32, #tpu.memory_space<vmem>>
        %dma_wait3A_972 = arith.constant 0 : i32
        %dma_wait3A_973 = arith.constant 0 : i32
        %dma_wait3A_974 = tpu.memref_slice %arg10[%dma_wait3A_972, %dma_wait3A_973] : memref<10240x64xf32, #tpu.memory_space<vmem_shared>> -> memref<10240x64xf32, #tpu.memory_space<vmem_shared>>
        %dma_wait3A_975 = tpu.memref_slice %arg12[%dma_wait3A_964] : memref<4x!tpu.dma_semaphore, #tpu.memory_space<semaphore_mem>> -> memref<1x!tpu.dma_semaphore, #tpu.memory_space<semaphore_mem>>
        %dma_wait3A_976 = tpu.memref_squeeze %dma_wait3A_975 : memref<1x!tpu.dma_semaphore, #tpu.memory_space<semaphore_mem>> -> memref<!tpu.dma_semaphore, #tpu.memory_space<semaphore_mem>>
        tpu.wait_indirect_dma semaphore(%dma_wait3A_976 : memref<!tpu.dma_semaphore, #tpu.memory_space<semaphore_mem>>) src(%dma_wait3A_968 : memref<128x64xf32, #tpu.memory_space<vmem>>) dst(%dma_wait3A_974 : memref<10240x64xf32, #tpu.memory_space<vmem_shared>>)
        %add3A_977 = arith.constant 1 : i32
        %add3A_978 = arith.addi %mul3A_783, %add3A_977 : i32
        %add3A_979 = arith.constant 4 : i32
        %add3A_980 = arith.addi %add3A_978, %add3A_979 : i32
        %dma_start3A_981 = arith.constant 1 : i32
        %dma_start3A_982 = arith.constant 1 : i32
        %dma_start3A_983 = arith.constant 0 : i32
        %dma_start3A_984 = arith.constant 0 : i32
        %dma_start3A_985 = tpu.memref_slice %arg9[%dma_start3A_981, %dma_start3A_983, %dma_start3A_984] : memref<4x128x64xf32, #tpu.memory_space<vmem>> -> memref<1x128x64xf32, #tpu.memory_space<vmem>>
        %dma_start3A_986 = tpu.memref_squeeze %dma_start3A_985 : memref<1x128x64xf32, #tpu.memory_space<vmem>> -> memref<128x64xf32, #tpu.memory_space<vmem>>
        %dma_start3A_987 = arith.constant 0 : i32
        %dma_start3A_988 = tpu.memref_slice %arg7[%add3A_980, %dma_start3A_987] : memref<160x128xi32, #tpu.memory_space<vmem>> -> memref<1x128xi32, #tpu.memory_space<vmem>>
        %dma_start3A_989 = tpu.memref_squeeze %dma_start3A_988 : memref<1x128xi32, #tpu.memory_space<vmem>> -> memref<128xi32, #tpu.memory_space<vmem>>
        %dma_start3A_990 = arith.constant 0 : i32
        %dma_start3A_991 = arith.constant 0 : i32
        %dma_start3A_992 = tpu.memref_slice %arg2[%arg0, %dma_start3A_990, %dma_start3A_991] : memref<2x10000x64xf32, #tpu.memory_space<hbm>> -> memref<1x10000x64xf32, #tpu.memory_space<hbm>>
        %dma_start3A_993 = tpu.memref_squeeze %dma_start3A_992 : memref<1x10000x64xf32, #tpu.memory_space<hbm>> -> memref<10000x64xf32, #tpu.memory_space<hbm>>
        %dma_start3A_994 = arith.constant 0 : i32
        %dma_start3A_995 = arith.constant 0 : i32
        %dma_start3A_996 = tpu.memref_slice %dma_start3A_993[%dma_start3A_994, %dma_start3A_995] : memref<10000x64xf32, #tpu.memory_space<hbm>> -> memref<10000x64xf32, #tpu.memory_space<hbm>>
        %dma_start3A_997 = tpu.memref_slice %arg11[%dma_start3A_982] : memref<4x!tpu.dma_semaphore, #tpu.memory_space<semaphore_mem>> -> memref<1x!tpu.dma_semaphore, #tpu.memory_space<semaphore_mem>>
        %dma_start3A_998 = tpu.memref_squeeze %dma_start3A_997 : memref<1x!tpu.dma_semaphore, #tpu.memory_space<semaphore_mem>> -> memref<!tpu.dma_semaphore, #tpu.memory_space<semaphore_mem>>
        tpu.enqueue_indirect_dma source(%dma_start3A_996 : memref<10000x64xf32, #tpu.memory_space<hbm>>) target(%dma_start3A_986 : memref<128x64xf32, #tpu.memory_space<vmem>>) offsets(%dma_start3A_989 : memref<128xi32, #tpu.memory_space<vmem>>) semaphore(%dma_start3A_998 : memref<!tpu.dma_semaphore, #tpu.memory_space<semaphore_mem>>)
      } else {
      }
      %add3A_943 = arith.constant 2 : i32
      %add3A_944 = arith.addi %mul3A_783, %add3A_943 : i32
      %add3A_945 = arith.constant 4 : i32
      %add3A_946 = arith.addi %add3A_944, %add3A_945 : i32
      %lt3A_947 = arith.constant 160 : i32
      %lt3A_948 = arith.cmpi slt, %add3A_946, %lt3A_947 : i32
      %convert_element_type3A_949 = arith.extui %lt3A_948 : i1 to i32
      %cond3A_950 = arith.constant 0 : i32
      %cond3A_951 = arith.cmpi ne, %convert_element_type3A_949, %cond3A_950 : i32
      scf.if %cond3A_951 {
        %add3A_961 = arith.constant 2 : i32
        %add3A_962 = arith.addi %mul3A_783, %add3A_961 : i32
        %dma_wait3A_963 = arith.constant 2 : i32
        %dma_wait3A_964 = arith.constant 2 : i32
        %dma_wait3A_965 = arith.constant 0 : i32
        %dma_wait3A_966 = arith.constant 0 : i32
        %dma_wait3A_967 = tpu.memref_slice %arg9[%dma_wait3A_963, %dma_wait3A_965, %dma_wait3A_966] : memref<4x128x64xf32, #tpu.memory_space<vmem>> -> memref<1x128x64xf32, #tpu.memory_space<vmem>>
        %dma_wait3A_968 = tpu.memref_squeeze %dma_wait3A_967 : memref<1x128x64xf32, #tpu.memory_space<vmem>> -> memref<128x64xf32, #tpu.memory_space<vmem>>
        %dma_wait3A_969 = arith.constant 0 : i32
        %dma_wait3A_970 = tpu.memref_slice %arg8[%add3A_962, %dma_wait3A_969] : memref<160x128xi32, #tpu.memory_space<vmem>> -> memref<1x128xi32, #tpu.memory_space<vmem>>
        %dma_wait3A_971 = tpu.memref_squeeze %dma_wait3A_970 : memref<1x128xi32, #tpu.memory_space<vmem>> -> memref<128xi32, #tpu.memory_space<vmem>>
        %dma_wait3A_972 = arith.constant 0 : i32
        %dma_wait3A_973 = arith.constant 0 : i32
        %dma_wait3A_974 = tpu.memref_slice %arg10[%dma_wait3A_972, %dma_wait3A_973] : memref<10240x64xf32, #tpu.memory_space<vmem_shared>> -> memref<10240x64xf32, #tpu.memory_space<vmem_shared>>
        %dma_wait3A_975 = tpu.memref_slice %arg12[%dma_wait3A_964] : memref<4x!tpu.dma_semaphore, #tpu.memory_space<semaphore_mem>> -> memref<1x!tpu.dma_semaphore, #tpu.memory_space<semaphore_mem>>
        %dma_wait3A_976 = tpu.memref_squeeze %dma_wait3A_975 : memref<1x!tpu.dma_semaphore, #tpu.memory_space<semaphore_mem>> -> memref<!tpu.dma_semaphore, #tpu.memory_space<semaphore_mem>>
        tpu.wait_indirect_dma semaphore(%dma_wait3A_976 : memref<!tpu.dma_semaphore, #tpu.memory_space<semaphore_mem>>) src(%dma_wait3A_968 : memref<128x64xf32, #tpu.memory_space<vmem>>) dst(%dma_wait3A_974 : memref<10240x64xf32, #tpu.memory_space<vmem_shared>>)
        %add3A_977 = arith.constant 2 : i32
        %add3A_978 = arith.addi %mul3A_783, %add3A_977 : i32
        %add3A_979 = arith.constant 4 : i32
        %add3A_980 = arith.addi %add3A_978, %add3A_979 : i32
        %dma_start3A_981 = arith.constant 2 : i32
        %dma_start3A_982 = arith.constant 2 : i32
        %dma_start3A_983 = arith.constant 0 : i32
        %dma_start3A_984 = arith.constant 0 : i32
        %dma_start3A_985 = tpu.memref_slice %arg9[%dma_start3A_981, %dma_start3A_983, %dma_start3A_984] : memref<4x128x64xf32, #tpu.memory_space<vmem>> -> memref<1x128x64xf32, #tpu.memory_space<vmem>>
        %dma_start3A_986 = tpu.memref_squeeze %dma_start3A_985 : memref<1x128x64xf32, #tpu.memory_space<vmem>> -> memref<128x64xf32, #tpu.memory_space<vmem>>
        %dma_start3A_987 = arith.constant 0 : i32
        %dma_start3A_988 = tpu.memref_slice %arg7[%add3A_980, %dma_start3A_987] : memref<160x128xi32, #tpu.memory_space<vmem>> -> memref<1x128xi32, #tpu.memory_space<vmem>>
        %dma_start3A_989 = tpu.memref_squeeze %dma_start3A_988 : memref<1x128xi32, #tpu.memory_space<vmem>> -> memref<128xi32, #tpu.memory_space<vmem>>
        %dma_start3A_990 = arith.constant 0 : i32
        %dma_start3A_991 = arith.constant 0 : i32
        %dma_start3A_992 = tpu.memref_slice %arg2[%arg0, %dma_start3A_990, %dma_start3A_991] : memref<2x10000x64xf32, #tpu.memory_space<hbm>> -> memref<1x10000x64xf32, #tpu.memory_space<hbm>>
        %dma_start3A_993 = tpu.memref_squeeze %dma_start3A_992 : memref<1x10000x64xf32, #tpu.memory_space<hbm>> -> memref<10000x64xf32, #tpu.memory_space<hbm>>
        %dma_start3A_994 = arith.constant 0 : i32
        %dma_start3A_995 = arith.constant 0 : i32
        %dma_start3A_996 = tpu.memref_slice %dma_start3A_993[%dma_start3A_994, %dma_start3A_995] : memref<10000x64xf32, #tpu.memory_space<hbm>> -> memref<10000x64xf32, #tpu.memory_space<hbm>>
        %dma_start3A_997 = tpu.memref_slice %arg11[%dma_start3A_982] : memref<4x!tpu.dma_semaphore, #tpu.memory_space<semaphore_mem>> -> memref<1x!tpu.dma_semaphore, #tpu.memory_space<semaphore_mem>>
        %dma_start3A_998 = tpu.memref_squeeze %dma_start3A_997 : memref<1x!tpu.dma_semaphore, #tpu.memory_space<semaphore_mem>> -> memref<!tpu.dma_semaphore, #tpu.memory_space<semaphore_mem>>
        tpu.enqueue_indirect_dma source(%dma_start3A_996 : memref<10000x64xf32, #tpu.memory_space<hbm>>) target(%dma_start3A_986 : memref<128x64xf32, #tpu.memory_space<vmem>>) offsets(%dma_start3A_989 : memref<128xi32, #tpu.memory_space<vmem>>) semaphore(%dma_start3A_998 : memref<!tpu.dma_semaphore, #tpu.memory_space<semaphore_mem>>)
      } else {
      }
      %add3A_952 = arith.constant 3 : i32
      %add3A_953 = arith.addi %mul3A_783, %add3A_952 : i32
      %add3A_954 = arith.constant 4 : i32
      %add3A_955 = arith.addi %add3A_953, %add3A_954 : i32
      %lt3A_956 = arith.constant 160 : i32
      %lt3A_957 = arith.cmpi slt, %add3A_955, %lt3A_956 : i32
      %convert_element_type3A_958 = arith.extui %lt3A_957 : i1 to i32
      %cond3A_959 = arith.constant 0 : i32
      %cond3A_960 = arith.cmpi ne, %convert_element_type3A_958, %cond3A_959 : i32
      scf.if %cond3A_960 {
        %add3A_961 = arith.constant 3 : i32
        %add3A_962 = arith.addi %mul3A_783, %add3A_961 : i32
        %dma_wait3A_963 = arith.constant 3 : i32
        %dma_wait3A_964 = arith.constant 3 : i32
        %dma_wait3A_965 = arith.constant 0 : i32
        %dma_wait3A_966 = arith.constant 0 : i32
        %dma_wait3A_967 = tpu.memref_slice %arg9[%dma_wait3A_963, %dma_wait3A_965, %dma_wait3A_966] : memref<4x128x64xf32, #tpu.memory_space<vmem>> -> memref<1x128x64xf32, #tpu.memory_space<vmem>>
        %dma_wait3A_968 = tpu.memref_squeeze %dma_wait3A_967 : memref<1x128x64xf32, #tpu.memory_space<vmem>> -> memref<128x64xf32, #tpu.memory_space<vmem>>
        %dma_wait3A_969 = arith.constant 0 : i32
        %dma_wait3A_970 = tpu.memref_slice %arg8[%add3A_962, %dma_wait3A_969] : memref<160x128xi32, #tpu.memory_space<vmem>> -> memref<1x128xi32, #tpu.memory_space<vmem>>
        %dma_wait3A_971 = tpu.memref_squeeze %dma_wait3A_970 : memref<1x128xi32, #tpu.memory_space<vmem>> -> memref<128xi32, #tpu.memory_space<vmem>>
        %dma_wait3A_972 = arith.constant 0 : i32
        %dma_wait3A_973 = arith.constant 0 : i32
        %dma_wait3A_974 = tpu.memref_slice %arg10[%dma_wait3A_972, %dma_wait3A_973] : memref<10240x64xf32, #tpu.memory_space<vmem_shared>> -> memref<10240x64xf32, #tpu.memory_space<vmem_shared>>
        %dma_wait3A_975 = tpu.memref_slice %arg12[%dma_wait3A_964] : memref<4x!tpu.dma_semaphore, #tpu.memory_space<semaphore_mem>> -> memref<1x!tpu.dma_semaphore, #tpu.memory_space<semaphore_mem>>
        %dma_wait3A_976 = tpu.memref_squeeze %dma_wait3A_975 : memref<1x!tpu.dma_semaphore, #tpu.memory_space<semaphore_mem>> -> memref<!tpu.dma_semaphore, #tpu.memory_space<semaphore_mem>>
        tpu.wait_indirect_dma semaphore(%dma_wait3A_976 : memref<!tpu.dma_semaphore, #tpu.memory_space<semaphore_mem>>) src(%dma_wait3A_968 : memref<128x64xf32, #tpu.memory_space<vmem>>) dst(%dma_wait3A_974 : memref<10240x64xf32, #tpu.memory_space<vmem_shared>>)
        %add3A_977 = arith.constant 3 : i32
        %add3A_978 = arith.addi %mul3A_783, %add3A_977 : i32
        %add3A_979 = arith.constant 4 : i32
        %add3A_980 = arith.addi %add3A_978, %add3A_979 : i32
        %dma_start3A_981 = arith.constant 3 : i32
        %dma_start3A_982 = arith.constant 3 : i32
        %dma_start3A_983 = arith.constant 0 : i32
        %dma_start3A_984 = arith.constant 0 : i32
        %dma_start3A_985 = tpu.memref_slice %arg9[%dma_start3A_981, %dma_start3A_983, %dma_start3A_984] : memref<4x128x64xf32, #tpu.memory_space<vmem>> -> memref<1x128x64xf32, #tpu.memory_space<vmem>>
        %dma_start3A_986 = tpu.memref_squeeze %dma_start3A_985 : memref<1x128x64xf32, #tpu.memory_space<vmem>> -> memref<128x64xf32, #tpu.memory_space<vmem>>
        %dma_start3A_987 = arith.constant 0 : i32
        %dma_start3A_988 = tpu.memref_slice %arg7[%add3A_980, %dma_start3A_987] : memref<160x128xi32, #tpu.memory_space<vmem>> -> memref<1x128xi32, #tpu.memory_space<vmem>>
        %dma_start3A_989 = tpu.memref_squeeze %dma_start3A_988 : memref<1x128xi32, #tpu.memory_space<vmem>> -> memref<128xi32, #tpu.memory_space<vmem>>
        %dma_start3A_990 = arith.constant 0 : i32
        %dma_start3A_991 = arith.constant 0 : i32
        %dma_start3A_992 = tpu.memref_slice %arg2[%arg0, %dma_start3A_990, %dma_start3A_991] : memref<2x10000x64xf32, #tpu.memory_space<hbm>> -> memref<1x10000x64xf32, #tpu.memory_space<hbm>>
        %dma_start3A_993 = tpu.memref_squeeze %dma_start3A_992 : memref<1x10000x64xf32, #tpu.memory_space<hbm>> -> memref<10000x64xf32, #tpu.memory_space<hbm>>
        %dma_start3A_994 = arith.constant 0 : i32
        %dma_start3A_995 = arith.constant 0 : i32
        %dma_start3A_996 = tpu.memref_slice %dma_start3A_993[%dma_start3A_994, %dma_start3A_995] : memref<10000x64xf32, #tpu.memory_space<hbm>> -> memref<10000x64xf32, #tpu.memory_space<hbm>>
        %dma_start3A_997 = tpu.memref_slice %arg11[%dma_start3A_982] : memref<4x!tpu.dma_semaphore, #tpu.memory_space<semaphore_mem>> -> memref<1x!tpu.dma_semaphore, #tpu.memory_space<semaphore_mem>>
        %dma_start3A_998 = tpu.memref_squeeze %dma_start3A_997 : memref<1x!tpu.dma_semaphore, #tpu.memory_space<semaphore_mem>> -> memref<!tpu.dma_semaphore, #tpu.memory_space<semaphore_mem>>
        tpu.enqueue_indirect_dma source(%dma_start3A_996 : memref<10000x64xf32, #tpu.memory_space<hbm>>) target(%dma_start3A_986 : memref<128x64xf32, #tpu.memory_space<vmem>>) offsets(%dma_start3A_989 : memref<128xi32, #tpu.memory_space<vmem>>) semaphore(%dma_start3A_998 : memref<!tpu.dma_semaphore, #tpu.memory_space<semaphore_mem>>)
      } else {
      }
    }
    %scan3A_299 = arith.constant 40 : i32
    %dma_wait3A_300 = arith.constant 0 : i32
    %dma_wait3A_301 = arith.constant 156 : i32
    %dma_wait3A_302 = arith.constant 0 : i32
    %dma_wait3A_303 = arith.constant 0 : i32
    %dma_wait3A_304 = arith.constant 0 : i32
    %dma_wait3A_305 = tpu.memref_slice %arg9[%dma_wait3A_300, %dma_wait3A_303, %dma_wait3A_304] : memref<4x128x64xf32, #tpu.memory_space<vmem>> -> memref<1x128x64xf32, #tpu.memory_space<vmem>>
    %dma_wait3A_306 = tpu.memref_squeeze %dma_wait3A_305 : memref<1x128x64xf32, #tpu.memory_space<vmem>> -> memref<128x64xf32, #tpu.memory_space<vmem>>
    %dma_wait3A_307 = arith.constant 0 : i32
    %dma_wait3A_308 = tpu.memref_slice %arg8[%dma_wait3A_301, %dma_wait3A_307] : memref<160x128xi32, #tpu.memory_space<vmem>> -> memref<1x128xi32, #tpu.memory_space<vmem>>
    %dma_wait3A_309 = tpu.memref_squeeze %dma_wait3A_308 : memref<1x128xi32, #tpu.memory_space<vmem>> -> memref<128xi32, #tpu.memory_space<vmem>>
    %dma_wait3A_310 = arith.constant 0 : i32
    %dma_wait3A_311 = arith.constant 0 : i32
    %dma_wait3A_312 = tpu.memref_slice %arg10[%dma_wait3A_310, %dma_wait3A_311] : memref<10240x64xf32, #tpu.memory_space<vmem_shared>> -> memref<10240x64xf32, #tpu.memory_space<vmem_shared>>
    %dma_wait3A_313 = tpu.memref_slice %arg12[%dma_wait3A_302] : memref<4x!tpu.dma_semaphore, #tpu.memory_space<semaphore_mem>> -> memref<1x!tpu.dma_semaphore, #tpu.memory_space<semaphore_mem>>
    %dma_wait3A_314 = tpu.memref_squeeze %dma_wait3A_313 : memref<1x!tpu.dma_semaphore, #tpu.memory_space<semaphore_mem>> -> memref<!tpu.dma_semaphore, #tpu.memory_space<semaphore_mem>>
    tpu.wait_indirect_dma semaphore(%dma_wait3A_314 : memref<!tpu.dma_semaphore, #tpu.memory_space<semaphore_mem>>) src(%dma_wait3A_306 : memref<128x64xf32, #tpu.memory_space<vmem>>) dst(%dma_wait3A_312 : memref<10240x64xf32, #tpu.memory_space<vmem_shared>>)
    %dma_wait3A_315 = arith.constant 1 : i32
    %dma_wait3A_316 = arith.constant 157 : i32
    %dma_wait3A_317 = arith.constant 1 : i32
    %dma_wait3A_318 = arith.constant 0 : i32
    %dma_wait3A_319 = arith.constant 0 : i32
    %dma_wait3A_320 = tpu.memref_slice %arg9[%dma_wait3A_315, %dma_wait3A_318, %dma_wait3A_319] : memref<4x128x64xf32, #tpu.memory_space<vmem>> -> memref<1x128x64xf32, #tpu.memory_space<vmem>>
    %dma_wait3A_321 = tpu.memref_squeeze %dma_wait3A_320 : memref<1x128x64xf32, #tpu.memory_space<vmem>> -> memref<128x64xf32, #tpu.memory_space<vmem>>
    %dma_wait3A_322 = arith.constant 0 : i32
    %dma_wait3A_323 = tpu.memref_slice %arg8[%dma_wait3A_316, %dma_wait3A_322] : memref<160x128xi32, #tpu.memory_space<vmem>> -> memref<1x128xi32, #tpu.memory_space<vmem>>
    %dma_wait3A_324 = tpu.memref_squeeze %dma_wait3A_323 : memref<1x128xi32, #tpu.memory_space<vmem>> -> memref<128xi32, #tpu.memory_space<vmem>>
    %dma_wait3A_325 = arith.constant 0 : i32
    %dma_wait3A_326 = arith.constant 0 : i32
    %dma_wait3A_327 = tpu.memref_slice %arg10[%dma_wait3A_325, %dma_wait3A_326] : memref<10240x64xf32, #tpu.memory_space<vmem_shared>> -> memref<10240x64xf32, #tpu.memory_space<vmem_shared>>
    %dma_wait3A_328 = tpu.memref_slice %arg12[%dma_wait3A_317] : memref<4x!tpu.dma_semaphore, #tpu.memory_space<semaphore_mem>> -> memref<1x!tpu.dma_semaphore, #tpu.memory_space<semaphore_mem>>
    %dma_wait3A_329 = tpu.memref_squeeze %dma_wait3A_328 : memref<1x!tpu.dma_semaphore, #tpu.memory_space<semaphore_mem>> -> memref<!tpu.dma_semaphore, #tpu.memory_space<semaphore_mem>>
    tpu.wait_indirect_dma semaphore(%dma_wait3A_329 : memref<!tpu.dma_semaphore, #tpu.memory_space<semaphore_mem>>) src(%dma_wait3A_321 : memref<128x64xf32, #tpu.memory_space<vmem>>) dst(%dma_wait3A_327 : memref<10240x64xf32, #tpu.memory_space<vmem_shared>>)
    %dma_wait3A_330 = arith.constant 2 : i32
    %dma_wait3A_331 = arith.constant 158 : i32
    %dma_wait3A_332 = arith.constant 2 : i32
    %dma_wait3A_333 = arith.constant 0 : i32
    %dma_wait3A_334 = arith.constant 0 : i32
    %dma_wait3A_335 = tpu.memref_slice %arg9[%dma_wait3A_330, %dma_wait3A_333, %dma_wait3A_334] : memref<4x128x64xf32, #tpu.memory_space<vmem>> -> memref<1x128x64xf32, #tpu.memory_space<vmem>>
    %dma_wait3A_336 = tpu.memref_squeeze %dma_wait3A_335 : memref<1x128x64xf32, #tpu.memory_space<vmem>> -> memref<128x64xf32, #tpu.memory_space<vmem>>
    %dma_wait3A_337 = arith.constant 0 : i32
    %dma_wait3A_338 = tpu.memref_slice %arg8[%dma_wait3A_331, %dma_wait3A_337] : memref<160x128xi32, #tpu.memory_space<vmem>> -> memref<1x128xi32, #tpu.memory_space<vmem>>
    %dma_wait3A_339 = tpu.memref_squeeze %dma_wait3A_338 : memref<1x128xi32, #tpu.memory_space<vmem>> -> memref<128xi32, #tpu.memory_space<vmem>>
    %dma_wait3A_340 = arith.constant 0 : i32
    %dma_wait3A_341 = arith.constant 0 : i32
    %dma_wait3A_342 = tpu.memref_slice %arg10[%dma_wait3A_340, %dma_wait3A_341] : memref<10240x64xf32, #tpu.memory_space<vmem_shared>> -> memref<10240x64xf32, #tpu.memory_space<vmem_shared>>
    %dma_wait3A_343 = tpu.memref_slice %arg12[%dma_wait3A_332] : memref<4x!tpu.dma_semaphore, #tpu.memory_space<semaphore_mem>> -> memref<1x!tpu.dma_semaphore, #tpu.memory_space<semaphore_mem>>
    %dma_wait3A_344 = tpu.memref_squeeze %dma_wait3A_343 : memref<1x!tpu.dma_semaphore, #tpu.memory_space<semaphore_mem>> -> memref<!tpu.dma_semaphore, #tpu.memory_space<semaphore_mem>>
    tpu.wait_indirect_dma semaphore(%dma_wait3A_344 : memref<!tpu.dma_semaphore, #tpu.memory_space<semaphore_mem>>) src(%dma_wait3A_336 : memref<128x64xf32, #tpu.memory_space<vmem>>) dst(%dma_wait3A_342 : memref<10240x64xf32, #tpu.memory_space<vmem_shared>>)
    %dma_wait3A_345 = arith.constant 3 : i32
    %dma_wait3A_346 = arith.constant 159 : i32
    %dma_wait3A_347 = arith.constant 3 : i32
    %dma_wait3A_348 = arith.constant 0 : i32
    %dma_wait3A_349 = arith.constant 0 : i32
    %dma_wait3A_350 = tpu.memref_slice %arg9[%dma_wait3A_345, %dma_wait3A_348, %dma_wait3A_349] : memref<4x128x64xf32, #tpu.memory_space<vmem>> -> memref<1x128x64xf32, #tpu.memory_space<vmem>>
    %dma_wait3A_351 = tpu.memref_squeeze %dma_wait3A_350 : memref<1x128x64xf32, #tpu.memory_space<vmem>> -> memref<128x64xf32, #tpu.memory_space<vmem>>
    %dma_wait3A_352 = arith.constant 0 : i32
    %dma_wait3A_353 = tpu.memref_slice %arg8[%dma_wait3A_346, %dma_wait3A_352] : memref<160x128xi32, #tpu.memory_space<vmem>> -> memref<1x128xi32, #tpu.memory_space<vmem>>
    %dma_wait3A_354 = tpu.memref_squeeze %dma_wait3A_353 : memref<1x128xi32, #tpu.memory_space<vmem>> -> memref<128xi32, #tpu.memory_space<vmem>>
    %dma_wait3A_355 = arith.constant 0 : i32
    %dma_wait3A_356 = arith.constant 0 : i32
    %dma_wait3A_357 = tpu.memref_slice %arg10[%dma_wait3A_355, %dma_wait3A_356] : memref<10240x64xf32, #tpu.memory_space<vmem_shared>> -> memref<10240x64xf32, #tpu.memory_space<vmem_shared>>
    %dma_wait3A_358 = tpu.memref_slice %arg12[%dma_wait3A_347] : memref<4x!tpu.dma_semaphore, #tpu.memory_space<semaphore_mem>> -> memref<1x!tpu.dma_semaphore, #tpu.memory_space<semaphore_mem>>
    %dma_wait3A_359 = tpu.memref_squeeze %dma_wait3A_358 : memref<1x!tpu.dma_semaphore, #tpu.memory_space<semaphore_mem>> -> memref<!tpu.dma_semaphore, #tpu.memory_space<semaphore_mem>>
    tpu.wait_indirect_dma semaphore(%dma_wait3A_359 : memref<!tpu.dma_semaphore, #tpu.memory_space<semaphore_mem>>) src(%dma_wait3A_351 : memref<128x64xf32, #tpu.memory_space<vmem>>) dst(%dma_wait3A_357 : memref<10240x64xf32, #tpu.memory_space<vmem_shared>>)
    %barrier3A_360 = arith.constant 0 : index
    tpu.barrier barrier_id(%barrier3A_360)
    %mul3A_361 = arith.constant 640 : i32
    %mul3A_362 = arith.muli %arg1, %mul3A_361 : i32
    %add3A_363 = arith.constant 0 : i32
    %add3A_364 = arith.addi %mul3A_362, %add3A_363 : i32
    %dma_start3A_365 = arith.constant 0 : i32
    %dma_start3A_366 = arith.constant 0 : i32
    %dma_start3A_367 = arith.constant 0 : i32
    %dma_start3A_368 = arith.constant 0 : i32
    %dma_start3A_369 = tpu.memref_slice %arg9[%dma_start3A_365, %dma_start3A_367, %dma_start3A_368] : memref<4x128x64xf32, #tpu.memory_space<vmem>> -> memref<1x128x64xf32, #tpu.memory_space<vmem>>
    %dma_start3A_370 = tpu.memref_squeeze %dma_start3A_369 : memref<1x128x64xf32, #tpu.memory_space<vmem>> -> memref<128x64xf32, #tpu.memory_space<vmem>>
    %dma_start3A_371 = arith.constant 0 : i32
    %dma_start3A_372 = tpu.memref_slice %arg10[%add3A_364, %dma_start3A_371] : memref<10240x64xf32, #tpu.memory_space<vmem_shared>> -> memref<128x64xf32, #tpu.memory_space<vmem_shared>>
    %dma_start3A_373 = tpu.memref_slice %arg11[%dma_start3A_366] : memref<4x!tpu.dma_semaphore, #tpu.memory_space<semaphore_mem>> -> memref<1x!tpu.dma_semaphore, #tpu.memory_space<semaphore_mem>>
    %dma_start3A_374 = tpu.memref_squeeze %dma_start3A_373 : memref<1x!tpu.dma_semaphore, #tpu.memory_space<semaphore_mem>> -> memref<!tpu.dma_semaphore, #tpu.memory_space<semaphore_mem>>
    %dma_start3A_375 = arith.constant 0 : i32
    %dma_start3A_376 = arith.constant 0 : i32
    %dma_start3A_377 = tpu.memref_slice %arg9[%dma_start3A_365, %dma_start3A_375, %dma_start3A_376] : memref<4x128x64xf32, #tpu.memory_space<vmem>> -> memref<1x128x64xf32, #tpu.memory_space<vmem>>
    %dma_start3A_378 = tpu.memref_squeeze %dma_start3A_377 : memref<1x128x64xf32, #tpu.memory_space<vmem>> -> memref<128x64xf32, #tpu.memory_space<vmem>>
    %dma_start3A_379 = arith.constant 0 : i32
    %dma_start3A_380 = tpu.memref_slice %arg10[%add3A_364, %dma_start3A_379] : memref<10240x64xf32, #tpu.memory_space<vmem_shared>> -> memref<128x64xf32, #tpu.memory_space<vmem_shared>>
    tpu.enqueue_dma source(%dma_start3A_380 : memref<128x64xf32, #tpu.memory_space<vmem_shared>>) target(%dma_start3A_378 : memref<128x64xf32, #tpu.memory_space<vmem>>) target_semaphore(%dma_start3A_374 : memref<!tpu.dma_semaphore, #tpu.memory_space<semaphore_mem>>)
    %mul3A_381 = arith.constant 640 : i32
    %mul3A_382 = arith.muli %arg1, %mul3A_381 : i32
    %add3A_383 = arith.constant 0 : i32
    %add3A_384 = arith.addi %mul3A_382, %add3A_383 : i32
    %dma_wait3A_385 = arith.constant 0 : i32
    %dma_wait3A_386 = arith.constant 0 : i32
    %dma_wait3A_387 = arith.constant 0 : i32
    %dma_wait3A_388 = arith.constant 0 : i32
    %dma_wait3A_389 = tpu.memref_slice %arg9[%dma_wait3A_385, %dma_wait3A_387, %dma_wait3A_388] : memref<4x128x64xf32, #tpu.memory_space<vmem>> -> memref<1x128x64xf32, #tpu.memory_space<vmem>>
    %dma_wait3A_390 = tpu.memref_squeeze %dma_wait3A_389 : memref<1x128x64xf32, #tpu.memory_space<vmem>> -> memref<128x64xf32, #tpu.memory_space<vmem>>
    %dma_wait3A_391 = arith.constant 0 : i32
    %dma_wait3A_392 = tpu.memref_slice %arg10[%add3A_384, %dma_wait3A_391] : memref<10240x64xf32, #tpu.memory_space<vmem_shared>> -> memref<128x64xf32, #tpu.memory_space<vmem_shared>>
    %dma_wait3A_393 = tpu.memref_slice %arg11[%dma_wait3A_386] : memref<4x!tpu.dma_semaphore, #tpu.memory_space<semaphore_mem>> -> memref<1x!tpu.dma_semaphore, #tpu.memory_space<semaphore_mem>>
    %dma_wait3A_394 = tpu.memref_squeeze %dma_wait3A_393 : memref<1x!tpu.dma_semaphore, #tpu.memory_space<semaphore_mem>> -> memref<!tpu.dma_semaphore, #tpu.memory_space<semaphore_mem>>
    %dma_wait3A_395 = arith.constant 0 : i32
    %dma_wait3A_396 = arith.constant 0 : i32
    %dma_wait3A_397 = tpu.memref_slice %arg9[%dma_wait3A_385, %dma_wait3A_395, %dma_wait3A_396] : memref<4x128x64xf32, #tpu.memory_space<vmem>> -> memref<1x128x64xf32, #tpu.memory_space<vmem>>
    %dma_wait3A_398 = tpu.memref_squeeze %dma_wait3A_397 : memref<1x128x64xf32, #tpu.memory_space<vmem>> -> memref<128x64xf32, #tpu.memory_space<vmem>>
    %dma_wait3A_399 = arith.constant 0 : i32
    %dma_wait3A_400 = tpu.memref_slice %arg10[%add3A_384, %dma_wait3A_399] : memref<10240x64xf32, #tpu.memory_space<vmem_shared>> -> memref<128x64xf32, #tpu.memory_space<vmem_shared>>
    tpu.wait_dma2 semaphore(%dma_wait3A_394 : memref<!tpu.dma_semaphore, #tpu.memory_space<semaphore_mem>>) src(%dma_wait3A_400 : memref<128x64xf32, #tpu.memory_space<vmem_shared>>) dst(%dma_wait3A_398 : memref<128x64xf32, #tpu.memory_space<vmem>>)
    %mul3A_401 = arith.constant 640 : i32
    %mul3A_402 = arith.muli %arg1, %mul3A_401 : i32
    %add3A_403 = arith.constant 0 : i32
    %add3A_404 = arith.addi %mul3A_402, %add3A_403 : i32
    %dma_start3A_405 = arith.constant 0 : i32
    %dma_start3A_406 = arith.constant 0 : i32
    %dma_start3A_407 = arith.constant 0 : i32
    %dma_start3A_408 = arith.constant 0 : i32
    %dma_start3A_409 = tpu.memref_slice %arg9[%dma_start3A_405, %dma_start3A_407, %dma_start3A_408] : memref<4x128x64xf32, #tpu.memory_space<vmem>> -> memref<1x128x64xf32, #tpu.memory_space<vmem>>
    %dma_start3A_410 = tpu.memref_squeeze %dma_start3A_409 : memref<1x128x64xf32, #tpu.memory_space<vmem>> -> memref<128x64xf32, #tpu.memory_space<vmem>>
    %dma_start3A_411 = arith.constant 0 : i32
    %dma_start3A_412 = tpu.memref_slice %arg6[%arg0, %add3A_404, %dma_start3A_411] : memref<2x10240x64xf32, #tpu.memory_space<hbm>> -> memref<1x128x64xf32, #tpu.memory_space<hbm>>
    %dma_start3A_413 = tpu.memref_squeeze %dma_start3A_412 : memref<1x128x64xf32, #tpu.memory_space<hbm>> -> memref<128x64xf32, #tpu.memory_space<hbm>>
    %dma_start3A_414 = tpu.memref_slice %arg12[%dma_start3A_406] : memref<4x!tpu.dma_semaphore, #tpu.memory_space<semaphore_mem>> -> memref<1x!tpu.dma_semaphore, #tpu.memory_space<semaphore_mem>>
    %dma_start3A_415 = tpu.memref_squeeze %dma_start3A_414 : memref<1x!tpu.dma_semaphore, #tpu.memory_space<semaphore_mem>> -> memref<!tpu.dma_semaphore, #tpu.memory_space<semaphore_mem>>
    %dma_start3A_416 = arith.constant 0 : i32
    %dma_start3A_417 = tpu.memref_slice %arg6[%arg0, %add3A_404, %dma_start3A_416] : memref<2x10240x64xf32, #tpu.memory_space<hbm>> -> memref<1x128x64xf32, #tpu.memory_space<hbm>>
    %dma_start3A_418 = tpu.memref_squeeze %dma_start3A_417 : memref<1x128x64xf32, #tpu.memory_space<hbm>> -> memref<128x64xf32, #tpu.memory_space<hbm>>
    %dma_start3A_419 = arith.constant 0 : i32
    %dma_start3A_420 = arith.constant 0 : i32
    %dma_start3A_421 = tpu.memref_slice %arg9[%dma_start3A_405, %dma_start3A_419, %dma_start3A_420] : memref<4x128x64xf32, #tpu.memory_space<vmem>> -> memref<1x128x64xf32, #tpu.memory_space<vmem>>
    %dma_start3A_422 = tpu.memref_squeeze %dma_start3A_421 : memref<1x128x64xf32, #tpu.memory_space<vmem>> -> memref<128x64xf32, #tpu.memory_space<vmem>>
    tpu.enqueue_dma source(%dma_start3A_422 : memref<128x64xf32, #tpu.memory_space<vmem>>) target(%dma_start3A_418 : memref<128x64xf32, #tpu.memory_space<hbm>>) target_semaphore(%dma_start3A_415 : memref<!tpu.dma_semaphore, #tpu.memory_space<semaphore_mem>>)
    %mul3A_423 = arith.constant 640 : i32
    %mul3A_424 = arith.muli %arg1, %mul3A_423 : i32
    %add3A_425 = arith.constant 128 : i32
    %add3A_426 = arith.addi %mul3A_424, %add3A_425 : i32
    %dma_start3A_427 = arith.constant 1 : i32
    %dma_start3A_428 = arith.constant 1 : i32
    %dma_start3A_429 = arith.constant 0 : i32
    %dma_start3A_430 = arith.constant 0 : i32
    %dma_start3A_431 = tpu.memref_slice %arg9[%dma_start3A_427, %dma_start3A_429, %dma_start3A_430] : memref<4x128x64xf32, #tpu.memory_space<vmem>> -> memref<1x128x64xf32, #tpu.memory_space<vmem>>
    %dma_start3A_432 = tpu.memref_squeeze %dma_start3A_431 : memref<1x128x64xf32, #tpu.memory_space<vmem>> -> memref<128x64xf32, #tpu.memory_space<vmem>>
    %dma_start3A_433 = arith.constant 0 : i32
    %dma_start3A_434 = tpu.memref_slice %arg10[%add3A_426, %dma_start3A_433] : memref<10240x64xf32, #tpu.memory_space<vmem_shared>> -> memref<128x64xf32, #tpu.memory_space<vmem_shared>>
    %dma_start3A_435 = tpu.memref_slice %arg11[%dma_start3A_428] : memref<4x!tpu.dma_semaphore, #tpu.memory_space<semaphore_mem>> -> memref<1x!tpu.dma_semaphore, #tpu.memory_space<semaphore_mem>>
    %dma_start3A_436 = tpu.memref_squeeze %dma_start3A_435 : memref<1x!tpu.dma_semaphore, #tpu.memory_space<semaphore_mem>> -> memref<!tpu.dma_semaphore, #tpu.memory_space<semaphore_mem>>
    %dma_start3A_437 = arith.constant 0 : i32
    %dma_start3A_438 = arith.constant 0 : i32
    %dma_start3A_439 = tpu.memref_slice %arg9[%dma_start3A_427, %dma_start3A_437, %dma_start3A_438] : memref<4x128x64xf32, #tpu.memory_space<vmem>> -> memref<1x128x64xf32, #tpu.memory_space<vmem>>
    %dma_start3A_440 = tpu.memref_squeeze %dma_start3A_439 : memref<1x128x64xf32, #tpu.memory_space<vmem>> -> memref<128x64xf32, #tpu.memory_space<vmem>>
    %dma_start3A_441 = arith.constant 0 : i32
    %dma_start3A_442 = tpu.memref_slice %arg10[%add3A_426, %dma_start3A_441] : memref<10240x64xf32, #tpu.memory_space<vmem_shared>> -> memref<128x64xf32, #tpu.memory_space<vmem_shared>>
    tpu.enqueue_dma source(%dma_start3A_442 : memref<128x64xf32, #tpu.memory_space<vmem_shared>>) target(%dma_start3A_440 : memref<128x64xf32, #tpu.memory_space<vmem>>) target_semaphore(%dma_start3A_436 : memref<!tpu.dma_semaphore, #tpu.memory_space<semaphore_mem>>)
    %mul3A_443 = arith.constant 640 : i32
    %mul3A_444 = arith.muli %arg1, %mul3A_443 : i32
    %add3A_445 = arith.constant 128 : i32
    %add3A_446 = arith.addi %mul3A_444, %add3A_445 : i32
    %dma_wait3A_447 = arith.constant 1 : i32
    %dma_wait3A_448 = arith.constant 1 : i32
    %dma_wait3A_449 = arith.constant 0 : i32
    %dma_wait3A_450 = arith.constant 0 : i32
    %dma_wait3A_451 = tpu.memref_slice %arg9[%dma_wait3A_447, %dma_wait3A_449, %dma_wait3A_450] : memref<4x128x64xf32, #tpu.memory_space<vmem>> -> memref<1x128x64xf32, #tpu.memory_space<vmem>>
    %dma_wait3A_452 = tpu.memref_squeeze %dma_wait3A_451 : memref<1x128x64xf32, #tpu.memory_space<vmem>> -> memref<128x64xf32, #tpu.memory_space<vmem>>
    %dma_wait3A_453 = arith.constant 0 : i32
    %dma_wait3A_454 = tpu.memref_slice %arg10[%add3A_446, %dma_wait3A_453] : memref<10240x64xf32, #tpu.memory_space<vmem_shared>> -> memref<128x64xf32, #tpu.memory_space<vmem_shared>>
    %dma_wait3A_455 = tpu.memref_slice %arg11[%dma_wait3A_448] : memref<4x!tpu.dma_semaphore, #tpu.memory_space<semaphore_mem>> -> memref<1x!tpu.dma_semaphore, #tpu.memory_space<semaphore_mem>>
    %dma_wait3A_456 = tpu.memref_squeeze %dma_wait3A_455 : memref<1x!tpu.dma_semaphore, #tpu.memory_space<semaphore_mem>> -> memref<!tpu.dma_semaphore, #tpu.memory_space<semaphore_mem>>
    %dma_wait3A_457 = arith.constant 0 : i32
    %dma_wait3A_458 = arith.constant 0 : i32
    %dma_wait3A_459 = tpu.memref_slice %arg9[%dma_wait3A_447, %dma_wait3A_457, %dma_wait3A_458] : memref<4x128x64xf32, #tpu.memory_space<vmem>> -> memref<1x128x64xf32, #tpu.memory_space<vmem>>
    %dma_wait3A_460 = tpu.memref_squeeze %dma_wait3A_459 : memref<1x128x64xf32, #tpu.memory_space<vmem>> -> memref<128x64xf32, #tpu.memory_space<vmem>>
    %dma_wait3A_461 = arith.constant 0 : i32
    %dma_wait3A_462 = tpu.memref_slice %arg10[%add3A_446, %dma_wait3A_461] : memref<10240x64xf32, #tpu.memory_space<vmem_shared>> -> memref<128x64xf32, #tpu.memory_space<vmem_shared>>
    tpu.wait_dma2 semaphore(%dma_wait3A_456 : memref<!tpu.dma_semaphore, #tpu.memory_space<semaphore_mem>>) src(%dma_wait3A_462 : memref<128x64xf32, #tpu.memory_space<vmem_shared>>) dst(%dma_wait3A_460 : memref<128x64xf32, #tpu.memory_space<vmem>>)
    %mul3A_463 = arith.constant 640 : i32
    %mul3A_464 = arith.muli %arg1, %mul3A_463 : i32
    %add3A_465 = arith.constant 128 : i32
    %add3A_466 = arith.addi %mul3A_464, %add3A_465 : i32
    %dma_start3A_467 = arith.constant 1 : i32
    %dma_start3A_468 = arith.constant 1 : i32
    %dma_start3A_469 = arith.constant 0 : i32
    %dma_start3A_470 = arith.constant 0 : i32
    %dma_start3A_471 = tpu.memref_slice %arg9[%dma_start3A_467, %dma_start3A_469, %dma_start3A_470] : memref<4x128x64xf32, #tpu.memory_space<vmem>> -> memref<1x128x64xf32, #tpu.memory_space<vmem>>
    %dma_start3A_472 = tpu.memref_squeeze %dma_start3A_471 : memref<1x128x64xf32, #tpu.memory_space<vmem>> -> memref<128x64xf32, #tpu.memory_space<vmem>>
    %dma_start3A_473 = arith.constant 0 : i32
    %dma_start3A_474 = tpu.memref_slice %arg6[%arg0, %add3A_466, %dma_start3A_473] : memref<2x10240x64xf32, #tpu.memory_space<hbm>> -> memref<1x128x64xf32, #tpu.memory_space<hbm>>
    %dma_start3A_475 = tpu.memref_squeeze %dma_start3A_474 : memref<1x128x64xf32, #tpu.memory_space<hbm>> -> memref<128x64xf32, #tpu.memory_space<hbm>>
    %dma_start3A_476 = tpu.memref_slice %arg12[%dma_start3A_468] : memref<4x!tpu.dma_semaphore, #tpu.memory_space<semaphore_mem>> -> memref<1x!tpu.dma_semaphore, #tpu.memory_space<semaphore_mem>>
    %dma_start3A_477 = tpu.memref_squeeze %dma_start3A_476 : memref<1x!tpu.dma_semaphore, #tpu.memory_space<semaphore_mem>> -> memref<!tpu.dma_semaphore, #tpu.memory_space<semaphore_mem>>
    %dma_start3A_478 = arith.constant 0 : i32
    %dma_start3A_479 = tpu.memref_slice %arg6[%arg0, %add3A_466, %dma_start3A_478] : memref<2x10240x64xf32, #tpu.memory_space<hbm>> -> memref<1x128x64xf32, #tpu.memory_space<hbm>>
    %dma_start3A_480 = tpu.memref_squeeze %dma_start3A_479 : memref<1x128x64xf32, #tpu.memory_space<hbm>> -> memref<128x64xf32, #tpu.memory_space<hbm>>
    %dma_start3A_481 = arith.constant 0 : i32
    %dma_start3A_482 = arith.constant 0 : i32
    %dma_start3A_483 = tpu.memref_slice %arg9[%dma_start3A_467, %dma_start3A_481, %dma_start3A_482] : memref<4x128x64xf32, #tpu.memory_space<vmem>> -> memref<1x128x64xf32, #tpu.memory_space<vmem>>
    %dma_start3A_484 = tpu.memref_squeeze %dma_start3A_483 : memref<1x128x64xf32, #tpu.memory_space<vmem>> -> memref<128x64xf32, #tpu.memory_space<vmem>>
    tpu.enqueue_dma source(%dma_start3A_484 : memref<128x64xf32, #tpu.memory_space<vmem>>) target(%dma_start3A_480 : memref<128x64xf32, #tpu.memory_space<hbm>>) target_semaphore(%dma_start3A_477 : memref<!tpu.dma_semaphore, #tpu.memory_space<semaphore_mem>>)
    %mul3A_485 = arith.constant 640 : i32
    %mul3A_486 = arith.muli %arg1, %mul3A_485 : i32
    %add3A_487 = arith.constant 0 : i32
    %add3A_488 = arith.addi %mul3A_486, %add3A_487 : i32
    %dma_wait3A_489 = arith.constant 0 : i32
    %dma_wait3A_490 = arith.constant 0 : i32
    %dma_wait3A_491 = arith.constant 0 : i32
    %dma_wait3A_492 = arith.constant 0 : i32
    %dma_wait3A_493 = tpu.memref_slice %arg9[%dma_wait3A_489, %dma_wait3A_491, %dma_wait3A_492] : memref<4x128x64xf32, #tpu.memory_space<vmem>> -> memref<1x128x64xf32, #tpu.memory_space<vmem>>
    %dma_wait3A_494 = tpu.memref_squeeze %dma_wait3A_493 : memref<1x128x64xf32, #tpu.memory_space<vmem>> -> memref<128x64xf32, #tpu.memory_space<vmem>>
    %dma_wait3A_495 = arith.constant 0 : i32
    %dma_wait3A_496 = tpu.memref_slice %arg6[%arg0, %add3A_488, %dma_wait3A_495] : memref<2x10240x64xf32, #tpu.memory_space<hbm>> -> memref<1x128x64xf32, #tpu.memory_space<hbm>>
    %dma_wait3A_497 = tpu.memref_squeeze %dma_wait3A_496 : memref<1x128x64xf32, #tpu.memory_space<hbm>> -> memref<128x64xf32, #tpu.memory_space<hbm>>
    %dma_wait3A_498 = tpu.memref_slice %arg12[%dma_wait3A_490] : memref<4x!tpu.dma_semaphore, #tpu.memory_space<semaphore_mem>> -> memref<1x!tpu.dma_semaphore, #tpu.memory_space<semaphore_mem>>
    %dma_wait3A_499 = tpu.memref_squeeze %dma_wait3A_498 : memref<1x!tpu.dma_semaphore, #tpu.memory_space<semaphore_mem>> -> memref<!tpu.dma_semaphore, #tpu.memory_space<semaphore_mem>>
    %dma_wait3A_500 = arith.constant 0 : i32
    %dma_wait3A_501 = tpu.memref_slice %arg6[%arg0, %add3A_488, %dma_wait3A_500] : memref<2x10240x64xf32, #tpu.memory_space<hbm>> -> memref<1x128x64xf32, #tpu.memory_space<hbm>>
    %dma_wait3A_502 = tpu.memref_squeeze %dma_wait3A_501 : memref<1x128x64xf32, #tpu.memory_space<hbm>> -> memref<128x64xf32, #tpu.memory_space<hbm>>
    %dma_wait3A_503 = arith.constant 0 : i32
    %dma_wait3A_504 = arith.constant 0 : i32
    %dma_wait3A_505 = tpu.memref_slice %arg9[%dma_wait3A_489, %dma_wait3A_503, %dma_wait3A_504] : memref<4x128x64xf32, #tpu.memory_space<vmem>> -> memref<1x128x64xf32, #tpu.memory_space<vmem>>
    %dma_wait3A_506 = tpu.memref_squeeze %dma_wait3A_505 : memref<1x128x64xf32, #tpu.memory_space<vmem>> -> memref<128x64xf32, #tpu.memory_space<vmem>>
    tpu.wait_dma2 semaphore(%dma_wait3A_499 : memref<!tpu.dma_semaphore, #tpu.memory_space<semaphore_mem>>) src(%dma_wait3A_506 : memref<128x64xf32, #tpu.memory_space<vmem>>) dst(%dma_wait3A_502 : memref<128x64xf32, #tpu.memory_space<hbm>>)
    %mul3A_507 = arith.constant 640 : i32
    %mul3A_508 = arith.muli %arg1, %mul3A_507 : i32
    %add3A_509 = arith.constant 256 : i32
    %add3A_510 = arith.addi %mul3A_508, %add3A_509 : i32
    %dma_start3A_511 = arith.constant 0 : i32
    %dma_start3A_512 = arith.constant 0 : i32
    %dma_start3A_513 = arith.constant 0 : i32
    %dma_start3A_514 = arith.constant 0 : i32
    %dma_start3A_515 = tpu.memref_slice %arg9[%dma_start3A_511, %dma_start3A_513, %dma_start3A_514] : memref<4x128x64xf32, #tpu.memory_space<vmem>> -> memref<1x128x64xf32, #tpu.memory_space<vmem>>
    %dma_start3A_516 = tpu.memref_squeeze %dma_start3A_515 : memref<1x128x64xf32, #tpu.memory_space<vmem>> -> memref<128x64xf32, #tpu.memory_space<vmem>>
    %dma_start3A_517 = arith.constant 0 : i32
    %dma_start3A_518 = tpu.memref_slice %arg10[%add3A_510, %dma_start3A_517] : memref<10240x64xf32, #tpu.memory_space<vmem_shared>> -> memref<128x64xf32, #tpu.memory_space<vmem_shared>>
    %dma_start3A_519 = tpu.memref_slice %arg11[%dma_start3A_512] : memref<4x!tpu.dma_semaphore, #tpu.memory_space<semaphore_mem>> -> memref<1x!tpu.dma_semaphore, #tpu.memory_space<semaphore_mem>>
    %dma_start3A_520 = tpu.memref_squeeze %dma_start3A_519 : memref<1x!tpu.dma_semaphore, #tpu.memory_space<semaphore_mem>> -> memref<!tpu.dma_semaphore, #tpu.memory_space<semaphore_mem>>
    %dma_start3A_521 = arith.constant 0 : i32
    %dma_start3A_522 = arith.constant 0 : i32
    %dma_start3A_523 = tpu.memref_slice %arg9[%dma_start3A_511, %dma_start3A_521, %dma_start3A_522] : memref<4x128x64xf32, #tpu.memory_space<vmem>> -> memref<1x128x64xf32, #tpu.memory_space<vmem>>
    %dma_start3A_524 = tpu.memref_squeeze %dma_start3A_523 : memref<1x128x64xf32, #tpu.memory_space<vmem>> -> memref<128x64xf32, #tpu.memory_space<vmem>>
    %dma_start3A_525 = arith.constant 0 : i32
    %dma_start3A_526 = tpu.memref_slice %arg10[%add3A_510, %dma_start3A_525] : memref<10240x64xf32, #tpu.memory_space<vmem_shared>> -> memref<128x64xf32, #tpu.memory_space<vmem_shared>>
    tpu.enqueue_dma source(%dma_start3A_526 : memref<128x64xf32, #tpu.memory_space<vmem_shared>>) target(%dma_start3A_524 : memref<128x64xf32, #tpu.memory_space<vmem>>) target_semaphore(%dma_start3A_520 : memref<!tpu.dma_semaphore, #tpu.memory_space<semaphore_mem>>)
    %mul3A_527 = arith.constant 640 : i32
    %mul3A_528 = arith.muli %arg1, %mul3A_527 : i32
    %add3A_529 = arith.constant 256 : i32
    %add3A_530 = arith.addi %mul3A_528, %add3A_529 : i32
    %dma_wait3A_531 = arith.constant 0 : i32
    %dma_wait3A_532 = arith.constant 0 : i32
    %dma_wait3A_533 = arith.constant 0 : i32
    %dma_wait3A_534 = arith.constant 0 : i32
    %dma_wait3A_535 = tpu.memref_slice %arg9[%dma_wait3A_531, %dma_wait3A_533, %dma_wait3A_534] : memref<4x128x64xf32, #tpu.memory_space<vmem>> -> memref<1x128x64xf32, #tpu.memory_space<vmem>>
    %dma_wait3A_536 = tpu.memref_squeeze %dma_wait3A_535 : memref<1x128x64xf32, #tpu.memory_space<vmem>> -> memref<128x64xf32, #tpu.memory_space<vmem>>
    %dma_wait3A_537 = arith.constant 0 : i32
    %dma_wait3A_538 = tpu.memref_slice %arg10[%add3A_530, %dma_wait3A_537] : memref<10240x64xf32, #tpu.memory_space<vmem_shared>> -> memref<128x64xf32, #tpu.memory_space<vmem_shared>>
    %dma_wait3A_539 = tpu.memref_slice %arg11[%dma_wait3A_532] : memref<4x!tpu.dma_semaphore, #tpu.memory_space<semaphore_mem>> -> memref<1x!tpu.dma_semaphore, #tpu.memory_space<semaphore_mem>>
    %dma_wait3A_540 = tpu.memref_squeeze %dma_wait3A_539 : memref<1x!tpu.dma_semaphore, #tpu.memory_space<semaphore_mem>> -> memref<!tpu.dma_semaphore, #tpu.memory_space<semaphore_mem>>
    %dma_wait3A_541 = arith.constant 0 : i32
    %dma_wait3A_542 = arith.constant 0 : i32
    %dma_wait3A_543 = tpu.memref_slice %arg9[%dma_wait3A_531, %dma_wait3A_541, %dma_wait3A_542] : memref<4x128x64xf32, #tpu.memory_space<vmem>> -> memref<1x128x64xf32, #tpu.memory_space<vmem>>
    %dma_wait3A_544 = tpu.memref_squeeze %dma_wait3A_543 : memref<1x128x64xf32, #tpu.memory_space<vmem>> -> memref<128x64xf32, #tpu.memory_space<vmem>>
    %dma_wait3A_545 = arith.constant 0 : i32
    %dma_wait3A_546 = tpu.memref_slice %arg10[%add3A_530, %dma_wait3A_545] : memref<10240x64xf32, #tpu.memory_space<vmem_shared>> -> memref<128x64xf32, #tpu.memory_space<vmem_shared>>
    tpu.wait_dma2 semaphore(%dma_wait3A_540 : memref<!tpu.dma_semaphore, #tpu.memory_space<semaphore_mem>>) src(%dma_wait3A_546 : memref<128x64xf32, #tpu.memory_space<vmem_shared>>) dst(%dma_wait3A_544 : memref<128x64xf32, #tpu.memory_space<vmem>>)
    %mul3A_547 = arith.constant 640 : i32
    %mul3A_548 = arith.muli %arg1, %mul3A_547 : i32
    %add3A_549 = arith.constant 256 : i32
    %add3A_550 = arith.addi %mul3A_548, %add3A_549 : i32
    %dma_start3A_551 = arith.constant 0 : i32
    %dma_start3A_552 = arith.constant 0 : i32
    %dma_start3A_553 = arith.constant 0 : i32
    %dma_start3A_554 = arith.constant 0 : i32
    %dma_start3A_555 = tpu.memref_slice %arg9[%dma_start3A_551, %dma_start3A_553, %dma_start3A_554] : memref<4x128x64xf32, #tpu.memory_space<vmem>> -> memref<1x128x64xf32, #tpu.memory_space<vmem>>
    %dma_start3A_556 = tpu.memref_squeeze %dma_start3A_555 : memref<1x128x64xf32, #tpu.memory_space<vmem>> -> memref<128x64xf32, #tpu.memory_space<vmem>>
    %dma_start3A_557 = arith.constant 0 : i32
    %dma_start3A_558 = tpu.memref_slice %arg6[%arg0, %add3A_550, %dma_start3A_557] : memref<2x10240x64xf32, #tpu.memory_space<hbm>> -> memref<1x128x64xf32, #tpu.memory_space<hbm>>
    %dma_start3A_559 = tpu.memref_squeeze %dma_start3A_558 : memref<1x128x64xf32, #tpu.memory_space<hbm>> -> memref<128x64xf32, #tpu.memory_space<hbm>>
    %dma_start3A_560 = tpu.memref_slice %arg12[%dma_start3A_552] : memref<4x!tpu.dma_semaphore, #tpu.memory_space<semaphore_mem>> -> memref<1x!tpu.dma_semaphore, #tpu.memory_space<semaphore_mem>>
    %dma_start3A_561 = tpu.memref_squeeze %dma_start3A_560 : memref<1x!tpu.dma_semaphore, #tpu.memory_space<semaphore_mem>> -> memref<!tpu.dma_semaphore, #tpu.memory_space<semaphore_mem>>
    %dma_start3A_562 = arith.constant 0 : i32
    %dma_start3A_563 = tpu.memref_slice %arg6[%arg0, %add3A_550, %dma_start3A_562] : memref<2x10240x64xf32, #tpu.memory_space<hbm>> -> memref<1x128x64xf32, #tpu.memory_space<hbm>>
    %dma_start3A_564 = tpu.memref_squeeze %dma_start3A_563 : memref<1x128x64xf32, #tpu.memory_space<hbm>> -> memref<128x64xf32, #tpu.memory_space<hbm>>
    %dma_start3A_565 = arith.constant 0 : i32
    %dma_start3A_566 = arith.constant 0 : i32
    %dma_start3A_567 = tpu.memref_slice %arg9[%dma_start3A_551, %dma_start3A_565, %dma_start3A_566] : memref<4x128x64xf32, #tpu.memory_space<vmem>> -> memref<1x128x64xf32, #tpu.memory_space<vmem>>
    %dma_start3A_568 = tpu.memref_squeeze %dma_start3A_567 : memref<1x128x64xf32, #tpu.memory_space<vmem>> -> memref<128x64xf32, #tpu.memory_space<vmem>>
    tpu.enqueue_dma source(%dma_start3A_568 : memref<128x64xf32, #tpu.memory_space<vmem>>) target(%dma_start3A_564 : memref<128x64xf32, #tpu.memory_space<hbm>>) target_semaphore(%dma_start3A_561 : memref<!tpu.dma_semaphore, #tpu.memory_space<semaphore_mem>>)
    %mul3A_569 = arith.constant 640 : i32
    %mul3A_570 = arith.muli %arg1, %mul3A_569 : i32
    %add3A_571 = arith.constant 128 : i32
    %add3A_572 = arith.addi %mul3A_570, %add3A_571 : i32
    %dma_wait3A_573 = arith.constant 1 : i32
    %dma_wait3A_574 = arith.constant 1 : i32
    %dma_wait3A_575 = arith.constant 0 : i32
    %dma_wait3A_576 = arith.constant 0 : i32
    %dma_wait3A_577 = tpu.memref_slice %arg9[%dma_wait3A_573, %dma_wait3A_575, %dma_wait3A_576] : memref<4x128x64xf32, #tpu.memory_space<vmem>> -> memref<1x128x64xf32, #tpu.memory_space<vmem>>
    %dma_wait3A_578 = tpu.memref_squeeze %dma_wait3A_577 : memref<1x128x64xf32, #tpu.memory_space<vmem>> -> memref<128x64xf32, #tpu.memory_space<vmem>>
    %dma_wait3A_579 = arith.constant 0 : i32
    %dma_wait3A_580 = tpu.memref_slice %arg6[%arg0, %add3A_572, %dma_wait3A_579] : memref<2x10240x64xf32, #tpu.memory_space<hbm>> -> memref<1x128x64xf32, #tpu.memory_space<hbm>>
    %dma_wait3A_581 = tpu.memref_squeeze %dma_wait3A_580 : memref<1x128x64xf32, #tpu.memory_space<hbm>> -> memref<128x64xf32, #tpu.memory_space<hbm>>
    %dma_wait3A_582 = tpu.memref_slice %arg12[%dma_wait3A_574] : memref<4x!tpu.dma_semaphore, #tpu.memory_space<semaphore_mem>> -> memref<1x!tpu.dma_semaphore, #tpu.memory_space<semaphore_mem>>
    %dma_wait3A_583 = tpu.memref_squeeze %dma_wait3A_582 : memref<1x!tpu.dma_semaphore, #tpu.memory_space<semaphore_mem>> -> memref<!tpu.dma_semaphore, #tpu.memory_space<semaphore_mem>>
    %dma_wait3A_584 = arith.constant 0 : i32
    %dma_wait3A_585 = tpu.memref_slice %arg6[%arg0, %add3A_572, %dma_wait3A_584] : memref<2x10240x64xf32, #tpu.memory_space<hbm>> -> memref<1x128x64xf32, #tpu.memory_space<hbm>>
    %dma_wait3A_586 = tpu.memref_squeeze %dma_wait3A_585 : memref<1x128x64xf32, #tpu.memory_space<hbm>> -> memref<128x64xf32, #tpu.memory_space<hbm>>
    %dma_wait3A_587 = arith.constant 0 : i32
    %dma_wait3A_588 = arith.constant 0 : i32
    %dma_wait3A_589 = tpu.memref_slice %arg9[%dma_wait3A_573, %dma_wait3A_587, %dma_wait3A_588] : memref<4x128x64xf32, #tpu.memory_space<vmem>> -> memref<1x128x64xf32, #tpu.memory_space<vmem>>
    %dma_wait3A_590 = tpu.memref_squeeze %dma_wait3A_589 : memref<1x128x64xf32, #tpu.memory_space<vmem>> -> memref<128x64xf32, #tpu.memory_space<vmem>>
    tpu.wait_dma2 semaphore(%dma_wait3A_583 : memref<!tpu.dma_semaphore, #tpu.memory_space<semaphore_mem>>) src(%dma_wait3A_590 : memref<128x64xf32, #tpu.memory_space<vmem>>) dst(%dma_wait3A_586 : memref<128x64xf32, #tpu.memory_space<hbm>>)
    %mul3A_591 = arith.constant 640 : i32
    %mul3A_592 = arith.muli %arg1, %mul3A_591 : i32
    %add3A_593 = arith.constant 384 : i32
    %add3A_594 = arith.addi %mul3A_592, %add3A_593 : i32
    %dma_start3A_595 = arith.constant 1 : i32
    %dma_start3A_596 = arith.constant 1 : i32
    %dma_start3A_597 = arith.constant 0 : i32
    %dma_start3A_598 = arith.constant 0 : i32
    %dma_start3A_599 = tpu.memref_slice %arg9[%dma_start3A_595, %dma_start3A_597, %dma_start3A_598] : memref<4x128x64xf32, #tpu.memory_space<vmem>> -> memref<1x128x64xf32, #tpu.memory_space<vmem>>
    %dma_start3A_600 = tpu.memref_squeeze %dma_start3A_599 : memref<1x128x64xf32, #tpu.memory_space<vmem>> -> memref<128x64xf32, #tpu.memory_space<vmem>>
    %dma_start3A_601 = arith.constant 0 : i32
    %dma_start3A_602 = tpu.memref_slice %arg10[%add3A_594, %dma_start3A_601] : memref<10240x64xf32, #tpu.memory_space<vmem_shared>> -> memref<128x64xf32, #tpu.memory_space<vmem_shared>>
    %dma_start3A_603 = tpu.memref_slice %arg11[%dma_start3A_596] : memref<4x!tpu.dma_semaphore, #tpu.memory_space<semaphore_mem>> -> memref<1x!tpu.dma_semaphore, #tpu.memory_space<semaphore_mem>>
    %dma_start3A_604 = tpu.memref_squeeze %dma_start3A_603 : memref<1x!tpu.dma_semaphore, #tpu.memory_space<semaphore_mem>> -> memref<!tpu.dma_semaphore, #tpu.memory_space<semaphore_mem>>
    %dma_start3A_605 = arith.constant 0 : i32
    %dma_start3A_606 = arith.constant 0 : i32
    %dma_start3A_607 = tpu.memref_slice %arg9[%dma_start3A_595, %dma_start3A_605, %dma_start3A_606] : memref<4x128x64xf32, #tpu.memory_space<vmem>> -> memref<1x128x64xf32, #tpu.memory_space<vmem>>
    %dma_start3A_608 = tpu.memref_squeeze %dma_start3A_607 : memref<1x128x64xf32, #tpu.memory_space<vmem>> -> memref<128x64xf32, #tpu.memory_space<vmem>>
    %dma_start3A_609 = arith.constant 0 : i32
    %dma_start3A_610 = tpu.memref_slice %arg10[%add3A_594, %dma_start3A_609] : memref<10240x64xf32, #tpu.memory_space<vmem_shared>> -> memref<128x64xf32, #tpu.memory_space<vmem_shared>>
    tpu.enqueue_dma source(%dma_start3A_610 : memref<128x64xf32, #tpu.memory_space<vmem_shared>>) target(%dma_start3A_608 : memref<128x64xf32, #tpu.memory_space<vmem>>) target_semaphore(%dma_start3A_604 : memref<!tpu.dma_semaphore, #tpu.memory_space<semaphore_mem>>)
    %mul3A_611 = arith.constant 640 : i32
    %mul3A_612 = arith.muli %arg1, %mul3A_611 : i32
    %add3A_613 = arith.constant 384 : i32
    %add3A_614 = arith.addi %mul3A_612, %add3A_613 : i32
    %dma_wait3A_615 = arith.constant 1 : i32
    %dma_wait3A_616 = arith.constant 1 : i32
    %dma_wait3A_617 = arith.constant 0 : i32
    %dma_wait3A_618 = arith.constant 0 : i32
    %dma_wait3A_619 = tpu.memref_slice %arg9[%dma_wait3A_615, %dma_wait3A_617, %dma_wait3A_618] : memref<4x128x64xf32, #tpu.memory_space<vmem>> -> memref<1x128x64xf32, #tpu.memory_space<vmem>>
    %dma_wait3A_620 = tpu.memref_squeeze %dma_wait3A_619 : memref<1x128x64xf32, #tpu.memory_space<vmem>> -> memref<128x64xf32, #tpu.memory_space<vmem>>
    %dma_wait3A_621 = arith.constant 0 : i32
    %dma_wait3A_622 = tpu.memref_slice %arg10[%add3A_614, %dma_wait3A_621] : memref<10240x64xf32, #tpu.memory_space<vmem_shared>> -> memref<128x64xf32, #tpu.memory_space<vmem_shared>>
    %dma_wait3A_623 = tpu.memref_slice %arg11[%dma_wait3A_616] : memref<4x!tpu.dma_semaphore, #tpu.memory_space<semaphore_mem>> -> memref<1x!tpu.dma_semaphore, #tpu.memory_space<semaphore_mem>>
    %dma_wait3A_624 = tpu.memref_squeeze %dma_wait3A_623 : memref<1x!tpu.dma_semaphore, #tpu.memory_space<semaphore_mem>> -> memref<!tpu.dma_semaphore, #tpu.memory_space<semaphore_mem>>
    %dma_wait3A_625 = arith.constant 0 : i32
    %dma_wait3A_626 = arith.constant 0 : i32
    %dma_wait3A_627 = tpu.memref_slice %arg9[%dma_wait3A_615, %dma_wait3A_625, %dma_wait3A_626] : memref<4x128x64xf32, #tpu.memory_space<vmem>> -> memref<1x128x64xf32, #tpu.memory_space<vmem>>
    %dma_wait3A_628 = tpu.memref_squeeze %dma_wait3A_627 : memref<1x128x64xf32, #tpu.memory_space<vmem>> -> memref<128x64xf32, #tpu.memory_space<vmem>>
    %dma_wait3A_629 = arith.constant 0 : i32
    %dma_wait3A_630 = tpu.memref_slice %arg10[%add3A_614, %dma_wait3A_629] : memref<10240x64xf32, #tpu.memory_space<vmem_shared>> -> memref<128x64xf32, #tpu.memory_space<vmem_shared>>
    tpu.wait_dma2 semaphore(%dma_wait3A_624 : memref<!tpu.dma_semaphore, #tpu.memory_space<semaphore_mem>>) src(%dma_wait3A_630 : memref<128x64xf32, #tpu.memory_space<vmem_shared>>) dst(%dma_wait3A_628 : memref<128x64xf32, #tpu.memory_space<vmem>>)
    %mul3A_631 = arith.constant 640 : i32
    %mul3A_632 = arith.muli %arg1, %mul3A_631 : i32
    %add3A_633 = arith.constant 384 : i32
    %add3A_634 = arith.addi %mul3A_632, %add3A_633 : i32
    %dma_start3A_635 = arith.constant 1 : i32
    %dma_start3A_636 = arith.constant 1 : i32
    %dma_start3A_637 = arith.constant 0 : i32
    %dma_start3A_638 = arith.constant 0 : i32
    %dma_start3A_639 = tpu.memref_slice %arg9[%dma_start3A_635, %dma_start3A_637, %dma_start3A_638] : memref<4x128x64xf32, #tpu.memory_space<vmem>> -> memref<1x128x64xf32, #tpu.memory_space<vmem>>
    %dma_start3A_640 = tpu.memref_squeeze %dma_start3A_639 : memref<1x128x64xf32, #tpu.memory_space<vmem>> -> memref<128x64xf32, #tpu.memory_space<vmem>>
    %dma_start3A_641 = arith.constant 0 : i32
    %dma_start3A_642 = tpu.memref_slice %arg6[%arg0, %add3A_634, %dma_start3A_641] : memref<2x10240x64xf32, #tpu.memory_space<hbm>> -> memref<1x128x64xf32, #tpu.memory_space<hbm>>
    %dma_start3A_643 = tpu.memref_squeeze %dma_start3A_642 : memref<1x128x64xf32, #tpu.memory_space<hbm>> -> memref<128x64xf32, #tpu.memory_space<hbm>>
    %dma_start3A_644 = tpu.memref_slice %arg12[%dma_start3A_636] : memref<4x!tpu.dma_semaphore, #tpu.memory_space<semaphore_mem>> -> memref<1x!tpu.dma_semaphore, #tpu.memory_space<semaphore_mem>>
    %dma_start3A_645 = tpu.memref_squeeze %dma_start3A_644 : memref<1x!tpu.dma_semaphore, #tpu.memory_space<semaphore_mem>> -> memref<!tpu.dma_semaphore, #tpu.memory_space<semaphore_mem>>
    %dma_start3A_646 = arith.constant 0 : i32
    %dma_start3A_647 = tpu.memref_slice %arg6[%arg0, %add3A_634, %dma_start3A_646] : memref<2x10240x64xf32, #tpu.memory_space<hbm>> -> memref<1x128x64xf32, #tpu.memory_space<hbm>>
    %dma_start3A_648 = tpu.memref_squeeze %dma_start3A_647 : memref<1x128x64xf32, #tpu.memory_space<hbm>> -> memref<128x64xf32, #tpu.memory_space<hbm>>
    %dma_start3A_649 = arith.constant 0 : i32
    %dma_start3A_650 = arith.constant 0 : i32
    %dma_start3A_651 = tpu.memref_slice %arg9[%dma_start3A_635, %dma_start3A_649, %dma_start3A_650] : memref<4x128x64xf32, #tpu.memory_space<vmem>> -> memref<1x128x64xf32, #tpu.memory_space<vmem>>
    %dma_start3A_652 = tpu.memref_squeeze %dma_start3A_651 : memref<1x128x64xf32, #tpu.memory_space<vmem>> -> memref<128x64xf32, #tpu.memory_space<vmem>>
    tpu.enqueue_dma source(%dma_start3A_652 : memref<128x64xf32, #tpu.memory_space<vmem>>) target(%dma_start3A_648 : memref<128x64xf32, #tpu.memory_space<hbm>>) target_semaphore(%dma_start3A_645 : memref<!tpu.dma_semaphore, #tpu.memory_space<semaphore_mem>>)
    %mul3A_653 = arith.constant 640 : i32
    %mul3A_654 = arith.muli %arg1, %mul3A_653 : i32
    %add3A_655 = arith.constant 256 : i32
    %add3A_656 = arith.addi %mul3A_654, %add3A_655 : i32
    %dma_wait3A_657 = arith.constant 0 : i32
    %dma_wait3A_658 = arith.constant 0 : i32
    %dma_wait3A_659 = arith.constant 0 : i32
    %dma_wait3A_660 = arith.constant 0 : i32
    %dma_wait3A_661 = tpu.memref_slice %arg9[%dma_wait3A_657, %dma_wait3A_659, %dma_wait3A_660] : memref<4x128x64xf32, #tpu.memory_space<vmem>> -> memref<1x128x64xf32, #tpu.memory_space<vmem>>
    %dma_wait3A_662 = tpu.memref_squeeze %dma_wait3A_661 : memref<1x128x64xf32, #tpu.memory_space<vmem>> -> memref<128x64xf32, #tpu.memory_space<vmem>>
    %dma_wait3A_663 = arith.constant 0 : i32
    %dma_wait3A_664 = tpu.memref_slice %arg6[%arg0, %add3A_656, %dma_wait3A_663] : memref<2x10240x64xf32, #tpu.memory_space<hbm>> -> memref<1x128x64xf32, #tpu.memory_space<hbm>>
    %dma_wait3A_665 = tpu.memref_squeeze %dma_wait3A_664 : memref<1x128x64xf32, #tpu.memory_space<hbm>> -> memref<128x64xf32, #tpu.memory_space<hbm>>
    %dma_wait3A_666 = tpu.memref_slice %arg12[%dma_wait3A_658] : memref<4x!tpu.dma_semaphore, #tpu.memory_space<semaphore_mem>> -> memref<1x!tpu.dma_semaphore, #tpu.memory_space<semaphore_mem>>
    %dma_wait3A_667 = tpu.memref_squeeze %dma_wait3A_666 : memref<1x!tpu.dma_semaphore, #tpu.memory_space<semaphore_mem>> -> memref<!tpu.dma_semaphore, #tpu.memory_space<semaphore_mem>>
    %dma_wait3A_668 = arith.constant 0 : i32
    %dma_wait3A_669 = tpu.memref_slice %arg6[%arg0, %add3A_656, %dma_wait3A_668] : memref<2x10240x64xf32, #tpu.memory_space<hbm>> -> memref<1x128x64xf32, #tpu.memory_space<hbm>>
    %dma_wait3A_670 = tpu.memref_squeeze %dma_wait3A_669 : memref<1x128x64xf32, #tpu.memory_space<hbm>> -> memref<128x64xf32, #tpu.memory_space<hbm>>
    %dma_wait3A_671 = arith.constant 0 : i32
    %dma_wait3A_672 = arith.constant 0 : i32
    %dma_wait3A_673 = tpu.memref_slice %arg9[%dma_wait3A_657, %dma_wait3A_671, %dma_wait3A_672] : memref<4x128x64xf32, #tpu.memory_space<vmem>> -> memref<1x128x64xf32, #tpu.memory_space<vmem>>
    %dma_wait3A_674 = tpu.memref_squeeze %dma_wait3A_673 : memref<1x128x64xf32, #tpu.memory_space<vmem>> -> memref<128x64xf32, #tpu.memory_space<vmem>>
    tpu.wait_dma2 semaphore(%dma_wait3A_667 : memref<!tpu.dma_semaphore, #tpu.memory_space<semaphore_mem>>) src(%dma_wait3A_674 : memref<128x64xf32, #tpu.memory_space<vmem>>) dst(%dma_wait3A_670 : memref<128x64xf32, #tpu.memory_space<hbm>>)
    %mul3A_675 = arith.constant 640 : i32
    %mul3A_676 = arith.muli %arg1, %mul3A_675 : i32
    %add3A_677 = arith.constant 512 : i32
    %add3A_678 = arith.addi %mul3A_676, %add3A_677 : i32
    %dma_start3A_679 = arith.constant 0 : i32
    %dma_start3A_680 = arith.constant 0 : i32
    %dma_start3A_681 = arith.constant 0 : i32
    %dma_start3A_682 = arith.constant 0 : i32
    %dma_start3A_683 = tpu.memref_slice %arg9[%dma_start3A_679, %dma_start3A_681, %dma_start3A_682] : memref<4x128x64xf32, #tpu.memory_space<vmem>> -> memref<1x128x64xf32, #tpu.memory_space<vmem>>
    %dma_start3A_684 = tpu.memref_squeeze %dma_start3A_683 : memref<1x128x64xf32, #tpu.memory_space<vmem>> -> memref<128x64xf32, #tpu.memory_space<vmem>>
    %dma_start3A_685 = arith.constant 0 : i32
    %dma_start3A_686 = tpu.memref_slice %arg10[%add3A_678, %dma_start3A_685] : memref<10240x64xf32, #tpu.memory_space<vmem_shared>> -> memref<128x64xf32, #tpu.memory_space<vmem_shared>>
    %dma_start3A_687 = tpu.memref_slice %arg11[%dma_start3A_680] : memref<4x!tpu.dma_semaphore, #tpu.memory_space<semaphore_mem>> -> memref<1x!tpu.dma_semaphore, #tpu.memory_space<semaphore_mem>>
    %dma_start3A_688 = tpu.memref_squeeze %dma_start3A_687 : memref<1x!tpu.dma_semaphore, #tpu.memory_space<semaphore_mem>> -> memref<!tpu.dma_semaphore, #tpu.memory_space<semaphore_mem>>
    %dma_start3A_689 = arith.constant 0 : i32
    %dma_start3A_690 = arith.constant 0 : i32
    %dma_start3A_691 = tpu.memref_slice %arg9[%dma_start3A_679, %dma_start3A_689, %dma_start3A_690] : memref<4x128x64xf32, #tpu.memory_space<vmem>> -> memref<1x128x64xf32, #tpu.memory_space<vmem>>
    %dma_start3A_692 = tpu.memref_squeeze %dma_start3A_691 : memref<1x128x64xf32, #tpu.memory_space<vmem>> -> memref<128x64xf32, #tpu.memory_space<vmem>>
    %dma_start3A_693 = arith.constant 0 : i32
    %dma_start3A_694 = tpu.memref_slice %arg10[%add3A_678, %dma_start3A_693] : memref<10240x64xf32, #tpu.memory_space<vmem_shared>> -> memref<128x64xf32, #tpu.memory_space<vmem_shared>>
    tpu.enqueue_dma source(%dma_start3A_694 : memref<128x64xf32, #tpu.memory_space<vmem_shared>>) target(%dma_start3A_692 : memref<128x64xf32, #tpu.memory_space<vmem>>) target_semaphore(%dma_start3A_688 : memref<!tpu.dma_semaphore, #tpu.memory_space<semaphore_mem>>)
    %mul3A_695 = arith.constant 640 : i32
    %mul3A_696 = arith.muli %arg1, %mul3A_695 : i32
    %add3A_697 = arith.constant 512 : i32
    %add3A_698 = arith.addi %mul3A_696, %add3A_697 : i32
    %dma_wait3A_699 = arith.constant 0 : i32
    %dma_wait3A_700 = arith.constant 0 : i32
    %dma_wait3A_701 = arith.constant 0 : i32
    %dma_wait3A_702 = arith.constant 0 : i32
    %dma_wait3A_703 = tpu.memref_slice %arg9[%dma_wait3A_699, %dma_wait3A_701, %dma_wait3A_702] : memref<4x128x64xf32, #tpu.memory_space<vmem>> -> memref<1x128x64xf32, #tpu.memory_space<vmem>>
    %dma_wait3A_704 = tpu.memref_squeeze %dma_wait3A_703 : memref<1x128x64xf32, #tpu.memory_space<vmem>> -> memref<128x64xf32, #tpu.memory_space<vmem>>
    %dma_wait3A_705 = arith.constant 0 : i32
    %dma_wait3A_706 = tpu.memref_slice %arg10[%add3A_698, %dma_wait3A_705] : memref<10240x64xf32, #tpu.memory_space<vmem_shared>> -> memref<128x64xf32, #tpu.memory_space<vmem_shared>>
    %dma_wait3A_707 = tpu.memref_slice %arg11[%dma_wait3A_700] : memref<4x!tpu.dma_semaphore, #tpu.memory_space<semaphore_mem>> -> memref<1x!tpu.dma_semaphore, #tpu.memory_space<semaphore_mem>>
    %dma_wait3A_708 = tpu.memref_squeeze %dma_wait3A_707 : memref<1x!tpu.dma_semaphore, #tpu.memory_space<semaphore_mem>> -> memref<!tpu.dma_semaphore, #tpu.memory_space<semaphore_mem>>
    %dma_wait3A_709 = arith.constant 0 : i32
    %dma_wait3A_710 = arith.constant 0 : i32
    %dma_wait3A_711 = tpu.memref_slice %arg9[%dma_wait3A_699, %dma_wait3A_709, %dma_wait3A_710] : memref<4x128x64xf32, #tpu.memory_space<vmem>> -> memref<1x128x64xf32, #tpu.memory_space<vmem>>
    %dma_wait3A_712 = tpu.memref_squeeze %dma_wait3A_711 : memref<1x128x64xf32, #tpu.memory_space<vmem>> -> memref<128x64xf32, #tpu.memory_space<vmem>>
    %dma_wait3A_713 = arith.constant 0 : i32
    %dma_wait3A_714 = tpu.memref_slice %arg10[%add3A_698, %dma_wait3A_713] : memref<10240x64xf32, #tpu.memory_space<vmem_shared>> -> memref<128x64xf32, #tpu.memory_space<vmem_shared>>
    tpu.wait_dma2 semaphore(%dma_wait3A_708 : memref<!tpu.dma_semaphore, #tpu.memory_space<semaphore_mem>>) src(%dma_wait3A_714 : memref<128x64xf32, #tpu.memory_space<vmem_shared>>) dst(%dma_wait3A_712 : memref<128x64xf32, #tpu.memory_space<vmem>>)
    %mul3A_715 = arith.constant 640 : i32
    %mul3A_716 = arith.muli %arg1, %mul3A_715 : i32
    %add3A_717 = arith.constant 512 : i32
    %add3A_718 = arith.addi %mul3A_716, %add3A_717 : i32
    %dma_start3A_719 = arith.constant 0 : i32
    %dma_start3A_720 = arith.constant 0 : i32
    %dma_start3A_721 = arith.constant 0 : i32
    %dma_start3A_722 = arith.constant 0 : i32
    %dma_start3A_723 = tpu.memref_slice %arg9[%dma_start3A_719, %dma_start3A_721, %dma_start3A_722] : memref<4x128x64xf32, #tpu.memory_space<vmem>> -> memref<1x128x64xf32, #tpu.memory_space<vmem>>
    %dma_start3A_724 = tpu.memref_squeeze %dma_start3A_723 : memref<1x128x64xf32, #tpu.memory_space<vmem>> -> memref<128x64xf32, #tpu.memory_space<vmem>>
    %dma_start3A_725 = arith.constant 0 : i32
    %dma_start3A_726 = tpu.memref_slice %arg6[%arg0, %add3A_718, %dma_start3A_725] : memref<2x10240x64xf32, #tpu.memory_space<hbm>> -> memref<1x128x64xf32, #tpu.memory_space<hbm>>
    %dma_start3A_727 = tpu.memref_squeeze %dma_start3A_726 : memref<1x128x64xf32, #tpu.memory_space<hbm>> -> memref<128x64xf32, #tpu.memory_space<hbm>>
    %dma_start3A_728 = tpu.memref_slice %arg12[%dma_start3A_720] : memref<4x!tpu.dma_semaphore, #tpu.memory_space<semaphore_mem>> -> memref<1x!tpu.dma_semaphore, #tpu.memory_space<semaphore_mem>>
    %dma_start3A_729 = tpu.memref_squeeze %dma_start3A_728 : memref<1x!tpu.dma_semaphore, #tpu.memory_space<semaphore_mem>> -> memref<!tpu.dma_semaphore, #tpu.memory_space<semaphore_mem>>
    %dma_start3A_730 = arith.constant 0 : i32
    %dma_start3A_731 = tpu.memref_slice %arg6[%arg0, %add3A_718, %dma_start3A_730] : memref<2x10240x64xf32, #tpu.memory_space<hbm>> -> memref<1x128x64xf32, #tpu.memory_space<hbm>>
    %dma_start3A_732 = tpu.memref_squeeze %dma_start3A_731 : memref<1x128x64xf32, #tpu.memory_space<hbm>> -> memref<128x64xf32, #tpu.memory_space<hbm>>
    %dma_start3A_733 = arith.constant 0 : i32
    %dma_start3A_734 = arith.constant 0 : i32
    %dma_start3A_735 = tpu.memref_slice %arg9[%dma_start3A_719, %dma_start3A_733, %dma_start3A_734] : memref<4x128x64xf32, #tpu.memory_space<vmem>> -> memref<1x128x64xf32, #tpu.memory_space<vmem>>
    %dma_start3A_736 = tpu.memref_squeeze %dma_start3A_735 : memref<1x128x64xf32, #tpu.memory_space<vmem>> -> memref<128x64xf32, #tpu.memory_space<vmem>>
    tpu.enqueue_dma source(%dma_start3A_736 : memref<128x64xf32, #tpu.memory_space<vmem>>) target(%dma_start3A_732 : memref<128x64xf32, #tpu.memory_space<hbm>>) target_semaphore(%dma_start3A_729 : memref<!tpu.dma_semaphore, #tpu.memory_space<semaphore_mem>>)
    %mul3A_737 = arith.constant 640 : i32
    %mul3A_738 = arith.muli %arg1, %mul3A_737 : i32
    %add3A_739 = arith.constant 384 : i32
    %add3A_740 = arith.addi %mul3A_738, %add3A_739 : i32
    %dma_wait3A_741 = arith.constant 1 : i32
    %dma_wait3A_742 = arith.constant 1 : i32
    %dma_wait3A_743 = arith.constant 0 : i32
    %dma_wait3A_744 = arith.constant 0 : i32
    %dma_wait3A_745 = tpu.memref_slice %arg9[%dma_wait3A_741, %dma_wait3A_743, %dma_wait3A_744] : memref<4x128x64xf32, #tpu.memory_space<vmem>> -> memref<1x128x64xf32, #tpu.memory_space<vmem>>
    %dma_wait3A_746 = tpu.memref_squeeze %dma_wait3A_745 : memref<1x128x64xf32, #tpu.memory_space<vmem>> -> memref<128x64xf32, #tpu.memory_space<vmem>>
    %dma_wait3A_747 = arith.constant 0 : i32
    %dma_wait3A_748 = tpu.memref_slice %arg6[%arg0, %add3A_740, %dma_wait3A_747] : memref<2x10240x64xf32, #tpu.memory_space<hbm>> -> memref<1x128x64xf32, #tpu.memory_space<hbm>>
    %dma_wait3A_749 = tpu.memref_squeeze %dma_wait3A_748 : memref<1x128x64xf32, #tpu.memory_space<hbm>> -> memref<128x64xf32, #tpu.memory_space<hbm>>
    %dma_wait3A_750 = tpu.memref_slice %arg12[%dma_wait3A_742] : memref<4x!tpu.dma_semaphore, #tpu.memory_space<semaphore_mem>> -> memref<1x!tpu.dma_semaphore, #tpu.memory_space<semaphore_mem>>
    %dma_wait3A_751 = tpu.memref_squeeze %dma_wait3A_750 : memref<1x!tpu.dma_semaphore, #tpu.memory_space<semaphore_mem>> -> memref<!tpu.dma_semaphore, #tpu.memory_space<semaphore_mem>>
    %dma_wait3A_752 = arith.constant 0 : i32
    %dma_wait3A_753 = tpu.memref_slice %arg6[%arg0, %add3A_740, %dma_wait3A_752] : memref<2x10240x64xf32, #tpu.memory_space<hbm>> -> memref<1x128x64xf32, #tpu.memory_space<hbm>>
    %dma_wait3A_754 = tpu.memref_squeeze %dma_wait3A_753 : memref<1x128x64xf32, #tpu.memory_space<hbm>> -> memref<128x64xf32, #tpu.memory_space<hbm>>
    %dma_wait3A_755 = arith.constant 0 : i32
    %dma_wait3A_756 = arith.constant 0 : i32
    %dma_wait3A_757 = tpu.memref_slice %arg9[%dma_wait3A_741, %dma_wait3A_755, %dma_wait3A_756] : memref<4x128x64xf32, #tpu.memory_space<vmem>> -> memref<1x128x64xf32, #tpu.memory_space<vmem>>
    %dma_wait3A_758 = tpu.memref_squeeze %dma_wait3A_757 : memref<1x128x64xf32, #tpu.memory_space<vmem>> -> memref<128x64xf32, #tpu.memory_space<vmem>>
    tpu.wait_dma2 semaphore(%dma_wait3A_751 : memref<!tpu.dma_semaphore, #tpu.memory_space<semaphore_mem>>) src(%dma_wait3A_758 : memref<128x64xf32, #tpu.memory_space<vmem>>) dst(%dma_wait3A_754 : memref<128x64xf32, #tpu.memory_space<hbm>>)
    %mul3A_759 = arith.constant 640 : i32
    %mul3A_760 = arith.muli %arg1, %mul3A_759 : i32
    %add3A_761 = arith.constant 512 : i32
    %add3A_762 = arith.addi %mul3A_760, %add3A_761 : i32
    %dma_wait3A_763 = arith.constant 0 : i32
    %dma_wait3A_764 = arith.constant 0 : i32
    %dma_wait3A_765 = arith.constant 0 : i32
    %dma_wait3A_766 = arith.constant 0 : i32
    %dma_wait3A_767 = tpu.memref_slice %arg9[%dma_wait3A_763, %dma_wait3A_765, %dma_wait3A_766] : memref<4x128x64xf32, #tpu.memory_space<vmem>> -> memref<1x128x64xf32, #tpu.memory_space<vmem>>
    %dma_wait3A_768 = tpu.memref_squeeze %dma_wait3A_767 : memref<1x128x64xf32, #tpu.memory_space<vmem>> -> memref<128x64xf32, #tpu.memory_space<vmem>>
    %dma_wait3A_769 = arith.constant 0 : i32
    %dma_wait3A_770 = tpu.memref_slice %arg6[%arg0, %add3A_762, %dma_wait3A_769] : memref<2x10240x64xf32, #tpu.memory_space<hbm>> -> memref<1x128x64xf32, #tpu.memory_space<hbm>>
    %dma_wait3A_771 = tpu.memref_squeeze %dma_wait3A_770 : memref<1x128x64xf32, #tpu.memory_space<hbm>> -> memref<128x64xf32, #tpu.memory_space<hbm>>
    %dma_wait3A_772 = tpu.memref_slice %arg12[%dma_wait3A_764] : memref<4x!tpu.dma_semaphore, #tpu.memory_space<semaphore_mem>> -> memref<1x!tpu.dma_semaphore, #tpu.memory_space<semaphore_mem>>
    %dma_wait3A_773 = tpu.memref_squeeze %dma_wait3A_772 : memref<1x!tpu.dma_semaphore, #tpu.memory_space<semaphore_mem>> -> memref<!tpu.dma_semaphore, #tpu.memory_space<semaphore_mem>>
    %dma_wait3A_774 = arith.constant 0 : i32
    %dma_wait3A_775 = tpu.memref_slice %arg6[%arg0, %add3A_762, %dma_wait3A_774] : memref<2x10240x64xf32, #tpu.memory_space<hbm>> -> memref<1x128x64xf32, #tpu.memory_space<hbm>>
    %dma_wait3A_776 = tpu.memref_squeeze %dma_wait3A_775 : memref<1x128x64xf32, #tpu.memory_space<hbm>> -> memref<128x64xf32, #tpu.memory_space<hbm>>
    %dma_wait3A_777 = arith.constant 0 : i32
    %dma_wait3A_778 = arith.constant 0 : i32
    %dma_wait3A_779 = tpu.memref_slice %arg9[%dma_wait3A_763, %dma_wait3A_777, %dma_wait3A_778] : memref<4x128x64xf32, #tpu.memory_space<vmem>> -> memref<1x128x64xf32, #tpu.memory_space<vmem>>
    %dma_wait3A_780 = tpu.memref_squeeze %dma_wait3A_779 : memref<1x128x64xf32, #tpu.memory_space<vmem>> -> memref<128x64xf32, #tpu.memory_space<vmem>>
    tpu.wait_dma2 semaphore(%dma_wait3A_773 : memref<!tpu.dma_semaphore, #tpu.memory_space<semaphore_mem>>) src(%dma_wait3A_780 : memref<128x64xf32, #tpu.memory_space<vmem>>) dst(%dma_wait3A_776 : memref<128x64xf32, #tpu.memory_space<hbm>>)
    return
  }
}

module attributes {stable_mosaic.version = 14 : i64} {
  func.func @body(%arg0: i32, %arg1: memref<1000x128xf32, #tpu.memory_space<vmem>>, %arg2: memref<128x128xf32, #tpu.memory_space<vmem>>, %arg3: memref<1000x128xf32, #tpu.memory_space<vmem>>) attributes {dimension_semantics = [#tpu.dimension_semantics<arbitrary>], iteration_bounds = array<i64: 10>, scalar_prefetch = 0 : i64, scratch_operands = 0 : i64, tpu.core_type = #tpu.core_type<tc>, window_params = [{transform_indices = @transform_0, window_bounds = array<i64: 1000, 128>}, {pipeline_mode = #tpu.pipeline_mode<synchronous>, transform_indices = @transform_1, window_bounds = array<i64: 128, 128>}, {transform_indices = @transform_2, window_bounds = array<i64: 1000, 128>}]} {
    %get3A = arith.constant 0 : index
    %get3A_0 = arith.constant 0 : index
    %get3A_1 = vector.load %arg1[%get3A, %get3A_0] : memref<1000x128xf32, #tpu.memory_space<vmem>>, vector<1000x128xf32>
    %get3A_2 = arith.constant 0 : index
    %get3A_3 = arith.constant 0 : index
    %get3A_4 = vector.load %arg2[%get3A_2, %get3A_3] : memref<128x128xf32, #tpu.memory_space<vmem>>, vector<128x128xf32>
    %dot_general3A = arith.constant dense<0.000000e+00> : vector<1000x128xf32>
    %dot_general3A_5 = tpu.matmul %get3A_1, %get3A_4, %dot_general3A {dimension_numbers = #tpu.dot_dimension_numbers<[1], [0], [0], [1], [0, 0, 1, 1], [], []>, transpose_lhs_hint = false} : vector<1000x128xf32>, vector<128x128xf32>, vector<1000x128xf32> -> vector<1000x128xf32>
    %swap3A = arith.constant 0 : index
    %swap3A_6 = arith.constant 0 : index
    %swap3A_7 = vector.load %arg3[%swap3A, %swap3A_6] : memref<1000x128xf32, #tpu.memory_space<vmem>>, vector<1000x128xf32>
    tpu.vector_store %arg3[%swap3A, %swap3A_6], %dot_general3A_5 {strides = array<i32>} : memref<1000x128xf32, #tpu.memory_space<vmem>>, vector<1000x128xf32>,
    return
  }
  func.func @transform_0(%arg0: i32) -> (i32, i32) {
    %c0_i32 = arith.constant 0 : i32
    %c0_i32_0 = arith.constant 0 : i32
    return %arg0, %c0_i32 : i32, i32
  }
  func.func @transform_1(%arg0: i32) -> (i32, i32) {
    %c0_i32 = arith.constant 0 : i32
    %c0_i32_0 = arith.constant 0 : i32
    %c0_i32_1 = arith.constant 0 : i32
    return %c0_i32, %c0_i32_0 : i32, i32
  }
  func.func @transform_2(%arg0: i32) -> (i32, i32) {
    %c0_i32 = arith.constant 0 : i32
    %c0_i32_0 = arith.constant 0 : i32
    return %arg0, %c0_i32 : i32, i32
  }
}

module attributes {stable_mosaic.version = 14 : i64} {
  func.func @body(%arg0: i32, %arg1: memref<1000x1xf32, #tpu.memory_space<vmem>>, %arg2: memref<1000x1xf32, #tpu.memory_space<vmem>>, %arg3: memref<1000x128xf32, #tpu.memory_space<vmem>>, %arg4: memref<1000x1xf32, #tpu.memory_space<vmem>>, %arg5: memref<2x1000x64xf32, #tpu.memory_space<vmem>>) attributes {dimension_semantics = [#tpu.dimension_semantics<arbitrary>], iteration_bounds = array<i64: 10>, scalar_prefetch = 0 : i64, scratch_operands = 0 : i64, tpu.core_type = #tpu.core_type<tc>, window_params = [{transform_indices = @transform_0, window_bounds = array<i64: 1000, 1>}, {transform_indices = @transform_1, window_bounds = array<i64: 1000, 1>}, {transform_indices = @transform_2, window_bounds = array<i64: 1000, 128>}, {transform_indices = @transform_3, window_bounds = array<i64: 1000, 1>}, {transform_indices = @transform_4, window_bounds = array<i64: 2, 1000, 64>}]} {
    %get3A = arith.constant 0 : index
    %get3A_0 = arith.constant 0 : index
    %get3A_1 = vector.load %arg1[%get3A, %get3A_0] : memref<1000x1xf32, #tpu.memory_space<vmem>>, vector<1000x1xf32>
    %get3A_2 = arith.constant 0 : index
    %get3A_3 = arith.constant 0 : index
    %get3A_4 = vector.load %arg2[%get3A_2, %get3A_3] : memref<1000x1xf32, #tpu.memory_space<vmem>>, vector<1000x1xf32>
    %add3A = arith.addf %get3A_1, %get3A_4 : vector<1000x1xf32>
    %add3A_5 = arith.constant 1.000000e+00 : f32
    %add3A_6 = vector.broadcast %add3A_5 : f32 to vector<1000x1xf32>
    %add3A_7 = arith.addf %add3A, %add3A_6 : vector<1000x1xf32>
    %rsqrt3A = math.rsqrt %add3A_7 : vector<1000x1xf32>
    %swap3A = arith.constant 0 : index
    %swap3A_8 = arith.constant 0 : index
    %swap3A_9 = vector.load %arg4[%swap3A, %swap3A_8] : memref<1000x1xf32, #tpu.memory_space<vmem>>, vector<1000x1xf32>
    tpu.vector_store %arg4[%swap3A, %swap3A_8], %rsqrt3A {strides = array<i32>} : memref<1000x1xf32, #tpu.memory_space<vmem>>, vector<1000x1xf32>,
    %get3A_10 = arith.constant 0 : index
    %get3A_11 = arith.constant 0 : index
    %get3A_12 = vector.load %arg3[%get3A_10, %get3A_11] : memref<1000x128xf32, #tpu.memory_space<vmem>>, vector<1000x128xf32>
    %mul3A = vector.broadcast %rsqrt3A : vector<1000x1xf32> to vector<1000x128xf32>
    %mul3A_13 = arith.mulf %get3A_12, %mul3A : vector<1000x128xf32>
    %slice3A = vector.extract_strided_slice %mul3A_13 {offsets = [0, 0], sizes = [1000, 64], strides = [1, 1]} : vector<1000x128xf32> to vector<1000x64xf32>
    %swap3A_14 = arith.constant 0 : index
    %swap3A_15 = arith.constant 0 : index
    %swap3A_16 = arith.constant 0 : index
    %swap3A_17 = vector.load %arg5[%swap3A_14, %swap3A_15, %swap3A_16] : memref<2x1000x64xf32, #tpu.memory_space<vmem>>, vector<1x1000x64xf32>
    %swap3A_18 = vector.shape_cast %swap3A_17 : vector<1x1000x64xf32> to vector<1000x64xf32>
    %swap3A_19 = vector.shape_cast %slice3A : vector<1000x64xf32> to vector<1x1000x64xf32>
    tpu.vector_store %arg5[%swap3A_14, %swap3A_15, %swap3A_16], %swap3A_19 {strides = array<i32>} : memref<2x1000x64xf32, #tpu.memory_space<vmem>>, vector<1x1000x64xf32>,
    %slice3A_20 = vector.extract_strided_slice %mul3A_13 {offsets = [0, 64], sizes = [1000, 64], strides = [1, 1]} : vector<1000x128xf32> to vector<1000x64xf32>
    %swap3A_21 = arith.constant 1 : index
    %swap3A_22 = arith.constant 0 : index
    %swap3A_23 = arith.constant 0 : index
    %swap3A_24 = vector.load %arg5[%swap3A_21, %swap3A_22, %swap3A_23] : memref<2x1000x64xf32, #tpu.memory_space<vmem>>, vector<1x1000x64xf32>
    %swap3A_25 = vector.shape_cast %swap3A_24 : vector<1x1000x64xf32> to vector<1000x64xf32>
    %swap3A_26 = vector.shape_cast %slice3A_20 : vector<1000x64xf32> to vector<1x1000x64xf32>
    tpu.vector_store %arg5[%swap3A_21, %swap3A_22, %swap3A_23], %swap3A_26 {strides = array<i32>} : memref<2x1000x64xf32, #tpu.memory_space<vmem>>, vector<1x1000x64xf32>,
    return
  }
  func.func @transform_0(%arg0: i32) -> (i32, i32) {
    %c0_i32 = arith.constant 0 : i32
    %c0_i32_0 = arith.constant 0 : i32
    return %arg0, %c0_i32 : i32, i32
  }
  func.func @transform_1(%arg0: i32) -> (i32, i32) {
    %c0_i32 = arith.constant 0 : i32
    %c0_i32_0 = arith.constant 0 : i32
    return %arg0, %c0_i32 : i32, i32
  }
  func.func @transform_2(%arg0: i32) -> (i32, i32) {
    %c0_i32 = arith.constant 0 : i32
    %c0_i32_0 = arith.constant 0 : i32
    return %arg0, %c0_i32 : i32, i32
  }
  func.func @transform_3(%arg0: i32) -> (i32, i32) {
    %c0_i32 = arith.constant 0 : i32
    %c0_i32_0 = arith.constant 0 : i32
    return %arg0, %c0_i32 : i32, i32
  }
  func.func @transform_4(%arg0: i32) -> (i32, i32, i32) {
    %c0_i32 = arith.constant 0 : i32
    %c0_i32_0 = arith.constant 0 : i32
    %c0_i32_1 = arith.constant 0 : i32
    return %c0_i32, %arg0, %c0_i32_0 : i32, i32, i32
  }
}

module attributes {stable_mosaic.version = 14 : i64} {
  func.func @body(%arg0: i32, %arg1: memref<1000x1xf32, #tpu.memory_space<vmem>>, %arg2: memref<2x1000x64xf32, #tpu.memory_space<vmem>>, %arg3: memref<2x1000x64xf32, #tpu.memory_space<vmem>>, %arg4: memref<128x128xf32, #tpu.memory_space<vmem>>, %arg5: memref<1x128xf32, #tpu.memory_space<vmem>>, %arg6: memref<2x1000x64xf32, #tpu.memory_space<vmem>>) attributes {dimension_semantics = [#tpu.dimension_semantics<arbitrary>], iteration_bounds = array<i64: 10>, scalar_prefetch = 0 : i64, scratch_operands = 0 : i64, tpu.core_type = #tpu.core_type<tc>, window_params = [{transform_indices = @transform_0, window_bounds = array<i64: 1000, 1>}, {transform_indices = @transform_1, window_bounds = array<i64: 2, 1000, 64>}, {transform_indices = @transform_2, window_bounds = array<i64: 2, 1000, 64>}, {pipeline_mode = #tpu.pipeline_mode<synchronous>, transform_indices = @transform_3, window_bounds = array<i64: 128, 128>}, {pipeline_mode = #tpu.pipeline_mode<synchronous>, transform_indices = @transform_4, window_bounds = array<i64: 1, 128>}, {transform_indices = @transform_5, window_bounds = array<i64: 2, 1000, 64>}]} {
    %get3A = arith.constant 0 : index
    %get3A_0 = arith.constant 0 : index
    %get3A_1 = vector.load %arg1[%get3A, %get3A_0] : memref<1000x1xf32, #tpu.memory_space<vmem>>, vector<1000x1xf32>
    %get3A_2 = arith.constant 0 : index
    %get3A_3 = arith.constant 0 : index
    %get3A_4 = arith.constant 0 : index
    %get3A_5 = vector.load %arg2[%get3A_2, %get3A_3, %get3A_4] : memref<2x1000x64xf32, #tpu.memory_space<vmem>>, vector<1x1000x64xf32>
    %get3A_6 = vector.shape_cast %get3A_5 : vector<1x1000x64xf32> to vector<1000x64xf32>
    %get3A_7 = arith.constant 0 : index
    %get3A_8 = arith.constant 0 : index
    %get3A_9 = arith.constant 0 : index
    %get3A_10 = vector.load %arg3[%get3A_7, %get3A_8, %get3A_9] : memref<2x1000x64xf32, #tpu.memory_space<vmem>>, vector<1x1000x64xf32>
    %get3A_11 = vector.shape_cast %get3A_10 : vector<1x1000x64xf32> to vector<1000x64xf32>
    %add3A = arith.addf %get3A_6, %get3A_11 : vector<1000x64xf32>
    %get3A_12 = arith.constant 1 : index
    %get3A_13 = arith.constant 0 : index
    %get3A_14 = arith.constant 0 : index
    %get3A_15 = vector.load %arg2[%get3A_12, %get3A_13, %get3A_14] : memref<2x1000x64xf32, #tpu.memory_space<vmem>>, vector<1x1000x64xf32>
    %get3A_16 = vector.shape_cast %get3A_15 : vector<1x1000x64xf32> to vector<1000x64xf32>
    %get3A_17 = arith.constant 1 : index
    %get3A_18 = arith.constant 0 : index
    %get3A_19 = arith.constant 0 : index
    %get3A_20 = vector.load %arg3[%get3A_17, %get3A_18, %get3A_19] : memref<2x1000x64xf32, #tpu.memory_space<vmem>>, vector<1x1000x64xf32>
    %get3A_21 = vector.shape_cast %get3A_20 : vector<1x1000x64xf32> to vector<1000x64xf32>
    %add3A_22 = arith.addf %get3A_16, %get3A_21 : vector<1000x64xf32>
    %concatenate3A = tpu.concatenate %add3A, %add3A_22 in 1 : vector<1000x64xf32>, vector<1000x64xf32> -> vector<1000x128xf32>
    %mul3A = vector.broadcast %get3A_1 : vector<1000x1xf32> to vector<1000x128xf32>
    %mul3A_23 = arith.mulf %mul3A, %concatenate3A : vector<1000x128xf32>
    %get3A_24 = arith.constant 0 : index
    %get3A_25 = arith.constant 0 : index
    %get3A_26 = vector.load %arg5[%get3A_24, %get3A_25] : memref<1x128xf32, #tpu.memory_space<vmem>>, vector<1x128xf32>
    %add3A_27 = vector.broadcast %get3A_26 : vector<1x128xf32> to vector<1000x128xf32>
    %add3A_28 = arith.addf %mul3A_23, %add3A_27 : vector<1000x128xf32>
    %get3A_29 = arith.constant 0 : index
    %get3A_30 = arith.constant 0 : index
    %get3A_31 = vector.load %arg4[%get3A_29, %get3A_30] : memref<128x128xf32, #tpu.memory_space<vmem>>, vector<128x128xf32>
    %dot_general3A = arith.constant dense<0.000000e+00> : vector<1000x128xf32>
    %dot_general3A_32 = tpu.matmul %add3A_28, %get3A_31, %dot_general3A {dimension_numbers = #tpu.dot_dimension_numbers<[1], [0], [0], [1], [0, 0, 1, 1], [], []>, transpose_lhs_hint = false} : vector<1000x128xf32>, vector<128x128xf32>, vector<1000x128xf32> -> vector<1000x128xf32>
    %mul3A_33 = vector.broadcast %get3A_1 : vector<1000x1xf32> to vector<1000x128xf32>
    %mul3A_34 = arith.mulf %dot_general3A_32, %mul3A_33 : vector<1000x128xf32>
    %slice3A = vector.extract_strided_slice %mul3A_34 {offsets = [0, 0], sizes = [1000, 64], strides = [1, 1]} : vector<1000x128xf32> to vector<1000x64xf32>
    %swap3A = arith.constant 0 : index
    %swap3A_35 = arith.constant 0 : index
    %swap3A_36 = arith.constant 0 : index
    %swap3A_37 = vector.load %arg6[%swap3A, %swap3A_35, %swap3A_36] : memref<2x1000x64xf32, #tpu.memory_space<vmem>>, vector<1x1000x64xf32>
    %swap3A_38 = vector.shape_cast %swap3A_37 : vector<1x1000x64xf32> to vector<1000x64xf32>
    %swap3A_39 = vector.shape_cast %slice3A : vector<1000x64xf32> to vector<1x1000x64xf32>
    tpu.vector_store %arg6[%swap3A, %swap3A_35, %swap3A_36], %swap3A_39 {strides = array<i32>} : memref<2x1000x64xf32, #tpu.memory_space<vmem>>, vector<1x1000x64xf32>,
    %slice3A_40 = vector.extract_strided_slice %mul3A_34 {offsets = [0, 64], sizes = [1000, 64], strides = [1, 1]} : vector<1000x128xf32> to vector<1000x64xf32>
    %swap3A_41 = arith.constant 1 : index
    %swap3A_42 = arith.constant 0 : index
    %swap3A_43 = arith.constant 0 : index
    %swap3A_44 = vector.load %arg6[%swap3A_41, %swap3A_42, %swap3A_43] : memref<2x1000x64xf32, #tpu.memory_space<vmem>>, vector<1x1000x64xf32>
    %swap3A_45 = vector.shape_cast %swap3A_44 : vector<1x1000x64xf32> to vector<1000x64xf32>
    %swap3A_46 = vector.shape_cast %slice3A_40 : vector<1000x64xf32> to vector<1x1000x64xf32>
    tpu.vector_store %arg6[%swap3A_41, %swap3A_42, %swap3A_43], %swap3A_46 {strides = array<i32>} : memref<2x1000x64xf32, #tpu.memory_space<vmem>>, vector<1x1000x64xf32>,
    return
  }
  func.func @transform_0(%arg0: i32) -> (i32, i32) {
    %c0_i32 = arith.constant 0 : i32
    %c0_i32_0 = arith.constant 0 : i32
    return %arg0, %c0_i32 : i32, i32
  }
  func.func @transform_1(%arg0: i32) -> (i32, i32, i32) {
    %c0_i32 = arith.constant 0 : i32
    %c0_i32_0 = arith.constant 0 : i32
    %c0_i32_1 = arith.constant 0 : i32
    return %c0_i32, %arg0, %c0_i32_0 : i32, i32, i32
  }
  func.func @transform_2(%arg0: i32) -> (i32, i32, i32) {
    %c0_i32 = arith.constant 0 : i32
    %c0_i32_0 = arith.constant 0 : i32
    %c0_i32_1 = arith.constant 0 : i32
    return %c0_i32, %arg0, %c0_i32_0 : i32, i32, i32
  }
  func.func @transform_3(%arg0: i32) -> (i32, i32) {
    %c0_i32 = arith.constant 0 : i32
    %c0_i32_0 = arith.constant 0 : i32
    %c0_i32_1 = arith.constant 0 : i32
    return %c0_i32, %c0_i32_0 : i32, i32
  }
  func.func @transform_4(%arg0: i32) -> (i32, i32) {
    %c0_i32 = arith.constant 0 : i32
    %c0_i32_0 = arith.constant 0 : i32
    %c0_i32_1 = arith.constant 0 : i32
    return %c0_i32, %c0_i32_0 : i32, i32
  }
  func.func @transform_5(%arg0: i32) -> (i32, i32, i32) {
    %c0_i32 = arith.constant 0 : i32
    %c0_i32_0 = arith.constant 0 : i32
    %c0_i32_1 = arith.constant 0 : i32
    return %c0_i32, %arg0, %c0_i32_0 : i32, i32, i32
  }
}

module attributes {stable_mosaic.version = 14 : i64} {
  func.func @body(%arg0: i32, %arg1: memref<1000x1xf32, #tpu.memory_space<vmem>>, %arg2: memref<2x1000x64xf32, #tpu.memory_space<vmem>>, %arg3: memref<2x1000x64xf32, #tpu.memory_space<vmem>>, %arg4: memref<1x128xf32, #tpu.memory_space<vmem>>, %arg5: memref<1000x128xf32, #tpu.memory_space<vmem>>) attributes {dimension_semantics = [#tpu.dimension_semantics<arbitrary>], iteration_bounds = array<i64: 10>, scalar_prefetch = 0 : i64, scratch_operands = 0 : i64, tpu.core_type = #tpu.core_type<tc>, window_params = [{transform_indices = @transform_0, window_bounds = array<i64: 1000, 1>}, {transform_indices = @transform_1, window_bounds = array<i64: 2, 1000, 64>}, {transform_indices = @transform_2, window_bounds = array<i64: 2, 1000, 64>}, {pipeline_mode = #tpu.pipeline_mode<synchronous>, transform_indices = @transform_3, window_bounds = array<i64: 1, 128>}, {transform_indices = @transform_4, window_bounds = array<i64: 1000, 128>}]} {
    %get3A = arith.constant 0 : index
    %get3A_0 = arith.constant 0 : index
    %get3A_1 = vector.load %arg1[%get3A, %get3A_0] : memref<1000x1xf32, #tpu.memory_space<vmem>>, vector<1000x1xf32>
    %get3A_2 = arith.constant 0 : index
    %get3A_3 = arith.constant 0 : index
    %get3A_4 = arith.constant 0 : index
    %get3A_5 = vector.load %arg2[%get3A_2, %get3A_3, %get3A_4] : memref<2x1000x64xf32, #tpu.memory_space<vmem>>, vector<1x1000x64xf32>
    %get3A_6 = vector.shape_cast %get3A_5 : vector<1x1000x64xf32> to vector<1000x64xf32>
    %get3A_7 = arith.constant 0 : index
    %get3A_8 = arith.constant 0 : index
    %get3A_9 = arith.constant 0 : index
    %get3A_10 = vector.load %arg3[%get3A_7, %get3A_8, %get3A_9] : memref<2x1000x64xf32, #tpu.memory_space<vmem>>, vector<1x1000x64xf32>
    %get3A_11 = vector.shape_cast %get3A_10 : vector<1x1000x64xf32> to vector<1000x64xf32>
    %add3A = arith.addf %get3A_6, %get3A_11 : vector<1000x64xf32>
    %get3A_12 = arith.constant 1 : index
    %get3A_13 = arith.constant 0 : index
    %get3A_14 = arith.constant 0 : index
    %get3A_15 = vector.load %arg2[%get3A_12, %get3A_13, %get3A_14] : memref<2x1000x64xf32, #tpu.memory_space<vmem>>, vector<1x1000x64xf32>
    %get3A_16 = vector.shape_cast %get3A_15 : vector<1x1000x64xf32> to vector<1000x64xf32>
    %get3A_17 = arith.constant 1 : index
    %get3A_18 = arith.constant 0 : index
    %get3A_19 = arith.constant 0 : index
    %get3A_20 = vector.load %arg3[%get3A_17, %get3A_18, %get3A_19] : memref<2x1000x64xf32, #tpu.memory_space<vmem>>, vector<1x1000x64xf32>
    %get3A_21 = vector.shape_cast %get3A_20 : vector<1x1000x64xf32> to vector<1000x64xf32>
    %add3A_22 = arith.addf %get3A_16, %get3A_21 : vector<1000x64xf32>
    %concatenate3A = tpu.concatenate %add3A, %add3A_22 in 1 : vector<1000x64xf32>, vector<1000x64xf32> -> vector<1000x128xf32>
    %mul3A = vector.broadcast %get3A_1 : vector<1000x1xf32> to vector<1000x128xf32>
    %mul3A_23 = arith.mulf %mul3A, %concatenate3A : vector<1000x128xf32>
    %get3A_24 = arith.constant 0 : index
    %get3A_25 = arith.constant 0 : index
    %get3A_26 = vector.load %arg4[%get3A_24, %get3A_25] : memref<1x128xf32, #tpu.memory_space<vmem>>, vector<1x128xf32>
    %add3A_27 = vector.broadcast %get3A_26 : vector<1x128xf32> to vector<1000x128xf32>
    %add3A_28 = arith.addf %mul3A_23, %add3A_27 : vector<1000x128xf32>
    %swap3A = arith.constant 0 : index
    %swap3A_29 = arith.constant 0 : index
    %swap3A_30 = vector.load %arg5[%swap3A, %swap3A_29] : memref<1000x128xf32, #tpu.memory_space<vmem>>, vector<1000x128xf32>
    tpu.vector_store %arg5[%swap3A, %swap3A_29], %add3A_28 {strides = array<i32>} : memref<1000x128xf32, #tpu.memory_space<vmem>>, vector<1000x128xf32>,
    return
  }
  func.func @transform_0(%arg0: i32) -> (i32, i32) {
    %c0_i32 = arith.constant 0 : i32
    %c0_i32_0 = arith.constant 0 : i32
    return %arg0, %c0_i32 : i32, i32
  }
  func.func @transform_1(%arg0: i32) -> (i32, i32, i32) {
    %c0_i32 = arith.constant 0 : i32
    %c0_i32_0 = arith.constant 0 : i32
    %c0_i32_1 = arith.constant 0 : i32
    return %c0_i32, %arg0, %c0_i32_0 : i32, i32, i32
  }
  func.func @transform_2(%arg0: i32) -> (i32, i32, i32) {
    %c0_i32 = arith.constant 0 : i32
    %c0_i32_0 = arith.constant 0 : i32
    %c0_i32_1 = arith.constant 0 : i32
    return %c0_i32, %arg0, %c0_i32_0 : i32, i32, i32
  }
  func.func @transform_3(%arg0: i32) -> (i32, i32) {
    %c0_i32 = arith.constant 0 : i32
    %c0_i32_0 = arith.constant 0 : i32
    %c0_i32_1 = arith.constant 0 : i32
    return %c0_i32, %c0_i32_0 : i32, i32
  }
  func.func @transform_4(%arg0: i32) -> (i32, i32) {
    %c0_i32 = arith.constant 0 : i32
    %c0_i32_0 = arith.constant 0 : i32
    return %arg0, %c0_i32 : i32, i32
  }
}

</mosaic_0001>

<sc_bundles>
// kernel: kernel.12.cloned.1.call-start
scs
__scs_entry_jumppad:
0x0: {  	(pc) =	sbr.rel $0x88, $3  }
0x1: {  	(tag) =	ssettag $0x0;
	lr =	simm.s32 $0x1  }
0x2: {  	[smem:$0x3F9B] =	sst lr;
	_ =	strace $0xD0000000  }
0x3: {  	_ = 	snop  }
0x4: {  	_ = 	snop  }
0x5: {  	_ = 	snop  }
0x6: {  	_ = 	snop  }
0x7: {  	_ = 	snop  }
__scs_overlays_trampoline_lowered:
0x8: {  	[smem:$0x3FAA] =	sst s0  }
0x9: {  	[smem:$0x3FAB] =	sst s1  }
0xa: {  	[smem:$0x3FAC] =	sst s2  }
0xb: {  	[smem:$0x3FAD] =	sst s3  }
0xc: {  	[smem:$0x3FAE] =	sst s4  }
0xd: {  	[smem:$0x3FAF] =	sst s5  }
0xe: {  	[smem:$0x3FB0] =	sst s6  }
0xf: {  	[smem:$0x3FB1] =	sst s7  }
0x10: {  	[smem:$0x3FB2] =	sst s8  }
0x11: {  	[smem:$0x3FB3] =	sst s9;
	s0 =	simm.s32 @!p0 $0x0  }
0x12: {  	s1 =	sld [smem:$0x3F99];
	s0 =	simm.s32 @p0 $0x1  }
0x13: {  	[smem:$0x3FB4] =	sst s0;
	s0 =	simm.s32 @!p1 $0x0  }
0x14: {  	s2 =	sld [smem:$0x3F98];
	s0 =	simm.s32 @p1 $0x1  }
0x15: {  	[smem:$0x3FB5] =	sst s0;
	s0 =	simm.s32 @!p2 $0x0  }
0x16: {  	s3 =	sld [smem:$0x3FDB];
	s0 =	simm.s32 @p2 $0x1  }
0x17: {  	s4 =	simm.s32 $0x1BF5;
	[smem:$0x3FB7] =	sst s0  }
0x18: {  	s0 =	sld [smem:$0x3F9A];
	_ =	swait.ge [sflag:s4], $0x0  }
0x19: {  	s7 =	sld [smem:$0x3F9B]  }
0x1a: {  	s8 =	sadd.s32 $0xFFFFE003, lr  }
0x1b: {  	s9 =	sadd.s32 $0xFFFFFEF7, lr;
	s5 =	simm.s32 $0xFFFFFFFF;
	p2 =	slt.u32 s8, $0xFFFFF086  }
0x1c: {  	p1 =	slt.u32 s9, $0xF7A;
	s5 =	simm.s32 @!p2 $0x0  }
0x1d: {  	s5 =	simm.s32 @p1 $0x1;
	p0 =	seq.s32 s7, s2  }
0x1e: {  	s7 =	smul.u32 @!p0 $0xF7A, s2;
	p2 =	seq.s32 @!p0 s5, $0x0  }
0x1f: {  	s9 =	smul.u32 $0xF7A, s1;
	s8 =	simm.s32 @!p0 $0x1BF5;
	p2 =	por !p2, p0  }
0x20: {  	[sflag:s8] =	ssyncset.s32 @!p0 $0xFFFFF086;
	s6 =	sadd.s32 @!p0 s3, s7;
	s7 =	simm.s32 @!p0 $0x108  }
0x21: {  	s3 =	sadd.s32 s3, s9;
	s6 =	sadd.s32 @!p0 $0x88, s6;
	s7 =	simm.s32 @p2 $0x1082  }
0x22: {  	[simem:s7], [sflag:s8] =	dma.local @!p0 [hbm:s6], $0xF7A  }
0x23: {  	s9 =	sor.u32 $0xD0000000, s2;
	s6 =	simm.s32 $0x108;
	_ =	swait.ge @!p0 [sflag:s8], $0x0  }
0x24: {  	s3 =	sadd.s32 $0x88, s3;
	s6 =	simm.s32 @!p1 $0x1082;
	[sflag:s4] =	ssyncset.s32 $0xFFFFF086  }
0x25: {  	[simem:s6], [sflag:s4] =	dma.local [hbm:s3], $0xF7A  }
0x26: {  	[smem:$0x3F9B] =	sst s1;
	(tag) =	ssettag s2;
	_ =	strace s9  }
0x27: {  	s1 =	sld [smem:$0x3FAB]  }
0x28: {  	s2 =	sld [smem:$0x3FAC]  }
0x29: {  	s4 =	sld [smem:$0x3FAE]  }
0x2a: {  	p0 =	seq.s32 s5, $0x0;
	s5 =	sld [smem:$0x3FAF]  }
0x2b: {  	s6 =	sld [smem:$0x3FB0]  }
0x2c: {  	s7 =	sld [smem:$0x3FB1]  }
0x2d: {  	s3 =	simm.s32 $0x108;
	s8 =	sld [smem:$0x3FB2]  }
0x2e: {  	s3 =	simm.s32 @!p0 $0x1082;
	s9 =	sld [smem:$0x3FB3]  }
0x2f: {  	lr =	sadd.s32 s0, s3;
	s0 =	sld [smem:$0x3FAA]  }
0x30: {  	s3 =	sld [smem:$0x3FAD]  }
0x31: {  	[smem:$0x3FB6] =	sst s10  }
0x32: {  	s10 =	sld [smem:$0x3FB4];
	_ =	sdelay $0x3  }
0x33: {  	p0 =	seq.s32 s10, $0x1;
	s10 =	sld [smem:$0x3FB6];
	_ =	sdelay $0x3  }
0x34: {  	[smem:$0x3FB6] =	sst s10  }
0x35: {  	s10 =	sld [smem:$0x3FB5];
	_ =	sdelay $0x3  }
0x36: {  	p1 =	seq.s32 s10, $0x1;
	s10 =	sld [smem:$0x3FB6];
	_ =	sdelay $0x3  }
0x37: {  	[smem:$0x3FB6] =	sst s10  }
0x38: {  	s10 =	sld [smem:$0x3FB7]  }
0x39: {  	_ = 	snop;
	(pc) =	sbr.ind lr, $3  }
0x3a: {  	_ = 	snop  }
0x3b: {  	_ = 	snop  }
0x3c: {  	p2 =	seq.s32 s10, $0x1;
	s10 =	sld [smem:$0x3FB6]  }
0x3d: {  	_ =	shalt  }
0x3e: {  	_ =	shalt  }
0x3f: {  	_ =	shalt  }
0x40: {  	_ =	shalt  }
0x41: {  	_ =	shalt  }
0x42: {  	_ =	shalt  }
0x43: {  	_ =	shalt  }
0x44: {  	_ =	shalt  }
0x45: {  	_ =	shalt  }
0x46: {  	_ =	shalt  }
0x47: {  	_ =	shalt  }
0x48: {  	_ =	shalt  }
0x49: {  	_ =	shalt  }
0x4a: {  	_ =	shalt  }
0x4b: {  	_ =	shalt  }
0x4c: {  	_ =	shalt  }
0x4d: {  	_ =	shalt  }
0x4e: {  	_ =	shalt  }
0x4f: {  	_ =	shalt  }
0x50: {  	_ =	shalt  }
0x51: {  	_ =	shalt  }
0x52: {  	_ =	shalt  }
0x53: {  	_ =	shalt  }
0x54: {  	_ =	shalt  }
0x55: {  	_ =	shalt  }
0x56: {  	_ =	shalt  }
0x57: {  	_ =	shalt  }
0x58: {  	_ =	shalt  }
0x59: {  	_ =	shalt  }
0x5a: {  	_ =	shalt  }
0x5b: {  	_ =	shalt  }
0x5c: {  	_ =	shalt  }
0x5d: {  	_ =	shalt  }
0x5e: {  	_ =	shalt  }
0x5f: {  	_ =	shalt  }
0x60: {  	_ =	shalt  }
0x61: {  	_ =	shalt  }
0x62: {  	_ =	shalt  }
0x63: {  	_ =	shalt  }
0x64: {  	_ =	shalt  }
0x65: {  	_ =	shalt  }
0x66: {  	_ =	shalt  }
0x67: {  	_ =	shalt  }
0x68: {  	_ =	shalt  }
0x69: {  	_ =	shalt  }
0x6a: {  	_ =	shalt  }
0x6b: {  	_ =	shalt  }
0x6c: {  	_ =	shalt  }
0x6d: {  	_ =	shalt  }
0x6e: {  	_ =	shalt  }
0x6f: {  	_ =	shalt  }
0x70: {  	_ =	shalt  }
0x71: {  	_ =	shalt  }
0x72: {  	_ =	shalt  }
0x73: {  	_ =	shalt  }
0x74: {  	_ =	shalt  }
0x75: {  	_ =	shalt  }
0x76: {  	_ =	shalt  }
0x77: {  	_ =	shalt  }
0x78: {  	_ =	shalt  }
0x79: {  	_ =	shalt  }
0x7a: {  	_ =	shalt  }
0x7b: {  	_ =	shalt  }
0x7c: {  	_ =	shalt  }
0x7d: {  	_ =	shalt  }
0x7e: {  	_ =	shalt  }
0x7f: {  	_ =	shalt  }
0x80: {  	_ =	shalt  }
0x81: {  	_ =	shalt  }
0x82: {  	_ =	shalt  }
0x83: {  	_ =	shalt  }
0x84: {  	_ =	shalt  }
0x85: {  	_ =	shalt  }
0x86: {  	_ =	shalt  }
0x87: {  	_ =	shalt  }
.Lfunc_end0:
.L_simem_size_0:
called_computation.1_lowered:
.L_overlay_start_0:
0x88: {  	s2 =	sld [smem:$0x3FD9]  }
0x89: {  	s3 =	sld [smem:$0x3FFE];
	_ =	sdelay $0x1  }
0x8a: {  	s1 =	srdreg.scid  }
0x8b: {  	s0 =	sand.u32 $0x1, s1  }
0x8c: {  	s17 =	sshll.u32 s0, $0xA;
	s2 =	sadd.s32 s3, s2  }
0x8d: {  	s2 =	sadd.s32 s2, s17  }
0x8e: {  	[smem:$0x3FC2] =	sst s2  }
0x8f: {  	_ = 	snop  }
0x90: {  	s2 =	sld [smem:$0x3FD0];
	(tm) =	ssettm $0x1  }
0x91: {  	s18 =	sld [smem:$0x3FFB];
	_ =	sdelay $0x3  }
0x92: {  	_ =	strace s18  }
0x93: {  	s3 =	sld [smem:$0x3FFC];
	_ =	sdelay $0x3  }
0x94: {  	_ =	strace s3  }
0x95: {  	s3 =	sld [smem:$0x3FFD];
	_ =	sdelay $0x3  }
0x96: {  	_ =	strace s3  }
0x97: {  	_ =	strace $0x8FFFFFFF  }
0x98: {  	s19 =	sld [smem:$0x3FDB];
	_ =	sdelay $0x1  }
0x99: {  	s4 =	simm.s32 $_scs_section_size  }
0x9a: {  	s5 =	simm.s32 $_size__tile_overlayer_lowered;
	s6 =	simm.s32 $_tile_overlayer_lowered  }
0x9b: {  	s22 =	simm.s32 $0x1BFF;
	s21 =	sshll.u32 s6, $0x1;
	s3 =	sadd.s32 s4, s19  }
0x9c: {  	s7 =	simm.s32 $0x0;
	s20 =	sshll.u32 s5, $0x1;
	s5 =	sadd.s32 s21, s3  }
0x9d: {  	[timem:s7], [sflag:s22] =	dma.local [hbm:s5], s20  }
0x9e: {  	_ =	swait.ge [sflag:s22], s20  }
0x9f: {  	s4 =	ssub.s32 $0x0, s20;
	[sflag:s22] =	ssyncset.done $0x0  }
0xa0: {  	[sflag:s22] =	ssyncadd.s32 s4;
	_ =	sdelay $0x1  }
0xa1: {  	s23 =	simm.s32 $0x1B8B  }
0xa2: {  	_ =	swait.ge [sflag:s23], $0x1  }
0xa3: {  	[sflag:s23] =	ssyncset.done $0x0  }
0xa4: {  	s25 =	simm.s32 $0x1B8E;
	s24 =	sld [smem:$0x3FFE];
	[sflag:s23] =	ssyncadd.s32 $0xFFFFFFFF  }
0xa5: {  	s26 =	simm.s32 $execute0_lowered;
	[smem:$0x3FD2] =	sst s25  }
0xa6: {  	s5 =	sshll.u32 s26, $0x1;
	_ =	strace $0x80000049;
	[dreg:$0x1] =	wrdreg $0xFFFFFFFF  }
0xa7: {  	s28 =	simm.s32 $_size_execute0_lowered;
	s3 =	sadd.s32 s3, s5;
	[dreg:$0x0] =	wrdreg $0x0  }
0xa8: {  	s5 =	sshll.u32 s28, $0x1;
	[dreg:$0x2] =	wrdreg s3  }
0xa9: {  	[dreg:$0x3] =	wrdreg s5  }
0xaa: {  	[dreg:$0x4] =	wrdreg $0xC0  }
0xab: {  	_ =	task [dreg:s7], $0x5FFFF  }
0xac: {  	[dreg:$0x1] =	wrdreg $0xFFFFFFFF  }
0xad: {  	[dreg:$0x0] =	wrdreg $0x60  }
0xae: {  	[dreg:$0x2] =	wrdreg s2  }
0xaf: {  	[dreg:$0x3] =	wrdreg s24  }
0xb0: {  	[dreg:$0x4] =	wrdreg $0x120000  }
0xb1: {  	[dreg:$0x5] =	wrdreg $0x9  }
0xb2: {  	_ =	task.clear_ibuf [dreg:s7], $0x6FFFF;
	_ =	strace $0x90000049  }
0xb3: {  	s29 =	simm.s32 $0x9;
	_ =	strace $0x8000004B  }
0xb4: {  	_ =	swait.ge [sflag:s29], $0x1  }
0xb5: {  	[sflag:s29] =	ssyncadd.s32 $0xFFFFFFFF  }
0xb6: {  	_ =	strace $0x9000004B  }
0xb7: {  	_ =	sfence  }
0xb8: {  	s30 =	sld [smem:$0x0];
	_ =	sdelay $0x2  }
0xb9: {  	s31 =	sshll.u32 s1, $0xD;
	s1 =	sshrl.u32 s1, $0x2  }
0xba: {  	s3 =	sand.u32 $0x4000, s31;
	s1 =	sadd.s32 s1, s30  }
0xbb: {  	s0 =	sor.u32 s3, s0;
	s1 =	sshll.u32 s1, $0x11  }
0xbc: {  	s0 =	sor.u32 s1, s0  }
0xbd: {  	s0 =	sadd.s32 $0x8F2B, s0  }
0xbe: {  	[sflag:s0] =	ssyncadd.remote.s32 $0x1  }
0xbf: {  	_ =	sfence.sel $0xFFFF  }
0xc0: {  	[dreg:$0x0] =	wrdreg $0xFFFFFFFF;
	(pc) =	sbr.abs _section_cstart, $3  }
0xc1: {  	[dreg:$0x1] =	wrdreg $0xFFFFFFFF  }
0xc2: {  	_ =	task.clear_ibuf [dreg:s7], $0x2FFFF;
	_ =	strace $0x9FFFFFFF  }
0xc3: {  	(tm) =	ssettm $0x7FFFFFFF  }
tec
execute0_lowered:
.L_overlay_start_1:
0x0: {  	(tag) =	ssettag $0x1  }
0x1: {  	s0 =	rddreg [dreg:$0x0]  }
0x2: {  	s1 =	rddreg [dreg:$0x1]  }
0x3: {  	s2 =	rddreg [dreg:$0x2]  }
0x4: {  	s8 =	stileid.u32;
	s3 =	simm.s32 $0x0;
	s5 =	srdreg.scid  }
0x5: {  	s28 =	simm.s32 $0x2;
	s29 =	simm.s32 $0x80;
	s30 =	simm.s32 $0xC000  }
0x6: {  	s31 =	simm.s32 $0x3;
	s4 =	smul.u32 $0xA00, s8;
	[smem:$0x7FF] =	sst s3  }
0x7: {  	s5 =	sand.u32 $0x1, s5;
	s7 =	sadd.s32 $0xBA00, s1;
	s11 =	smul.u32 $0xA000, s8  }
0x8: {  	_ =	strace $0x8000004A;
	s6 =	ssub.s32 $0x2, s5;
	s17 =	smul.u32 $0xA0000, s5  }
0x9: {  	[dreg:$0x4] =	wrdreg s7;
	s5 =	smul.u32 $0x13880, s5;
	s4 =	sadd.s32 s4, s1  }
0xa: {  	s18 =	sshrl.u32 s6, $0x1;
	s1 =	sadd.s32 $0x64E00, s1;
	s7 =	sadd.s32 s11, s2  }
0xb: {  	s20 =	sadd.s32 $0x2000, s11;
	s15 =	sadd.s32 $0x4000, s11;
	s16 =	sadd.s32 $0x6000, s11  }
0xc: {  	s6 =	ssub.s32 s6, s18;
	s19 =	sadd.s32 $0xCC00, s4;
	s4 =	sadd.s32 $0x1A00, s4  }
0xd: {  	s8 =	sadd.s32 s20, s2;
	s9 =	sadd.s32 s15, s2;
	s10 =	sadd.s32 s16, s2  }
0xe: {  	s18 =	sadd.s32 $0x8000, s11;
	s12 =	sadd.s32 s11, s17;
	[dreg:$0x5] =	wrdreg s19  }
0xf: {  	s23 =	sadd.s32 s17, s15;
	s24 =	sadd.s32 s17, s16;
	[dreg:$0x6] =	wrdreg s4  }
0x10: {  	s11 =	sadd.s32 s18, s2;
	s13 =	sshrl.u32 s12, $0x3;
	s4 =	sadd.s32 s17, s20  }
0x11: {  	s12 =	sadd.s32 s0, s5;
	s0 =	sshrl.u32 s23, $0x3;
	s25 =	sadd.s32 s17, s18  }
0x12: {  	s18 =	smax.u32 s6, $0x1;
	s20 =	simm.s32 $0xA000;
	s23 =	simm.s32 $0x6  }
0x13: {  	s19 =	simm.s32 $0x10000;
	s21 =	sadd.s32 s1, s13;
	s22 =	sshrl.u32 s4, $0x3  }
0x14: {  	s4 =	sshrl.u32 s24, $0x3;
	s15 =	sadd.s32 s1, s0;
	s26 =	sshrl.u32 s25, $0x3  }
0x15: {  	s24 =	simm.s32 $0x7;
	s25 =	simm.s32 $0x8;
	s0 =	simm.s32 $0xE000  }
0x16: {  	[dreg:$0x7] =	wrdreg s21;
	s14 =	sadd.s32 s1, s22;
	s16 =	sadd.s32 s1, s4  }
0x17: {  	s17 =	sadd.s32 s1, s26;
	s21 =	simm.s32 $0x9;
	s22 =	simm.s32 $0x5  }
0x18: {  	s26 =	simm.s32 $0x1;
	s1 =	simm.s32 $0x4;
	s4 =	simm.s32 $0x0  }
.LBB2_1:
0x19: {  	s5 =	rddreg [dreg:$0x5]  }
0x1a: {  	[tilespmem:s3], [sflag:$0x1] =	stream.linear.gather [hbm4b:s5+s3], $0x5000, $0x38;
	[tilespmem:$0x1C000] =	vst v63  }
0x1b: {  	s13 =	rddreg [dreg:$0x6];
	s6 =	simm.s32 $0x5000  }
0x1c: {  	[tilespmem:s6], [sflag:$0x2] =	stream.linear.gather [hbm4b:s13+s3], $0x5000, $0x38;
	[tilespmem:$0x1C000] =	vst v63  }
0x1d: {  	s6 =	rddreg [dreg:$0x4]  }
0x1e: {  	[tilespmem:s20], [sflag:$0x9] =	stream.linear.gather [hbm4b:s6+s3], $0x2000, $0x38;
	[tilespmem:$0x1C000] =	vst v63  }
0x1f: {  	_ =	swait.ge [sflag:s21], $0x2000  }
0x20: {  	[sflag:s21] =	ssyncset.done $0x0  }
0x21: {  	[sflag:s21] =	ssyncadd.s32 $0xFFFFE000  }
0x22: {  	[spmem:s7] =	stream.linear.scatter [tilespmem:s20], [sflag:$0x5], $0x2000, $0x38;
	[tilespmem:$0x1C000] =	vst v63  }
0x23: {  	_ = 	snop  }
0x24: {  	[spmem:s8] =	stream.linear.scatter [tilespmem:s20], [sflag:$0x6], $0x2000, $0x38;
	[tilespmem:$0x1C000] =	vst v63  }
0x25: {  	_ = 	snop  }
0x26: {  	[spmem:s9] =	stream.linear.scatter [tilespmem:s20], [sflag:$0x7], $0x2000, $0x38;
	[tilespmem:$0x1C000] =	vst v63  }
0x27: {  	_ = 	snop  }
0x28: {  	[spmem:s10] =	stream.linear.scatter [tilespmem:s20], [sflag:$0x8], $0x2000, $0x38;
	[tilespmem:$0x1C000] =	vst v63  }
0x29: {  	_ = 	snop  }
0x2a: {  	[spmem:s11] =	stream.linear.scatter [tilespmem:s20], [sflag:$0x5], $0x2000, $0x38;
	[tilespmem:$0x1C000] =	vst v63  }
0x2b: {  	_ =	swait.ge [sflag:s22], $0x2000  }
0x2c: {  	[sflag:s22] =	ssyncset.done $0x0  }
0x2d: {  	[sflag:s22] =	ssyncadd.s32 $0xFFFFE000  }
0x2e: {  	_ =	swait.ge [sflag:s23], $0x2000  }
0x2f: {  	[sflag:s23] =	ssyncset.done $0x0  }
0x30: {  	[sflag:s23] =	ssyncadd.s32 $0xFFFFE000  }
0x31: {  	_ =	swait.ge [sflag:s24], $0x2000  }
0x32: {  	[sflag:s24] =	ssyncset.done $0x0  }
0x33: {  	[sflag:s24] =	ssyncadd.s32 $0xFFFFE000  }
0x34: {  	_ =	swait.ge [sflag:s25], $0x2000  }
0x35: {  	[sflag:s25] =	ssyncset.done $0x0  }
0x36: {  	[sflag:s25] =	ssyncadd.s32 $0xFFFFE000  }
0x37: {  	_ =	swait.ge [sflag:s22], $0x2000  }
0x38: {  	[sflag:s22] =	ssyncset.done $0x0  }
0x39: {  	[sflag:s22] =	ssyncadd.s32 $0xFFFFE000  }
0x3a: {  	_ =	swait.ge [sflag:s26], $0x5000  }
0x3b: {  	[sflag:s26] =	ssyncset.done $0x0  }
0x3c: {  	[sflag:s26] =	ssyncadd.s32 $0xFFFFB000  }
0x3d: {  	_ =	swait.ge [sflag:s28], $0x5000  }
0x3e: {  	[sflag:s28] =	ssyncset.done $0x0  }
0x3f: {  	[sflag:s28] =	ssyncadd.s32 $0xFFFFB000  }
0x40: {  	[bflag:$0x0] =	sbarrier.arrive $0xFFFF  }
0x41: {  	[tilespmem:s20], [sflag:$0x1] =	stream.indirect.gather [hbm4b:s12+s29], $0x40, s3, s29, $0xb8;
	[tilespmem:$0x1C000] =	vst v63  }
0x42: {  	_ = 	snop  }
0x43: {  	[tilespmem:s30], [sflag:$0x2] =	stream.indirect.gather [hbm4b:s12+s29], $0x40, s29, s29, $0xb8;
	[tilespmem:$0x1C000] =	vst v63  }
0x44: {  	s13 =	simm.s32 $0x100  }
0x45: {  	[tilespmem:s0], [sflag:$0x3] =	stream.indirect.gather [hbm4b:s12+s29], $0x40, s13, s29, $0xb8;
	[tilespmem:$0x1C000] =	vst v63  }
0x46: {  	s6 =	simm.s32 $0x180  }
0x47: {  	[tilespmem:s19], [sflag:$0x4] =	stream.indirect.gather [hbm4b:s12+s29], $0x40, s6, s29, $0xb8;
	[tilespmem:$0x1C000] =	vst v63  }
0x48: {  	_ =	swait.ge [sflag:s26], $0x2000  }
0x49: {  	[sflag:s26] =	ssyncset.done $0x0  }
0x4a: {  	s13 =	simm.s32 $0x5000;
	[sflag:s26] =	ssyncadd.s32 $0xFFFFE000  }
0x4b: {  	[spmem:s2] =	stream.indirect.scatter.add.f32 [tilespmem:s20], [sflag:$0x5], $0x40, s13, s29, $0xb8;
	[tilespmem:$0x1C000] =	vst v63  }
0x4c: {  	_ =	swait.ge [sflag:s28], $0x2000  }
0x4d: {  	[sflag:s28] =	ssyncset.done $0x0  }
0x4e: {  	s6 =	simm.s32 $0x5080;
	[sflag:s28] =	ssyncadd.s32 $0xFFFFE000  }
0x4f: {  	[spmem:s2] =	stream.indirect.scatter.add.f32 [tilespmem:s30], [sflag:$0x6], $0x40, s6, s29, $0xb8;
	[tilespmem:$0x1C000] =	vst v63  }
0x50: {  	_ =	swait.ge [sflag:s31], $0x2000  }
0x51: {  	[sflag:s31] =	ssyncset.done $0x0  }
0x52: {  	s13 =	simm.s32 $0x5100;
	[sflag:s31] =	ssyncadd.s32 $0xFFFFE000  }
0x53: {  	[spmem:s2] =	stream.indirect.scatter.add.f32 [tilespmem:s0], [sflag:$0x7], $0x40, s13, s29, $0xb8;
	[tilespmem:$0x1C000] =	vst v63  }
0x54: {  	_ =	swait.ge [sflag:s1], $0x2000  }
0x55: {  	[sflag:s1] =	ssyncset.done $0x0  }
0x56: {  	s6 =	simm.s32 $0x5180;
	[sflag:s1] =	ssyncadd.s32 $0xFFFFE000  }
0x57: {  	[spmem:s2] =	stream.indirect.scatter.add.f32 [tilespmem:s19], [sflag:$0x8], $0x40, s6, s29, $0xb8;
	[tilespmem:$0x1C000] =	vst v63  }
0x58: {  	_ =	swait.ge [sflag:s22], $0x2000  }
0x59: {  	[sflag:s22] =	ssyncset.done $0x0  }
0x5a: {  	s13 =	simm.s32 $0x200;
	[sflag:s22] =	ssyncadd.s32 $0xFFFFE000  }
0x5b: {  	[tilespmem:s20], [sflag:$0x1] =	stream.indirect.gather [hbm4b:s12+s29], $0x40, s13, s29, $0xb8;
	[tilespmem:$0x1C000] =	vst v63  }
0x5c: {  	_ =	swait.ge [sflag:s23], $0x2000  }
0x5d: {  	[sflag:s23] =	ssyncset.done $0x0  }
0x5e: {  	s6 =	simm.s32 $0x280;
	[sflag:s23] =	ssyncadd.s32 $0xFFFFE000  }
0x5f: {  	[tilespmem:s30], [sflag:$0x2] =	stream.indirect.gather [hbm4b:s12+s29], $0x40, s6, s29, $0xb8;
	[tilespmem:$0x1C000] =	vst v63  }
0x60: {  	_ =	swait.ge [sflag:s24], $0x2000  }
0x61: {  	[sflag:s24] =	ssyncset.done $0x0  }
0x62: {  	s13 =	simm.s32 $0x300;
	[sflag:s24] =	ssyncadd.s32 $0xFFFFE000  }
0x63: {  	[tilespmem:s0], [sflag:$0x3] =	stream.indirect.gather [hbm4b:s12+s29], $0x40, s13, s29, $0xb8;
	[tilespmem:$0x1C000] =	vst v63  }
0x64: {  	_ =	swait.ge [sflag:s25], $0x2000  }
0x65: {  	[sflag:s25] =	ssyncset.done $0x0  }
0x66: {  	s5 =	simm.s32 $0x800;
	s6 =	simm.s32 $0x380;
	[sflag:s25] =	ssyncadd.s32 $0xFFFFE000  }
.LBB2_2:
0x67: {  	[tilespmem:s19], [sflag:$0x4] =	stream.indirect.gather [hbm4b:s12+s29], $0x40, s6, s29, $0xb8;
	[tilespmem:$0x1C000] =	vst v63  }
0x68: {  	s6 =	smov.u32 s5  }
0x69: {  	p0 =	sne.s32 s5, $0x13000;
	s5 =	sadd.s32 $0x800, s5;
	_ =	swait.ge [sflag:s26], $0x2000  }
0x6a: {  	s6 =	sshra.s32 s6, $0x2;
	[sflag:s26] =	ssyncset.done $0x0  }
0x6b: {  	s13 =	sadd.s32 $0x5000, s6;
	[sflag:s26] =	ssyncadd.s32 $0xFFFFE000  }
0x6c: {  	[spmem:s2] =	stream.indirect.scatter.add.f32 [tilespmem:s20], [sflag:$0x5], $0x40, s13, s29, $0xb8;
	[tilespmem:$0x1C000] =	vst v63  }
0x6d: {  	_ =	swait.ge [sflag:s28], $0x2000  }
0x6e: {  	[sflag:s28] =	ssyncset.done $0x0  }
0x6f: {  	s13 =	sadd.s32 $0x5080, s6;
	[sflag:s28] =	ssyncadd.s32 $0xFFFFE000  }
0x70: {  	[spmem:s2] =	stream.indirect.scatter.add.f32 [tilespmem:s30], [sflag:$0x6], $0x40, s13, s29, $0xb8;
	[tilespmem:$0x1C000] =	vst v63  }
0x71: {  	_ =	swait.ge [sflag:s31], $0x2000  }
0x72: {  	[sflag:s31] =	ssyncset.done $0x0  }
0x73: {  	s13 =	sadd.s32 $0x5100, s6;
	[sflag:s31] =	ssyncadd.s32 $0xFFFFE000  }
0x74: {  	[spmem:s2] =	stream.indirect.scatter.add.f32 [tilespmem:s0], [sflag:$0x7], $0x40, s13, s29, $0xb8;
	[tilespmem:$0x1C000] =	vst v63  }
0x75: {  	_ =	swait.ge [sflag:s1], $0x2000  }
0x76: {  	[sflag:s1] =	ssyncset.done $0x0  }
0x77: {  	s13 =	sadd.s32 $0x5180, s6;
	[sflag:s1] =	ssyncadd.s32 $0xFFFFE000  }
0x78: {  	[spmem:s2] =	stream.indirect.scatter.add.f32 [tilespmem:s19], [sflag:$0x8], $0x40, s13, s29, $0xb8;
	[tilespmem:$0x1C000] =	vst v63  }
0x79: {  	_ =	swait.ge [sflag:s22], $0x2000  }
0x7a: {  	[sflag:s22] =	ssyncset.done $0x0  }
0x7b: {  	s13 =	sadd.s32 $0x200, s6;
	[sflag:s22] =	ssyncadd.s32 $0xFFFFE000  }
0x7c: {  	[tilespmem:s20], [sflag:$0x1] =	stream.indirect.gather [hbm4b:s12+s29], $0x40, s13, s29, $0xb8;
	[tilespmem:$0x1C000] =	vst v63  }
0x7d: {  	_ =	swait.ge [sflag:s23], $0x2000  }
0x7e: {  	[sflag:s23] =	ssyncset.done $0x0  }
0x7f: {  	s13 =	sadd.s32 $0x280, s6;
	[sflag:s23] =	ssyncadd.s32 $0xFFFFE000  }
0x80: {  	[tilespmem:s30], [sflag:$0x2] =	stream.indirect.gather [hbm4b:s12+s29], $0x40, s13, s29, $0xb8;
	[tilespmem:$0x1C000] =	vst v63  }
0x81: {  	_ =	swait.ge [sflag:s24], $0x2000  }
0x82: {  	[sflag:s24] =	ssyncset.done $0x0  }
.Ltmp0:
0x83: {  	s13 =	sadd.s32 $0x300, s6;
	[sflag:s24] =	ssyncadd.s32 $0xFFFFE000;
	(pc) =	sbr.rel @p0 .LBB2_2-.Ltmp0, $4  }
0x84: {  	[tilespmem:s0], [sflag:$0x3] =	stream.indirect.gather [hbm4b:s12+s29], $0x40, s13, s29, $0xb8;
	[tilespmem:$0x1C000] =	vst v63  }
0x85: {  	_ =	swait.ge [sflag:s25], $0x2000  }
0x86: {  	[sflag:s25] =	ssyncset.done $0x0  }
0x87: {  	s6 =	sadd.s32 $0x380, s6;
	[sflag:s25] =	ssyncadd.s32 $0xFFFFE000  }
0x88: {  	[tilespmem:s19], [sflag:$0x4] =	stream.indirect.gather [hbm4b:s12+s29], $0x40, s6, s29, $0xb8;
	[tilespmem:$0x1C000] =	vst v63  }
0x89: {  	_ =	swait.ge [sflag:s26], $0x2000  }
0x8a: {  	[sflag:s26] =	ssyncset.done $0x0  }
0x8b: {  	s5 =	simm.s32 $0x9E00;
	[sflag:s26] =	ssyncadd.s32 $0xFFFFE000  }
0x8c: {  	[spmem:s2] =	stream.indirect.scatter.add.f32 [tilespmem:s20], [sflag:$0x5], $0x40, s5, s29, $0xb8;
	[tilespmem:$0x1C000] =	vst v63  }
0x8d: {  	_ =	swait.ge [sflag:s28], $0x2000  }
0x8e: {  	[sflag:s28] =	ssyncset.done $0x0  }
0x8f: {  	s6 =	simm.s32 $0x9E80;
	[sflag:s28] =	ssyncadd.s32 $0xFFFFE000  }
0x90: {  	[spmem:s2] =	stream.indirect.scatter.add.f32 [tilespmem:s30], [sflag:$0x6], $0x40, s6, s29, $0xb8;
	[tilespmem:$0x1C000] =	vst v63  }
0x91: {  	_ =	swait.ge [sflag:s31], $0x2000  }
0x92: {  	[sflag:s31] =	ssyncset.done $0x0  }
0x93: {  	s13 =	simm.s32 $0x9F00;
	[sflag:s31] =	ssyncadd.s32 $0xFFFFE000  }
0x94: {  	[spmem:s2] =	stream.indirect.scatter.add.f32 [tilespmem:s0], [sflag:$0x7], $0x40, s13, s29, $0xb8;
	[tilespmem:$0x1C000] =	vst v63  }
0x95: {  	_ =	swait.ge [sflag:s1], $0x2000  }
0x96: {  	[sflag:s1] =	ssyncset.done $0x0  }
0x97: {  	s6 =	simm.s32 $0x9F80;
	[sflag:s1] =	ssyncadd.s32 $0xFFFFE000  }
0x98: {  	[spmem:s2] =	stream.indirect.scatter.add.f32 [tilespmem:s19], [sflag:$0x8], $0x40, s6, s29, $0xb8;
	[tilespmem:$0x1C000] =	vst v63  }
0x99: {  	_ =	swait.ge [sflag:s22], $0x2000  }
0x9a: {  	[sflag:s22] =	ssyncset.done $0x0  }
0x9b: {  	[sflag:s22] =	ssyncadd.s32 $0xFFFFE000  }
0x9c: {  	_ =	swait.ge [sflag:s23], $0x2000  }
0x9d: {  	[sflag:s23] =	ssyncset.done $0x0  }
0x9e: {  	[sflag:s23] =	ssyncadd.s32 $0xFFFFE000  }
0x9f: {  	_ =	swait.ge [sflag:s24], $0x2000  }
0xa0: {  	[sflag:s24] =	ssyncset.done $0x0  }
0xa1: {  	[sflag:s24] =	ssyncadd.s32 $0xFFFFE000  }
0xa2: {  	_ =	swait.ge [sflag:s25], $0x2000  }
0xa3: {  	[sflag:s25] =	ssyncset.done $0x0  }
0xa4: {  	[sflag:s25] =	ssyncadd.s32 $0xFFFFE000  }
0xa5: {  	[bflag:$0x0] =	sbarrier.arrive $0xFFFF  }
0xa6: {  	[tilespmem:s20], [sflag:$0x1] =	stream.linear.gather [spmem:s7], $0x2000, $0x38;
	[tilespmem:$0x1C000] =	vst v63  }
0xa7: {  	_ =	swait.ge [sflag:s26], $0x2000  }
0xa8: {  	[sflag:s26] =	ssyncset.done $0x0  }
0xa9: {  	s13 =	rddreg [dreg:$0x7];
	[sflag:s26] =	ssyncadd.s32 $0xFFFFE000  }
0xaa: {  	[hbm4b:s13+s3] =	stream.linear.scatter [tilespmem:s20], [sflag:$0x5], $0x2000, $0x38;
	[tilespmem:$0x1C000] =	vst v63  }
0xab: {  	_ = 	snop  }
0xac: {  	[tilespmem:s30], [sflag:$0x2] =	stream.linear.gather [spmem:s8], $0x2000, $0x38;
	[tilespmem:$0x1C000] =	vst v63  }
0xad: {  	_ =	swait.ge [sflag:s28], $0x2000  }
0xae: {  	[sflag:s28] =	ssyncset.done $0x0  }
0xaf: {  	[sflag:s28] =	ssyncadd.s32 $0xFFFFE000  }
0xb0: {  	[hbm4b:s14+s3] =	stream.linear.scatter [tilespmem:s30], [sflag:$0x6], $0x2000, $0x38;
	[tilespmem:$0x1C000] =	vst v63  }
0xb1: {  	_ =	swait.ge [sflag:s22], $0x2000  }
0xb2: {  	[sflag:s22] =	ssyncset.done $0x0  }
0xb3: {  	[sflag:s22] =	ssyncadd.s32 $0xFFFFE000  }
0xb4: {  	[tilespmem:s20], [sflag:$0x1] =	stream.linear.gather [spmem:s9], $0x2000, $0x38;
	[tilespmem:$0x1C000] =	vst v63  }
0xb5: {  	_ =	swait.ge [sflag:s26], $0x2000  }
0xb6: {  	[sflag:s26] =	ssyncset.done $0x0  }
0xb7: {  	[sflag:s26] =	ssyncadd.s32 $0xFFFFE000  }
0xb8: {  	[hbm4b:s15+s3] =	stream.linear.scatter [tilespmem:s20], [sflag:$0x5], $0x2000, $0x38;
	[tilespmem:$0x1C000] =	vst v63  }
0xb9: {  	_ =	swait.ge [sflag:s23], $0x2000  }
0xba: {  	[sflag:s23] =	ssyncset.done $0x0  }
0xbb: {  	[sflag:s23] =	ssyncadd.s32 $0xFFFFE000  }
0xbc: {  	[tilespmem:s30], [sflag:$0x2] =	stream.linear.gather [spmem:s10], $0x2000, $0x38;
	[tilespmem:$0x1C000] =	vst v63  }
0xbd: {  	_ =	swait.ge [sflag:s28], $0x2000  }
0xbe: {  	[sflag:s28] =	ssyncset.done $0x0  }
0xbf: {  	[sflag:s28] =	ssyncadd.s32 $0xFFFFE000  }
0xc0: {  	[hbm4b:s16+s3] =	stream.linear.scatter [tilespmem:s30], [sflag:$0x6], $0x2000, $0x38;
	[tilespmem:$0x1C000] =	vst v63  }
0xc1: {  	_ =	swait.ge [sflag:s22], $0x2000  }
0xc2: {  	[sflag:s22] =	ssyncset.done $0x0  }
0xc3: {  	[sflag:s22] =	ssyncadd.s32 $0xFFFFE000  }
0xc4: {  	[tilespmem:s20], [sflag:$0x1] =	stream.linear.gather [spmem:s11], $0x2000, $0x38;
	[tilespmem:$0x1C000] =	vst v63  }
0xc5: {  	_ =	swait.ge [sflag:s26], $0x2000  }
0xc6: {  	[sflag:s26] =	ssyncset.done $0x0  }
0xc7: {  	s4 =	sadd.s32 $0x1, s4;
	[sflag:s26] =	ssyncadd.s32 $0xFFFFE000  }
0xc8: {  	[hbm4b:s17+s3] =	stream.linear.scatter [tilespmem:s20], [sflag:$0x5], $0x2000, $0x38;
	[tilespmem:$0x1C000] =	vst v63  }
0xc9: {  	p0 =	sne.s32 s4, s18;
	_ =	swait.ge [sflag:s23], $0x2000  }
.Ltmp1:
0xca: {  	[sflag:s23] =	ssyncset.done $0x0;
	(pc) =	sbr.rel @p0 .LBB2_1-.Ltmp1, $4  }
0xcb: {  	[sflag:s23] =	ssyncadd.s32 $0xFFFFE000  }
0xcc: {  	_ =	swait.ge [sflag:s22], $0x2000  }
0xcd: {  	[sflag:s22] =	ssyncset.done $0x0  }
0xce: {  	[sflag:s22] =	ssyncadd.s32 $0xFFFFE000  }
0xcf: {  	_ =	sfence.sel $0x180000  }
0xd0: {  	[bflag:$0x0] =	sbarrier.arrive $0xFFFF  }
0xd1: {  	_ =	strace $0x9000004A  }
0xd2: {  	s0 =	stileid.u32;
	[bflag:$0x2] =	sbarrier.arrive $0xFFFF  }
0xd3: {  	p0 =	sne.s32 s0, $0x0;
	s0 =	rddreg [dreg:$0x3]  }
0xd4: {  	s0 =	sadd.s32 @!p0 $0x100000, s0  }
0xd5: {  	[sflag:s0] =	ssyncadd.tile.s32 @!p0 $0x1;
	_ =	shalt  }
.Lfunc_end2:
_tile_overlayer_lowered:
.L_overlay_start_2:
0xd6: {  	(tag) =	ssettag $0x2  }
0xd7: {  	s0 =	rddreg [dreg:$0x0];
	s2 =	stileid.u32  }
0xd8: {  	s1 =	rddreg [dreg:$0x1];
	p0 =	sne.s32 s2, $0x0  }
0xd9: {  	s3 =	rddreg [dreg:$0x2];
	[bflag:$0x3] =	sbarrier.arrive $0xFFFF;
	s2 =	simm.s32 @!p0 $0x1C09  }
0xda: {  	[timem:s3], [sflag:s2] =	dma.local @!p0 [hbm:s0], s1  }
0xdb: {  	s0 =	simm.s32 @!p0 $0x9  }
0xdc: {  	_ =	swait.ge @!p0 [sflag:s0], s1  }
0xdd: {  	s1 =	ssub.s32 @!p0 $0x0, s1;
	[sflag:s0] =	ssyncset.done @!p0 $0x0  }
0xde: {  	[sflag:s0] =	ssyncadd.s32 @!p0 s1  }
0xdf: {  	[bflag:$0x3] =	sbarrier.arrive $0xFFFF  }
0xe0: {  	_ =	shalt  }

// kernel: kernel.15.cloned.1.call-start
scs
__scs_entry_jumppad:
0x0: {  	(pc) =	sbr.rel $0x88, $3  }
0x1: {  	(tag) =	ssettag $0x0;
	lr =	simm.s32 $0x1  }
0x2: {  	[smem:$0x3F9B] =	sst lr;
	_ =	strace $0xD0000000  }
0x3: {  	_ = 	snop  }
0x4: {  	_ = 	snop  }
0x5: {  	_ = 	snop  }
0x6: {  	_ = 	snop  }
0x7: {  	_ = 	snop  }
__scs_overlays_trampoline_lowered:
0x8: {  	[smem:$0x3FAA] =	sst s0  }
0x9: {  	[smem:$0x3FAB] =	sst s1  }
0xa: {  	[smem:$0x3FAC] =	sst s2  }
0xb: {  	[smem:$0x3FAD] =	sst s3  }
0xc: {  	[smem:$0x3FAE] =	sst s4  }
0xd: {  	[smem:$0x3FAF] =	sst s5  }
0xe: {  	[smem:$0x3FB0] =	sst s6  }
0xf: {  	[smem:$0x3FB1] =	sst s7  }
0x10: {  	[smem:$0x3FB2] =	sst s8  }
0x11: {  	[smem:$0x3FB3] =	sst s9;
	s0 =	simm.s32 @!p0 $0x0  }
0x12: {  	s1 =	sld [smem:$0x3F99];
	s0 =	simm.s32 @p0 $0x1  }
0x13: {  	[smem:$0x3FB4] =	sst s0;
	s0 =	simm.s32 @!p1 $0x0  }
0x14: {  	s2 =	sld [smem:$0x3F98];
	s0 =	simm.s32 @p1 $0x1  }
0x15: {  	[smem:$0x3FB5] =	sst s0;
	s0 =	simm.s32 @!p2 $0x0  }
0x16: {  	s3 =	sld [smem:$0x3FDB];
	s0 =	simm.s32 @p2 $0x1  }
0x17: {  	s4 =	simm.s32 $0x1BF5;
	[smem:$0x3FB7] =	sst s0  }
0x18: {  	s0 =	sld [smem:$0x3F9A];
	_ =	swait.ge [sflag:s4], $0x0  }
0x19: {  	s7 =	sld [smem:$0x3F9B]  }
0x1a: {  	s8 =	sadd.s32 $0xFFFFE003, lr  }
0x1b: {  	s9 =	sadd.s32 $0xFFFFFEF7, lr;
	s5 =	simm.s32 $0xFFFFFFFF;
	p2 =	slt.u32 s8, $0xFFFFF086  }
0x1c: {  	p1 =	slt.u32 s9, $0xF7A;
	s5 =	simm.s32 @!p2 $0x0  }
0x1d: {  	s5 =	simm.s32 @p1 $0x1;
	p0 =	seq.s32 s7, s2  }
0x1e: {  	s7 =	smul.u32 @!p0 $0xF7A, s2;
	p2 =	seq.s32 @!p0 s5, $0x0  }
0x1f: {  	s9 =	smul.u32 $0xF7A, s1;
	s8 =	simm.s32 @!p0 $0x1BF5;
	p2 =	por !p2, p0  }
0x20: {  	[sflag:s8] =	ssyncset.s32 @!p0 $0xFFFFF086;
	s6 =	sadd.s32 @!p0 s3, s7;
	s7 =	simm.s32 @!p0 $0x108  }
0x21: {  	s3 =	sadd.s32 s3, s9;
	s6 =	sadd.s32 @!p0 $0x88, s6;
	s7 =	simm.s32 @p2 $0x1082  }
0x22: {  	[simem:s7], [sflag:s8] =	dma.local @!p0 [hbm:s6], $0xF7A  }
0x23: {  	s9 =	sor.u32 $0xD0000000, s2;
	s6 =	simm.s32 $0x108;
	_ =	swait.ge @!p0 [sflag:s8], $0x0  }
0x24: {  	s3 =	sadd.s32 $0x88, s3;
	s6 =	simm.s32 @!p1 $0x1082;
	[sflag:s4] =	ssyncset.s32 $0xFFFFF086  }
0x25: {  	[simem:s6], [sflag:s4] =	dma.local [hbm:s3], $0xF7A  }
0x26: {  	[smem:$0x3F9B] =	sst s1;
	(tag) =	ssettag s2;
	_ =	strace s9  }
0x27: {  	s1 =	sld [smem:$0x3FAB]  }
0x28: {  	s2 =	sld [smem:$0x3FAC]  }
0x29: {  	s4 =	sld [smem:$0x3FAE]  }
0x2a: {  	p0 =	seq.s32 s5, $0x0;
	s5 =	sld [smem:$0x3FAF]  }
0x2b: {  	s6 =	sld [smem:$0x3FB0]  }
0x2c: {  	s7 =	sld [smem:$0x3FB1]  }
0x2d: {  	s3 =	simm.s32 $0x108;
	s8 =	sld [smem:$0x3FB2]  }
0x2e: {  	s3 =	simm.s32 @!p0 $0x1082;
	s9 =	sld [smem:$0x3FB3]  }
0x2f: {  	lr =	sadd.s32 s0, s3;
	s0 =	sld [smem:$0x3FAA]  }
0x30: {  	s3 =	sld [smem:$0x3FAD]  }
0x31: {  	[smem:$0x3FB6] =	sst s10  }
0x32: {  	s10 =	sld [smem:$0x3FB4];
	_ =	sdelay $0x3  }
0x33: {  	p0 =	seq.s32 s10, $0x1;
	s10 =	sld [smem:$0x3FB6];
	_ =	sdelay $0x3  }
0x34: {  	[smem:$0x3FB6] =	sst s10  }
0x35: {  	s10 =	sld [smem:$0x3FB5];
	_ =	sdelay $0x3  }
0x36: {  	p1 =	seq.s32 s10, $0x1;
	s10 =	sld [smem:$0x3FB6];
	_ =	sdelay $0x3  }
0x37: {  	[smem:$0x3FB6] =	sst s10  }
0x38: {  	s10 =	sld [smem:$0x3FB7]  }
0x39: {  	_ = 	snop;
	(pc) =	sbr.ind lr, $3  }
0x3a: {  	_ = 	snop  }
0x3b: {  	_ = 	snop  }
0x3c: {  	p2 =	seq.s32 s10, $0x1;
	s10 =	sld [smem:$0x3FB6]  }
0x3d: {  	_ =	shalt  }
0x3e: {  	_ =	shalt  }
0x3f: {  	_ =	shalt  }
0x40: {  	_ =	shalt  }
0x41: {  	_ =	shalt  }
0x42: {  	_ =	shalt  }
0x43: {  	_ =	shalt  }
0x44: {  	_ =	shalt  }
0x45: {  	_ =	shalt  }
0x46: {  	_ =	shalt  }
0x47: {  	_ =	shalt  }
0x48: {  	_ =	shalt  }
0x49: {  	_ =	shalt  }
0x4a: {  	_ =	shalt  }
0x4b: {  	_ =	shalt  }
0x4c: {  	_ =	shalt  }
0x4d: {  	_ =	shalt  }
0x4e: {  	_ =	shalt  }
0x4f: {  	_ =	shalt  }
0x50: {  	_ =	shalt  }
0x51: {  	_ =	shalt  }
0x52: {  	_ =	shalt  }
0x53: {  	_ =	shalt  }
0x54: {  	_ =	shalt  }
0x55: {  	_ =	shalt  }
0x56: {  	_ =	shalt  }
0x57: {  	_ =	shalt  }
0x58: {  	_ =	shalt  }
0x59: {  	_ =	shalt  }
0x5a: {  	_ =	shalt  }
0x5b: {  	_ =	shalt  }
0x5c: {  	_ =	shalt  }
0x5d: {  	_ =	shalt  }
0x5e: {  	_ =	shalt  }
0x5f: {  	_ =	shalt  }
0x60: {  	_ =	shalt  }
0x61: {  	_ =	shalt  }
0x62: {  	_ =	shalt  }
0x63: {  	_ =	shalt  }
0x64: {  	_ =	shalt  }
0x65: {  	_ =	shalt  }
0x66: {  	_ =	shalt  }
0x67: {  	_ =	shalt  }
0x68: {  	_ =	shalt  }
0x69: {  	_ =	shalt  }
0x6a: {  	_ =	shalt  }
0x6b: {  	_ =	shalt  }
0x6c: {  	_ =	shalt  }
0x6d: {  	_ =	shalt  }
0x6e: {  	_ =	shalt  }
0x6f: {  	_ =	shalt  }
0x70: {  	_ =	shalt  }
0x71: {  	_ =	shalt  }
0x72: {  	_ =	shalt  }
0x73: {  	_ =	shalt  }
0x74: {  	_ =	shalt  }
0x75: {  	_ =	shalt  }
0x76: {  	_ =	shalt  }
0x77: {  	_ =	shalt  }
0x78: {  	_ =	shalt  }
0x79: {  	_ =	shalt  }
0x7a: {  	_ =	shalt  }
0x7b: {  	_ =	shalt  }
0x7c: {  	_ =	shalt  }
0x7d: {  	_ =	shalt  }
0x7e: {  	_ =	shalt  }
0x7f: {  	_ =	shalt  }
0x80: {  	_ =	shalt  }
0x81: {  	_ =	shalt  }
0x82: {  	_ =	shalt  }
0x83: {  	_ =	shalt  }
0x84: {  	_ =	shalt  }
0x85: {  	_ =	shalt  }
0x86: {  	_ =	shalt  }
0x87: {  	_ =	shalt  }
.Lfunc_end0:
.L_simem_size_0:
called_computation.2_lowered:
.L_overlay_start_0:
0x88: {  	s2 =	sld [smem:$0x3FD9]  }
0x89: {  	s3 =	sld [smem:$0x3FFE];
	_ =	sdelay $0x1  }
0x8a: {  	s1 =	srdreg.scid  }
0x8b: {  	s0 =	sand.u32 $0x1, s1  }
0x8c: {  	s17 =	sshll.u32 s0, $0xA;
	s2 =	sadd.s32 s3, s2  }
0x8d: {  	s2 =	sadd.s32 s2, s17  }
0x8e: {  	[smem:$0x3FC2] =	sst s2  }
0x8f: {  	_ = 	snop  }
0x90: {  	s2 =	sld [smem:$0x3FD0];
	(tm) =	ssettm $0x1  }
0x91: {  	s18 =	sld [smem:$0x3FFB];
	_ =	sdelay $0x3  }
0x92: {  	_ =	strace s18  }
0x93: {  	s3 =	sld [smem:$0x3FFC];
	_ =	sdelay $0x3  }
0x94: {  	_ =	strace s3  }
0x95: {  	s3 =	sld [smem:$0x3FFD];
	_ =	sdelay $0x3  }
0x96: {  	_ =	strace s3  }
0x97: {  	_ =	strace $0x8FFFFFFF  }
0x98: {  	s19 =	sld [smem:$0x3FDB];
	_ =	sdelay $0x1  }
0x99: {  	s4 =	simm.s32 $_scs_section_size  }
0x9a: {  	s5 =	simm.s32 $_size__tile_overlayer_lowered;
	s6 =	simm.s32 $_tile_overlayer_lowered  }
0x9b: {  	s22 =	simm.s32 $0x1BFF;
	s21 =	sshll.u32 s6, $0x1;
	s3 =	sadd.s32 s4, s19  }
0x9c: {  	s7 =	simm.s32 $0x0;
	s20 =	sshll.u32 s5, $0x1;
	s5 =	sadd.s32 s21, s3  }
0x9d: {  	[timem:s7], [sflag:s22] =	dma.local [hbm:s5], s20  }
0x9e: {  	_ =	swait.ge [sflag:s22], s20  }
0x9f: {  	s4 =	ssub.s32 $0x0, s20;
	[sflag:s22] =	ssyncset.done $0x0  }
0xa0: {  	[sflag:s22] =	ssyncadd.s32 s4;
	_ =	sdelay $0x1  }
0xa1: {  	s23 =	simm.s32 $0x1B8B  }
0xa2: {  	_ =	swait.ge [sflag:s23], $0x1  }
0xa3: {  	[sflag:s23] =	ssyncset.done $0x0  }
0xa4: {  	s25 =	simm.s32 $0x1B8E;
	s24 =	sld [smem:$0x3FFE];
	[sflag:s23] =	ssyncadd.s32 $0xFFFFFFFF  }
0xa5: {  	s26 =	simm.s32 $execute0_lowered;
	[smem:$0x3FD2] =	sst s25  }
0xa6: {  	s5 =	sshll.u32 s26, $0x1;
	_ =	strace $0x8000004C;
	[dreg:$0x1] =	wrdreg $0xFFFFFFFF  }
0xa7: {  	s28 =	simm.s32 $_size_execute0_lowered;
	s3 =	sadd.s32 s3, s5;
	[dreg:$0x0] =	wrdreg $0x0  }
0xa8: {  	s5 =	sshll.u32 s28, $0x1;
	[dreg:$0x2] =	wrdreg s3  }
0xa9: {  	[dreg:$0x3] =	wrdreg s5  }
0xaa: {  	[dreg:$0x4] =	wrdreg $0xC0  }
0xab: {  	_ =	task [dreg:s7], $0x5FFFF  }
0xac: {  	[dreg:$0x1] =	wrdreg $0xFFFFFFFF  }
0xad: {  	[dreg:$0x0] =	wrdreg $0x60  }
0xae: {  	[dreg:$0x2] =	wrdreg s2  }
0xaf: {  	[dreg:$0x3] =	wrdreg s24  }
0xb0: {  	[dreg:$0x4] =	wrdreg $0x120000  }
0xb1: {  	[dreg:$0x5] =	wrdreg $0x9  }
0xb2: {  	_ =	task.clear_ibuf [dreg:s7], $0x6FFFF;
	_ =	strace $0x9000004C  }
0xb3: {  	s29 =	simm.s32 $0x9;
	_ =	strace $0x8000004E  }
0xb4: {  	_ =	swait.ge [sflag:s29], $0x1  }
0xb5: {  	[sflag:s29] =	ssyncadd.s32 $0xFFFFFFFF  }
0xb6: {  	_ =	strace $0x9000004E  }
0xb7: {  	_ =	sfence  }
0xb8: {  	s30 =	sld [smem:$0x0];
	_ =	sdelay $0x2  }
0xb9: {  	s31 =	sshll.u32 s1, $0xD;
	s1 =	sshrl.u32 s1, $0x2  }
0xba: {  	s3 =	sand.u32 $0x4000, s31;
	s1 =	sadd.s32 s1, s30  }
0xbb: {  	s0 =	sor.u32 s3, s0;
	s1 =	sshll.u32 s1, $0x11  }
0xbc: {  	s0 =	sor.u32 s1, s0  }
0xbd: {  	s0 =	sadd.s32 $0x8F2B, s0  }
0xbe: {  	[sflag:s0] =	ssyncadd.remote.s32 $0x1  }
0xbf: {  	_ =	sfence.sel $0xFFFF  }
0xc0: {  	[dreg:$0x0] =	wrdreg $0xFFFFFFFF;
	(pc) =	sbr.abs _section_cstart, $3  }
0xc1: {  	[dreg:$0x1] =	wrdreg $0xFFFFFFFF  }
0xc2: {  	_ =	task.clear_ibuf [dreg:s7], $0x2FFFF;
	_ =	strace $0x9FFFFFFF  }
0xc3: {  	(tm) =	ssettm $0x7FFFFFFF  }
tec
execute0_lowered:
.L_overlay_start_1:
0x0: {  	(tag) =	ssettag $0x1  }
0x1: {  	s0 =	rddreg [dreg:$0x0]  }
0x2: {  	s1 =	rddreg [dreg:$0x1]  }
0x3: {  	s2 =	rddreg [dreg:$0x2]  }
0x4: {  	s8 =	stileid.u32;
	s3 =	simm.s32 $0x0;
	s5 =	srdreg.scid  }
0x5: {  	s28 =	simm.s32 $0x2;
	s29 =	simm.s32 $0x80;
	s30 =	simm.s32 $0xC000  }
0x6: {  	s31 =	simm.s32 $0x3;
	s4 =	smul.u32 $0xA00, s8;
	[smem:$0x7FF] =	sst s3  }
0x7: {  	s5 =	sand.u32 $0x1, s5;
	s7 =	sadd.s32 $0xBA00, s1;
	s11 =	smul.u32 $0xA000, s8  }
0x8: {  	_ =	strace $0x8000004D;
	s6 =	ssub.s32 $0x2, s5;
	s17 =	smul.u32 $0xA0000, s5  }
0x9: {  	[dreg:$0x4] =	wrdreg s7;
	s5 =	smul.u32 $0x13880, s5;
	s4 =	sadd.s32 s4, s1  }
0xa: {  	s18 =	sshrl.u32 s6, $0x1;
	s1 =	sadd.s32 $0x16C00, s1;
	s7 =	sadd.s32 s11, s2  }
0xb: {  	s20 =	sadd.s32 $0x2000, s11;
	s15 =	sadd.s32 $0x4000, s11;
	s16 =	sadd.s32 $0x6000, s11  }
0xc: {  	s6 =	ssub.s32 s6, s18;
	s19 =	sadd.s32 $0xCC00, s4;
	s4 =	sadd.s32 $0x1A00, s4  }
0xd: {  	s8 =	sadd.s32 s20, s2;
	s9 =	sadd.s32 s15, s2;
	s10 =	sadd.s32 s16, s2  }
0xe: {  	s18 =	sadd.s32 $0x8000, s11;
	s12 =	sadd.s32 s11, s17;
	[dreg:$0x5] =	wrdreg s19  }
0xf: {  	s23 =	sadd.s32 s17, s15;
	s24 =	sadd.s32 s17, s16;
	[dreg:$0x6] =	wrdreg s4  }
0x10: {  	s11 =	sadd.s32 s18, s2;
	s13 =	sshrl.u32 s12, $0x3;
	s4 =	sadd.s32 s17, s20  }
0x11: {  	s12 =	sadd.s32 s0, s5;
	s0 =	sshrl.u32 s23, $0x3;
	s25 =	sadd.s32 s17, s18  }
0x12: {  	s18 =	smax.u32 s6, $0x1;
	s20 =	simm.s32 $0xA000;
	s23 =	simm.s32 $0x6  }
0x13: {  	s19 =	simm.s32 $0x10000;
	s21 =	sadd.s32 s1, s13;
	s22 =	sshrl.u32 s4, $0x3  }
0x14: {  	s4 =	sshrl.u32 s24, $0x3;
	s15 =	sadd.s32 s1, s0;
	s26 =	sshrl.u32 s25, $0x3  }
0x15: {  	s24 =	simm.s32 $0x7;
	s25 =	simm.s32 $0x8;
	s0 =	simm.s32 $0xE000  }
0x16: {  	[dreg:$0x7] =	wrdreg s21;
	s14 =	sadd.s32 s1, s22;
	s16 =	sadd.s32 s1, s4  }
0x17: {  	s17 =	sadd.s32 s1, s26;
	s21 =	simm.s32 $0x9;
	s22 =	simm.s32 $0x5  }
0x18: {  	s26 =	simm.s32 $0x1;
	s1 =	simm.s32 $0x4;
	s4 =	simm.s32 $0x0  }
.LBB2_1:
0x19: {  	s5 =	rddreg [dreg:$0x5]  }
0x1a: {  	[tilespmem:s3], [sflag:$0x1] =	stream.linear.gather [hbm4b:s5+s3], $0x5000, $0x38;
	[tilespmem:$0x1C000] =	vst v63  }
0x1b: {  	s13 =	rddreg [dreg:$0x6];
	s6 =	simm.s32 $0x5000  }
0x1c: {  	[tilespmem:s6], [sflag:$0x2] =	stream.linear.gather [hbm4b:s13+s3], $0x5000, $0x38;
	[tilespmem:$0x1C000] =	vst v63  }
0x1d: {  	s6 =	rddreg [dreg:$0x4]  }
0x1e: {  	[tilespmem:s20], [sflag:$0x9] =	stream.linear.gather [hbm4b:s6+s3], $0x2000, $0x38;
	[tilespmem:$0x1C000] =	vst v63  }
0x1f: {  	_ =	swait.ge [sflag:s21], $0x2000  }
0x20: {  	[sflag:s21] =	ssyncset.done $0x0  }
0x21: {  	[sflag:s21] =	ssyncadd.s32 $0xFFFFE000  }
0x22: {  	[spmem:s7] =	stream.linear.scatter [tilespmem:s20], [sflag:$0x5], $0x2000, $0x38;
	[tilespmem:$0x1C000] =	vst v63  }
0x23: {  	_ = 	snop  }
0x24: {  	[spmem:s8] =	stream.linear.scatter [tilespmem:s20], [sflag:$0x6], $0x2000, $0x38;
	[tilespmem:$0x1C000] =	vst v63  }
0x25: {  	_ = 	snop  }
0x26: {  	[spmem:s9] =	stream.linear.scatter [tilespmem:s20], [sflag:$0x7], $0x2000, $0x38;
	[tilespmem:$0x1C000] =	vst v63  }
0x27: {  	_ = 	snop  }
0x28: {  	[spmem:s10] =	stream.linear.scatter [tilespmem:s20], [sflag:$0x8], $0x2000, $0x38;
	[tilespmem:$0x1C000] =	vst v63  }
0x29: {  	_ = 	snop  }
0x2a: {  	[spmem:s11] =	stream.linear.scatter [tilespmem:s20], [sflag:$0x5], $0x2000, $0x38;
	[tilespmem:$0x1C000] =	vst v63  }
0x2b: {  	_ =	swait.ge [sflag:s22], $0x2000  }
0x2c: {  	[sflag:s22] =	ssyncset.done $0x0  }
0x2d: {  	[sflag:s22] =	ssyncadd.s32 $0xFFFFE000  }
0x2e: {  	_ =	swait.ge [sflag:s23], $0x2000  }
0x2f: {  	[sflag:s23] =	ssyncset.done $0x0  }
0x30: {  	[sflag:s23] =	ssyncadd.s32 $0xFFFFE000  }
0x31: {  	_ =	swait.ge [sflag:s24], $0x2000  }
0x32: {  	[sflag:s24] =	ssyncset.done $0x0  }
0x33: {  	[sflag:s24] =	ssyncadd.s32 $0xFFFFE000  }
0x34: {  	_ =	swait.ge [sflag:s25], $0x2000  }
0x35: {  	[sflag:s25] =	ssyncset.done $0x0  }
0x36: {  	[sflag:s25] =	ssyncadd.s32 $0xFFFFE000  }
0x37: {  	_ =	swait.ge [sflag:s22], $0x2000  }
0x38: {  	[sflag:s22] =	ssyncset.done $0x0  }
0x39: {  	[sflag:s22] =	ssyncadd.s32 $0xFFFFE000  }
0x3a: {  	_ =	swait.ge [sflag:s26], $0x5000  }
0x3b: {  	[sflag:s26] =	ssyncset.done $0x0  }
0x3c: {  	[sflag:s26] =	ssyncadd.s32 $0xFFFFB000  }
0x3d: {  	_ =	swait.ge [sflag:s28], $0x5000  }
0x3e: {  	[sflag:s28] =	ssyncset.done $0x0  }
0x3f: {  	[sflag:s28] =	ssyncadd.s32 $0xFFFFB000  }
0x40: {  	[bflag:$0x0] =	sbarrier.arrive $0xFFFF  }
0x41: {  	[tilespmem:s20], [sflag:$0x1] =	stream.indirect.gather [hbm4b:s12+s29], $0x40, s3, s29, $0xb8;
	[tilespmem:$0x1C000] =	vst v63  }
0x42: {  	_ = 	snop  }
0x43: {  	[tilespmem:s30], [sflag:$0x2] =	stream.indirect.gather [hbm4b:s12+s29], $0x40, s29, s29, $0xb8;
	[tilespmem:$0x1C000] =	vst v63  }
0x44: {  	s13 =	simm.s32 $0x100  }
0x45: {  	[tilespmem:s0], [sflag:$0x3] =	stream.indirect.gather [hbm4b:s12+s29], $0x40, s13, s29, $0xb8;
	[tilespmem:$0x1C000] =	vst v63  }
0x46: {  	s6 =	simm.s32 $0x180  }
0x47: {  	[tilespmem:s19], [sflag:$0x4] =	stream.indirect.gather [hbm4b:s12+s29], $0x40, s6, s29, $0xb8;
	[tilespmem:$0x1C000] =	vst v63  }
0x48: {  	_ =	swait.ge [sflag:s26], $0x2000  }
0x49: {  	[sflag:s26] =	ssyncset.done $0x0  }
0x4a: {  	s13 =	simm.s32 $0x5000;
	[sflag:s26] =	ssyncadd.s32 $0xFFFFE000  }
0x4b: {  	[spmem:s2] =	stream.indirect.scatter.add.f32 [tilespmem:s20], [sflag:$0x5], $0x40, s13, s29, $0xb8;
	[tilespmem:$0x1C000] =	vst v63  }
0x4c: {  	_ =	swait.ge [sflag:s28], $0x2000  }
0x4d: {  	[sflag:s28] =	ssyncset.done $0x0  }
0x4e: {  	s6 =	simm.s32 $0x5080;
	[sflag:s28] =	ssyncadd.s32 $0xFFFFE000  }
0x4f: {  	[spmem:s2] =	stream.indirect.scatter.add.f32 [tilespmem:s30], [sflag:$0x6], $0x40, s6, s29, $0xb8;
	[tilespmem:$0x1C000] =	vst v63  }
0x50: {  	_ =	swait.ge [sflag:s31], $0x2000  }
0x51: {  	[sflag:s31] =	ssyncset.done $0x0  }
0x52: {  	s13 =	simm.s32 $0x5100;
	[sflag:s31] =	ssyncadd.s32 $0xFFFFE000  }
0x53: {  	[spmem:s2] =	stream.indirect.scatter.add.f32 [tilespmem:s0], [sflag:$0x7], $0x40, s13, s29, $0xb8;
	[tilespmem:$0x1C000] =	vst v63  }
0x54: {  	_ =	swait.ge [sflag:s1], $0x2000  }
0x55: {  	[sflag:s1] =	ssyncset.done $0x0  }
0x56: {  	s6 =	simm.s32 $0x5180;
	[sflag:s1] =	ssyncadd.s32 $0xFFFFE000  }
0x57: {  	[spmem:s2] =	stream.indirect.scatter.add.f32 [tilespmem:s19], [sflag:$0x8], $0x40, s6, s29, $0xb8;
	[tilespmem:$0x1C000] =	vst v63  }
0x58: {  	_ =	swait.ge [sflag:s22], $0x2000  }
0x59: {  	[sflag:s22] =	ssyncset.done $0x0  }
0x5a: {  	s13 =	simm.s32 $0x200;
	[sflag:s22] =	ssyncadd.s32 $0xFFFFE000  }
0x5b: {  	[tilespmem:s20], [sflag:$0x1] =	stream.indirect.gather [hbm4b:s12+s29], $0x40, s13, s29, $0xb8;
	[tilespmem:$0x1C000] =	vst v63  }
0x5c: {  	_ =	swait.ge [sflag:s23], $0x2000  }
0x5d: {  	[sflag:s23] =	ssyncset.done $0x0  }
0x5e: {  	s6 =	simm.s32 $0x280;
	[sflag:s23] =	ssyncadd.s32 $0xFFFFE000  }
0x5f: {  	[tilespmem:s30], [sflag:$0x2] =	stream.indirect.gather [hbm4b:s12+s29], $0x40, s6, s29, $0xb8;
	[tilespmem:$0x1C000] =	vst v63  }
0x60: {  	_ =	swait.ge [sflag:s24], $0x2000  }
0x61: {  	[sflag:s24] =	ssyncset.done $0x0  }
0x62: {  	s13 =	simm.s32 $0x300;
	[sflag:s24] =	ssyncadd.s32 $0xFFFFE000  }
0x63: {  	[tilespmem:s0], [sflag:$0x3] =	stream.indirect.gather [hbm4b:s12+s29], $0x40, s13, s29, $0xb8;
	[tilespmem:$0x1C000] =	vst v63  }
0x64: {  	_ =	swait.ge [sflag:s25], $0x2000  }
0x65: {  	[sflag:s25] =	ssyncset.done $0x0  }
0x66: {  	s5 =	simm.s32 $0x800;
	s6 =	simm.s32 $0x380;
	[sflag:s25] =	ssyncadd.s32 $0xFFFFE000  }
.LBB2_2:
0x67: {  	[tilespmem:s19], [sflag:$0x4] =	stream.indirect.gather [hbm4b:s12+s29], $0x40, s6, s29, $0xb8;
	[tilespmem:$0x1C000] =	vst v63  }
0x68: {  	s6 =	smov.u32 s5  }
0x69: {  	p0 =	sne.s32 s5, $0x13000;
	s5 =	sadd.s32 $0x800, s5;
	_ =	swait.ge [sflag:s26], $0x2000  }
0x6a: {  	s6 =	sshra.s32 s6, $0x2;
	[sflag:s26] =	ssyncset.done $0x0  }
0x6b: {  	s13 =	sadd.s32 $0x5000, s6;
	[sflag:s26] =	ssyncadd.s32 $0xFFFFE000  }
0x6c: {  	[spmem:s2] =	stream.indirect.scatter.add.f32 [tilespmem:s20], [sflag:$0x5], $0x40, s13, s29, $0xb8;
	[tilespmem:$0x1C000] =	vst v63  }
0x6d: {  	_ =	swait.ge [sflag:s28], $0x2000  }
0x6e: {  	[sflag:s28] =	ssyncset.done $0x0  }
0x6f: {  	s13 =	sadd.s32 $0x5080, s6;
	[sflag:s28] =	ssyncadd.s32 $0xFFFFE000  }
0x70: {  	[spmem:s2] =	stream.indirect.scatter.add.f32 [tilespmem:s30], [sflag:$0x6], $0x40, s13, s29, $0xb8;
	[tilespmem:$0x1C000] =	vst v63  }
0x71: {  	_ =	swait.ge [sflag:s31], $0x2000  }
0x72: {  	[sflag:s31] =	ssyncset.done $0x0  }
0x73: {  	s13 =	sadd.s32 $0x5100, s6;
	[sflag:s31] =	ssyncadd.s32 $0xFFFFE000  }
0x74: {  	[spmem:s2] =	stream.indirect.scatter.add.f32 [tilespmem:s0], [sflag:$0x7], $0x40, s13, s29, $0xb8;
	[tilespmem:$0x1C000] =	vst v63  }
0x75: {  	_ =	swait.ge [sflag:s1], $0x2000  }
0x76: {  	[sflag:s1] =	ssyncset.done $0x0  }
0x77: {  	s13 =	sadd.s32 $0x5180, s6;
	[sflag:s1] =	ssyncadd.s32 $0xFFFFE000  }
0x78: {  	[spmem:s2] =	stream.indirect.scatter.add.f32 [tilespmem:s19], [sflag:$0x8], $0x40, s13, s29, $0xb8;
	[tilespmem:$0x1C000] =	vst v63  }
0x79: {  	_ =	swait.ge [sflag:s22], $0x2000  }
0x7a: {  	[sflag:s22] =	ssyncset.done $0x0  }
0x7b: {  	s13 =	sadd.s32 $0x200, s6;
	[sflag:s22] =	ssyncadd.s32 $0xFFFFE000  }
0x7c: {  	[tilespmem:s20], [sflag:$0x1] =	stream.indirect.gather [hbm4b:s12+s29], $0x40, s13, s29, $0xb8;
	[tilespmem:$0x1C000] =	vst v63  }
0x7d: {  	_ =	swait.ge [sflag:s23], $0x2000  }
0x7e: {  	[sflag:s23] =	ssyncset.done $0x0  }
0x7f: {  	s13 =	sadd.s32 $0x280, s6;
	[sflag:s23] =	ssyncadd.s32 $0xFFFFE000  }
0x80: {  	[tilespmem:s30], [sflag:$0x2] =	stream.indirect.gather [hbm4b:s12+s29], $0x40, s13, s29, $0xb8;
	[tilespmem:$0x1C000] =	vst v63  }
0x81: {  	_ =	swait.ge [sflag:s24], $0x2000  }
0x82: {  	[sflag:s24] =	ssyncset.done $0x0  }
.Ltmp0:
0x83: {  	s13 =	sadd.s32 $0x300, s6;
	[sflag:s24] =	ssyncadd.s32 $0xFFFFE000;
	(pc) =	sbr.rel @p0 .LBB2_2-.Ltmp0, $4  }
0x84: {  	[tilespmem:s0], [sflag:$0x3] =	stream.indirect.gather [hbm4b:s12+s29], $0x40, s13, s29, $0xb8;
	[tilespmem:$0x1C000] =	vst v63  }
0x85: {  	_ =	swait.ge [sflag:s25], $0x2000  }
0x86: {  	[sflag:s25] =	ssyncset.done $0x0  }
0x87: {  	s6 =	sadd.s32 $0x380, s6;
	[sflag:s25] =	ssyncadd.s32 $0xFFFFE000  }
0x88: {  	[tilespmem:s19], [sflag:$0x4] =	stream.indirect.gather [hbm4b:s12+s29], $0x40, s6, s29, $0xb8;
	[tilespmem:$0x1C000] =	vst v63  }
0x89: {  	_ =	swait.ge [sflag:s26], $0x2000  }
0x8a: {  	[sflag:s26] =	ssyncset.done $0x0  }
0x8b: {  	s5 =	simm.s32 $0x9E00;
	[sflag:s26] =	ssyncadd.s32 $0xFFFFE000  }
0x8c: {  	[spmem:s2] =	stream.indirect.scatter.add.f32 [tilespmem:s20], [sflag:$0x5], $0x40, s5, s29, $0xb8;
	[tilespmem:$0x1C000] =	vst v63  }
0x8d: {  	_ =	swait.ge [sflag:s28], $0x2000  }
0x8e: {  	[sflag:s28] =	ssyncset.done $0x0  }
0x8f: {  	s6 =	simm.s32 $0x9E80;
	[sflag:s28] =	ssyncadd.s32 $0xFFFFE000  }
0x90: {  	[spmem:s2] =	stream.indirect.scatter.add.f32 [tilespmem:s30], [sflag:$0x6], $0x40, s6, s29, $0xb8;
	[tilespmem:$0x1C000] =	vst v63  }
0x91: {  	_ =	swait.ge [sflag:s31], $0x2000  }
0x92: {  	[sflag:s31] =	ssyncset.done $0x0  }
0x93: {  	s13 =	simm.s32 $0x9F00;
	[sflag:s31] =	ssyncadd.s32 $0xFFFFE000  }
0x94: {  	[spmem:s2] =	stream.indirect.scatter.add.f32 [tilespmem:s0], [sflag:$0x7], $0x40, s13, s29, $0xb8;
	[tilespmem:$0x1C000] =	vst v63  }
0x95: {  	_ =	swait.ge [sflag:s1], $0x2000  }
0x96: {  	[sflag:s1] =	ssyncset.done $0x0  }
0x97: {  	s6 =	simm.s32 $0x9F80;
	[sflag:s1] =	ssyncadd.s32 $0xFFFFE000  }
0x98: {  	[spmem:s2] =	stream.indirect.scatter.add.f32 [tilespmem:s19], [sflag:$0x8], $0x40, s6, s29, $0xb8;
	[tilespmem:$0x1C000] =	vst v63  }
0x99: {  	_ =	swait.ge [sflag:s22], $0x2000  }
0x9a: {  	[sflag:s22] =	ssyncset.done $0x0  }
0x9b: {  	[sflag:s22] =	ssyncadd.s32 $0xFFFFE000  }
0x9c: {  	_ =	swait.ge [sflag:s23], $0x2000  }
0x9d: {  	[sflag:s23] =	ssyncset.done $0x0  }
0x9e: {  	[sflag:s23] =	ssyncadd.s32 $0xFFFFE000  }
0x9f: {  	_ =	swait.ge [sflag:s24], $0x2000  }
0xa0: {  	[sflag:s24] =	ssyncset.done $0x0  }
0xa1: {  	[sflag:s24] =	ssyncadd.s32 $0xFFFFE000  }
0xa2: {  	_ =	swait.ge [sflag:s25], $0x2000  }
0xa3: {  	[sflag:s25] =	ssyncset.done $0x0  }
0xa4: {  	[sflag:s25] =	ssyncadd.s32 $0xFFFFE000  }
0xa5: {  	[bflag:$0x0] =	sbarrier.arrive $0xFFFF  }
0xa6: {  	[tilespmem:s20], [sflag:$0x1] =	stream.linear.gather [spmem:s7], $0x2000, $0x38;
	[tilespmem:$0x1C000] =	vst v63  }
0xa7: {  	_ =	swait.ge [sflag:s26], $0x2000  }
0xa8: {  	[sflag:s26] =	ssyncset.done $0x0  }
0xa9: {  	s13 =	rddreg [dreg:$0x7];
	[sflag:s26] =	ssyncadd.s32 $0xFFFFE000  }
0xaa: {  	[hbm4b:s13+s3] =	stream.linear.scatter [tilespmem:s20], [sflag:$0x5], $0x2000, $0x38;
	[tilespmem:$0x1C000] =	vst v63  }
0xab: {  	_ = 	snop  }
0xac: {  	[tilespmem:s30], [sflag:$0x2] =	stream.linear.gather [spmem:s8], $0x2000, $0x38;
	[tilespmem:$0x1C000] =	vst v63  }
0xad: {  	_ =	swait.ge [sflag:s28], $0x2000  }
0xae: {  	[sflag:s28] =	ssyncset.done $0x0  }
0xaf: {  	[sflag:s28] =	ssyncadd.s32 $0xFFFFE000  }
0xb0: {  	[hbm4b:s14+s3] =	stream.linear.scatter [tilespmem:s30], [sflag:$0x6], $0x2000, $0x38;
	[tilespmem:$0x1C000] =	vst v63  }
0xb1: {  	_ =	swait.ge [sflag:s22], $0x2000  }
0xb2: {  	[sflag:s22] =	ssyncset.done $0x0  }
0xb3: {  	[sflag:s22] =	ssyncadd.s32 $0xFFFFE000  }
0xb4: {  	[tilespmem:s20], [sflag:$0x1] =	stream.linear.gather [spmem:s9], $0x2000, $0x38;
	[tilespmem:$0x1C000] =	vst v63  }
0xb5: {  	_ =	swait.ge [sflag:s26], $0x2000  }
0xb6: {  	[sflag:s26] =	ssyncset.done $0x0  }
0xb7: {  	[sflag:s26] =	ssyncadd.s32 $0xFFFFE000  }
0xb8: {  	[hbm4b:s15+s3] =	stream.linear.scatter [tilespmem:s20], [sflag:$0x5], $0x2000, $0x38;
	[tilespmem:$0x1C000] =	vst v63  }
0xb9: {  	_ =	swait.ge [sflag:s23], $0x2000  }
0xba: {  	[sflag:s23] =	ssyncset.done $0x0  }
0xbb: {  	[sflag:s23] =	ssyncadd.s32 $0xFFFFE000  }
0xbc: {  	[tilespmem:s30], [sflag:$0x2] =	stream.linear.gather [spmem:s10], $0x2000, $0x38;
	[tilespmem:$0x1C000] =	vst v63  }
0xbd: {  	_ =	swait.ge [sflag:s28], $0x2000  }
0xbe: {  	[sflag:s28] =	ssyncset.done $0x0  }
0xbf: {  	[sflag:s28] =	ssyncadd.s32 $0xFFFFE000  }
0xc0: {  	[hbm4b:s16+s3] =	stream.linear.scatter [tilespmem:s30], [sflag:$0x6], $0x2000, $0x38;
	[tilespmem:$0x1C000] =	vst v63  }
0xc1: {  	_ =	swait.ge [sflag:s22], $0x2000  }
0xc2: {  	[sflag:s22] =	ssyncset.done $0x0  }
0xc3: {  	[sflag:s22] =	ssyncadd.s32 $0xFFFFE000  }
0xc4: {  	[tilespmem:s20], [sflag:$0x1] =	stream.linear.gather [spmem:s11], $0x2000, $0x38;
	[tilespmem:$0x1C000] =	vst v63  }
0xc5: {  	_ =	swait.ge [sflag:s26], $0x2000  }
0xc6: {  	[sflag:s26] =	ssyncset.done $0x0  }
0xc7: {  	s4 =	sadd.s32 $0x1, s4;
	[sflag:s26] =	ssyncadd.s32 $0xFFFFE000  }
0xc8: {  	[hbm4b:s17+s3] =	stream.linear.scatter [tilespmem:s20], [sflag:$0x5], $0x2000, $0x38;
	[tilespmem:$0x1C000] =	vst v63  }
0xc9: {  	p0 =	sne.s32 s4, s18;
	_ =	swait.ge [sflag:s23], $0x2000  }
.Ltmp1:
0xca: {  	[sflag:s23] =	ssyncset.done $0x0;
	(pc) =	sbr.rel @p0 .LBB2_1-.Ltmp1, $4  }
0xcb: {  	[sflag:s23] =	ssyncadd.s32 $0xFFFFE000  }
0xcc: {  	_ =	swait.ge [sflag:s22], $0x2000  }
0xcd: {  	[sflag:s22] =	ssyncset.done $0x0  }
0xce: {  	[sflag:s22] =	ssyncadd.s32 $0xFFFFE000  }
0xcf: {  	_ =	sfence.sel $0x180000  }
0xd0: {  	[bflag:$0x0] =	sbarrier.arrive $0xFFFF  }
0xd1: {  	_ =	strace $0x9000004D  }
0xd2: {  	s0 =	stileid.u32;
	[bflag:$0x2] =	sbarrier.arrive $0xFFFF  }
0xd3: {  	p0 =	sne.s32 s0, $0x0;
	s0 =	rddreg [dreg:$0x3]  }
0xd4: {  	s0 =	sadd.s32 @!p0 $0x100000, s0  }
0xd5: {  	[sflag:s0] =	ssyncadd.tile.s32 @!p0 $0x1;
	_ =	shalt  }
.Lfunc_end2:
_tile_overlayer_lowered:
.L_overlay_start_2:
0xd6: {  	(tag) =	ssettag $0x2  }
0xd7: {  	s0 =	rddreg [dreg:$0x0];
	s2 =	stileid.u32  }
0xd8: {  	s1 =	rddreg [dreg:$0x1];
	p0 =	sne.s32 s2, $0x0  }
0xd9: {  	s3 =	rddreg [dreg:$0x2];
	[bflag:$0x3] =	sbarrier.arrive $0xFFFF;
	s2 =	simm.s32 @!p0 $0x1C09  }
0xda: {  	[timem:s3], [sflag:s2] =	dma.local @!p0 [hbm:s0], s1  }
0xdb: {  	s0 =	simm.s32 @!p0 $0x9  }
0xdc: {  	_ =	swait.ge @!p0 [sflag:s0], s1  }
0xdd: {  	s1 =	ssub.s32 @!p0 $0x0, s1;
	[sflag:s0] =	ssyncset.done @!p0 $0x0  }
0xde: {  	[sflag:s0] =	ssyncadd.s32 @!p0 s1  }
0xdf: {  	[bflag:$0x3] =	sbarrier.arrive $0xFFFF  }
0xe0: {  	_ =	shalt  }

// kernel: kernel.9.cloned.1.call-start
scs
__scs_entry_jumppad:
0x0: {  	(pc) =	sbr.rel $0x88, $3  }
0x1: {  	(tag) =	ssettag $0x0;
	lr =	simm.s32 $0x1  }
0x2: {  	[smem:$0x3F9B] =	sst lr;
	_ =	strace $0xD0000000  }
0x3: {  	_ = 	snop  }
0x4: {  	_ = 	snop  }
0x5: {  	_ = 	snop  }
0x6: {  	_ = 	snop  }
0x7: {  	_ = 	snop  }
__scs_overlays_trampoline_lowered:
0x8: {  	[smem:$0x3FAA] =	sst s0  }
0x9: {  	[smem:$0x3FAB] =	sst s1  }
0xa: {  	[smem:$0x3FAC] =	sst s2  }
0xb: {  	[smem:$0x3FAD] =	sst s3  }
0xc: {  	[smem:$0x3FAE] =	sst s4  }
0xd: {  	[smem:$0x3FAF] =	sst s5  }
0xe: {  	[smem:$0x3FB0] =	sst s6  }
0xf: {  	[smem:$0x3FB1] =	sst s7  }
0x10: {  	[smem:$0x3FB2] =	sst s8  }
0x11: {  	[smem:$0x3FB3] =	sst s9;
	s0 =	simm.s32 @!p0 $0x0  }
0x12: {  	s1 =	sld [smem:$0x3F99];
	s0 =	simm.s32 @p0 $0x1  }
0x13: {  	[smem:$0x3FB4] =	sst s0;
	s0 =	simm.s32 @!p1 $0x0  }
0x14: {  	s2 =	sld [smem:$0x3F98];
	s0 =	simm.s32 @p1 $0x1  }
0x15: {  	[smem:$0x3FB5] =	sst s0;
	s0 =	simm.s32 @!p2 $0x0  }
0x16: {  	s3 =	sld [smem:$0x3FDB];
	s0 =	simm.s32 @p2 $0x1  }
0x17: {  	s4 =	simm.s32 $0x1BF5;
	[smem:$0x3FB7] =	sst s0  }
0x18: {  	s0 =	sld [smem:$0x3F9A];
	_ =	swait.ge [sflag:s4], $0x0  }
0x19: {  	s7 =	sld [smem:$0x3F9B]  }
0x1a: {  	s8 =	sadd.s32 $0xFFFFE003, lr  }
0x1b: {  	s9 =	sadd.s32 $0xFFFFFEF7, lr;
	s5 =	simm.s32 $0xFFFFFFFF;
	p2 =	slt.u32 s8, $0xFFFFF086  }
0x1c: {  	p1 =	slt.u32 s9, $0xF7A;
	s5 =	simm.s32 @!p2 $0x0  }
0x1d: {  	s5 =	simm.s32 @p1 $0x1;
	p0 =	seq.s32 s7, s2  }
0x1e: {  	s7 =	smul.u32 @!p0 $0xF7A, s2;
	p2 =	seq.s32 @!p0 s5, $0x0  }
0x1f: {  	s9 =	smul.u32 $0xF7A, s1;
	s8 =	simm.s32 @!p0 $0x1BF5;
	p2 =	por !p2, p0  }
0x20: {  	[sflag:s8] =	ssyncset.s32 @!p0 $0xFFFFF086;
	s6 =	sadd.s32 @!p0 s3, s7;
	s7 =	simm.s32 @!p0 $0x108  }
0x21: {  	s3 =	sadd.s32 s3, s9;
	s6 =	sadd.s32 @!p0 $0x88, s6;
	s7 =	simm.s32 @p2 $0x1082  }
0x22: {  	[simem:s7], [sflag:s8] =	dma.local @!p0 [hbm:s6], $0xF7A  }
0x23: {  	s9 =	sor.u32 $0xD0000000, s2;
	s6 =	simm.s32 $0x108;
	_ =	swait.ge @!p0 [sflag:s8], $0x0  }
0x24: {  	s3 =	sadd.s32 $0x88, s3;
	s6 =	simm.s32 @!p1 $0x1082;
	[sflag:s4] =	ssyncset.s32 $0xFFFFF086  }
0x25: {  	[simem:s6], [sflag:s4] =	dma.local [hbm:s3], $0xF7A  }
0x26: {  	[smem:$0x3F9B] =	sst s1;
	(tag) =	ssettag s2;
	_ =	strace s9  }
0x27: {  	s1 =	sld [smem:$0x3FAB]  }
0x28: {  	s2 =	sld [smem:$0x3FAC]  }
0x29: {  	s4 =	sld [smem:$0x3FAE]  }
0x2a: {  	p0 =	seq.s32 s5, $0x0;
	s5 =	sld [smem:$0x3FAF]  }
0x2b: {  	s6 =	sld [smem:$0x3FB0]  }
0x2c: {  	s7 =	sld [smem:$0x3FB1]  }
0x2d: {  	s3 =	simm.s32 $0x108;
	s8 =	sld [smem:$0x3FB2]  }
0x2e: {  	s3 =	simm.s32 @!p0 $0x1082;
	s9 =	sld [smem:$0x3FB3]  }
0x2f: {  	lr =	sadd.s32 s0, s3;
	s0 =	sld [smem:$0x3FAA]  }
0x30: {  	s3 =	sld [smem:$0x3FAD]  }
0x31: {  	[smem:$0x3FB6] =	sst s10  }
0x32: {  	s10 =	sld [smem:$0x3FB4];
	_ =	sdelay $0x3  }
0x33: {  	p0 =	seq.s32 s10, $0x1;
	s10 =	sld [smem:$0x3FB6];
	_ =	sdelay $0x3  }
0x34: {  	[smem:$0x3FB6] =	sst s10  }
0x35: {  	s10 =	sld [smem:$0x3FB5];
	_ =	sdelay $0x3  }
0x36: {  	p1 =	seq.s32 s10, $0x1;
	s10 =	sld [smem:$0x3FB6];
	_ =	sdelay $0x3  }
0x37: {  	[smem:$0x3FB6] =	sst s10  }
0x38: {  	s10 =	sld [smem:$0x3FB7]  }
0x39: {  	_ = 	snop;
	(pc) =	sbr.ind lr, $3  }
0x3a: {  	_ = 	snop  }
0x3b: {  	_ = 	snop  }
0x3c: {  	p2 =	seq.s32 s10, $0x1;
	s10 =	sld [smem:$0x3FB6]  }
0x3d: {  	_ =	shalt  }
0x3e: {  	_ =	shalt  }
0x3f: {  	_ =	shalt  }
0x40: {  	_ =	shalt  }
0x41: {  	_ =	shalt  }
0x42: {  	_ =	shalt  }
0x43: {  	_ =	shalt  }
0x44: {  	_ =	shalt  }
0x45: {  	_ =	shalt  }
0x46: {  	_ =	shalt  }
0x47: {  	_ =	shalt  }
0x48: {  	_ =	shalt  }
0x49: {  	_ =	shalt  }
0x4a: {  	_ =	shalt  }
0x4b: {  	_ =	shalt  }
0x4c: {  	_ =	shalt  }
0x4d: {  	_ =	shalt  }
0x4e: {  	_ =	shalt  }
0x4f: {  	_ =	shalt  }
0x50: {  	_ =	shalt  }
0x51: {  	_ =	shalt  }
0x52: {  	_ =	shalt  }
0x53: {  	_ =	shalt  }
0x54: {  	_ =	shalt  }
0x55: {  	_ =	shalt  }
0x56: {  	_ =	shalt  }
0x57: {  	_ =	shalt  }
0x58: {  	_ =	shalt  }
0x59: {  	_ =	shalt  }
0x5a: {  	_ =	shalt  }
0x5b: {  	_ =	shalt  }
0x5c: {  	_ =	shalt  }
0x5d: {  	_ =	shalt  }
0x5e: {  	_ =	shalt  }
0x5f: {  	_ =	shalt  }
0x60: {  	_ =	shalt  }
0x61: {  	_ =	shalt  }
0x62: {  	_ =	shalt  }
0x63: {  	_ =	shalt  }
0x64: {  	_ =	shalt  }
0x65: {  	_ =	shalt  }
0x66: {  	_ =	shalt  }
0x67: {  	_ =	shalt  }
0x68: {  	_ =	shalt  }
0x69: {  	_ =	shalt  }
0x6a: {  	_ =	shalt  }
0x6b: {  	_ =	shalt  }
0x6c: {  	_ =	shalt  }
0x6d: {  	_ =	shalt  }
0x6e: {  	_ =	shalt  }
0x6f: {  	_ =	shalt  }
0x70: {  	_ =	shalt  }
0x71: {  	_ =	shalt  }
0x72: {  	_ =	shalt  }
0x73: {  	_ =	shalt  }
0x74: {  	_ =	shalt  }
0x75: {  	_ =	shalt  }
0x76: {  	_ =	shalt  }
0x77: {  	_ =	shalt  }
0x78: {  	_ =	shalt  }
0x79: {  	_ =	shalt  }
0x7a: {  	_ =	shalt  }
0x7b: {  	_ =	shalt  }
0x7c: {  	_ =	shalt  }
0x7d: {  	_ =	shalt  }
0x7e: {  	_ =	shalt  }
0x7f: {  	_ =	shalt  }
0x80: {  	_ =	shalt  }
0x81: {  	_ =	shalt  }
0x82: {  	_ =	shalt  }
0x83: {  	_ =	shalt  }
0x84: {  	_ =	shalt  }
0x85: {  	_ =	shalt  }
0x86: {  	_ =	shalt  }
0x87: {  	_ =	shalt  }
.Lfunc_end0:
.L_simem_size_0:
called_computation_lowered:
.L_overlay_start_0:
0x88: {  	s2 =	sld [smem:$0x3FD9]  }
0x89: {  	s3 =	sld [smem:$0x3FFE];
	_ =	sdelay $0x1  }
0x8a: {  	s1 =	srdreg.scid  }
0x8b: {  	s0 =	sand.u32 $0x1, s1  }
0x8c: {  	s17 =	sshll.u32 s0, $0xA;
	s2 =	sadd.s32 s3, s2  }
0x8d: {  	s2 =	sadd.s32 s2, s17  }
0x8e: {  	[smem:$0x3FC2] =	sst s2  }
0x8f: {  	_ = 	snop  }
0x90: {  	s2 =	sld [smem:$0x3FD0];
	(tm) =	ssettm $0x1  }
0x91: {  	s18 =	sld [smem:$0x3FFB];
	_ =	sdelay $0x3  }
0x92: {  	_ =	strace s18  }
0x93: {  	s3 =	sld [smem:$0x3FFC];
	_ =	sdelay $0x3  }
0x94: {  	_ =	strace s3  }
0x95: {  	s3 =	sld [smem:$0x3FFD];
	_ =	sdelay $0x3  }
0x96: {  	_ =	strace s3  }
0x97: {  	_ =	strace $0x8FFFFFFF  }
0x98: {  	s19 =	sld [smem:$0x3FDB];
	_ =	sdelay $0x1  }
0x99: {  	s4 =	simm.s32 $_scs_section_size  }
0x9a: {  	s5 =	simm.s32 $_size__tile_overlayer_lowered;
	s6 =	simm.s32 $_tile_overlayer_lowered  }
0x9b: {  	s22 =	simm.s32 $0x1BFF;
	s21 =	sshll.u32 s6, $0x1;
	s3 =	sadd.s32 s4, s19  }
0x9c: {  	s7 =	simm.s32 $0x0;
	s20 =	sshll.u32 s5, $0x1;
	s5 =	sadd.s32 s21, s3  }
0x9d: {  	[timem:s7], [sflag:s22] =	dma.local [hbm:s5], s20  }
0x9e: {  	_ =	swait.ge [sflag:s22], s20  }
0x9f: {  	s4 =	ssub.s32 $0x0, s20;
	[sflag:s22] =	ssyncset.done $0x0  }
0xa0: {  	[sflag:s22] =	ssyncadd.s32 s4;
	_ =	sdelay $0x1  }
0xa1: {  	s23 =	simm.s32 $0x1B8B  }
0xa2: {  	_ =	swait.ge [sflag:s23], $0x1  }
0xa3: {  	[sflag:s23] =	ssyncset.done $0x0  }
0xa4: {  	s25 =	simm.s32 $0x1B8E;
	s24 =	sld [smem:$0x3FFE];
	[sflag:s23] =	ssyncadd.s32 $0xFFFFFFFF  }
0xa5: {  	s26 =	simm.s32 $execute0_lowered;
	[smem:$0x3FD2] =	sst s25  }
0xa6: {  	s5 =	sshll.u32 s26, $0x1;
	_ =	strace $0x80000046;
	[dreg:$0x1] =	wrdreg $0xFFFFFFFF  }
0xa7: {  	s28 =	simm.s32 $_size_execute0_lowered;
	s3 =	sadd.s32 s3, s5;
	[dreg:$0x0] =	wrdreg $0x0  }
0xa8: {  	s5 =	sshll.u32 s28, $0x1;
	[dreg:$0x2] =	wrdreg s3  }
0xa9: {  	[dreg:$0x3] =	wrdreg s5  }
0xaa: {  	[dreg:$0x4] =	wrdreg $0xC0  }
0xab: {  	_ =	task [dreg:s7], $0x5FFFF  }
0xac: {  	[dreg:$0x1] =	wrdreg $0xFFFFFFFF  }
0xad: {  	[dreg:$0x0] =	wrdreg $0x60  }
0xae: {  	[dreg:$0x2] =	wrdreg s24  }
0xaf: {  	[dreg:$0x3] =	wrdreg s2  }
0xb0: {  	[dreg:$0x4] =	wrdreg $0xAC000  }
0xb1: {  	[dreg:$0x5] =	wrdreg $0x9  }
0xb2: {  	_ =	task.clear_ibuf [dreg:s7], $0x6FFFF;
	_ =	strace $0x90000046  }
0xb3: {  	s29 =	simm.s32 $0x9;
	_ =	strace $0x80000048  }
0xb4: {  	_ =	swait.ge [sflag:s29], $0x1  }
0xb5: {  	[sflag:s29] =	ssyncadd.s32 $0xFFFFFFFF  }
0xb6: {  	_ =	strace $0x90000048  }
0xb7: {  	_ =	sfence  }
0xb8: {  	s30 =	sld [smem:$0x0];
	_ =	sdelay $0x2  }
0xb9: {  	s31 =	sshll.u32 s1, $0xD;
	s1 =	sshrl.u32 s1, $0x2  }
0xba: {  	s3 =	sand.u32 $0x4000, s31;
	s1 =	sadd.s32 s1, s30  }
0xbb: {  	s0 =	sor.u32 s3, s0;
	s1 =	sshll.u32 s1, $0x11  }
0xbc: {  	s0 =	sor.u32 s1, s0  }
0xbd: {  	s0 =	sadd.s32 $0x8F2B, s0  }
0xbe: {  	[sflag:s0] =	ssyncadd.remote.s32 $0x1  }
0xbf: {  	_ =	sfence.sel $0xFFFF  }
0xc0: {  	[dreg:$0x0] =	wrdreg $0xFFFFFFFF;
	(pc) =	sbr.abs _section_cstart, $3  }
0xc1: {  	[dreg:$0x1] =	wrdreg $0xFFFFFFFF  }
0xc2: {  	_ =	task.clear_ibuf [dreg:s7], $0x2FFFF;
	_ =	strace $0x9FFFFFFF  }
0xc3: {  	(tm) =	ssettm $0x7FFFFFFF  }
tec
execute0_lowered:
.L_overlay_start_1:
0x0: {  	(tag) =	ssettag $0x1  }
0x1: {  	s6 =	rddreg [dreg:$0x0]  }
0x2: {  	s0 =	srdreg.scid;
	s1 =	rddreg [dreg:$0x1]  }
0x3: {  	s9 =	stileid.u32;
	s2 =	rddreg [dreg:$0x2];
	s3 =	simm.s32 $0x0  }
0x4: {  	s12 =	simm.s32 $0x6800;
	s8 =	sand.u32 $0x1, s0;
	s0 =	rddreg [dreg:$0x3]  }
0x5: {  	s14 =	simm.s32 $0x0;
	s4 =	smul.u32 $0x5000, s9;
	[smem:$0x7FF] =	sst s3  }
0x6: {  	p0 =	seq.s32 s9, $0x0;
	s5 =	smul.u32 $0x2800, s8;
	_ =	strace $0x80000047  }
0x7: {  	s10 =	ssub.s32 $0x2, s8;
	p1 =	seq.s32 s8, $0x1;
	s13 =	sor.u32 s8, s9  }
0x8: {  	s11 =	sshrl.u32 s10, $0x1;
	p0 =	por !p0, !p1;
	p2 =	sne.s32 s13, $0x0  }
0x9: {  	s13 =	simm.s32 $0x80;
	s4 =	sadd.s32 s5, s4;
	s5 =	sadd.s32 $0xBC00, s6  }
0xa: {  	s10 =	ssub.s32 s10, s11;
	p1 =	por !p0, !p0;
	p0 =	sne.s32 s9, $0x0  }
0xb: {  	s9 =	simm.s32 $0x2800;
	s11 =	simm.s32 $0x6C00;
	s4 =	sshrl.u32 s4, $0x3  }
0xc: {  	s8 =	smax.u32 s10, $0x1;
	s10 =	simm.s32 $0x1;
	s7 =	sadd.s32 s4, s6  }
0xd: {  	v0 =	vimm.f32 $1.000000000e+00;
	s4 =	sadd.s32 $0xBA00, s6;
	s6 =	sadd.s32 $0xC400, s6;
	s7 =	sadd.s32 $0x1A00, s7  }
.LBB2_1:
0xe: {  	[tilespmem:s9], [sflag:$0x1] =	stream.linear.gather [hbm4b:s1+s3], $0x4000, $0x38;
	[tilespmem:$0xB000] =	vst v63  }
0xf: {  	_ =	swait.ge [sflag:s10], $0x4000  }
0x10: {  	[sflag:s10] =	ssyncset.done $0x0  }
0x11: {  	[sflag:s10] =	ssyncadd.s32 $0xFFFFC000  }
0x12: {  	[tilespmem:s11], [sflag:$0x1] =	stream.linear.gather [hbm4b:s1+s3], $0x4000, $0x38;
	[tilespmem:$0xB000] =	vst v63  }
0x13: {  	_ =	swait.ge [sflag:s10], $0x4000  }
0x14: {  	[sflag:s10] =	ssyncset.done $0x0  }
0x15: {  	s15 =	simm.s32 @!p0 $0x2800;
	[sflag:s10] =	ssyncadd.s32 $0xFFFFC000  }
0x16: {  	[spmem:s2] =	stream.linear.scatter @!p0 [tilespmem:s15], [sflag:$0x1], $0x4000, $0x38;
	[tilespmem:$0xB000] =	vst v63  }
0x17: {  	s15 =	simm.s32 @!p0 $0x1  }
0x18: {  	_ =	swait.ge @!p0 [sflag:s15], $0x4000  }
0x19: {  	[sflag:s15] =	ssyncset.done @!p0 $0x0  }
0x1a: {  	[sflag:s15] =	ssyncadd.s32 @!p0 $0xFFFFC000  }
0x1b: {  	[tilespmem:s12], [sflag:$0x1] =	stream.linear.gather [hbm4b:s4+s3], $0x400, $0x38;
	[tilespmem:$0xB000] =	vst v63  }
0x1c: {  	_ =	swait.ge [sflag:s10], $0x400  }
0x1d: {  	[sflag:s10] =	ssyncset.done $0x0  }
0x1e: {  	[sflag:s10] =	ssyncadd.s32 $0xFFFFFC00  }
0x1f: {  	[tilespmem:s3], [sflag:$0x1] =	stream.linear.gather [hbm4b:s7+s3], $0x2800, $0x38;
	[tilespmem:$0xB000] =	vst v63  }
0x20: {  	_ =	swait.ge [sflag:s10], $0x2800  }
0x21: {  	[sflag:s10] =	ssyncset.done $0x0  }
0x22: {  	[sflag:s10] =	ssyncadd.s32 $0xFFFFD800  }
0x23: {  	s15 =	simm.s32 $0x0;
	[bflag:$0x0] =	sbarrier.arrive $0xFFFF  }
.LBB2_2:
0x24: {  	s16 =	sshra.s32 s15, $0x2  }
0x25: {  	v1 =	vld [tilespmem:s16+$0x0];
	_ =	sdelay $0x7  }
0x26: {  	[tilespmem:v1+s11+$0x0] =	vst.idx.add.f32.msk $0xffff, v0  }
0x27: {  	v1 =	vld [tilespmem:s16+$0x10];
	_ =	sdelay $0x7  }
0x28: {  	[tilespmem:v1+s11+$0x0] =	vst.idx.add.f32.msk $0xffff, v0  }
0x29: {  	v1 =	vld [tilespmem:s16+$0x20];
	_ =	sdelay $0x7  }
0x2a: {  	[tilespmem:v1+s11+$0x0] =	vst.idx.add.f32.msk $0xffff, v0  }
0x2b: {  	v1 =	vld [tilespmem:s16+$0x30];
	_ =	sdelay $0x7  }
0x2c: {  	[tilespmem:v1+s11+$0x0] =	vst.idx.add.f32.msk $0xffff, v0  }
0x2d: {  	v1 =	vld [tilespmem:s16+$0x40];
	_ =	sdelay $0x7  }
0x2e: {  	[tilespmem:v1+s11+$0x0] =	vst.idx.add.f32.msk $0xffff, v0  }
0x2f: {  	v1 =	vld [tilespmem:s16+$0x50];
	_ =	sdelay $0x7  }
0x30: {  	[tilespmem:v1+s11+$0x0] =	vst.idx.add.f32.msk $0xffff, v0  }
0x31: {  	v1 =	vld [tilespmem:s16+$0x60];
	_ =	sdelay $0x7  }
0x32: {  	[tilespmem:v1+s11+$0x0] =	vst.idx.add.f32.msk $0xffff, v0  }
0x33: {  	v1 =	vld [tilespmem:s16+$0x70];
	_ =	sdelay $0x2  }
0x34: {  	p3 =	sne.s32 s15, $0x9E00  }
.Ltmp0:
0x35: {  	_ = 	snop;
	(pc) =	sbr.rel @p3 .LBB2_2-.Ltmp0, $2  }
0x36: {  	_ =	sdelay $0x2  }
0x37: {  	s15 =	sadd.s32 $0x200, s15;
	[tilespmem:v1+s11+$0x0] =	vst.idx.add.f32.msk $0xffff, v0  }
0x38: {  	[spmem:s2] =	stream.indirect.scatter.add.f32 [tilespmem:s11], [sflag:$0x1], $0x80, s12, s13, $0xb8;
	[tilespmem:$0xB000] =	vst v63  }
0x39: {  	_ =	swait.ge [sflag:s10], $0x4000  }
0x3a: {  	[sflag:s10] =	ssyncset.done $0x0  }
0x3b: {  	[sflag:s10] =	ssyncadd.s32 $0xFFFFC000  }
0x3c: {  	s15 =	simm.s32 @!p2 $0x2800;
	s16 =	simm.s32 @!p2 $0x1;
	[bflag:$0x0] =	sbarrier.arrive $0xFFFF  }
0x3d: {  	[tilespmem:s15], [sflag:$0x1] =	stream.linear.gather @!p2 [spmem:s2], $0x4000, $0x38;
	[tilespmem:$0xB000] =	vst v63  }
0x3e: {  	_ =	swait.ge @!p2 [sflag:s16], $0x4000  }
0x3f: {  	[sflag:s16] =	ssyncset.done @!p2 $0x0  }
0x40: {  	s17 =	simm.s32 @!p2 $0x0;
	[sflag:s16] =	ssyncadd.s32 @!p2 $0xFFFFC000  }
0x41: {  	[hbm4b:s5+s17] =	stream.linear.scatter @!p2 [tilespmem:s15], [sflag:$0x1], $0x4000, $0x38;
	[tilespmem:$0xB000] =	vst v63  }
0x42: {  	_ =	swait.ge @!p2 [sflag:s16], $0x4000  }
0x43: {  	[sflag:s16] =	ssyncset.done @!p2 $0x0  }
0x44: {  	s15 =	simm.s32 @p1 $0x2800;
	[sflag:s16] =	ssyncadd.s32 @!p2 $0xFFFFC000;
	s16 =	simm.s32 @p1 $0x1  }
0x45: {  	[tilespmem:s15], [sflag:$0x1] =	stream.linear.gather @p1 [spmem:s2], $0x4000, $0x38;
	[tilespmem:$0xB000] =	vst v63  }
0x46: {  	s14 =	sadd.s32 $0x1, s14;
	_ =	swait.ge @p1 [sflag:s16], $0x4000  }
0x47: {  	p3 =	sne.s32 s14, s8;
	[sflag:s16] =	ssyncset.done @p1 $0x0  }
.Ltmp1:
0x48: {  	s17 =	simm.s32 @p1 $0x0;
	[sflag:s16] =	ssyncadd.s32 @p1 $0xFFFFC000;
	(pc) =	sbr.rel @p3 .LBB2_1-.Ltmp1, $4  }
0x49: {  	[hbm4b:s6+s17] =	stream.linear.scatter @p1 [tilespmem:s15], [sflag:$0x1], $0x4000, $0x38;
	[tilespmem:$0xB000] =	vst v63  }
0x4a: {  	_ =	swait.ge @p1 [sflag:s16], $0x4000  }
0x4b: {  	[sflag:s16] =	ssyncset.done @p1 $0x0  }
0x4c: {  	[sflag:s16] =	ssyncadd.s32 @p1 $0xFFFFC000  }
0x4d: {  	_ =	sfence.sel $0x180000  }
0x4e: {  	[bflag:$0x0] =	sbarrier.arrive $0xFFFF  }
0x4f: {  	_ =	strace $0x90000047  }
0x50: {  	s0 =	sadd.s32 @!p0 $0x100000, s0;
	[bflag:$0x2] =	sbarrier.arrive $0xFFFF  }
0x51: {  	[sflag:s0] =	ssyncadd.tile.s32 @!p0 $0x1;
	_ =	shalt  }
.Lfunc_end2:
_tile_overlayer_lowered:
.L_overlay_start_2:
0x52: {  	(tag) =	ssettag $0x2  }
0x53: {  	s0 =	rddreg [dreg:$0x0];
	s2 =	stileid.u32  }
0x54: {  	s1 =	rddreg [dreg:$0x1];
	p0 =	sne.s32 s2, $0x0  }
0x55: {  	s3 =	rddreg [dreg:$0x2];
	[bflag:$0x3] =	sbarrier.arrive $0xFFFF;
	s2 =	simm.s32 @!p0 $0x1C01  }
0x56: {  	[timem:s3], [sflag:s2] =	dma.local @!p0 [hbm:s0], s1  }
0x57: {  	s0 =	simm.s32 @!p0 $0x1  }
0x58: {  	_ =	swait.ge @!p0 [sflag:s0], s1  }
0x59: {  	s1 =	ssub.s32 @!p0 $0x0, s1;
	[sflag:s0] =	ssyncset.done @!p0 $0x0  }
0x5a: {  	[sflag:s0] =	ssyncadd.s32 @!p0 s1  }
0x5b: {  	[bflag:$0x3] =	sbarrier.arrive $0xFFFF  }
0x5c: {  	_ =	shalt  }

</sc_bundles>
